<compile_context>
chip_gen: v7x
topology: tpu7x:2x2x1
jax: 0.10.2.dev20260603
libtpu: 0.0.44.dev20260713+nightly
codegen_flags: <defaults>
</compile_context>

<pallas_src>
import functools

import jax
import jax.numpy as jnp
from jax import lax
from jax.experimental import pallas as pl
from jax.experimental.pallas import tpu as pltpu
from jax.experimental.pallas import tpu_sc as plsc

N = 10000
E = 320000
D = 128
NC = 2
NS = 16
K = 128
CPT = 160
EP = CPT * K * NS
CHG = NS * CPT
NBD = 8
ROWS_PER_TILE = (N // NS) // 8 * 8
ROWS_TAIL = N - NS * ROWS_PER_TILE
NPAD = 10240
DEG_PER_TILE = NPAD // NS


def _deg_body(dst_hbm, out_hbm, acc, zbuf, ones_v, didx, sem):
    c = lax.axis_index("c")
    s = lax.axis_index("s")

    def fill(i, _):
        zbuf[pl.ds(i * 16, 16)] = jnp.zeros((16,), jnp.float32)
        ones_v[pl.ds((i % 8) * 16, 16)] = jnp.ones((16,), jnp.float32)
        return 0

    lax.fori_loop(0, DEG_PER_TILE // 16, fill, 0)
    pltpu.sync_copy(zbuf, acc.at[pl.ds(s * DEG_PER_TILE, DEG_PER_TILE)])
    row0 = pl.multiple_of(c * CHG + s * CPT, 8)
    pltpu.sync_copy(dst_hbm.at[pl.ds(row0, CPT)], didx)
    plsc.subcore_barrier()

    G = CPT // NBD

    for b in range(NBD):
        pltpu.async_copy(ones_v, acc.at[didx.at[b]], sem, add=True)

    def grp(g, _):
        base = g * NBD

        @pl.when(g < G - 1)
        def _():
            for b in range(NBD):
                pltpu.async_copy(ones_v, acc.at[didx.at[base + NBD + b]],
                                 sem, add=True)

        for b in range(NBD):
            pltpu.make_async_copy(ones_v, acc.at[didx.at[base + b]],
                                  sem).wait()
        return 0

    lax.fori_loop(0, G, grp, 0)
    plsc.subcore_barrier()
    ooff = pl.multiple_of(c * NPAD + s * DEG_PER_TILE, 8)
    pltpu.sync_copy(acc.at[pl.ds(s * DEG_PER_TILE, DEG_PER_TILE)],
                    out_hbm.at[pl.ds(ooff, DEG_PER_TILE)])


def _edge_body(y_hbm, sd_hbm, out_hbm, acc,
               b0, b1, b2, i0, i1, i2, i3, i4, i5, sem_g, sem_s):
    bufs = [b0, b1, b2]
    isl = [i0, i1, i2, i3, i4, i5]
    c = lax.axis_index("c")
    s = lax.axis_index("s")

    roff = pl.multiple_of(s * ROWS_PER_TILE, 8)
    groff = pl.multiple_of(c * N + s * ROWS_PER_TILE, 8)
    pltpu.sync_copy(y_hbm.at[pl.ds(groff, ROWS_PER_TILE)],
                    acc.at[pl.ds(roff, ROWS_PER_TILE)])
    tail = NS * ROWS_PER_TILE

    @pl.when(s == 0)
    def _():
        pltpu.sync_copy(y_hbm.at[pl.ds(pl.multiple_of(c * N + tail, 8),
                                       ROWS_TAIL)],
                        acc.at[pl.ds(tail, ROWS_TAIL)])

    crow0 = c * CHG + s * CPT
    plsc.subcore_barrier()

    def stages(i, t, first_two=False, has_next=True):
        b, bn = t % 3, (t + 1) % 3
        if has_next:
            pltpu.sync_copy(sd_hbm.at[crow0 + i + 1], isl[(t + 1) % 6])
        if not first_two:
            pltpu.make_async_copy(bufs[bn], acc.at[isl[t].at[1]],
                                  sem_s.at[bn]).wait()
        pltpu.make_async_copy(y_hbm.at[isl[t].at[0]], bufs[b],
                              sem_g.at[b]).wait()
        pltpu.async_copy(bufs[b], acc.at[isl[t].at[1]], sem_s.at[b],
                         add=True)
        if has_next:
            pltpu.async_copy(y_hbm.at[isl[(t + 1) % 6].at[0]], bufs[bn],
                             sem_g.at[bn])

    pltpu.sync_copy(sd_hbm.at[crow0], isl[0])
    pltpu.async_copy(y_hbm.at[isl[0].at[0]], bufs[0], sem_g.at[0])
    for t in range(6):
        stages(t, t, first_two=(t < 2))

    def grp(g, _):
        base = g * 6
        for t in range(6):
            stages(base + t, t)
        return 0

    lax.fori_loop(1, (CPT - 4) // 6, grp, 0)
    for u in range(4):
        stages(CPT - 4 + u, u, has_next=(u < 3))
    for b in (2, 0):
        pltpu.make_async_copy(bufs[b], acc.at[isl[0].at[1]],
                              sem_s.at[b]).wait()
    plsc.subcore_barrier()

    pltpu.sync_copy(acc.at[pl.ds(roff, ROWS_PER_TILE)],
                    out_hbm.at[pl.ds(groff, ROWS_PER_TILE)])

    @pl.when(s == 0)
    def _():
        pltpu.sync_copy(acc.at[pl.ds(tail, ROWS_TAIL)],
                        out_hbm.at[pl.ds(pl.multiple_of(c * N + tail, 8),
                                         ROWS_TAIL)])


@functools.lru_cache(maxsize=None)
def _sc_kernels():
    mesh = plsc.VectorSubcoreMesh(core_axis_name="c", subcore_axis_name="s",
                                  num_cores=NC, num_subcores=NS)
    deg_k = pl.kernel(
        _deg_body,
        mesh=mesh,
        out_type=jax.ShapeDtypeStruct((2 * NPAD,), jnp.float32),
        scratch_types=[
            pltpu.VMEM_SHARED((NPAD,), jnp.float32),
            pltpu.VMEM((DEG_PER_TILE,), jnp.float32),
            pltpu.VMEM((K,), jnp.float32),
            pltpu.VMEM((CPT, K), jnp.int32),
            pltpu.SemaphoreType.DMA,
        ],
    )
    edge_k = pl.kernel(
        _edge_body,
        mesh=mesh,
        out_type=jax.ShapeDtypeStruct((2 * N, D), jnp.float32),
        scratch_types=(
            [pltpu.VMEM_SHARED((N + 2, D), jnp.float32)]
            + [pltpu.VMEM((K, D), jnp.float32) for _ in range(3)]
            + [pltpu.VMEM((2, K), jnp.int32) for _ in range(6)]
            + [pltpu.SemaphoreType.DMA((3,)),
               pltpu.SemaphoreType.DMA((3,))]
        ),
    )
    return deg_k, edge_k


_RB = 1000
_GRID = 2 * N // _RB


def _scale_body(x_ref, deg_ref, o_ref):
    dinv = lax.rsqrt(deg_ref[...] + 1.0)
    o_ref[...] = x_ref[...] * dinv


def _scale(x, deg):
    return pl.pallas_call(
        _scale_body,
        grid=(_GRID,),
        in_specs=[
            pl.BlockSpec((_RB, D), lambda i: (i, 0)),
            pl.BlockSpec((_RB, 1), lambda i: (i, 0)),
        ],
        out_specs=pl.BlockSpec((_RB, D), lambda i: (i, 0)),
        out_shape=jax.ShapeDtypeStruct((2 * N, D), jnp.float32),
    )(x, deg)


def _conv_relu_body(z_ref, deg_ref, w_ref, b_ref, o_ref):
    dinv = lax.rsqrt(deg_ref[...] + 1.0)
    h = jnp.dot(z_ref[...] * dinv, w_ref[0],
                preferred_element_type=jnp.float32) + b_ref[0]
    o_ref[...] = jnp.maximum(h, 0.0) * dinv


def _conv_relu_scale(z, deg, w2, b2):
    return pl.pallas_call(
        _conv_relu_body,
        grid=(_GRID,),
        in_specs=[
            pl.BlockSpec((_RB, D), lambda i: (i, 0)),
            pl.BlockSpec((_RB, 1), lambda i: (i, 0)),
            pl.BlockSpec((1, D, D), lambda i: (i // (_GRID // 2), 0, 0)),
            pl.BlockSpec((1, 1, D), lambda i: (i // (_GRID // 2), 0, 0)),
        ],
        out_specs=pl.BlockSpec((_RB, D), lambda i: (i, 0)),
        out_shape=jax.ShapeDtypeStruct((2 * N, D), jnp.float32),
    )(z, deg, w2, b2)


def _head_body(z_ref, deg_ref, w_ref, b_ref, wm1, bm1, wm2, bm2, wm3, bm3,
               o_ref):
    dinv = lax.rsqrt(deg_ref[...] + 1.0)
    emb = jnp.dot(z_ref[...] * dinv, w_ref[0],
                  preferred_element_type=jnp.float32) + b_ref[0]
    h = jnp.maximum(jnp.dot(emb, wm1[...],
                            preferred_element_type=jnp.float32) + bm1[...], 0.0)
    h = jnp.maximum(jnp.dot(h, wm2[...],
                            preferred_element_type=jnp.float32) + bm2[...], 0.0)
    o_ref[...] = jnp.dot(h, wm3[...],
                         preferred_element_type=jnp.float32) + bm3[...]


def _head(z, deg, w2, b2, wm1, bm1, wm2, bm2, wm3, bm3):
    full = lambda shape: pl.BlockSpec(shape, lambda i: (0,) * len(shape))
    return pl.pallas_call(
        _head_body,
        grid=(_GRID,),
        in_specs=[
            pl.BlockSpec((_RB, D), lambda i: (i, 0)),
            pl.BlockSpec((_RB, 1), lambda i: (i, 0)),
            pl.BlockSpec((1, D, D), lambda i: (i // (_GRID // 2), 0, 0)),
            pl.BlockSpec((1, 1, D), lambda i: (i // (_GRID // 2), 0, 0)),
            full((D, D)), full((1, D)), full((D, D)), full((1, D)),
            full((D, 1)), full((1, 1)),
        ],
        out_specs=pl.BlockSpec((_RB, 1), lambda i: (i, 0)),
        out_shape=jax.ShapeDtypeStruct((2 * N, 1), jnp.float32),
    )(z, deg, w2, b2, wm1, bm1, wm2, bm2, wm3, bm3)


def kernel(p_node_feat, p_edge_index, r_node_feat, r_edge_index,
           Wp1, bp1, Wp2, bp2, Wr1, br1, Wr2, br2,
           Wm1, bm1, Wm2, bm2, Wm3, bm3):
    x = jnp.concatenate([p_node_feat, r_node_feat], axis=0)
    pad0 = jnp.zeros((EP - E,), jnp.int32)
    padN = jnp.full((EP - E,), N, jnp.int32)
    src_p = jnp.concatenate([p_edge_index[0], pad0])
    src_r = jnp.concatenate([r_edge_index[0] + N, pad0])
    dst_p = jnp.concatenate([p_edge_index[1], padN])
    dst_r = jnp.concatenate([r_edge_index[1], padN])
    dstm = jnp.concatenate([dst_p, dst_r]).reshape(2 * CHG, K)
    sd = jnp.concatenate([
        jnp.stack([src_p.reshape(CHG, K), dst_p.reshape(CHG, K)], axis=1),
        jnp.stack([src_r.reshape(CHG, K), dst_r.reshape(CHG, K)], axis=1),
    ])

    deg_kernel, edge_kernel = _sc_kernels()
    deg_raw = deg_kernel(dstm)
    deg = jnp.concatenate([deg_raw[:N], deg_raw[NPAD:NPAD + N]])
    deg = deg.reshape(2 * N, 1)

    w1 = jnp.stack([Wp1, Wr1])
    b1 = jnp.stack([bp1, br1]).reshape(2, 1, D)
    w2 = jnp.stack([Wp2, Wr2])
    b2 = jnp.stack([bp2, br2]).reshape(2, 1, D)

    y1 = _scale(x, deg)
    z1 = edge_kernel(y1, sd)
    y2 = _conv_relu_scale(z1, deg, w1, b1)
    z2 = edge_kernel(y2, sd)
    return _head(z2, deg, w2, b2,
                 Wm1, bm1.reshape(1, D), Wm2, bm2.reshape(1, D),
                 Wm3, bm3.reshape(1, 1))

# --- scband reference (transcript-rebuilt; emitter-appended) ---
"""Pipeline reference for scband-forwardmodel-53446573031624 (READ-ONLY COPY).

The authoritative reference and input builder live on the scoring server;
editing this copy changes nothing except your own understanding.
"""

import jax, jax.numpy as jnp
import numpy as np

N_P = 10000
N_R = 10000
E_P = 320000
E_R = 320000
D = 128


def setup_inputs(seed: int = 0) -> dict:
    key = jax.random.key(seed)
    ks = jax.random.split(key, 20)
    inp = {}
    inp["p_node_feat"] = jax.random.normal(ks[0], (N_P, D), dtype=jnp.float32)
    inp["p_edge_index"] = jax.random.randint(ks[1], (2, E_P), 0, N_P, dtype=jnp.int32)
    inp["r_node_feat"] = jax.random.normal(ks[2], (N_R, D), dtype=jnp.float32)
    inp["r_edge_index"] = jax.random.randint(ks[3], (2, E_R), 0, N_R, dtype=jnp.int32)
    s = 1.0 / np.sqrt(D)
    # protein GCN params (GCN(protein_dim1=128, protein_dim2=128, protein_dim3=128))
    inp["Wp1"] = jax.random.normal(ks[4], (D, D), dtype=jnp.float32) * s
    inp["bp1"] = jnp.zeros((D,), dtype=jnp.float32)
    inp["Wp2"] = jax.random.normal(ks[5], (D, D), dtype=jnp.float32) * s
    inp["bp2"] = jnp.zeros((D,), dtype=jnp.float32)
    # rna GCN params (GCN(rna_dim1=128, rna_dim2=128, hidden_dim=128))
    inp["Wr1"] = jax.random.normal(ks[6], (D, D), dtype=jnp.float32) * s
    inp["br1"] = jnp.zeros((D,), dtype=jnp.float32)
    inp["Wr2"] = jax.random.normal(ks[7], (D, D), dtype=jnp.float32) * s
    inp["br2"] = jnp.zeros((D,), dtype=jnp.float32)
    # cat_MLP params (MLP(hidden_dim=128, hidden_dim2=128, 1))
    inp["Wm1"] = jax.random.normal(ks[8], (D, D), dtype=jnp.float32) * s
    inp["bm1"] = jnp.zeros((D,), dtype=jnp.float32)
    inp["Wm2"] = jax.random.normal(ks[9], (D, D), dtype=jnp.float32) * s
    inp["bm2"] = jnp.zeros((D,), dtype=jnp.float32)
    inp["Wm3"] = jax.random.normal(ks[10], (D, 1), dtype=jnp.float32) * s
    inp["bm3"] = jnp.zeros((1,), dtype=jnp.float32)
    return inp


def _gcn_conv(x, edge_index, W, b, n):
    # GCNConv with added self-loops and symmetric normalization
    loop = jnp.arange(n, dtype=edge_index.dtype)
    src = jnp.concatenate([edge_index[0], loop])
    dst = jnp.concatenate([edge_index[1], loop])
    deg = jax.ops.segment_sum(jnp.ones_like(dst, dtype=jnp.float32), dst, num_segments=n)
    dinv = jax.lax.rsqrt(jnp.maximum(deg, 1.0))
    norm = dinv[src] * dinv[dst]
    msgs = x[src] * norm[:, None]          # gather (SparseCore)
    agg = jax.ops.segment_sum(msgs, dst, num_segments=n)  # scatter-add (SparseCore)
    return agg @ W + b


def _gcn(x, edge_index, W1, b1, W2, b2):
    n = x.shape[0]
    h = jax.nn.relu(_gcn_conv(x, edge_index, W1, b1, n))
    # dropout is identity in eval mode
    return _gcn_conv(h, edge_index, W2, b2, n)


def _mlp(x, W1, b1, W2, b2, W3, b3):
    h = jax.nn.relu(x @ W1 + b1)
    h = jax.nn.relu(h @ W2 + b2)
    return h @ W3 + b3


def reference(p_node_feat, p_edge_index, r_node_feat, r_edge_index,
              Wp1, bp1, Wp2, bp2, Wr1, br1, Wr2, br2,
              Wm1, bm1, Wm2, bm2, Wm3, bm3):
    protein_emb = _gcn(p_node_feat, p_edge_index, Wp1, bp1, Wp2, bp2)
    rna_emb = _gcn(r_node_feat, r_edge_index, Wr1, br1, Wr2, br2)
    cat = jnp.concatenate([protein_emb, rna_emb], axis=0)
    pred = _mlp(cat, Wm1, bm1, Wm2, bm2, Wm3, bm3)
    return pred


if False:  # reference __main__ guard neutralized (emitter)
    out = reference(**setup_inputs())
    print(out.shape)

if __name__ == "__main__":
    import jax
    _d = setup_inputs()
    print(jax.jit(kernel)(*tuple(_d.values())))

</pallas_src>

<mosaic_0001>
#map = affine_map<(d0, d1) -> (0, 0)>
#map1 = affine_map<(d0, d1) -> (0, 0, 0)>
module attributes {stable_mosaic.version = 14 : i64} {
  func.func @_edge_body(%arg0: i32, %arg1: i32, %arg2: memref<20000x128xf32, #tpu.memory_space<hbm>>, %arg3: memref<5120x2x128xi32, #tpu.memory_space<hbm>>, %arg4: memref<20000x128xf32, #tpu.memory_space<hbm>>, %arg5: memref<10002x128xf32, #tpu.memory_space<vmem_shared>>, %arg6: memref<128x128xf32, #tpu.memory_space<vmem>>, %arg7: memref<128x128xf32, #tpu.memory_space<vmem>>, %arg8: memref<128x128xf32, #tpu.memory_space<vmem>>, %arg9: memref<2x128xi32, #tpu.memory_space<vmem>>, %arg10: memref<2x128xi32, #tpu.memory_space<vmem>>, %arg11: memref<2x128xi32, #tpu.memory_space<vmem>>, %arg12: memref<2x128xi32, #tpu.memory_space<vmem>>, %arg13: memref<2x128xi32, #tpu.memory_space<vmem>>, %arg14: memref<2x128xi32, #tpu.memory_space<vmem>>, %arg15: memref<3x!tpu.dma_semaphore, #tpu.memory_space<semaphore_mem>>, %arg16: memref<3x!tpu.dma_semaphore, #tpu.memory_space<semaphore_mem>>) attributes {dimension_semantics = [#tpu.dimension_semantics<core_parallel>, #tpu.dimension_semantics<subcore_parallel>], iteration_bounds = array<i64: 2, 16>, scalar_prefetch = 0 : i64, scratch_operands = 12 : i64, tpu.core_type = #tpu.core_type<sc_vector_subcore>, window_params = [{transform_indices = #map}, {transform_indices = #map1}, {transform_indices = #map}]} {
    %mul3A = arith.constant 624 : i32
    %mul3A_0 = arith.muli %arg1, %mul3A : i32
    %multiple_of3A = tpu.assume_multiple %mul3A_0, 8 : i32
    %mul3A_1 = arith.constant 10000 : i32
    %mul3A_2 = arith.muli %arg0, %mul3A_1 : i32
    %mul3A_3 = arith.constant 624 : i32
    %mul3A_4 = arith.muli %arg1, %mul3A_3 : i32
    %add3A = arith.addi %mul3A_2, %mul3A_4 : i32
    %multiple_of3A_5 = tpu.assume_multiple %add3A, 8 : i32
    "tpu.region"() ({
      %run_scoped3A = tpu.sem_alloc : memref<!tpu.dma_semaphore, #tpu.memory_space<semaphore_mem>>
      %dma_start3A_459 = arith.constant 0 : i32
      %dma_start3A_460 = tpu.memref_slice %arg5[%multiple_of3A, %dma_start3A_459] : memref<10002x128xf32, #tpu.memory_space<vmem_shared>> -> memref<624x128xf32, #tpu.memory_space<vmem_shared>>
      %dma_start3A_461 = arith.constant 0 : i32
      %dma_start3A_462 = tpu.memref_slice %arg2[%multiple_of3A_5, %dma_start3A_461] : memref<20000x128xf32, #tpu.memory_space<hbm>> -> memref<624x128xf32, #tpu.memory_space<hbm>>
      tpu.enqueue_dma source(%dma_start3A_462 : memref<624x128xf32, #tpu.memory_space<hbm>>) target(%dma_start3A_460 : memref<624x128xf32, #tpu.memory_space<vmem_shared>>) target_semaphore(%run_scoped3A : memref<!tpu.dma_semaphore, #tpu.memory_space<semaphore_mem>>)
      %dma_wait3A_463 = arith.constant 0 : i32
      %dma_wait3A_464 = tpu.memref_slice %arg5[%multiple_of3A, %dma_wait3A_463] : memref<10002x128xf32, #tpu.memory_space<vmem_shared>> -> memref<624x128xf32, #tpu.memory_space<vmem_shared>>
      %dma_wait3A_465 = arith.constant 0 : i32
      %dma_wait3A_466 = tpu.memref_slice %arg2[%multiple_of3A_5, %dma_wait3A_465] : memref<20000x128xf32, #tpu.memory_space<hbm>> -> memref<624x128xf32, #tpu.memory_space<hbm>>
      tpu.wait_dma2 semaphore(%run_scoped3A : memref<!tpu.dma_semaphore, #tpu.memory_space<semaphore_mem>>) src(%dma_wait3A_466 : memref<624x128xf32, #tpu.memory_space<hbm>>) dst(%dma_wait3A_464 : memref<624x128xf32, #tpu.memory_space<vmem_shared>>)
      tpu.yield
    }) : () -> ()
    %eq3A = arith.constant 0 : i32
    %eq3A_6 = arith.cmpi eq, %arg1, %eq3A : i32
    %convert_element_type3A = arith.extui %eq3A_6 : i1 to i32
    %cond3A = arith.constant 0 : i32
    %cond3A_7 = arith.cmpi ne, %convert_element_type3A, %cond3A : i32
    scf.if %cond3A_7 {
      %mul3A_459 = arith.constant 10000 : i32
      %mul3A_460 = arith.muli %arg0, %mul3A_459 : i32
      %add3A_461 = arith.constant 9984 : i32
      %add3A_462 = arith.addi %mul3A_460, %add3A_461 : i32
      %multiple_of3A_463 = tpu.assume_multiple %add3A_462, 8 : i32
      "tpu.region"() ({
        %run_scoped3A = tpu.sem_alloc : memref<!tpu.dma_semaphore, #tpu.memory_space<semaphore_mem>>
        %dma_start3A_464 = arith.constant 9984 : i32
        %dma_start3A_465 = arith.constant 0 : i32
        %dma_start3A_466 = tpu.memref_slice %arg5[%dma_start3A_464, %dma_start3A_465] : memref<10002x128xf32, #tpu.memory_space<vmem_shared>> -> memref<16x128xf32, #tpu.memory_space<vmem_shared>>
        %dma_start3A_467 = arith.constant 0 : i32
        %dma_start3A_468 = tpu.memref_slice %arg2[%multiple_of3A_463, %dma_start3A_467] : memref<20000x128xf32, #tpu.memory_space<hbm>> -> memref<16x128xf32, #tpu.memory_space<hbm>>
        tpu.enqueue_dma source(%dma_start3A_468 : memref<16x128xf32, #tpu.memory_space<hbm>>) target(%dma_start3A_466 : memref<16x128xf32, #tpu.memory_space<vmem_shared>>) target_semaphore(%run_scoped3A : memref<!tpu.dma_semaphore, #tpu.memory_space<semaphore_mem>>)
        %dma_wait3A_469 = arith.constant 9984 : i32
        %dma_wait3A_470 = arith.constant 0 : i32
        %dma_wait3A_471 = tpu.memref_slice %arg5[%dma_wait3A_469, %dma_wait3A_470] : memref<10002x128xf32, #tpu.memory_space<vmem_shared>> -> memref<16x128xf32, #tpu.memory_space<vmem_shared>>
        %dma_wait3A_472 = arith.constant 0 : i32
        %dma_wait3A_473 = tpu.memref_slice %arg2[%multiple_of3A_463, %dma_wait3A_472] : memref<20000x128xf32, #tpu.memory_space<hbm>> -> memref<16x128xf32, #tpu.memory_space<hbm>>
        tpu.wait_dma2 semaphore(%run_scoped3A : memref<!tpu.dma_semaphore, #tpu.memory_space<semaphore_mem>>) src(%dma_wait3A_473 : memref<16x128xf32, #tpu.memory_space<hbm>>) dst(%dma_wait3A_471 : memref<16x128xf32, #tpu.memory_space<vmem_shared>>)
        tpu.yield
      }) : () -> ()
    } else {
    }
    %mul3A_8 = arith.constant 2560 : i32
    %mul3A_9 = arith.muli %arg0, %mul3A_8 : i32
    %mul3A_10 = arith.constant 160 : i32
    %mul3A_11 = arith.muli %arg1, %mul3A_10 : i32
    %add3A_12 = arith.addi %mul3A_9, %mul3A_11 : i32
    %barrier3A = arith.constant 0 : index
    tpu.barrier barrier_id(%barrier3A)
    "tpu.region"() ({
      %run_scoped3A = tpu.sem_alloc : memref<!tpu.dma_semaphore, #tpu.memory_space<semaphore_mem>>
      %dma_start3A_459 = arith.constant 0 : i32
      %dma_start3A_460 = arith.constant 0 : i32
      %dma_start3A_461 = tpu.memref_slice %arg3[%add3A_12, %dma_start3A_459, %dma_start3A_460] : memref<5120x2x128xi32, #tpu.memory_space<hbm>> -> memref<1x2x128xi32, #tpu.memory_space<hbm>>
      %dma_start3A_462 = tpu.memref_squeeze %dma_start3A_461 : memref<1x2x128xi32, #tpu.memory_space<hbm>> -> memref<2x128xi32, #tpu.memory_space<hbm>>
      %dma_start3A_463 = arith.constant 0 : i32
      %dma_start3A_464 = arith.constant 0 : i32
      %dma_start3A_465 = tpu.memref_slice %arg3[%add3A_12, %dma_start3A_463, %dma_start3A_464] : memref<5120x2x128xi32, #tpu.memory_space<hbm>> -> memref<1x2x128xi32, #tpu.memory_space<hbm>>
      %dma_start3A_466 = tpu.memref_squeeze %dma_start3A_465 : memref<1x2x128xi32, #tpu.memory_space<hbm>> -> memref<2x128xi32, #tpu.memory_space<hbm>>
      tpu.enqueue_dma source(%dma_start3A_466 : memref<2x128xi32, #tpu.memory_space<hbm>>) target(%arg9 : memref<2x128xi32, #tpu.memory_space<vmem>>) target_semaphore(%run_scoped3A : memref<!tpu.dma_semaphore, #tpu.memory_space<semaphore_mem>>)
      %dma_wait3A_467 = arith.constant 0 : i32
      %dma_wait3A_468 = arith.constant 0 : i32
      %dma_wait3A_469 = tpu.memref_slice %arg3[%add3A_12, %dma_wait3A_467, %dma_wait3A_468] : memref<5120x2x128xi32, #tpu.memory_space<hbm>> -> memref<1x2x128xi32, #tpu.memory_space<hbm>>
      %dma_wait3A_470 = tpu.memref_squeeze %dma_wait3A_469 : memref<1x2x128xi32, #tpu.memory_space<hbm>> -> memref<2x128xi32, #tpu.memory_space<hbm>>
      %dma_wait3A_471 = arith.constant 0 : i32
      %dma_wait3A_472 = arith.constant 0 : i32
      %dma_wait3A_473 = tpu.memref_slice %arg3[%add3A_12, %dma_wait3A_471, %dma_wait3A_472] : memref<5120x2x128xi32, #tpu.memory_space<hbm>> -> memref<1x2x128xi32, #tpu.memory_space<hbm>>
      %dma_wait3A_474 = tpu.memref_squeeze %dma_wait3A_473 : memref<1x2x128xi32, #tpu.memory_space<hbm>> -> memref<2x128xi32, #tpu.memory_space<hbm>>
      tpu.wait_dma2 semaphore(%run_scoped3A : memref<!tpu.dma_semaphore, #tpu.memory_space<semaphore_mem>>) src(%dma_wait3A_474 : memref<2x128xi32, #tpu.memory_space<hbm>>) dst(%arg9 : memref<2x128xi32, #tpu.memory_space<vmem>>)
      tpu.yield
    }) : () -> ()
    %dma_start3A = arith.constant 0 : i32
    %dma_start3A_13 = arith.constant 0 : i32
    %dma_start3A_14 = arith.constant 0 : i32
    %dma_start3A_15 = tpu.memref_slice %arg9[%dma_start3A, %dma_start3A_14] : memref<2x128xi32, #tpu.memory_space<vmem>> -> memref<1x128xi32, #tpu.memory_space<vmem>>
    %dma_start3A_16 = tpu.memref_squeeze %dma_start3A_15 : memref<1x128xi32, #tpu.memory_space<vmem>> -> memref<128xi32, #tpu.memory_space<vmem>>
    %dma_start3A_17 = arith.constant 0 : i32
    %dma_start3A_18 = arith.constant 0 : i32
    %dma_start3A_19 = tpu.memref_slice %arg2[%dma_start3A_17, %dma_start3A_18] : memref<20000x128xf32, #tpu.memory_space<hbm>> -> memref<20000x128xf32, #tpu.memory_space<hbm>>
    %dma_start3A_20 = tpu.memref_slice %arg15[%dma_start3A_13] : memref<3x!tpu.dma_semaphore, #tpu.memory_space<semaphore_mem>> -> memref<1x!tpu.dma_semaphore, #tpu.memory_space<semaphore_mem>>
    %dma_start3A_21 = tpu.memref_squeeze %dma_start3A_20 : memref<1x!tpu.dma_semaphore, #tpu.memory_space<semaphore_mem>> -> memref<!tpu.dma_semaphore, #tpu.memory_space<semaphore_mem>>
    tpu.enqueue_indirect_dma source(%dma_start3A_19 : memref<20000x128xf32, #tpu.memory_space<hbm>>) target(%arg6 : memref<128x128xf32, #tpu.memory_space<vmem>>) offsets(%dma_start3A_16 : memref<128xi32, #tpu.memory_space<vmem>>) semaphore(%dma_start3A_21 : memref<!tpu.dma_semaphore, #tpu.memory_space<semaphore_mem>>)
    %add3A_22 = arith.constant 0 : i32
    %add3A_23 = arith.addi %add3A_12, %add3A_22 : i32
    %add3A_24 = arith.constant 1 : i32
    %add3A_25 = arith.addi %add3A_23, %add3A_24 : i32
    "tpu.region"() ({
      %run_scoped3A = tpu.sem_alloc : memref<!tpu.dma_semaphore, #tpu.memory_space<semaphore_mem>>
      %dma_start3A_459 = arith.constant 0 : i32
      %dma_start3A_460 = arith.constant 0 : i32
      %dma_start3A_461 = tpu.memref_slice %arg3[%add3A_25, %dma_start3A_459, %dma_start3A_460] : memref<5120x2x128xi32, #tpu.memory_space<hbm>> -> memref<1x2x128xi32, #tpu.memory_space<hbm>>
      %dma_start3A_462 = tpu.memref_squeeze %dma_start3A_461 : memref<1x2x128xi32, #tpu.memory_space<hbm>> -> memref<2x128xi32, #tpu.memory_space<hbm>>
      %dma_start3A_463 = arith.constant 0 : i32
      %dma_start3A_464 = arith.constant 0 : i32
      %dma_start3A_465 = tpu.memref_slice %arg3[%add3A_25, %dma_start3A_463, %dma_start3A_464] : memref<5120x2x128xi32, #tpu.memory_space<hbm>> -> memref<1x2x128xi32, #tpu.memory_space<hbm>>
      %dma_start3A_466 = tpu.memref_squeeze %dma_start3A_465 : memref<1x2x128xi32, #tpu.memory_space<hbm>> -> memref<2x128xi32, #tpu.memory_space<hbm>>
      tpu.enqueue_dma source(%dma_start3A_466 : memref<2x128xi32, #tpu.memory_space<hbm>>) target(%arg10 : memref<2x128xi32, #tpu.memory_space<vmem>>) target_semaphore(%run_scoped3A : memref<!tpu.dma_semaphore, #tpu.memory_space<semaphore_mem>>)
      %dma_wait3A_467 = arith.constant 0 : i32
      %dma_wait3A_468 = arith.constant 0 : i32
      %dma_wait3A_469 = tpu.memref_slice %arg3[%add3A_25, %dma_wait3A_467, %dma_wait3A_468] : memref<5120x2x128xi32, #tpu.memory_space<hbm>> -> memref<1x2x128xi32, #tpu.memory_space<hbm>>
      %dma_wait3A_470 = tpu.memref_squeeze %dma_wait3A_469 : memref<1x2x128xi32, #tpu.memory_space<hbm>> -> memref<2x128xi32, #tpu.memory_space<hbm>>
      %dma_wait3A_471 = arith.constant 0 : i32
      %dma_wait3A_472 = arith.constant 0 : i32
      %dma_wait3A_473 = tpu.memref_slice %arg3[%add3A_25, %dma_wait3A_471, %dma_wait3A_472] : memref<5120x2x128xi32, #tpu.memory_space<hbm>> -> memref<1x2x128xi32, #tpu.memory_space<hbm>>
      %dma_wait3A_474 = tpu.memref_squeeze %dma_wait3A_473 : memref<1x2x128xi32, #tpu.memory_space<hbm>> -> memref<2x128xi32, #tpu.memory_space<hbm>>
      tpu.wait_dma2 semaphore(%run_scoped3A : memref<!tpu.dma_semaphore, #tpu.memory_space<semaphore_mem>>) src(%dma_wait3A_474 : memref<2x128xi32, #tpu.memory_space<hbm>>) dst(%arg10 : memref<2x128xi32, #tpu.memory_space<vmem>>)
      tpu.yield
    }) : () -> ()
    %dma_wait3A = arith.constant 0 : i32
    %dma_wait3A_26 = arith.constant 0 : i32
    %dma_wait3A_27 = arith.constant 0 : i32
    %dma_wait3A_28 = tpu.memref_slice %arg9[%dma_wait3A, %dma_wait3A_27] : memref<2x128xi32, #tpu.memory_space<vmem>> -> memref<1x128xi32, #tpu.memory_space<vmem>>
    %dma_wait3A_29 = tpu.memref_squeeze %dma_wait3A_28 : memref<1x128xi32, #tpu.memory_space<vmem>> -> memref<128xi32, #tpu.memory_space<vmem>>
    %dma_wait3A_30 = arith.constant 0 : i32
    %dma_wait3A_31 = arith.constant 0 : i32
    %dma_wait3A_32 = tpu.memref_slice %arg2[%dma_wait3A_30, %dma_wait3A_31] : memref<20000x128xf32, #tpu.memory_space<hbm>> -> memref<20000x128xf32, #tpu.memory_space<hbm>>
    %dma_wait3A_33 = tpu.memref_slice %arg15[%dma_wait3A_26] : memref<3x!tpu.dma_semaphore, #tpu.memory_space<semaphore_mem>> -> memref<1x!tpu.dma_semaphore, #tpu.memory_space<semaphore_mem>>
    %dma_wait3A_34 = tpu.memref_squeeze %dma_wait3A_33 : memref<1x!tpu.dma_semaphore, #tpu.memory_space<semaphore_mem>> -> memref<!tpu.dma_semaphore, #tpu.memory_space<semaphore_mem>>
    tpu.wait_indirect_dma semaphore(%dma_wait3A_34 : memref<!tpu.dma_semaphore, #tpu.memory_space<semaphore_mem>>) src(%dma_wait3A_32 : memref<20000x128xf32, #tpu.memory_space<hbm>>) dst(%arg6 : memref<128x128xf32, #tpu.memory_space<vmem>>)
    %dma_start3A_35 = arith.constant 1 : i32
    %dma_start3A_36 = arith.constant 0 : i32
    %dma_start3A_37 = arith.constant 0 : i32
    %dma_start3A_38 = tpu.memref_slice %arg9[%dma_start3A_35, %dma_start3A_37] : memref<2x128xi32, #tpu.memory_space<vmem>> -> memref<1x128xi32, #tpu.memory_space<vmem>>
    %dma_start3A_39 = tpu.memref_squeeze %dma_start3A_38 : memref<1x128xi32, #tpu.memory_space<vmem>> -> memref<128xi32, #tpu.memory_space<vmem>>
    %dma_start3A_40 = arith.constant 0 : i32
    %dma_start3A_41 = arith.constant 0 : i32
    %dma_start3A_42 = tpu.memref_slice %arg5[%dma_start3A_40, %dma_start3A_41] : memref<10002x128xf32, #tpu.memory_space<vmem_shared>> -> memref<10002x128xf32, #tpu.memory_space<vmem_shared>>
    %dma_start3A_43 = tpu.memref_slice %arg16[%dma_start3A_36] : memref<3x!tpu.dma_semaphore, #tpu.memory_space<semaphore_mem>> -> memref<1x!tpu.dma_semaphore, #tpu.memory_space<semaphore_mem>>
    %dma_start3A_44 = tpu.memref_squeeze %dma_start3A_43 : memref<1x!tpu.dma_semaphore, #tpu.memory_space<semaphore_mem>> -> memref<!tpu.dma_semaphore, #tpu.memory_space<semaphore_mem>>
    tpu.enqueue_indirect_dma source(%arg6 : memref<128x128xf32, #tpu.memory_space<vmem>>) target(%dma_start3A_42 : memref<10002x128xf32, #tpu.memory_space<vmem_shared>>) offsets(%dma_start3A_39 : memref<128xi32, #tpu.memory_space<vmem>>) semaphore(%dma_start3A_44 : memref<!tpu.dma_semaphore, #tpu.memory_space<semaphore_mem>>) {add = true}
    %dma_start3A_45 = arith.constant 0 : i32
    %dma_start3A_46 = arith.constant 1 : i32
    %dma_start3A_47 = arith.constant 0 : i32
    %dma_start3A_48 = tpu.memref_slice %arg10[%dma_start3A_45, %dma_start3A_47] : memref<2x128xi32, #tpu.memory_space<vmem>> -> memref<1x128xi32, #tpu.memory_space<vmem>>
    %dma_start3A_49 = tpu.memref_squeeze %dma_start3A_48 : memref<1x128xi32, #tpu.memory_space<vmem>> -> memref<128xi32, #tpu.memory_space<vmem>>
    %dma_start3A_50 = arith.constant 0 : i32
    %dma_start3A_51 = arith.constant 0 : i32
    %dma_start3A_52 = tpu.memref_slice %arg2[%dma_start3A_50, %dma_start3A_51] : memref<20000x128xf32, #tpu.memory_space<hbm>> -> memref<20000x128xf32, #tpu.memory_space<hbm>>
    %dma_start3A_53 = tpu.memref_slice %arg15[%dma_start3A_46] : memref<3x!tpu.dma_semaphore, #tpu.memory_space<semaphore_mem>> -> memref<1x!tpu.dma_semaphore, #tpu.memory_space<semaphore_mem>>
    %dma_start3A_54 = tpu.memref_squeeze %dma_start3A_53 : memref<1x!tpu.dma_semaphore, #tpu.memory_space<semaphore_mem>> -> memref<!tpu.dma_semaphore, #tpu.memory_space<semaphore_mem>>
    tpu.enqueue_indirect_dma source(%dma_start3A_52 : memref<20000x128xf32, #tpu.memory_space<hbm>>) target(%arg7 : memref<128x128xf32, #tpu.memory_space<vmem>>) offsets(%dma_start3A_49 : memref<128xi32, #tpu.memory_space<vmem>>) semaphore(%dma_start3A_54 : memref<!tpu.dma_semaphore, #tpu.memory_space<semaphore_mem>>)
    %add3A_55 = arith.constant 1 : i32
    %add3A_56 = arith.addi %add3A_12, %add3A_55 : i32
    %add3A_57 = arith.constant 1 : i32
    %add3A_58 = arith.addi %add3A_56, %add3A_57 : i32
    "tpu.region"() ({
      %run_scoped3A = tpu.sem_alloc : memref<!tpu.dma_semaphore, #tpu.memory_space<semaphore_mem>>
      %dma_start3A_459 = arith.constant 0 : i32
      %dma_start3A_460 = arith.constant 0 : i32
      %dma_start3A_461 = tpu.memref_slice %arg3[%add3A_58, %dma_start3A_459, %dma_start3A_460] : memref<5120x2x128xi32, #tpu.memory_space<hbm>> -> memref<1x2x128xi32, #tpu.memory_space<hbm>>
      %dma_start3A_462 = tpu.memref_squeeze %dma_start3A_461 : memref<1x2x128xi32, #tpu.memory_space<hbm>> -> memref<2x128xi32, #tpu.memory_space<hbm>>
      %dma_start3A_463 = arith.constant 0 : i32
      %dma_start3A_464 = arith.constant 0 : i32
      %dma_start3A_465 = tpu.memref_slice %arg3[%add3A_58, %dma_start3A_463, %dma_start3A_464] : memref<5120x2x128xi32, #tpu.memory_space<hbm>> -> memref<1x2x128xi32, #tpu.memory_space<hbm>>
      %dma_start3A_466 = tpu.memref_squeeze %dma_start3A_465 : memref<1x2x128xi32, #tpu.memory_space<hbm>> -> memref<2x128xi32, #tpu.memory_space<hbm>>
      tpu.enqueue_dma source(%dma_start3A_466 : memref<2x128xi32, #tpu.memory_space<hbm>>) target(%arg11 : memref<2x128xi32, #tpu.memory_space<vmem>>) target_semaphore(%run_scoped3A : memref<!tpu.dma_semaphore, #tpu.memory_space<semaphore_mem>>)
      %dma_wait3A_467 = arith.constant 0 : i32
      %dma_wait3A_468 = arith.constant 0 : i32
      %dma_wait3A_469 = tpu.memref_slice %arg3[%add3A_58, %dma_wait3A_467, %dma_wait3A_468] : memref<5120x2x128xi32, #tpu.memory_space<hbm>> -> memref<1x2x128xi32, #tpu.memory_space<hbm>>
      %dma_wait3A_470 = tpu.memref_squeeze %dma_wait3A_469 : memref<1x2x128xi32, #tpu.memory_space<hbm>> -> memref<2x128xi32, #tpu.memory_space<hbm>>
      %dma_wait3A_471 = arith.constant 0 : i32
      %dma_wait3A_472 = arith.constant 0 : i32
      %dma_wait3A_473 = tpu.memref_slice %arg3[%add3A_58, %dma_wait3A_471, %dma_wait3A_472] : memref<5120x2x128xi32, #tpu.memory_space<hbm>> -> memref<1x2x128xi32, #tpu.memory_space<hbm>>
      %dma_wait3A_474 = tpu.memref_squeeze %dma_wait3A_473 : memref<1x2x128xi32, #tpu.memory_space<hbm>> -> memref<2x128xi32, #tpu.memory_space<hbm>>
      tpu.wait_dma2 semaphore(%run_scoped3A : memref<!tpu.dma_semaphore, #tpu.memory_space<semaphore_mem>>) src(%dma_wait3A_474 : memref<2x128xi32, #tpu.memory_space<hbm>>) dst(%arg11 : memref<2x128xi32, #tpu.memory_space<vmem>>)
      tpu.yield
    }) : () -> ()
    %dma_wait3A_59 = arith.constant 0 : i32
    %dma_wait3A_60 = arith.constant 1 : i32
    %dma_wait3A_61 = arith.constant 0 : i32
    %dma_wait3A_62 = tpu.memref_slice %arg10[%dma_wait3A_59, %dma_wait3A_61] : memref<2x128xi32, #tpu.memory_space<vmem>> -> memref<1x128xi32, #tpu.memory_space<vmem>>
    %dma_wait3A_63 = tpu.memref_squeeze %dma_wait3A_62 : memref<1x128xi32, #tpu.memory_space<vmem>> -> memref<128xi32, #tpu.memory_space<vmem>>
    %dma_wait3A_64 = arith.constant 0 : i32
    %dma_wait3A_65 = arith.constant 0 : i32
    %dma_wait3A_66 = tpu.memref_slice %arg2[%dma_wait3A_64, %dma_wait3A_65] : memref<20000x128xf32, #tpu.memory_space<hbm>> -> memref<20000x128xf32, #tpu.memory_space<hbm>>
    %dma_wait3A_67 = tpu.memref_slice %arg15[%dma_wait3A_60] : memref<3x!tpu.dma_semaphore, #tpu.memory_space<semaphore_mem>> -> memref<1x!tpu.dma_semaphore, #tpu.memory_space<semaphore_mem>>
    %dma_wait3A_68 = tpu.memref_squeeze %dma_wait3A_67 : memref<1x!tpu.dma_semaphore, #tpu.memory_space<semaphore_mem>> -> memref<!tpu.dma_semaphore, #tpu.memory_space<semaphore_mem>>
    tpu.wait_indirect_dma semaphore(%dma_wait3A_68 : memref<!tpu.dma_semaphore, #tpu.memory_space<semaphore_mem>>) src(%dma_wait3A_66 : memref<20000x128xf32, #tpu.memory_space<hbm>>) dst(%arg7 : memref<128x128xf32, #tpu.memory_space<vmem>>)
    %dma_start3A_69 = arith.constant 1 : i32
    %dma_start3A_70 = arith.constant 1 : i32
    %dma_start3A_71 = arith.constant 0 : i32
    %dma_start3A_72 = tpu.memref_slice %arg10[%dma_start3A_69, %dma_start3A_71] : memref<2x128xi32, #tpu.memory_space<vmem>> -> memref<1x128xi32, #tpu.memory_space<vmem>>
    %dma_start3A_73 = tpu.memref_squeeze %dma_start3A_72 : memref<1x128xi32, #tpu.memory_space<vmem>> -> memref<128xi32, #tpu.memory_space<vmem>>
    %dma_start3A_74 = arith.constant 0 : i32
    %dma_start3A_75 = arith.constant 0 : i32
    %dma_start3A_76 = tpu.memref_slice %arg5[%dma_start3A_74, %dma_start3A_75] : memref<10002x128xf32, #tpu.memory_space<vmem_shared>> -> memref<10002x128xf32, #tpu.memory_space<vmem_shared>>
    %dma_start3A_77 = tpu.memref_slice %arg16[%dma_start3A_70] : memref<3x!tpu.dma_semaphore, #tpu.memory_space<semaphore_mem>> -> memref<1x!tpu.dma_semaphore, #tpu.memory_space<semaphore_mem>>
    %dma_start3A_78 = tpu.memref_squeeze %dma_start3A_77 : memref<1x!tpu.dma_semaphore, #tpu.memory_space<semaphore_mem>> -> memref<!tpu.dma_semaphore, #tpu.memory_space<semaphore_mem>>
    tpu.enqueue_indirect_dma source(%arg7 : memref<128x128xf32, #tpu.memory_space<vmem>>) target(%dma_start3A_76 : memref<10002x128xf32, #tpu.memory_space<vmem_shared>>) offsets(%dma_start3A_73 : memref<128xi32, #tpu.memory_space<vmem>>) semaphore(%dma_start3A_78 : memref<!tpu.dma_semaphore, #tpu.memory_space<semaphore_mem>>) {add = true}
    %dma_start3A_79 = arith.constant 0 : i32
    %dma_start3A_80 = arith.constant 2 : i32
    %dma_start3A_81 = arith.constant 0 : i32
    %dma_start3A_82 = tpu.memref_slice %arg11[%dma_start3A_79, %dma_start3A_81] : memref<2x128xi32, #tpu.memory_space<vmem>> -> memref<1x128xi32, #tpu.memory_space<vmem>>
    %dma_start3A_83 = tpu.memref_squeeze %dma_start3A_82 : memref<1x128xi32, #tpu.memory_space<vmem>> -> memref<128xi32, #tpu.memory_space<vmem>>
    %dma_start3A_84 = arith.constant 0 : i32
    %dma_start3A_85 = arith.constant 0 : i32
    %dma_start3A_86 = tpu.memref_slice %arg2[%dma_start3A_84, %dma_start3A_85] : memref<20000x128xf32, #tpu.memory_space<hbm>> -> memref<20000x128xf32, #tpu.memory_space<hbm>>
    %dma_start3A_87 = tpu.memref_slice %arg15[%dma_start3A_80] : memref<3x!tpu.dma_semaphore, #tpu.memory_space<semaphore_mem>> -> memref<1x!tpu.dma_semaphore, #tpu.memory_space<semaphore_mem>>
    %dma_start3A_88 = tpu.memref_squeeze %dma_start3A_87 : memref<1x!tpu.dma_semaphore, #tpu.memory_space<semaphore_mem>> -> memref<!tpu.dma_semaphore, #tpu.memory_space<semaphore_mem>>
    tpu.enqueue_indirect_dma source(%dma_start3A_86 : memref<20000x128xf32, #tpu.memory_space<hbm>>) target(%arg8 : memref<128x128xf32, #tpu.memory_space<vmem>>) offsets(%dma_start3A_83 : memref<128xi32, #tpu.memory_space<vmem>>) semaphore(%dma_start3A_88 : memref<!tpu.dma_semaphore, #tpu.memory_space<semaphore_mem>>)
    %add3A_89 = arith.constant 2 : i32
    %add3A_90 = arith.addi %add3A_12, %add3A_89 : i32
    %add3A_91 = arith.constant 1 : i32
    %add3A_92 = arith.addi %add3A_90, %add3A_91 : i32
    "tpu.region"() ({
      %run_scoped3A = tpu.sem_alloc : memref<!tpu.dma_semaphore, #tpu.memory_space<semaphore_mem>>
      %dma_start3A_459 = arith.constant 0 : i32
      %dma_start3A_460 = arith.constant 0 : i32
      %dma_start3A_461 = tpu.memref_slice %arg3[%add3A_92, %dma_start3A_459, %dma_start3A_460] : memref<5120x2x128xi32, #tpu.memory_space<hbm>> -> memref<1x2x128xi32, #tpu.memory_space<hbm>>
      %dma_start3A_462 = tpu.memref_squeeze %dma_start3A_461 : memref<1x2x128xi32, #tpu.memory_space<hbm>> -> memref<2x128xi32, #tpu.memory_space<hbm>>
      %dma_start3A_463 = arith.constant 0 : i32
      %dma_start3A_464 = arith.constant 0 : i32
      %dma_start3A_465 = tpu.memref_slice %arg3[%add3A_92, %dma_start3A_463, %dma_start3A_464] : memref<5120x2x128xi32, #tpu.memory_space<hbm>> -> memref<1x2x128xi32, #tpu.memory_space<hbm>>
      %dma_start3A_466 = tpu.memref_squeeze %dma_start3A_465 : memref<1x2x128xi32, #tpu.memory_space<hbm>> -> memref<2x128xi32, #tpu.memory_space<hbm>>
      tpu.enqueue_dma source(%dma_start3A_466 : memref<2x128xi32, #tpu.memory_space<hbm>>) target(%arg12 : memref<2x128xi32, #tpu.memory_space<vmem>>) target_semaphore(%run_scoped3A : memref<!tpu.dma_semaphore, #tpu.memory_space<semaphore_mem>>)
      %dma_wait3A_467 = arith.constant 0 : i32
      %dma_wait3A_468 = arith.constant 0 : i32
      %dma_wait3A_469 = tpu.memref_slice %arg3[%add3A_92, %dma_wait3A_467, %dma_wait3A_468] : memref<5120x2x128xi32, #tpu.memory_space<hbm>> -> memref<1x2x128xi32, #tpu.memory_space<hbm>>
      %dma_wait3A_470 = tpu.memref_squeeze %dma_wait3A_469 : memref<1x2x128xi32, #tpu.memory_space<hbm>> -> memref<2x128xi32, #tpu.memory_space<hbm>>
      %dma_wait3A_471 = arith.constant 0 : i32
      %dma_wait3A_472 = arith.constant 0 : i32
      %dma_wait3A_473 = tpu.memref_slice %arg3[%add3A_92, %dma_wait3A_471, %dma_wait3A_472] : memref<5120x2x128xi32, #tpu.memory_space<hbm>> -> memref<1x2x128xi32, #tpu.memory_space<hbm>>
      %dma_wait3A_474 = tpu.memref_squeeze %dma_wait3A_473 : memref<1x2x128xi32, #tpu.memory_space<hbm>> -> memref<2x128xi32, #tpu.memory_space<hbm>>
      tpu.wait_dma2 semaphore(%run_scoped3A : memref<!tpu.dma_semaphore, #tpu.memory_space<semaphore_mem>>) src(%dma_wait3A_474 : memref<2x128xi32, #tpu.memory_space<hbm>>) dst(%arg12 : memref<2x128xi32, #tpu.memory_space<vmem>>)
      tpu.yield
    }) : () -> ()
    %dma_wait3A_93 = arith.constant 1 : i32
    %dma_wait3A_94 = arith.constant 0 : i32
    %dma_wait3A_95 = arith.constant 0 : i32
    %dma_wait3A_96 = tpu.memref_slice %arg11[%dma_wait3A_93, %dma_wait3A_95] : memref<2x128xi32, #tpu.memory_space<vmem>> -> memref<1x128xi32, #tpu.memory_space<vmem>>
    %dma_wait3A_97 = tpu.memref_squeeze %dma_wait3A_96 : memref<1x128xi32, #tpu.memory_space<vmem>> -> memref<128xi32, #tpu.memory_space<vmem>>
    %dma_wait3A_98 = arith.constant 0 : i32
    %dma_wait3A_99 = arith.constant 0 : i32
    %dma_wait3A_100 = tpu.memref_slice %arg5[%dma_wait3A_98, %dma_wait3A_99] : memref<10002x128xf32, #tpu.memory_space<vmem_shared>> -> memref<10002x128xf32, #tpu.memory_space<vmem_shared>>
    %dma_wait3A_101 = tpu.memref_slice %arg16[%dma_wait3A_94] : memref<3x!tpu.dma_semaphore, #tpu.memory_space<semaphore_mem>> -> memref<1x!tpu.dma_semaphore, #tpu.memory_space<semaphore_mem>>
    %dma_wait3A_102 = tpu.memref_squeeze %dma_wait3A_101 : memref<1x!tpu.dma_semaphore, #tpu.memory_space<semaphore_mem>> -> memref<!tpu.dma_semaphore, #tpu.memory_space<semaphore_mem>>
    tpu.wait_indirect_dma semaphore(%dma_wait3A_102 : memref<!tpu.dma_semaphore, #tpu.memory_space<semaphore_mem>>) src(%arg6 : memref<128x128xf32, #tpu.memory_space<vmem>>) dst(%dma_wait3A_100 : memref<10002x128xf32, #tpu.memory_space<vmem_shared>>)
    %dma_wait3A_103 = arith.constant 0 : i32
    %dma_wait3A_104 = arith.constant 2 : i32
    %dma_wait3A_105 = arith.constant 0 : i32
    %dma_wait3A_106 = tpu.memref_slice %arg11[%dma_wait3A_103, %dma_wait3A_105] : memref<2x128xi32, #tpu.memory_space<vmem>> -> memref<1x128xi32, #tpu.memory_space<vmem>>
    %dma_wait3A_107 = tpu.memref_squeeze %dma_wait3A_106 : memref<1x128xi32, #tpu.memory_space<vmem>> -> memref<128xi32, #tpu.memory_space<vmem>>
    %dma_wait3A_108 = arith.constant 0 : i32
    %dma_wait3A_109 = arith.constant 0 : i32
    %dma_wait3A_110 = tpu.memref_slice %arg2[%dma_wait3A_108, %dma_wait3A_109] : memref<20000x128xf32, #tpu.memory_space<hbm>> -> memref<20000x128xf32, #tpu.memory_space<hbm>>
    %dma_wait3A_111 = tpu.memref_slice %arg15[%dma_wait3A_104] : memref<3x!tpu.dma_semaphore, #tpu.memory_space<semaphore_mem>> -> memref<1x!tpu.dma_semaphore, #tpu.memory_space<semaphore_mem>>
    %dma_wait3A_112 = tpu.memref_squeeze %dma_wait3A_111 : memref<1x!tpu.dma_semaphore, #tpu.memory_space<semaphore_mem>> -> memref<!tpu.dma_semaphore, #tpu.memory_space<semaphore_mem>>
    tpu.wait_indirect_dma semaphore(%dma_wait3A_112 : memref<!tpu.dma_semaphore, #tpu.memory_space<semaphore_mem>>) src(%dma_wait3A_110 : memref<20000x128xf32, #tpu.memory_space<hbm>>) dst(%arg8 : memref<128x128xf32, #tpu.memory_space<vmem>>)
    %dma_start3A_113 = arith.constant 1 : i32
    %dma_start3A_114 = arith.constant 2 : i32
    %dma_start3A_115 = arith.constant 0 : i32
    %dma_start3A_116 = tpu.memref_slice %arg11[%dma_start3A_113, %dma_start3A_115] : memref<2x128xi32, #tpu.memory_space<vmem>> -> memref<1x128xi32, #tpu.memory_space<vmem>>
    %dma_start3A_117 = tpu.memref_squeeze %dma_start3A_116 : memref<1x128xi32, #tpu.memory_space<vmem>> -> memref<128xi32, #tpu.memory_space<vmem>>
    %dma_start3A_118 = arith.constant 0 : i32
    %dma_start3A_119 = arith.constant 0 : i32
    %dma_start3A_120 = tpu.memref_slice %arg5[%dma_start3A_118, %dma_start3A_119] : memref<10002x128xf32, #tpu.memory_space<vmem_shared>> -> memref<10002x128xf32, #tpu.memory_space<vmem_shared>>
    %dma_start3A_121 = tpu.memref_slice %arg16[%dma_start3A_114] : memref<3x!tpu.dma_semaphore, #tpu.memory_space<semaphore_mem>> -> memref<1x!tpu.dma_semaphore, #tpu.memory_space<semaphore_mem>>
    %dma_start3A_122 = tpu.memref_squeeze %dma_start3A_121 : memref<1x!tpu.dma_semaphore, #tpu.memory_space<semaphore_mem>> -> memref<!tpu.dma_semaphore, #tpu.memory_space<semaphore_mem>>
    tpu.enqueue_indirect_dma source(%arg8 : memref<128x128xf32, #tpu.memory_space<vmem>>) target(%dma_start3A_120 : memref<10002x128xf32, #tpu.memory_space<vmem_shared>>) offsets(%dma_start3A_117 : memref<128xi32, #tpu.memory_space<vmem>>) semaphore(%dma_start3A_122 : memref<!tpu.dma_semaphore, #tpu.memory_space<semaphore_mem>>) {add = true}
    %dma_start3A_123 = arith.constant 0 : i32
    %dma_start3A_124 = arith.constant 0 : i32
    %dma_start3A_125 = arith.constant 0 : i32
    %dma_start3A_126 = tpu.memref_slice %arg12[%dma_start3A_123, %dma_start3A_125] : memref<2x128xi32, #tpu.memory_space<vmem>> -> memref<1x128xi32, #tpu.memory_space<vmem>>
    %dma_start3A_127 = tpu.memref_squeeze %dma_start3A_126 : memref<1x128xi32, #tpu.memory_space<vmem>> -> memref<128xi32, #tpu.memory_space<vmem>>
    %dma_start3A_128 = arith.constant 0 : i32
    %dma_start3A_129 = arith.constant 0 : i32
    %dma_start3A_130 = tpu.memref_slice %arg2[%dma_start3A_128, %dma_start3A_129] : memref<20000x128xf32, #tpu.memory_space<hbm>> -> memref<20000x128xf32, #tpu.memory_space<hbm>>
    %dma_start3A_131 = tpu.memref_slice %arg15[%dma_start3A_124] : memref<3x!tpu.dma_semaphore, #tpu.memory_space<semaphore_mem>> -> memref<1x!tpu.dma_semaphore, #tpu.memory_space<semaphore_mem>>
    %dma_start3A_132 = tpu.memref_squeeze %dma_start3A_131 : memref<1x!tpu.dma_semaphore, #tpu.memory_space<semaphore_mem>> -> memref<!tpu.dma_semaphore, #tpu.memory_space<semaphore_mem>>
    tpu.enqueue_indirect_dma source(%dma_start3A_130 : memref<20000x128xf32, #tpu.memory_space<hbm>>) target(%arg6 : memref<128x128xf32, #tpu.memory_space<vmem>>) offsets(%dma_start3A_127 : memref<128xi32, #tpu.memory_space<vmem>>) semaphore(%dma_start3A_132 : memref<!tpu.dma_semaphore, #tpu.memory_space<semaphore_mem>>)
    %add3A_133 = arith.constant 3 : i32
    %add3A_134 = arith.addi %add3A_12, %add3A_133 : i32
    %add3A_135 = arith.constant 1 : i32
    %add3A_136 = arith.addi %add3A_134, %add3A_135 : i32
    "tpu.region"() ({
      %run_scoped3A = tpu.sem_alloc : memref<!tpu.dma_semaphore, #tpu.memory_space<semaphore_mem>>
      %dma_start3A_459 = arith.constant 0 : i32
      %dma_start3A_460 = arith.constant 0 : i32
      %dma_start3A_461 = tpu.memref_slice %arg3[%add3A_136, %dma_start3A_459, %dma_start3A_460] : memref<5120x2x128xi32, #tpu.memory_space<hbm>> -> memref<1x2x128xi32, #tpu.memory_space<hbm>>
      %dma_start3A_462 = tpu.memref_squeeze %dma_start3A_461 : memref<1x2x128xi32, #tpu.memory_space<hbm>> -> memref<2x128xi32, #tpu.memory_space<hbm>>
      %dma_start3A_463 = arith.constant 0 : i32
      %dma_start3A_464 = arith.constant 0 : i32
      %dma_start3A_465 = tpu.memref_slice %arg3[%add3A_136, %dma_start3A_463, %dma_start3A_464] : memref<5120x2x128xi32, #tpu.memory_space<hbm>> -> memref<1x2x128xi32, #tpu.memory_space<hbm>>
      %dma_start3A_466 = tpu.memref_squeeze %dma_start3A_465 : memref<1x2x128xi32, #tpu.memory_space<hbm>> -> memref<2x128xi32, #tpu.memory_space<hbm>>
      tpu.enqueue_dma source(%dma_start3A_466 : memref<2x128xi32, #tpu.memory_space<hbm>>) target(%arg13 : memref<2x128xi32, #tpu.memory_space<vmem>>) target_semaphore(%run_scoped3A : memref<!tpu.dma_semaphore, #tpu.memory_space<semaphore_mem>>)
      %dma_wait3A_467 = arith.constant 0 : i32
      %dma_wait3A_468 = arith.constant 0 : i32
      %dma_wait3A_469 = tpu.memref_slice %arg3[%add3A_136, %dma_wait3A_467, %dma_wait3A_468] : memref<5120x2x128xi32, #tpu.memory_space<hbm>> -> memref<1x2x128xi32, #tpu.memory_space<hbm>>
      %dma_wait3A_470 = tpu.memref_squeeze %dma_wait3A_469 : memref<1x2x128xi32, #tpu.memory_space<hbm>> -> memref<2x128xi32, #tpu.memory_space<hbm>>
      %dma_wait3A_471 = arith.constant 0 : i32
      %dma_wait3A_472 = arith.constant 0 : i32
      %dma_wait3A_473 = tpu.memref_slice %arg3[%add3A_136, %dma_wait3A_471, %dma_wait3A_472] : memref<5120x2x128xi32, #tpu.memory_space<hbm>> -> memref<1x2x128xi32, #tpu.memory_space<hbm>>
      %dma_wait3A_474 = tpu.memref_squeeze %dma_wait3A_473 : memref<1x2x128xi32, #tpu.memory_space<hbm>> -> memref<2x128xi32, #tpu.memory_space<hbm>>
      tpu.wait_dma2 semaphore(%run_scoped3A : memref<!tpu.dma_semaphore, #tpu.memory_space<semaphore_mem>>) src(%dma_wait3A_474 : memref<2x128xi32, #tpu.memory_space<hbm>>) dst(%arg13 : memref<2x128xi32, #tpu.memory_space<vmem>>)
      tpu.yield
    }) : () -> ()
    %dma_wait3A_137 = arith.constant 1 : i32
    %dma_wait3A_138 = arith.constant 1 : i32
    %dma_wait3A_139 = arith.constant 0 : i32
    %dma_wait3A_140 = tpu.memref_slice %arg12[%dma_wait3A_137, %dma_wait3A_139] : memref<2x128xi32, #tpu.memory_space<vmem>> -> memref<1x128xi32, #tpu.memory_space<vmem>>
    %dma_wait3A_141 = tpu.memref_squeeze %dma_wait3A_140 : memref<1x128xi32, #tpu.memory_space<vmem>> -> memref<128xi32, #tpu.memory_space<vmem>>
    %dma_wait3A_142 = arith.constant 0 : i32
    %dma_wait3A_143 = arith.constant 0 : i32
    %dma_wait3A_144 = tpu.memref_slice %arg5[%dma_wait3A_142, %dma_wait3A_143] : memref<10002x128xf32, #tpu.memory_space<vmem_shared>> -> memref<10002x128xf32, #tpu.memory_space<vmem_shared>>
    %dma_wait3A_145 = tpu.memref_slice %arg16[%dma_wait3A_138] : memref<3x!tpu.dma_semaphore, #tpu.memory_space<semaphore_mem>> -> memref<1x!tpu.dma_semaphore, #tpu.memory_space<semaphore_mem>>
    %dma_wait3A_146 = tpu.memref_squeeze %dma_wait3A_145 : memref<1x!tpu.dma_semaphore, #tpu.memory_space<semaphore_mem>> -> memref<!tpu.dma_semaphore, #tpu.memory_space<semaphore_mem>>
    tpu.wait_indirect_dma semaphore(%dma_wait3A_146 : memref<!tpu.dma_semaphore, #tpu.memory_space<semaphore_mem>>) src(%arg7 : memref<128x128xf32, #tpu.memory_space<vmem>>) dst(%dma_wait3A_144 : memref<10002x128xf32, #tpu.memory_space<vmem_shared>>)
    %dma_wait3A_147 = arith.constant 0 : i32
    %dma_wait3A_148 = arith.constant 0 : i32
    %dma_wait3A_149 = arith.constant 0 : i32
    %dma_wait3A_150 = tpu.memref_slice %arg12[%dma_wait3A_147, %dma_wait3A_149] : memref<2x128xi32, #tpu.memory_space<vmem>> -> memref<1x128xi32, #tpu.memory_space<vmem>>
    %dma_wait3A_151 = tpu.memref_squeeze %dma_wait3A_150 : memref<1x128xi32, #tpu.memory_space<vmem>> -> memref<128xi32, #tpu.memory_space<vmem>>
    %dma_wait3A_152 = arith.constant 0 : i32
    %dma_wait3A_153 = arith.constant 0 : i32
    %dma_wait3A_154 = tpu.memref_slice %arg2[%dma_wait3A_152, %dma_wait3A_153] : memref<20000x128xf32, #tpu.memory_space<hbm>> -> memref<20000x128xf32, #tpu.memory_space<hbm>>
    %dma_wait3A_155 = tpu.memref_slice %arg15[%dma_wait3A_148] : memref<3x!tpu.dma_semaphore, #tpu.memory_space<semaphore_mem>> -> memref<1x!tpu.dma_semaphore, #tpu.memory_space<semaphore_mem>>
    %dma_wait3A_156 = tpu.memref_squeeze %dma_wait3A_155 : memref<1x!tpu.dma_semaphore, #tpu.memory_space<semaphore_mem>> -> memref<!tpu.dma_semaphore, #tpu.memory_space<semaphore_mem>>
    tpu.wait_indirect_dma semaphore(%dma_wait3A_156 : memref<!tpu.dma_semaphore, #tpu.memory_space<semaphore_mem>>) src(%dma_wait3A_154 : memref<20000x128xf32, #tpu.memory_space<hbm>>) dst(%arg6 : memref<128x128xf32, #tpu.memory_space<vmem>>)
    %dma_start3A_157 = arith.constant 1 : i32
    %dma_start3A_158 = arith.constant 0 : i32
    %dma_start3A_159 = arith.constant 0 : i32
    %dma_start3A_160 = tpu.memref_slice %arg12[%dma_start3A_157, %dma_start3A_159] : memref<2x128xi32, #tpu.memory_space<vmem>> -> memref<1x128xi32, #tpu.memory_space<vmem>>
    %dma_start3A_161 = tpu.memref_squeeze %dma_start3A_160 : memref<1x128xi32, #tpu.memory_space<vmem>> -> memref<128xi32, #tpu.memory_space<vmem>>
    %dma_start3A_162 = arith.constant 0 : i32
    %dma_start3A_163 = arith.constant 0 : i32
    %dma_start3A_164 = tpu.memref_slice %arg5[%dma_start3A_162, %dma_start3A_163] : memref<10002x128xf32, #tpu.memory_space<vmem_shared>> -> memref<10002x128xf32, #tpu.memory_space<vmem_shared>>
    %dma_start3A_165 = tpu.memref_slice %arg16[%dma_start3A_158] : memref<3x!tpu.dma_semaphore, #tpu.memory_space<semaphore_mem>> -> memref<1x!tpu.dma_semaphore, #tpu.memory_space<semaphore_mem>>
    %dma_start3A_166 = tpu.memref_squeeze %dma_start3A_165 : memref<1x!tpu.dma_semaphore, #tpu.memory_space<semaphore_mem>> -> memref<!tpu.dma_semaphore, #tpu.memory_space<semaphore_mem>>
    tpu.enqueue_indirect_dma source(%arg6 : memref<128x128xf32, #tpu.memory_space<vmem>>) target(%dma_start3A_164 : memref<10002x128xf32, #tpu.memory_space<vmem_shared>>) offsets(%dma_start3A_161 : memref<128xi32, #tpu.memory_space<vmem>>) semaphore(%dma_start3A_166 : memref<!tpu.dma_semaphore, #tpu.memory_space<semaphore_mem>>) {add = true}
    %dma_start3A_167 = arith.constant 0 : i32
    %dma_start3A_168 = arith.constant 1 : i32
    %dma_start3A_169 = arith.constant 0 : i32
    %dma_start3A_170 = tpu.memref_slice %arg13[%dma_start3A_167, %dma_start3A_169] : memref<2x128xi32, #tpu.memory_space<vmem>> -> memref<1x128xi32, #tpu.memory_space<vmem>>
    %dma_start3A_171 = tpu.memref_squeeze %dma_start3A_170 : memref<1x128xi32, #tpu.memory_space<vmem>> -> memref<128xi32, #tpu.memory_space<vmem>>
    %dma_start3A_172 = arith.constant 0 : i32
    %dma_start3A_173 = arith.constant 0 : i32
    %dma_start3A_174 = tpu.memref_slice %arg2[%dma_start3A_172, %dma_start3A_173] : memref<20000x128xf32, #tpu.memory_space<hbm>> -> memref<20000x128xf32, #tpu.memory_space<hbm>>
    %dma_start3A_175 = tpu.memref_slice %arg15[%dma_start3A_168] : memref<3x!tpu.dma_semaphore, #tpu.memory_space<semaphore_mem>> -> memref<1x!tpu.dma_semaphore, #tpu.memory_space<semaphore_mem>>
    %dma_start3A_176 = tpu.memref_squeeze %dma_start3A_175 : memref<1x!tpu.dma_semaphore, #tpu.memory_space<semaphore_mem>> -> memref<!tpu.dma_semaphore, #tpu.memory_space<semaphore_mem>>
    tpu.enqueue_indirect_dma source(%dma_start3A_174 : memref<20000x128xf32, #tpu.memory_space<hbm>>) target(%arg7 : memref<128x128xf32, #tpu.memory_space<vmem>>) offsets(%dma_start3A_171 : memref<128xi32, #tpu.memory_space<vmem>>) semaphore(%dma_start3A_176 : memref<!tpu.dma_semaphore, #tpu.memory_space<semaphore_mem>>)
    %add3A_177 = arith.constant 4 : i32
    %add3A_178 = arith.addi %add3A_12, %add3A_177 : i32
    %add3A_179 = arith.constant 1 : i32
    %add3A_180 = arith.addi %add3A_178, %add3A_179 : i32
    "tpu.region"() ({
      %run_scoped3A = tpu.sem_alloc : memref<!tpu.dma_semaphore, #tpu.memory_space<semaphore_mem>>
      %dma_start3A_459 = arith.constant 0 : i32
      %dma_start3A_460 = arith.constant 0 : i32
      %dma_start3A_461 = tpu.memref_slice %arg3[%add3A_180, %dma_start3A_459, %dma_start3A_460] : memref<5120x2x128xi32, #tpu.memory_space<hbm>> -> memref<1x2x128xi32, #tpu.memory_space<hbm>>
      %dma_start3A_462 = tpu.memref_squeeze %dma_start3A_461 : memref<1x2x128xi32, #tpu.memory_space<hbm>> -> memref<2x128xi32, #tpu.memory_space<hbm>>
      %dma_start3A_463 = arith.constant 0 : i32
      %dma_start3A_464 = arith.constant 0 : i32
      %dma_start3A_465 = tpu.memref_slice %arg3[%add3A_180, %dma_start3A_463, %dma_start3A_464] : memref<5120x2x128xi32, #tpu.memory_space<hbm>> -> memref<1x2x128xi32, #tpu.memory_space<hbm>>
      %dma_start3A_466 = tpu.memref_squeeze %dma_start3A_465 : memref<1x2x128xi32, #tpu.memory_space<hbm>> -> memref<2x128xi32, #tpu.memory_space<hbm>>
      tpu.enqueue_dma source(%dma_start3A_466 : memref<2x128xi32, #tpu.memory_space<hbm>>) target(%arg14 : memref<2x128xi32, #tpu.memory_space<vmem>>) target_semaphore(%run_scoped3A : memref<!tpu.dma_semaphore, #tpu.memory_space<semaphore_mem>>)
      %dma_wait3A_467 = arith.constant 0 : i32
      %dma_wait3A_468 = arith.constant 0 : i32
      %dma_wait3A_469 = tpu.memref_slice %arg3[%add3A_180, %dma_wait3A_467, %dma_wait3A_468] : memref<5120x2x128xi32, #tpu.memory_space<hbm>> -> memref<1x2x128xi32, #tpu.memory_space<hbm>>
      %dma_wait3A_470 = tpu.memref_squeeze %dma_wait3A_469 : memref<1x2x128xi32, #tpu.memory_space<hbm>> -> memref<2x128xi32, #tpu.memory_space<hbm>>
      %dma_wait3A_471 = arith.constant 0 : i32
      %dma_wait3A_472 = arith.constant 0 : i32
      %dma_wait3A_473 = tpu.memref_slice %arg3[%add3A_180, %dma_wait3A_471, %dma_wait3A_472] : memref<5120x2x128xi32, #tpu.memory_space<hbm>> -> memref<1x2x128xi32, #tpu.memory_space<hbm>>
      %dma_wait3A_474 = tpu.memref_squeeze %dma_wait3A_473 : memref<1x2x128xi32, #tpu.memory_space<hbm>> -> memref<2x128xi32, #tpu.memory_space<hbm>>
      tpu.wait_dma2 semaphore(%run_scoped3A : memref<!tpu.dma_semaphore, #tpu.memory_space<semaphore_mem>>) src(%dma_wait3A_474 : memref<2x128xi32, #tpu.memory_space<hbm>>) dst(%arg14 : memref<2x128xi32, #tpu.memory_space<vmem>>)
      tpu.yield
    }) : () -> ()
    %dma_wait3A_181 = arith.constant 1 : i32
    %dma_wait3A_182 = arith.constant 2 : i32
    %dma_wait3A_183 = arith.constant 0 : i32
    %dma_wait3A_184 = tpu.memref_slice %arg13[%dma_wait3A_181, %dma_wait3A_183] : memref<2x128xi32, #tpu.memory_space<vmem>> -> memref<1x128xi32, #tpu.memory_space<vmem>>
    %dma_wait3A_185 = tpu.memref_squeeze %dma_wait3A_184 : memref<1x128xi32, #tpu.memory_space<vmem>> -> memref<128xi32, #tpu.memory_space<vmem>>
    %dma_wait3A_186 = arith.constant 0 : i32
    %dma_wait3A_187 = arith.constant 0 : i32
    %dma_wait3A_188 = tpu.memref_slice %arg5[%dma_wait3A_186, %dma_wait3A_187] : memref<10002x128xf32, #tpu.memory_space<vmem_shared>> -> memref<10002x128xf32, #tpu.memory_space<vmem_shared>>
    %dma_wait3A_189 = tpu.memref_slice %arg16[%dma_wait3A_182] : memref<3x!tpu.dma_semaphore, #tpu.memory_space<semaphore_mem>> -> memref<1x!tpu.dma_semaphore, #tpu.memory_space<semaphore_mem>>
    %dma_wait3A_190 = tpu.memref_squeeze %dma_wait3A_189 : memref<1x!tpu.dma_semaphore, #tpu.memory_space<semaphore_mem>> -> memref<!tpu.dma_semaphore, #tpu.memory_space<semaphore_mem>>
    tpu.wait_indirect_dma semaphore(%dma_wait3A_190 : memref<!tpu.dma_semaphore, #tpu.memory_space<semaphore_mem>>) src(%arg8 : memref<128x128xf32, #tpu.memory_space<vmem>>) dst(%dma_wait3A_188 : memref<10002x128xf32, #tpu.memory_space<vmem_shared>>)
    %dma_wait3A_191 = arith.constant 0 : i32
    %dma_wait3A_192 = arith.constant 1 : i32
    %dma_wait3A_193 = arith.constant 0 : i32
    %dma_wait3A_194 = tpu.memref_slice %arg13[%dma_wait3A_191, %dma_wait3A_193] : memref<2x128xi32, #tpu.memory_space<vmem>> -> memref<1x128xi32, #tpu.memory_space<vmem>>
    %dma_wait3A_195 = tpu.memref_squeeze %dma_wait3A_194 : memref<1x128xi32, #tpu.memory_space<vmem>> -> memref<128xi32, #tpu.memory_space<vmem>>
    %dma_wait3A_196 = arith.constant 0 : i32
    %dma_wait3A_197 = arith.constant 0 : i32
    %dma_wait3A_198 = tpu.memref_slice %arg2[%dma_wait3A_196, %dma_wait3A_197] : memref<20000x128xf32, #tpu.memory_space<hbm>> -> memref<20000x128xf32, #tpu.memory_space<hbm>>
    %dma_wait3A_199 = tpu.memref_slice %arg15[%dma_wait3A_192] : memref<3x!tpu.dma_semaphore, #tpu.memory_space<semaphore_mem>> -> memref<1x!tpu.dma_semaphore, #tpu.memory_space<semaphore_mem>>
    %dma_wait3A_200 = tpu.memref_squeeze %dma_wait3A_199 : memref<1x!tpu.dma_semaphore, #tpu.memory_space<semaphore_mem>> -> memref<!tpu.dma_semaphore, #tpu.memory_space<semaphore_mem>>
    tpu.wait_indirect_dma semaphore(%dma_wait3A_200 : memref<!tpu.dma_semaphore, #tpu.memory_space<semaphore_mem>>) src(%dma_wait3A_198 : memref<20000x128xf32, #tpu.memory_space<hbm>>) dst(%arg7 : memref<128x128xf32, #tpu.memory_space<vmem>>)
    %dma_start3A_201 = arith.constant 1 : i32
    %dma_start3A_202 = arith.constant 1 : i32
    %dma_start3A_203 = arith.constant 0 : i32
    %dma_start3A_204 = tpu.memref_slice %arg13[%dma_start3A_201, %dma_start3A_203] : memref<2x128xi32, #tpu.memory_space<vmem>> -> memref<1x128xi32, #tpu.memory_space<vmem>>
    %dma_start3A_205 = tpu.memref_squeeze %dma_start3A_204 : memref<1x128xi32, #tpu.memory_space<vmem>> -> memref<128xi32, #tpu.memory_space<vmem>>
    %dma_start3A_206 = arith.constant 0 : i32
    %dma_start3A_207 = arith.constant 0 : i32
    %dma_start3A_208 = tpu.memref_slice %arg5[%dma_start3A_206, %dma_start3A_207] : memref<10002x128xf32, #tpu.memory_space<vmem_shared>> -> memref<10002x128xf32, #tpu.memory_space<vmem_shared>>
    %dma_start3A_209 = tpu.memref_slice %arg16[%dma_start3A_202] : memref<3x!tpu.dma_semaphore, #tpu.memory_space<semaphore_mem>> -> memref<1x!tpu.dma_semaphore, #tpu.memory_space<semaphore_mem>>
    %dma_start3A_210 = tpu.memref_squeeze %dma_start3A_209 : memref<1x!tpu.dma_semaphore, #tpu.memory_space<semaphore_mem>> -> memref<!tpu.dma_semaphore, #tpu.memory_space<semaphore_mem>>
    tpu.enqueue_indirect_dma source(%arg7 : memref<128x128xf32, #tpu.memory_space<vmem>>) target(%dma_start3A_208 : memref<10002x128xf32, #tpu.memory_space<vmem_shared>>) offsets(%dma_start3A_205 : memref<128xi32, #tpu.memory_space<vmem>>) semaphore(%dma_start3A_210 : memref<!tpu.dma_semaphore, #tpu.memory_space<semaphore_mem>>) {add = true}
    %dma_start3A_211 = arith.constant 0 : i32
    %dma_start3A_212 = arith.constant 2 : i32
    %dma_start3A_213 = arith.constant 0 : i32
    %dma_start3A_214 = tpu.memref_slice %arg14[%dma_start3A_211, %dma_start3A_213] : memref<2x128xi32, #tpu.memory_space<vmem>> -> memref<1x128xi32, #tpu.memory_space<vmem>>
    %dma_start3A_215 = tpu.memref_squeeze %dma_start3A_214 : memref<1x128xi32, #tpu.memory_space<vmem>> -> memref<128xi32, #tpu.memory_space<vmem>>
    %dma_start3A_216 = arith.constant 0 : i32
    %dma_start3A_217 = arith.constant 0 : i32
    %dma_start3A_218 = tpu.memref_slice %arg2[%dma_start3A_216, %dma_start3A_217] : memref<20000x128xf32, #tpu.memory_space<hbm>> -> memref<20000x128xf32, #tpu.memory_space<hbm>>
    %dma_start3A_219 = tpu.memref_slice %arg15[%dma_start3A_212] : memref<3x!tpu.dma_semaphore, #tpu.memory_space<semaphore_mem>> -> memref<1x!tpu.dma_semaphore, #tpu.memory_space<semaphore_mem>>
    %dma_start3A_220 = tpu.memref_squeeze %dma_start3A_219 : memref<1x!tpu.dma_semaphore, #tpu.memory_space<semaphore_mem>> -> memref<!tpu.dma_semaphore, #tpu.memory_space<semaphore_mem>>
    tpu.enqueue_indirect_dma source(%dma_start3A_218 : memref<20000x128xf32, #tpu.memory_space<hbm>>) target(%arg8 : memref<128x128xf32, #tpu.memory_space<vmem>>) offsets(%dma_start3A_215 : memref<128xi32, #tpu.memory_space<vmem>>) semaphore(%dma_start3A_220 : memref<!tpu.dma_semaphore, #tpu.memory_space<semaphore_mem>>)
    %add3A_221 = arith.constant 5 : i32
    %add3A_222 = arith.addi %add3A_12, %add3A_221 : i32
    %add3A_223 = arith.constant 1 : i32
    %add3A_224 = arith.addi %add3A_222, %add3A_223 : i32
    "tpu.region"() ({
      %run_scoped3A = tpu.sem_alloc : memref<!tpu.dma_semaphore, #tpu.memory_space<semaphore_mem>>
      %dma_start3A_459 = arith.constant 0 : i32
      %dma_start3A_460 = arith.constant 0 : i32
      %dma_start3A_461 = tpu.memref_slice %arg3[%add3A_224, %dma_start3A_459, %dma_start3A_460] : memref<5120x2x128xi32, #tpu.memory_space<hbm>> -> memref<1x2x128xi32, #tpu.memory_space<hbm>>
      %dma_start3A_462 = tpu.memref_squeeze %dma_start3A_461 : memref<1x2x128xi32, #tpu.memory_space<hbm>> -> memref<2x128xi32, #tpu.memory_space<hbm>>
      %dma_start3A_463 = arith.constant 0 : i32
      %dma_start3A_464 = arith.constant 0 : i32
      %dma_start3A_465 = tpu.memref_slice %arg3[%add3A_224, %dma_start3A_463, %dma_start3A_464] : memref<5120x2x128xi32, #tpu.memory_space<hbm>> -> memref<1x2x128xi32, #tpu.memory_space<hbm>>
      %dma_start3A_466 = tpu.memref_squeeze %dma_start3A_465 : memref<1x2x128xi32, #tpu.memory_space<hbm>> -> memref<2x128xi32, #tpu.memory_space<hbm>>
      tpu.enqueue_dma source(%dma_start3A_466 : memref<2x128xi32, #tpu.memory_space<hbm>>) target(%arg9 : memref<2x128xi32, #tpu.memory_space<vmem>>) target_semaphore(%run_scoped3A : memref<!tpu.dma_semaphore, #tpu.memory_space<semaphore_mem>>)
      %dma_wait3A_467 = arith.constant 0 : i32
      %dma_wait3A_468 = arith.constant 0 : i32
      %dma_wait3A_469 = tpu.memref_slice %arg3[%add3A_224, %dma_wait3A_467, %dma_wait3A_468] : memref<5120x2x128xi32, #tpu.memory_space<hbm>> -> memref<1x2x128xi32, #tpu.memory_space<hbm>>
      %dma_wait3A_470 = tpu.memref_squeeze %dma_wait3A_469 : memref<1x2x128xi32, #tpu.memory_space<hbm>> -> memref<2x128xi32, #tpu.memory_space<hbm>>
      %dma_wait3A_471 = arith.constant 0 : i32
      %dma_wait3A_472 = arith.constant 0 : i32
      %dma_wait3A_473 = tpu.memref_slice %arg3[%add3A_224, %dma_wait3A_471, %dma_wait3A_472] : memref<5120x2x128xi32, #tpu.memory_space<hbm>> -> memref<1x2x128xi32, #tpu.memory_space<hbm>>
      %dma_wait3A_474 = tpu.memref_squeeze %dma_wait3A_473 : memref<1x2x128xi32, #tpu.memory_space<hbm>> -> memref<2x128xi32, #tpu.memory_space<hbm>>
      tpu.wait_dma2 semaphore(%run_scoped3A : memref<!tpu.dma_semaphore, #tpu.memory_space<semaphore_mem>>) src(%dma_wait3A_474 : memref<2x128xi32, #tpu.memory_space<hbm>>) dst(%arg9 : memref<2x128xi32, #tpu.memory_space<vmem>>)
      tpu.yield
    }) : () -> ()
    %dma_wait3A_225 = arith.constant 1 : i32
    %dma_wait3A_226 = arith.constant 0 : i32
    %dma_wait3A_227 = arith.constant 0 : i32
    %dma_wait3A_228 = tpu.memref_slice %arg14[%dma_wait3A_225, %dma_wait3A_227] : memref<2x128xi32, #tpu.memory_space<vmem>> -> memref<1x128xi32, #tpu.memory_space<vmem>>
    %dma_wait3A_229 = tpu.memref_squeeze %dma_wait3A_228 : memref<1x128xi32, #tpu.memory_space<vmem>> -> memref<128xi32, #tpu.memory_space<vmem>>
    %dma_wait3A_230 = arith.constant 0 : i32
    %dma_wait3A_231 = arith.constant 0 : i32
    %dma_wait3A_232 = tpu.memref_slice %arg5[%dma_wait3A_230, %dma_wait3A_231] : memref<10002x128xf32, #tpu.memory_space<vmem_shared>> -> memref<10002x128xf32, #tpu.memory_space<vmem_shared>>
    %dma_wait3A_233 = tpu.memref_slice %arg16[%dma_wait3A_226] : memref<3x!tpu.dma_semaphore, #tpu.memory_space<semaphore_mem>> -> memref<1x!tpu.dma_semaphore, #tpu.memory_space<semaphore_mem>>
    %dma_wait3A_234 = tpu.memref_squeeze %dma_wait3A_233 : memref<1x!tpu.dma_semaphore, #tpu.memory_space<semaphore_mem>> -> memref<!tpu.dma_semaphore, #tpu.memory_space<semaphore_mem>>
    tpu.wait_indirect_dma semaphore(%dma_wait3A_234 : memref<!tpu.dma_semaphore, #tpu.memory_space<semaphore_mem>>) src(%arg6 : memref<128x128xf32, #tpu.memory_space<vmem>>) dst(%dma_wait3A_232 : memref<10002x128xf32, #tpu.memory_space<vmem_shared>>)
    %dma_wait3A_235 = arith.constant 0 : i32
    %dma_wait3A_236 = arith.constant 2 : i32
    %dma_wait3A_237 = arith.constant 0 : i32
    %dma_wait3A_238 = tpu.memref_slice %arg14[%dma_wait3A_235, %dma_wait3A_237] : memref<2x128xi32, #tpu.memory_space<vmem>> -> memref<1x128xi32, #tpu.memory_space<vmem>>
    %dma_wait3A_239 = tpu.memref_squeeze %dma_wait3A_238 : memref<1x128xi32, #tpu.memory_space<vmem>> -> memref<128xi32, #tpu.memory_space<vmem>>
    %dma_wait3A_240 = arith.constant 0 : i32
    %dma_wait3A_241 = arith.constant 0 : i32
    %dma_wait3A_242 = tpu.memref_slice %arg2[%dma_wait3A_240, %dma_wait3A_241] : memref<20000x128xf32, #tpu.memory_space<hbm>> -> memref<20000x128xf32, #tpu.memory_space<hbm>>
    %dma_wait3A_243 = tpu.memref_slice %arg15[%dma_wait3A_236] : memref<3x!tpu.dma_semaphore, #tpu.memory_space<semaphore_mem>> -> memref<1x!tpu.dma_semaphore, #tpu.memory_space<semaphore_mem>>
    %dma_wait3A_244 = tpu.memref_squeeze %dma_wait3A_243 : memref<1x!tpu.dma_semaphore, #tpu.memory_space<semaphore_mem>> -> memref<!tpu.dma_semaphore, #tpu.memory_space<semaphore_mem>>
    tpu.wait_indirect_dma semaphore(%dma_wait3A_244 : memref<!tpu.dma_semaphore, #tpu.memory_space<semaphore_mem>>) src(%dma_wait3A_242 : memref<20000x128xf32, #tpu.memory_space<hbm>>) dst(%arg8 : memref<128x128xf32, #tpu.memory_space<vmem>>)
    %dma_start3A_245 = arith.constant 1 : i32
    %dma_start3A_246 = arith.constant 2 : i32
    %dma_start3A_247 = arith.constant 0 : i32
    %dma_start3A_248 = tpu.memref_slice %arg14[%dma_start3A_245, %dma_start3A_247] : memref<2x128xi32, #tpu.memory_space<vmem>> -> memref<1x128xi32, #tpu.memory_space<vmem>>
    %dma_start3A_249 = tpu.memref_squeeze %dma_start3A_248 : memref<1x128xi32, #tpu.memory_space<vmem>> -> memref<128xi32, #tpu.memory_space<vmem>>
    %dma_start3A_250 = arith.constant 0 : i32
    %dma_start3A_251 = arith.constant 0 : i32
    %dma_start3A_252 = tpu.memref_slice %arg5[%dma_start3A_250, %dma_start3A_251] : memref<10002x128xf32, #tpu.memory_space<vmem_shared>> -> memref<10002x128xf32, #tpu.memory_space<vmem_shared>>
    %dma_start3A_253 = tpu.memref_slice %arg16[%dma_start3A_246] : memref<3x!tpu.dma_semaphore, #tpu.memory_space<semaphore_mem>> -> memref<1x!tpu.dma_semaphore, #tpu.memory_space<semaphore_mem>>
    %dma_start3A_254 = tpu.memref_squeeze %dma_start3A_253 : memref<1x!tpu.dma_semaphore, #tpu.memory_space<semaphore_mem>> -> memref<!tpu.dma_semaphore, #tpu.memory_space<semaphore_mem>>
    tpu.enqueue_indirect_dma source(%arg8 : memref<128x128xf32, #tpu.memory_space<vmem>>) target(%dma_start3A_252 : memref<10002x128xf32, #tpu.memory_space<vmem_shared>>) offsets(%dma_start3A_249 : memref<128xi32, #tpu.memory_space<vmem>>) semaphore(%dma_start3A_254 : memref<!tpu.dma_semaphore, #tpu.memory_space<semaphore_mem>>) {add = true}
    %dma_start3A_255 = arith.constant 0 : i32
    %dma_start3A_256 = arith.constant 0 : i32
    %dma_start3A_257 = arith.constant 0 : i32
    %dma_start3A_258 = tpu.memref_slice %arg9[%dma_start3A_255, %dma_start3A_257] : memref<2x128xi32, #tpu.memory_space<vmem>> -> memref<1x128xi32, #tpu.memory_space<vmem>>
    %dma_start3A_259 = tpu.memref_squeeze %dma_start3A_258 : memref<1x128xi32, #tpu.memory_space<vmem>> -> memref<128xi32, #tpu.memory_space<vmem>>
    %dma_start3A_260 = arith.constant 0 : i32
    %dma_start3A_261 = arith.constant 0 : i32
    %dma_start3A_262 = tpu.memref_slice %arg2[%dma_start3A_260, %dma_start3A_261] : memref<20000x128xf32, #tpu.memory_space<hbm>> -> memref<20000x128xf32, #tpu.memory_space<hbm>>
    %dma_start3A_263 = tpu.memref_slice %arg15[%dma_start3A_256] : memref<3x!tpu.dma_semaphore, #tpu.memory_space<semaphore_mem>> -> memref<1x!tpu.dma_semaphore, #tpu.memory_space<semaphore_mem>>
    %dma_start3A_264 = tpu.memref_squeeze %dma_start3A_263 : memref<1x!tpu.dma_semaphore, #tpu.memory_space<semaphore_mem>> -> memref<!tpu.dma_semaphore, #tpu.memory_space<semaphore_mem>>
    tpu.enqueue_indirect_dma source(%dma_start3A_262 : memref<20000x128xf32, #tpu.memory_space<hbm>>) target(%arg6 : memref<128x128xf32, #tpu.memory_space<vmem>>) offsets(%dma_start3A_259 : memref<128xi32, #tpu.memory_space<vmem>>) semaphore(%dma_start3A_264 : memref<!tpu.dma_semaphore, #tpu.memory_space<semaphore_mem>>)
    %scan3A = arith.constant 0 : i32
    %scan3A_265 = arith.constant 1 : i32
    %scan3A_266 = arith.constant 25 : i32
    %scan3A_267 = arith.addi %scan3A_265, %scan3A_266 : i32
    %scan3A_268 = arith.constant 1 : i32
    %scan3A_269 = scf.for %scan3A_459 = %scan3A_265 to %scan3A_267 step %scan3A_268 iter_args(%scan3A_460 = %scan3A) -> (i32)  : i32 {
      %mul3A_461 = arith.constant 6 : i32
      %mul3A_462 = arith.muli %scan3A_459, %mul3A_461 : i32
      %add3A_463 = arith.constant 0 : i32
      %add3A_464 = arith.addi %mul3A_462, %add3A_463 : i32
      %add3A_465 = arith.addi %add3A_12, %add3A_464 : i32
      %add3A_466 = arith.constant 1 : i32
      %add3A_467 = arith.addi %add3A_465, %add3A_466 : i32
      "tpu.region"() ({
        %run_scoped3A = tpu.sem_alloc : memref<!tpu.dma_semaphore, #tpu.memory_space<semaphore_mem>>
        %dma_start3A_734 = arith.constant 0 : i32
        %dma_start3A_735 = arith.constant 0 : i32
        %dma_start3A_736 = tpu.memref_slice %arg3[%add3A_467, %dma_start3A_734, %dma_start3A_735] : memref<5120x2x128xi32, #tpu.memory_space<hbm>> -> memref<1x2x128xi32, #tpu.memory_space<hbm>>
        %dma_start3A_737 = tpu.memref_squeeze %dma_start3A_736 : memref<1x2x128xi32, #tpu.memory_space<hbm>> -> memref<2x128xi32, #tpu.memory_space<hbm>>
        %dma_start3A_738 = arith.constant 0 : i32
        %dma_start3A_739 = arith.constant 0 : i32
        %dma_start3A_740 = tpu.memref_slice %arg3[%add3A_467, %dma_start3A_738, %dma_start3A_739] : memref<5120x2x128xi32, #tpu.memory_space<hbm>> -> memref<1x2x128xi32, #tpu.memory_space<hbm>>
        %dma_start3A_741 = tpu.memref_squeeze %dma_start3A_740 : memref<1x2x128xi32, #tpu.memory_space<hbm>> -> memref<2x128xi32, #tpu.memory_space<hbm>>
        tpu.enqueue_dma source(%dma_start3A_741 : memref<2x128xi32, #tpu.memory_space<hbm>>) target(%arg10 : memref<2x128xi32, #tpu.memory_space<vmem>>) target_semaphore(%run_scoped3A : memref<!tpu.dma_semaphore, #tpu.memory_space<semaphore_mem>>)
        %dma_wait3A_742 = arith.constant 0 : i32
        %dma_wait3A_743 = arith.constant 0 : i32
        %dma_wait3A_744 = tpu.memref_slice %arg3[%add3A_467, %dma_wait3A_742, %dma_wait3A_743] : memref<5120x2x128xi32, #tpu.memory_space<hbm>> -> memref<1x2x128xi32, #tpu.memory_space<hbm>>
        %dma_wait3A_745 = tpu.memref_squeeze %dma_wait3A_744 : memref<1x2x128xi32, #tpu.memory_space<hbm>> -> memref<2x128xi32, #tpu.memory_space<hbm>>
        %dma_wait3A_746 = arith.constant 0 : i32
        %dma_wait3A_747 = arith.constant 0 : i32
        %dma_wait3A_748 = tpu.memref_slice %arg3[%add3A_467, %dma_wait3A_746, %dma_wait3A_747] : memref<5120x2x128xi32, #tpu.memory_space<hbm>> -> memref<1x2x128xi32, #tpu.memory_space<hbm>>
        %dma_wait3A_749 = tpu.memref_squeeze %dma_wait3A_748 : memref<1x2x128xi32, #tpu.memory_space<hbm>> -> memref<2x128xi32, #tpu.memory_space<hbm>>
        tpu.wait_dma2 semaphore(%run_scoped3A : memref<!tpu.dma_semaphore, #tpu.memory_space<semaphore_mem>>) src(%dma_wait3A_749 : memref<2x128xi32, #tpu.memory_space<hbm>>) dst(%arg10 : memref<2x128xi32, #tpu.memory_space<vmem>>)
        tpu.yield
      }) : () -> ()
      %dma_wait3A_468 = arith.constant 1 : i32
      %dma_wait3A_469 = arith.constant 1 : i32
      %dma_wait3A_470 = arith.constant 0 : i32
      %dma_wait3A_471 = tpu.memref_slice %arg9[%dma_wait3A_468, %dma_wait3A_470] : memref<2x128xi32, #tpu.memory_space<vmem>> -> memref<1x128xi32, #tpu.memory_space<vmem>>
      %dma_wait3A_472 = tpu.memref_squeeze %dma_wait3A_471 : memref<1x128xi32, #tpu.memory_space<vmem>> -> memref<128xi32, #tpu.memory_space<vmem>>
      %dma_wait3A_473 = arith.constant 0 : i32
      %dma_wait3A_474 = arith.constant 0 : i32
      %dma_wait3A_475 = tpu.memref_slice %arg5[%dma_wait3A_473, %dma_wait3A_474] : memref<10002x128xf32, #tpu.memory_space<vmem_shared>> -> memref<10002x128xf32, #tpu.memory_space<vmem_shared>>
      %dma_wait3A_476 = tpu.memref_slice %arg16[%dma_wait3A_469] : memref<3x!tpu.dma_semaphore, #tpu.memory_space<semaphore_mem>> -> memref<1x!tpu.dma_semaphore, #tpu.memory_space<semaphore_mem>>
      %dma_wait3A_477 = tpu.memref_squeeze %dma_wait3A_476 : memref<1x!tpu.dma_semaphore, #tpu.memory_space<semaphore_mem>> -> memref<!tpu.dma_semaphore, #tpu.memory_space<semaphore_mem>>
      tpu.wait_indirect_dma semaphore(%dma_wait3A_477 : memref<!tpu.dma_semaphore, #tpu.memory_space<semaphore_mem>>) src(%arg7 : memref<128x128xf32, #tpu.memory_space<vmem>>) dst(%dma_wait3A_475 : memref<10002x128xf32, #tpu.memory_space<vmem_shared>>)
      %dma_wait3A_478 = arith.constant 0 : i32
      %dma_wait3A_479 = arith.constant 0 : i32
      %dma_wait3A_480 = arith.constant 0 : i32
      %dma_wait3A_481 = tpu.memref_slice %arg9[%dma_wait3A_478, %dma_wait3A_480] : memref<2x128xi32, #tpu.memory_space<vmem>> -> memref<1x128xi32, #tpu.memory_space<vmem>>
      %dma_wait3A_482 = tpu.memref_squeeze %dma_wait3A_481 : memref<1x128xi32, #tpu.memory_space<vmem>> -> memref<128xi32, #tpu.memory_space<vmem>>
      %dma_wait3A_483 = arith.constant 0 : i32
      %dma_wait3A_484 = arith.constant 0 : i32
      %dma_wait3A_485 = tpu.memref_slice %arg2[%dma_wait3A_483, %dma_wait3A_484] : memref<20000x128xf32, #tpu.memory_space<hbm>> -> memref<20000x128xf32, #tpu.memory_space<hbm>>
      %dma_wait3A_486 = tpu.memref_slice %arg15[%dma_wait3A_479] : memref<3x!tpu.dma_semaphore, #tpu.memory_space<semaphore_mem>> -> memref<1x!tpu.dma_semaphore, #tpu.memory_space<semaphore_mem>>
      %dma_wait3A_487 = tpu.memref_squeeze %dma_wait3A_486 : memref<1x!tpu.dma_semaphore, #tpu.memory_space<semaphore_mem>> -> memref<!tpu.dma_semaphore, #tpu.memory_space<semaphore_mem>>
      tpu.wait_indirect_dma semaphore(%dma_wait3A_487 : memref<!tpu.dma_semaphore, #tpu.memory_space<semaphore_mem>>) src(%dma_wait3A_485 : memref<20000x128xf32, #tpu.memory_space<hbm>>) dst(%arg6 : memref<128x128xf32, #tpu.memory_space<vmem>>)
      %dma_start3A_488 = arith.constant 1 : i32
      %dma_start3A_489 = arith.constant 0 : i32
      %dma_start3A_490 = arith.constant 0 : i32
      %dma_start3A_491 = tpu.memref_slice %arg9[%dma_start3A_488, %dma_start3A_490] : memref<2x128xi32, #tpu.memory_space<vmem>> -> memref<1x128xi32, #tpu.memory_space<vmem>>
      %dma_start3A_492 = tpu.memref_squeeze %dma_start3A_491 : memref<1x128xi32, #tpu.memory_space<vmem>> -> memref<128xi32, #tpu.memory_space<vmem>>
      %dma_start3A_493 = arith.constant 0 : i32
      %dma_start3A_494 = arith.constant 0 : i32
      %dma_start3A_495 = tpu.memref_slice %arg5[%dma_start3A_493, %dma_start3A_494] : memref<10002x128xf32, #tpu.memory_space<vmem_shared>> -> memref<10002x128xf32, #tpu.memory_space<vmem_shared>>
      %dma_start3A_496 = tpu.memref_slice %arg16[%dma_start3A_489] : memref<3x!tpu.dma_semaphore, #tpu.memory_space<semaphore_mem>> -> memref<1x!tpu.dma_semaphore, #tpu.memory_space<semaphore_mem>>
      %dma_start3A_497 = tpu.memref_squeeze %dma_start3A_496 : memref<1x!tpu.dma_semaphore, #tpu.memory_space<semaphore_mem>> -> memref<!tpu.dma_semaphore, #tpu.memory_space<semaphore_mem>>
      tpu.enqueue_indirect_dma source(%arg6 : memref<128x128xf32, #tpu.memory_space<vmem>>) target(%dma_start3A_495 : memref<10002x128xf32, #tpu.memory_space<vmem_shared>>) offsets(%dma_start3A_492 : memref<128xi32, #tpu.memory_space<vmem>>) semaphore(%dma_start3A_497 : memref<!tpu.dma_semaphore, #tpu.memory_space<semaphore_mem>>) {add = true}
      %dma_start3A_498 = arith.constant 0 : i32
      %dma_start3A_499 = arith.constant 1 : i32
      %dma_start3A_500 = arith.constant 0 : i32
      %dma_start3A_501 = tpu.memref_slice %arg10[%dma_start3A_498, %dma_start3A_500] : memref<2x128xi32, #tpu.memory_space<vmem>> -> memref<1x128xi32, #tpu.memory_space<vmem>>
      %dma_start3A_502 = tpu.memref_squeeze %dma_start3A_501 : memref<1x128xi32, #tpu.memory_space<vmem>> -> memref<128xi32, #tpu.memory_space<vmem>>
      %dma_start3A_503 = arith.constant 0 : i32
      %dma_start3A_504 = arith.constant 0 : i32
      %dma_start3A_505 = tpu.memref_slice %arg2[%dma_start3A_503, %dma_start3A_504] : memref<20000x128xf32, #tpu.memory_space<hbm>> -> memref<20000x128xf32, #tpu.memory_space<hbm>>
      %dma_start3A_506 = tpu.memref_slice %arg15[%dma_start3A_499] : memref<3x!tpu.dma_semaphore, #tpu.memory_space<semaphore_mem>> -> memref<1x!tpu.dma_semaphore, #tpu.memory_space<semaphore_mem>>
      %dma_start3A_507 = tpu.memref_squeeze %dma_start3A_506 : memref<1x!tpu.dma_semaphore, #tpu.memory_space<semaphore_mem>> -> memref<!tpu.dma_semaphore, #tpu.memory_space<semaphore_mem>>
      tpu.enqueue_indirect_dma source(%dma_start3A_505 : memref<20000x128xf32, #tpu.memory_space<hbm>>) target(%arg7 : memref<128x128xf32, #tpu.memory_space<vmem>>) offsets(%dma_start3A_502 : memref<128xi32, #tpu.memory_space<vmem>>) semaphore(%dma_start3A_507 : memref<!tpu.dma_semaphore, #tpu.memory_space<semaphore_mem>>)
      %add3A_508 = arith.constant 1 : i32
      %add3A_509 = arith.addi %mul3A_462, %add3A_508 : i32
      %add3A_510 = arith.addi %add3A_12, %add3A_509 : i32
      %add3A_511 = arith.constant 1 : i32
      %add3A_512 = arith.addi %add3A_510, %add3A_511 : i32
      "tpu.region"() ({
        %run_scoped3A = tpu.sem_alloc : memref<!tpu.dma_semaphore, #tpu.memory_space<semaphore_mem>>
        %dma_start3A_734 = arith.constant 0 : i32
        %dma_start3A_735 = arith.constant 0 : i32
        %dma_start3A_736 = tpu.memref_slice %arg3[%add3A_512, %dma_start3A_734, %dma_start3A_735] : memref<5120x2x128xi32, #tpu.memory_space<hbm>> -> memref<1x2x128xi32, #tpu.memory_space<hbm>>
        %dma_start3A_737 = tpu.memref_squeeze %dma_start3A_736 : memref<1x2x128xi32, #tpu.memory_space<hbm>> -> memref<2x128xi32, #tpu.memory_space<hbm>>
        %dma_start3A_738 = arith.constant 0 : i32
        %dma_start3A_739 = arith.constant 0 : i32
        %dma_start3A_740 = tpu.memref_slice %arg3[%add3A_512, %dma_start3A_738, %dma_start3A_739] : memref<5120x2x128xi32, #tpu.memory_space<hbm>> -> memref<1x2x128xi32, #tpu.memory_space<hbm>>
        %dma_start3A_741 = tpu.memref_squeeze %dma_start3A_740 : memref<1x2x128xi32, #tpu.memory_space<hbm>> -> memref<2x128xi32, #tpu.memory_space<hbm>>
        tpu.enqueue_dma source(%dma_start3A_741 : memref<2x128xi32, #tpu.memory_space<hbm>>) target(%arg11 : memref<2x128xi32, #tpu.memory_space<vmem>>) target_semaphore(%run_scoped3A : memref<!tpu.dma_semaphore, #tpu.memory_space<semaphore_mem>>)
        %dma_wait3A_742 = arith.constant 0 : i32
        %dma_wait3A_743 = arith.constant 0 : i32
        %dma_wait3A_744 = tpu.memref_slice %arg3[%add3A_512, %dma_wait3A_742, %dma_wait3A_743] : memref<5120x2x128xi32, #tpu.memory_space<hbm>> -> memref<1x2x128xi32, #tpu.memory_space<hbm>>
        %dma_wait3A_745 = tpu.memref_squeeze %dma_wait3A_744 : memref<1x2x128xi32, #tpu.memory_space<hbm>> -> memref<2x128xi32, #tpu.memory_space<hbm>>
        %dma_wait3A_746 = arith.constant 0 : i32
        %dma_wait3A_747 = arith.constant 0 : i32
        %dma_wait3A_748 = tpu.memref_slice %arg3[%add3A_512, %dma_wait3A_746, %dma_wait3A_747] : memref<5120x2x128xi32, #tpu.memory_space<hbm>> -> memref<1x2x128xi32, #tpu.memory_space<hbm>>
        %dma_wait3A_749 = tpu.memref_squeeze %dma_wait3A_748 : memref<1x2x128xi32, #tpu.memory_space<hbm>> -> memref<2x128xi32, #tpu.memory_space<hbm>>
        tpu.wait_dma2 semaphore(%run_scoped3A : memref<!tpu.dma_semaphore, #tpu.memory_space<semaphore_mem>>) src(%dma_wait3A_749 : memref<2x128xi32, #tpu.memory_space<hbm>>) dst(%arg11 : memref<2x128xi32, #tpu.memory_space<vmem>>)
        tpu.yield
      }) : () -> ()
      %dma_wait3A_513 = arith.constant 1 : i32
      %dma_wait3A_514 = arith.constant 2 : i32
      %dma_wait3A_515 = arith.constant 0 : i32
      %dma_wait3A_516 = tpu.memref_slice %arg10[%dma_wait3A_513, %dma_wait3A_515] : memref<2x128xi32, #tpu.memory_space<vmem>> -> memref<1x128xi32, #tpu.memory_space<vmem>>
      %dma_wait3A_517 = tpu.memref_squeeze %dma_wait3A_516 : memref<1x128xi32, #tpu.memory_space<vmem>> -> memref<128xi32, #tpu.memory_space<vmem>>
      %dma_wait3A_518 = arith.constant 0 : i32
      %dma_wait3A_519 = arith.constant 0 : i32
      %dma_wait3A_520 = tpu.memref_slice %arg5[%dma_wait3A_518, %dma_wait3A_519] : memref<10002x128xf32, #tpu.memory_space<vmem_shared>> -> memref<10002x128xf32, #tpu.memory_space<vmem_shared>>
      %dma_wait3A_521 = tpu.memref_slice %arg16[%dma_wait3A_514] : memref<3x!tpu.dma_semaphore, #tpu.memory_space<semaphore_mem>> -> memref<1x!tpu.dma_semaphore, #tpu.memory_space<semaphore_mem>>
      %dma_wait3A_522 = tpu.memref_squeeze %dma_wait3A_521 : memref<1x!tpu.dma_semaphore, #tpu.memory_space<semaphore_mem>> -> memref<!tpu.dma_semaphore, #tpu.memory_space<semaphore_mem>>
      tpu.wait_indirect_dma semaphore(%dma_wait3A_522 : memref<!tpu.dma_semaphore, #tpu.memory_space<semaphore_mem>>) src(%arg8 : memref<128x128xf32, #tpu.memory_space<vmem>>) dst(%dma_wait3A_520 : memref<10002x128xf32, #tpu.memory_space<vmem_shared>>)
      %dma_wait3A_523 = arith.constant 0 : i32
      %dma_wait3A_524 = arith.constant 1 : i32
      %dma_wait3A_525 = arith.constant 0 : i32
      %dma_wait3A_526 = tpu.memref_slice %arg10[%dma_wait3A_523, %dma_wait3A_525] : memref<2x128xi32, #tpu.memory_space<vmem>> -> memref<1x128xi32, #tpu.memory_space<vmem>>
      %dma_wait3A_527 = tpu.memref_squeeze %dma_wait3A_526 : memref<1x128xi32, #tpu.memory_space<vmem>> -> memref<128xi32, #tpu.memory_space<vmem>>
      %dma_wait3A_528 = arith.constant 0 : i32
      %dma_wait3A_529 = arith.constant 0 : i32
      %dma_wait3A_530 = tpu.memref_slice %arg2[%dma_wait3A_528, %dma_wait3A_529] : memref<20000x128xf32, #tpu.memory_space<hbm>> -> memref<20000x128xf32, #tpu.memory_space<hbm>>
      %dma_wait3A_531 = tpu.memref_slice %arg15[%dma_wait3A_524] : memref<3x!tpu.dma_semaphore, #tpu.memory_space<semaphore_mem>> -> memref<1x!tpu.dma_semaphore, #tpu.memory_space<semaphore_mem>>
      %dma_wait3A_532 = tpu.memref_squeeze %dma_wait3A_531 : memref<1x!tpu.dma_semaphore, #tpu.memory_space<semaphore_mem>> -> memref<!tpu.dma_semaphore, #tpu.memory_space<semaphore_mem>>
      tpu.wait_indirect_dma semaphore(%dma_wait3A_532 : memref<!tpu.dma_semaphore, #tpu.memory_space<semaphore_mem>>) src(%dma_wait3A_530 : memref<20000x128xf32, #tpu.memory_space<hbm>>) dst(%arg7 : memref<128x128xf32, #tpu.memory_space<vmem>>)
      %dma_start3A_533 = arith.constant 1 : i32
      %dma_start3A_534 = arith.constant 1 : i32
      %dma_start3A_535 = arith.constant 0 : i32
      %dma_start3A_536 = tpu.memref_slice %arg10[%dma_start3A_533, %dma_start3A_535] : memref<2x128xi32, #tpu.memory_space<vmem>> -> memref<1x128xi32, #tpu.memory_space<vmem>>
      %dma_start3A_537 = tpu.memref_squeeze %dma_start3A_536 : memref<1x128xi32, #tpu.memory_space<vmem>> -> memref<128xi32, #tpu.memory_space<vmem>>
      %dma_start3A_538 = arith.constant 0 : i32
      %dma_start3A_539 = arith.constant 0 : i32
      %dma_start3A_540 = tpu.memref_slice %arg5[%dma_start3A_538, %dma_start3A_539] : memref<10002x128xf32, #tpu.memory_space<vmem_shared>> -> memref<10002x128xf32, #tpu.memory_space<vmem_shared>>
      %dma_start3A_541 = tpu.memref_slice %arg16[%dma_start3A_534] : memref<3x!tpu.dma_semaphore, #tpu.memory_space<semaphore_mem>> -> memref<1x!tpu.dma_semaphore, #tpu.memory_space<semaphore_mem>>
      %dma_start3A_542 = tpu.memref_squeeze %dma_start3A_541 : memref<1x!tpu.dma_semaphore, #tpu.memory_space<semaphore_mem>> -> memref<!tpu.dma_semaphore, #tpu.memory_space<semaphore_mem>>
      tpu.enqueue_indirect_dma source(%arg7 : memref<128x128xf32, #tpu.memory_space<vmem>>) target(%dma_start3A_540 : memref<10002x128xf32, #tpu.memory_space<vmem_shared>>) offsets(%dma_start3A_537 : memref<128xi32, #tpu.memory_space<vmem>>) semaphore(%dma_start3A_542 : memref<!tpu.dma_semaphore, #tpu.memory_space<semaphore_mem>>) {add = true}
      %dma_start3A_543 = arith.constant 0 : i32
      %dma_start3A_544 = arith.constant 2 : i32
      %dma_start3A_545 = arith.constant 0 : i32
      %dma_start3A_546 = tpu.memref_slice %arg11[%dma_start3A_543, %dma_start3A_545] : memref<2x128xi32, #tpu.memory_space<vmem>> -> memref<1x128xi32, #tpu.memory_space<vmem>>
      %dma_start3A_547 = tpu.memref_squeeze %dma_start3A_546 : memref<1x128xi32, #tpu.memory_space<vmem>> -> memref<128xi32, #tpu.memory_space<vmem>>
      %dma_start3A_548 = arith.constant 0 : i32
      %dma_start3A_549 = arith.constant 0 : i32
      %dma_start3A_550 = tpu.memref_slice %arg2[%dma_start3A_548, %dma_start3A_549] : memref<20000x128xf32, #tpu.memory_space<hbm>> -> memref<20000x128xf32, #tpu.memory_space<hbm>>
      %dma_start3A_551 = tpu.memref_slice %arg15[%dma_start3A_544] : memref<3x!tpu.dma_semaphore, #tpu.memory_space<semaphore_mem>> -> memref<1x!tpu.dma_semaphore, #tpu.memory_space<semaphore_mem>>
      %dma_start3A_552 = tpu.memref_squeeze %dma_start3A_551 : memref<1x!tpu.dma_semaphore, #tpu.memory_space<semaphore_mem>> -> memref<!tpu.dma_semaphore, #tpu.memory_space<semaphore_mem>>
      tpu.enqueue_indirect_dma source(%dma_start3A_550 : memref<20000x128xf32, #tpu.memory_space<hbm>>) target(%arg8 : memref<128x128xf32, #tpu.memory_space<vmem>>) offsets(%dma_start3A_547 : memref<128xi32, #tpu.memory_space<vmem>>) semaphore(%dma_start3A_552 : memref<!tpu.dma_semaphore, #tpu.memory_space<semaphore_mem>>)
      %add3A_553 = arith.constant 2 : i32
      %add3A_554 = arith.addi %mul3A_462, %add3A_553 : i32
      %add3A_555 = arith.addi %add3A_12, %add3A_554 : i32
      %add3A_556 = arith.constant 1 : i32
      %add3A_557 = arith.addi %add3A_555, %add3A_556 : i32
      "tpu.region"() ({
        %run_scoped3A = tpu.sem_alloc : memref<!tpu.dma_semaphore, #tpu.memory_space<semaphore_mem>>
        %dma_start3A_734 = arith.constant 0 : i32
        %dma_start3A_735 = arith.constant 0 : i32
        %dma_start3A_736 = tpu.memref_slice %arg3[%add3A_557, %dma_start3A_734, %dma_start3A_735] : memref<5120x2x128xi32, #tpu.memory_space<hbm>> -> memref<1x2x128xi32, #tpu.memory_space<hbm>>
        %dma_start3A_737 = tpu.memref_squeeze %dma_start3A_736 : memref<1x2x128xi32, #tpu.memory_space<hbm>> -> memref<2x128xi32, #tpu.memory_space<hbm>>
        %dma_start3A_738 = arith.constant 0 : i32
        %dma_start3A_739 = arith.constant 0 : i32
        %dma_start3A_740 = tpu.memref_slice %arg3[%add3A_557, %dma_start3A_738, %dma_start3A_739] : memref<5120x2x128xi32, #tpu.memory_space<hbm>> -> memref<1x2x128xi32, #tpu.memory_space<hbm>>
        %dma_start3A_741 = tpu.memref_squeeze %dma_start3A_740 : memref<1x2x128xi32, #tpu.memory_space<hbm>> -> memref<2x128xi32, #tpu.memory_space<hbm>>
        tpu.enqueue_dma source(%dma_start3A_741 : memref<2x128xi32, #tpu.memory_space<hbm>>) target(%arg12 : memref<2x128xi32, #tpu.memory_space<vmem>>) target_semaphore(%run_scoped3A : memref<!tpu.dma_semaphore, #tpu.memory_space<semaphore_mem>>)
        %dma_wait3A_742 = arith.constant 0 : i32
        %dma_wait3A_743 = arith.constant 0 : i32
        %dma_wait3A_744 = tpu.memref_slice %arg3[%add3A_557, %dma_wait3A_742, %dma_wait3A_743] : memref<5120x2x128xi32, #tpu.memory_space<hbm>> -> memref<1x2x128xi32, #tpu.memory_space<hbm>>
        %dma_wait3A_745 = tpu.memref_squeeze %dma_wait3A_744 : memref<1x2x128xi32, #tpu.memory_space<hbm>> -> memref<2x128xi32, #tpu.memory_space<hbm>>
        %dma_wait3A_746 = arith.constant 0 : i32
        %dma_wait3A_747 = arith.constant 0 : i32
        %dma_wait3A_748 = tpu.memref_slice %arg3[%add3A_557, %dma_wait3A_746, %dma_wait3A_747] : memref<5120x2x128xi32, #tpu.memory_space<hbm>> -> memref<1x2x128xi32, #tpu.memory_space<hbm>>
        %dma_wait3A_749 = tpu.memref_squeeze %dma_wait3A_748 : memref<1x2x128xi32, #tpu.memory_space<hbm>> -> memref<2x128xi32, #tpu.memory_space<hbm>>
        tpu.wait_dma2 semaphore(%run_scoped3A : memref<!tpu.dma_semaphore, #tpu.memory_space<semaphore_mem>>) src(%dma_wait3A_749 : memref<2x128xi32, #tpu.memory_space<hbm>>) dst(%arg12 : memref<2x128xi32, #tpu.memory_space<vmem>>)
        tpu.yield
      }) : () -> ()
      %dma_wait3A_558 = arith.constant 1 : i32
      %dma_wait3A_559 = arith.constant 0 : i32
      %dma_wait3A_560 = arith.constant 0 : i32
      %dma_wait3A_561 = tpu.memref_slice %arg11[%dma_wait3A_558, %dma_wait3A_560] : memref<2x128xi32, #tpu.memory_space<vmem>> -> memref<1x128xi32, #tpu.memory_space<vmem>>
      %dma_wait3A_562 = tpu.memref_squeeze %dma_wait3A_561 : memref<1x128xi32, #tpu.memory_space<vmem>> -> memref<128xi32, #tpu.memory_space<vmem>>
      %dma_wait3A_563 = arith.constant 0 : i32
      %dma_wait3A_564 = arith.constant 0 : i32
      %dma_wait3A_565 = tpu.memref_slice %arg5[%dma_wait3A_563, %dma_wait3A_564] : memref<10002x128xf32, #tpu.memory_space<vmem_shared>> -> memref<10002x128xf32, #tpu.memory_space<vmem_shared>>
      %dma_wait3A_566 = tpu.memref_slice %arg16[%dma_wait3A_559] : memref<3x!tpu.dma_semaphore, #tpu.memory_space<semaphore_mem>> -> memref<1x!tpu.dma_semaphore, #tpu.memory_space<semaphore_mem>>
      %dma_wait3A_567 = tpu.memref_squeeze %dma_wait3A_566 : memref<1x!tpu.dma_semaphore, #tpu.memory_space<semaphore_mem>> -> memref<!tpu.dma_semaphore, #tpu.memory_space<semaphore_mem>>
      tpu.wait_indirect_dma semaphore(%dma_wait3A_567 : memref<!tpu.dma_semaphore, #tpu.memory_space<semaphore_mem>>) src(%arg6 : memref<128x128xf32, #tpu.memory_space<vmem>>) dst(%dma_wait3A_565 : memref<10002x128xf32, #tpu.memory_space<vmem_shared>>)
      %dma_wait3A_568 = arith.constant 0 : i32
      %dma_wait3A_569 = arith.constant 2 : i32
      %dma_wait3A_570 = arith.constant 0 : i32
      %dma_wait3A_571 = tpu.memref_slice %arg11[%dma_wait3A_568, %dma_wait3A_570] : memref<2x128xi32, #tpu.memory_space<vmem>> -> memref<1x128xi32, #tpu.memory_space<vmem>>
      %dma_wait3A_572 = tpu.memref_squeeze %dma_wait3A_571 : memref<1x128xi32, #tpu.memory_space<vmem>> -> memref<128xi32, #tpu.memory_space<vmem>>
      %dma_wait3A_573 = arith.constant 0 : i32
      %dma_wait3A_574 = arith.constant 0 : i32
      %dma_wait3A_575 = tpu.memref_slice %arg2[%dma_wait3A_573, %dma_wait3A_574] : memref<20000x128xf32, #tpu.memory_space<hbm>> -> memref<20000x128xf32, #tpu.memory_space<hbm>>
      %dma_wait3A_576 = tpu.memref_slice %arg15[%dma_wait3A_569] : memref<3x!tpu.dma_semaphore, #tpu.memory_space<semaphore_mem>> -> memref<1x!tpu.dma_semaphore, #tpu.memory_space<semaphore_mem>>
      %dma_wait3A_577 = tpu.memref_squeeze %dma_wait3A_576 : memref<1x!tpu.dma_semaphore, #tpu.memory_space<semaphore_mem>> -> memref<!tpu.dma_semaphore, #tpu.memory_space<semaphore_mem>>
      tpu.wait_indirect_dma semaphore(%dma_wait3A_577 : memref<!tpu.dma_semaphore, #tpu.memory_space<semaphore_mem>>) src(%dma_wait3A_575 : memref<20000x128xf32, #tpu.memory_space<hbm>>) dst(%arg8 : memref<128x128xf32, #tpu.memory_space<vmem>>)
      %dma_start3A_578 = arith.constant 1 : i32
      %dma_start3A_579 = arith.constant 2 : i32
      %dma_start3A_580 = arith.constant 0 : i32
      %dma_start3A_581 = tpu.memref_slice %arg11[%dma_start3A_578, %dma_start3A_580] : memref<2x128xi32, #tpu.memory_space<vmem>> -> memref<1x128xi32, #tpu.memory_space<vmem>>
      %dma_start3A_582 = tpu.memref_squeeze %dma_start3A_581 : memref<1x128xi32, #tpu.memory_space<vmem>> -> memref<128xi32, #tpu.memory_space<vmem>>
      %dma_start3A_583 = arith.constant 0 : i32
      %dma_start3A_584 = arith.constant 0 : i32
      %dma_start3A_585 = tpu.memref_slice %arg5[%dma_start3A_583, %dma_start3A_584] : memref<10002x128xf32, #tpu.memory_space<vmem_shared>> -> memref<10002x128xf32, #tpu.memory_space<vmem_shared>>
      %dma_start3A_586 = tpu.memref_slice %arg16[%dma_start3A_579] : memref<3x!tpu.dma_semaphore, #tpu.memory_space<semaphore_mem>> -> memref<1x!tpu.dma_semaphore, #tpu.memory_space<semaphore_mem>>
      %dma_start3A_587 = tpu.memref_squeeze %dma_start3A_586 : memref<1x!tpu.dma_semaphore, #tpu.memory_space<semaphore_mem>> -> memref<!tpu.dma_semaphore, #tpu.memory_space<semaphore_mem>>
      tpu.enqueue_indirect_dma source(%arg8 : memref<128x128xf32, #tpu.memory_space<vmem>>) target(%dma_start3A_585 : memref<10002x128xf32, #tpu.memory_space<vmem_shared>>) offsets(%dma_start3A_582 : memref<128xi32, #tpu.memory_space<vmem>>) semaphore(%dma_start3A_587 : memref<!tpu.dma_semaphore, #tpu.memory_space<semaphore_mem>>) {add = true}
      %dma_start3A_588 = arith.constant 0 : i32
      %dma_start3A_589 = arith.constant 0 : i32
      %dma_start3A_590 = arith.constant 0 : i32
      %dma_start3A_591 = tpu.memref_slice %arg12[%dma_start3A_588, %dma_start3A_590] : memref<2x128xi32, #tpu.memory_space<vmem>> -> memref<1x128xi32, #tpu.memory_space<vmem>>
      %dma_start3A_592 = tpu.memref_squeeze %dma_start3A_591 : memref<1x128xi32, #tpu.memory_space<vmem>> -> memref<128xi32, #tpu.memory_space<vmem>>
      %dma_start3A_593 = arith.constant 0 : i32
      %dma_start3A_594 = arith.constant 0 : i32
      %dma_start3A_595 = tpu.memref_slice %arg2[%dma_start3A_593, %dma_start3A_594] : memref<20000x128xf32, #tpu.memory_space<hbm>> -> memref<20000x128xf32, #tpu.memory_space<hbm>>
      %dma_start3A_596 = tpu.memref_slice %arg15[%dma_start3A_589] : memref<3x!tpu.dma_semaphore, #tpu.memory_space<semaphore_mem>> -> memref<1x!tpu.dma_semaphore, #tpu.memory_space<semaphore_mem>>
      %dma_start3A_597 = tpu.memref_squeeze %dma_start3A_596 : memref<1x!tpu.dma_semaphore, #tpu.memory_space<semaphore_mem>> -> memref<!tpu.dma_semaphore, #tpu.memory_space<semaphore_mem>>
      tpu.enqueue_indirect_dma source(%dma_start3A_595 : memref<20000x128xf32, #tpu.memory_space<hbm>>) target(%arg6 : memref<128x128xf32, #tpu.memory_space<vmem>>) offsets(%dma_start3A_592 : memref<128xi32, #tpu.memory_space<vmem>>) semaphore(%dma_start3A_597 : memref<!tpu.dma_semaphore, #tpu.memory_space<semaphore_mem>>)
      %add3A_598 = arith.constant 3 : i32
      %add3A_599 = arith.addi %mul3A_462, %add3A_598 : i32
      %add3A_600 = arith.addi %add3A_12, %add3A_599 : i32
      %add3A_601 = arith.constant 1 : i32
      %add3A_602 = arith.addi %add3A_600, %add3A_601 : i32
      "tpu.region"() ({
        %run_scoped3A = tpu.sem_alloc : memref<!tpu.dma_semaphore, #tpu.memory_space<semaphore_mem>>
        %dma_start3A_734 = arith.constant 0 : i32
        %dma_start3A_735 = arith.constant 0 : i32
        %dma_start3A_736 = tpu.memref_slice %arg3[%add3A_602, %dma_start3A_734, %dma_start3A_735] : memref<5120x2x128xi32, #tpu.memory_space<hbm>> -> memref<1x2x128xi32, #tpu.memory_space<hbm>>
        %dma_start3A_737 = tpu.memref_squeeze %dma_start3A_736 : memref<1x2x128xi32, #tpu.memory_space<hbm>> -> memref<2x128xi32, #tpu.memory_space<hbm>>
        %dma_start3A_738 = arith.constant 0 : i32
        %dma_start3A_739 = arith.constant 0 : i32
        %dma_start3A_740 = tpu.memref_slice %arg3[%add3A_602, %dma_start3A_738, %dma_start3A_739] : memref<5120x2x128xi32, #tpu.memory_space<hbm>> -> memref<1x2x128xi32, #tpu.memory_space<hbm>>
        %dma_start3A_741 = tpu.memref_squeeze %dma_start3A_740 : memref<1x2x128xi32, #tpu.memory_space<hbm>> -> memref<2x128xi32, #tpu.memory_space<hbm>>
        tpu.enqueue_dma source(%dma_start3A_741 : memref<2x128xi32, #tpu.memory_space<hbm>>) target(%arg13 : memref<2x128xi32, #tpu.memory_space<vmem>>) target_semaphore(%run_scoped3A : memref<!tpu.dma_semaphore, #tpu.memory_space<semaphore_mem>>)
        %dma_wait3A_742 = arith.constant 0 : i32
        %dma_wait3A_743 = arith.constant 0 : i32
        %dma_wait3A_744 = tpu.memref_slice %arg3[%add3A_602, %dma_wait3A_742, %dma_wait3A_743] : memref<5120x2x128xi32, #tpu.memory_space<hbm>> -> memref<1x2x128xi32, #tpu.memory_space<hbm>>
        %dma_wait3A_745 = tpu.memref_squeeze %dma_wait3A_744 : memref<1x2x128xi32, #tpu.memory_space<hbm>> -> memref<2x128xi32, #tpu.memory_space<hbm>>
        %dma_wait3A_746 = arith.constant 0 : i32
        %dma_wait3A_747 = arith.constant 0 : i32
        %dma_wait3A_748 = tpu.memref_slice %arg3[%add3A_602, %dma_wait3A_746, %dma_wait3A_747] : memref<5120x2x128xi32, #tpu.memory_space<hbm>> -> memref<1x2x128xi32, #tpu.memory_space<hbm>>
        %dma_wait3A_749 = tpu.memref_squeeze %dma_wait3A_748 : memref<1x2x128xi32, #tpu.memory_space<hbm>> -> memref<2x128xi32, #tpu.memory_space<hbm>>
        tpu.wait_dma2 semaphore(%run_scoped3A : memref<!tpu.dma_semaphore, #tpu.memory_space<semaphore_mem>>) src(%dma_wait3A_749 : memref<2x128xi32, #tpu.memory_space<hbm>>) dst(%arg13 : memref<2x128xi32, #tpu.memory_space<vmem>>)
        tpu.yield
      }) : () -> ()
      %dma_wait3A_603 = arith.constant 1 : i32
      %dma_wait3A_604 = arith.constant 1 : i32
      %dma_wait3A_605 = arith.constant 0 : i32
      %dma_wait3A_606 = tpu.memref_slice %arg12[%dma_wait3A_603, %dma_wait3A_605] : memref<2x128xi32, #tpu.memory_space<vmem>> -> memref<1x128xi32, #tpu.memory_space<vmem>>
      %dma_wait3A_607 = tpu.memref_squeeze %dma_wait3A_606 : memref<1x128xi32, #tpu.memory_space<vmem>> -> memref<128xi32, #tpu.memory_space<vmem>>
      %dma_wait3A_608 = arith.constant 0 : i32
      %dma_wait3A_609 = arith.constant 0 : i32
      %dma_wait3A_610 = tpu.memref_slice %arg5[%dma_wait3A_608, %dma_wait3A_609] : memref<10002x128xf32, #tpu.memory_space<vmem_shared>> -> memref<10002x128xf32, #tpu.memory_space<vmem_shared>>
      %dma_wait3A_611 = tpu.memref_slice %arg16[%dma_wait3A_604] : memref<3x!tpu.dma_semaphore, #tpu.memory_space<semaphore_mem>> -> memref<1x!tpu.dma_semaphore, #tpu.memory_space<semaphore_mem>>
      %dma_wait3A_612 = tpu.memref_squeeze %dma_wait3A_611 : memref<1x!tpu.dma_semaphore, #tpu.memory_space<semaphore_mem>> -> memref<!tpu.dma_semaphore, #tpu.memory_space<semaphore_mem>>
      tpu.wait_indirect_dma semaphore(%dma_wait3A_612 : memref<!tpu.dma_semaphore, #tpu.memory_space<semaphore_mem>>) src(%arg7 : memref<128x128xf32, #tpu.memory_space<vmem>>) dst(%dma_wait3A_610 : memref<10002x128xf32, #tpu.memory_space<vmem_shared>>)
      %dma_wait3A_613 = arith.constant 0 : i32
      %dma_wait3A_614 = arith.constant 0 : i32
      %dma_wait3A_615 = arith.constant 0 : i32
      %dma_wait3A_616 = tpu.memref_slice %arg12[%dma_wait3A_613, %dma_wait3A_615] : memref<2x128xi32, #tpu.memory_space<vmem>> -> memref<1x128xi32, #tpu.memory_space<vmem>>
      %dma_wait3A_617 = tpu.memref_squeeze %dma_wait3A_616 : memref<1x128xi32, #tpu.memory_space<vmem>> -> memref<128xi32, #tpu.memory_space<vmem>>
      %dma_wait3A_618 = arith.constant 0 : i32
      %dma_wait3A_619 = arith.constant 0 : i32
      %dma_wait3A_620 = tpu.memref_slice %arg2[%dma_wait3A_618, %dma_wait3A_619] : memref<20000x128xf32, #tpu.memory_space<hbm>> -> memref<20000x128xf32, #tpu.memory_space<hbm>>
      %dma_wait3A_621 = tpu.memref_slice %arg15[%dma_wait3A_614] : memref<3x!tpu.dma_semaphore, #tpu.memory_space<semaphore_mem>> -> memref<1x!tpu.dma_semaphore, #tpu.memory_space<semaphore_mem>>
      %dma_wait3A_622 = tpu.memref_squeeze %dma_wait3A_621 : memref<1x!tpu.dma_semaphore, #tpu.memory_space<semaphore_mem>> -> memref<!tpu.dma_semaphore, #tpu.memory_space<semaphore_mem>>
      tpu.wait_indirect_dma semaphore(%dma_wait3A_622 : memref<!tpu.dma_semaphore, #tpu.memory_space<semaphore_mem>>) src(%dma_wait3A_620 : memref<20000x128xf32, #tpu.memory_space<hbm>>) dst(%arg6 : memref<128x128xf32, #tpu.memory_space<vmem>>)
      %dma_start3A_623 = arith.constant 1 : i32
      %dma_start3A_624 = arith.constant 0 : i32
      %dma_start3A_625 = arith.constant 0 : i32
      %dma_start3A_626 = tpu.memref_slice %arg12[%dma_start3A_623, %dma_start3A_625] : memref<2x128xi32, #tpu.memory_space<vmem>> -> memref<1x128xi32, #tpu.memory_space<vmem>>
      %dma_start3A_627 = tpu.memref_squeeze %dma_start3A_626 : memref<1x128xi32, #tpu.memory_space<vmem>> -> memref<128xi32, #tpu.memory_space<vmem>>
      %dma_start3A_628 = arith.constant 0 : i32
      %dma_start3A_629 = arith.constant 0 : i32
      %dma_start3A_630 = tpu.memref_slice %arg5[%dma_start3A_628, %dma_start3A_629] : memref<10002x128xf32, #tpu.memory_space<vmem_shared>> -> memref<10002x128xf32, #tpu.memory_space<vmem_shared>>
      %dma_start3A_631 = tpu.memref_slice %arg16[%dma_start3A_624] : memref<3x!tpu.dma_semaphore, #tpu.memory_space<semaphore_mem>> -> memref<1x!tpu.dma_semaphore, #tpu.memory_space<semaphore_mem>>
      %dma_start3A_632 = tpu.memref_squeeze %dma_start3A_631 : memref<1x!tpu.dma_semaphore, #tpu.memory_space<semaphore_mem>> -> memref<!tpu.dma_semaphore, #tpu.memory_space<semaphore_mem>>
      tpu.enqueue_indirect_dma source(%arg6 : memref<128x128xf32, #tpu.memory_space<vmem>>) target(%dma_start3A_630 : memref<10002x128xf32, #tpu.memory_space<vmem_shared>>) offsets(%dma_start3A_627 : memref<128xi32, #tpu.memory_space<vmem>>) semaphore(%dma_start3A_632 : memref<!tpu.dma_semaphore, #tpu.memory_space<semaphore_mem>>) {add = true}
      %dma_start3A_633 = arith.constant 0 : i32
      %dma_start3A_634 = arith.constant 1 : i32
      %dma_start3A_635 = arith.constant 0 : i32
      %dma_start3A_636 = tpu.memref_slice %arg13[%dma_start3A_633, %dma_start3A_635] : memref<2x128xi32, #tpu.memory_space<vmem>> -> memref<1x128xi32, #tpu.memory_space<vmem>>
      %dma_start3A_637 = tpu.memref_squeeze %dma_start3A_636 : memref<1x128xi32, #tpu.memory_space<vmem>> -> memref<128xi32, #tpu.memory_space<vmem>>
      %dma_start3A_638 = arith.constant 0 : i32
      %dma_start3A_639 = arith.constant 0 : i32
      %dma_start3A_640 = tpu.memref_slice %arg2[%dma_start3A_638, %dma_start3A_639] : memref<20000x128xf32, #tpu.memory_space<hbm>> -> memref<20000x128xf32, #tpu.memory_space<hbm>>
      %dma_start3A_641 = tpu.memref_slice %arg15[%dma_start3A_634] : memref<3x!tpu.dma_semaphore, #tpu.memory_space<semaphore_mem>> -> memref<1x!tpu.dma_semaphore, #tpu.memory_space<semaphore_mem>>
      %dma_start3A_642 = tpu.memref_squeeze %dma_start3A_641 : memref<1x!tpu.dma_semaphore, #tpu.memory_space<semaphore_mem>> -> memref<!tpu.dma_semaphore, #tpu.memory_space<semaphore_mem>>
      tpu.enqueue_indirect_dma source(%dma_start3A_640 : memref<20000x128xf32, #tpu.memory_space<hbm>>) target(%arg7 : memref<128x128xf32, #tpu.memory_space<vmem>>) offsets(%dma_start3A_637 : memref<128xi32, #tpu.memory_space<vmem>>) semaphore(%dma_start3A_642 : memref<!tpu.dma_semaphore, #tpu.memory_space<semaphore_mem>>)
      %add3A_643 = arith.constant 4 : i32
      %add3A_644 = arith.addi %mul3A_462, %add3A_643 : i32
      %add3A_645 = arith.addi %add3A_12, %add3A_644 : i32
      %add3A_646 = arith.constant 1 : i32
      %add3A_647 = arith.addi %add3A_645, %add3A_646 : i32
      "tpu.region"() ({
        %run_scoped3A = tpu.sem_alloc : memref<!tpu.dma_semaphore, #tpu.memory_space<semaphore_mem>>
        %dma_start3A_734 = arith.constant 0 : i32
        %dma_start3A_735 = arith.constant 0 : i32
        %dma_start3A_736 = tpu.memref_slice %arg3[%add3A_647, %dma_start3A_734, %dma_start3A_735] : memref<5120x2x128xi32, #tpu.memory_space<hbm>> -> memref<1x2x128xi32, #tpu.memory_space<hbm>>
        %dma_start3A_737 = tpu.memref_squeeze %dma_start3A_736 : memref<1x2x128xi32, #tpu.memory_space<hbm>> -> memref<2x128xi32, #tpu.memory_space<hbm>>
        %dma_start3A_738 = arith.constant 0 : i32
        %dma_start3A_739 = arith.constant 0 : i32
        %dma_start3A_740 = tpu.memref_slice %arg3[%add3A_647, %dma_start3A_738, %dma_start3A_739] : memref<5120x2x128xi32, #tpu.memory_space<hbm>> -> memref<1x2x128xi32, #tpu.memory_space<hbm>>
        %dma_start3A_741 = tpu.memref_squeeze %dma_start3A_740 : memref<1x2x128xi32, #tpu.memory_space<hbm>> -> memref<2x128xi32, #tpu.memory_space<hbm>>
        tpu.enqueue_dma source(%dma_start3A_741 : memref<2x128xi32, #tpu.memory_space<hbm>>) target(%arg14 : memref<2x128xi32, #tpu.memory_space<vmem>>) target_semaphore(%run_scoped3A : memref<!tpu.dma_semaphore, #tpu.memory_space<semaphore_mem>>)
        %dma_wait3A_742 = arith.constant 0 : i32
        %dma_wait3A_743 = arith.constant 0 : i32
        %dma_wait3A_744 = tpu.memref_slice %arg3[%add3A_647, %dma_wait3A_742, %dma_wait3A_743] : memref<5120x2x128xi32, #tpu.memory_space<hbm>> -> memref<1x2x128xi32, #tpu.memory_space<hbm>>
        %dma_wait3A_745 = tpu.memref_squeeze %dma_wait3A_744 : memref<1x2x128xi32, #tpu.memory_space<hbm>> -> memref<2x128xi32, #tpu.memory_space<hbm>>
        %dma_wait3A_746 = arith.constant 0 : i32
        %dma_wait3A_747 = arith.constant 0 : i32
        %dma_wait3A_748 = tpu.memref_slice %arg3[%add3A_647, %dma_wait3A_746, %dma_wait3A_747] : memref<5120x2x128xi32, #tpu.memory_space<hbm>> -> memref<1x2x128xi32, #tpu.memory_space<hbm>>
        %dma_wait3A_749 = tpu.memref_squeeze %dma_wait3A_748 : memref<1x2x128xi32, #tpu.memory_space<hbm>> -> memref<2x128xi32, #tpu.memory_space<hbm>>
        tpu.wait_dma2 semaphore(%run_scoped3A : memref<!tpu.dma_semaphore, #tpu.memory_space<semaphore_mem>>) src(%dma_wait3A_749 : memref<2x128xi32, #tpu.memory_space<hbm>>) dst(%arg14 : memref<2x128xi32, #tpu.memory_space<vmem>>)
        tpu.yield
      }) : () -> ()
      %dma_wait3A_648 = arith.constant 1 : i32
      %dma_wait3A_649 = arith.constant 2 : i32
      %dma_wait3A_650 = arith.constant 0 : i32
      %dma_wait3A_651 = tpu.memref_slice %arg13[%dma_wait3A_648, %dma_wait3A_650] : memref<2x128xi32, #tpu.memory_space<vmem>> -> memref<1x128xi32, #tpu.memory_space<vmem>>
      %dma_wait3A_652 = tpu.memref_squeeze %dma_wait3A_651 : memref<1x128xi32, #tpu.memory_space<vmem>> -> memref<128xi32, #tpu.memory_space<vmem>>
      %dma_wait3A_653 = arith.constant 0 : i32
      %dma_wait3A_654 = arith.constant 0 : i32
      %dma_wait3A_655 = tpu.memref_slice %arg5[%dma_wait3A_653, %dma_wait3A_654] : memref<10002x128xf32, #tpu.memory_space<vmem_shared>> -> memref<10002x128xf32, #tpu.memory_space<vmem_shared>>
      %dma_wait3A_656 = tpu.memref_slice %arg16[%dma_wait3A_649] : memref<3x!tpu.dma_semaphore, #tpu.memory_space<semaphore_mem>> -> memref<1x!tpu.dma_semaphore, #tpu.memory_space<semaphore_mem>>
      %dma_wait3A_657 = tpu.memref_squeeze %dma_wait3A_656 : memref<1x!tpu.dma_semaphore, #tpu.memory_space<semaphore_mem>> -> memref<!tpu.dma_semaphore, #tpu.memory_space<semaphore_mem>>
      tpu.wait_indirect_dma semaphore(%dma_wait3A_657 : memref<!tpu.dma_semaphore, #tpu.memory_space<semaphore_mem>>) src(%arg8 : memref<128x128xf32, #tpu.memory_space<vmem>>) dst(%dma_wait3A_655 : memref<10002x128xf32, #tpu.memory_space<vmem_shared>>)
      %dma_wait3A_658 = arith.constant 0 : i32
      %dma_wait3A_659 = arith.constant 1 : i32
      %dma_wait3A_660 = arith.constant 0 : i32
      %dma_wait3A_661 = tpu.memref_slice %arg13[%dma_wait3A_658, %dma_wait3A_660] : memref<2x128xi32, #tpu.memory_space<vmem>> -> memref<1x128xi32, #tpu.memory_space<vmem>>
      %dma_wait3A_662 = tpu.memref_squeeze %dma_wait3A_661 : memref<1x128xi32, #tpu.memory_space<vmem>> -> memref<128xi32, #tpu.memory_space<vmem>>
      %dma_wait3A_663 = arith.constant 0 : i32
      %dma_wait3A_664 = arith.constant 0 : i32
      %dma_wait3A_665 = tpu.memref_slice %arg2[%dma_wait3A_663, %dma_wait3A_664] : memref<20000x128xf32, #tpu.memory_space<hbm>> -> memref<20000x128xf32, #tpu.memory_space<hbm>>
      %dma_wait3A_666 = tpu.memref_slice %arg15[%dma_wait3A_659] : memref<3x!tpu.dma_semaphore, #tpu.memory_space<semaphore_mem>> -> memref<1x!tpu.dma_semaphore, #tpu.memory_space<semaphore_mem>>
      %dma_wait3A_667 = tpu.memref_squeeze %dma_wait3A_666 : memref<1x!tpu.dma_semaphore, #tpu.memory_space<semaphore_mem>> -> memref<!tpu.dma_semaphore, #tpu.memory_space<semaphore_mem>>
      tpu.wait_indirect_dma semaphore(%dma_wait3A_667 : memref<!tpu.dma_semaphore, #tpu.memory_space<semaphore_mem>>) src(%dma_wait3A_665 : memref<20000x128xf32, #tpu.memory_space<hbm>>) dst(%arg7 : memref<128x128xf32, #tpu.memory_space<vmem>>)
      %dma_start3A_668 = arith.constant 1 : i32
      %dma_start3A_669 = arith.constant 1 : i32
      %dma_start3A_670 = arith.constant 0 : i32
      %dma_start3A_671 = tpu.memref_slice %arg13[%dma_start3A_668, %dma_start3A_670] : memref<2x128xi32, #tpu.memory_space<vmem>> -> memref<1x128xi32, #tpu.memory_space<vmem>>
      %dma_start3A_672 = tpu.memref_squeeze %dma_start3A_671 : memref<1x128xi32, #tpu.memory_space<vmem>> -> memref<128xi32, #tpu.memory_space<vmem>>
      %dma_start3A_673 = arith.constant 0 : i32
      %dma_start3A_674 = arith.constant 0 : i32
      %dma_start3A_675 = tpu.memref_slice %arg5[%dma_start3A_673, %dma_start3A_674] : memref<10002x128xf32, #tpu.memory_space<vmem_shared>> -> memref<10002x128xf32, #tpu.memory_space<vmem_shared>>
      %dma_start3A_676 = tpu.memref_slice %arg16[%dma_start3A_669] : memref<3x!tpu.dma_semaphore, #tpu.memory_space<semaphore_mem>> -> memref<1x!tpu.dma_semaphore, #tpu.memory_space<semaphore_mem>>
      %dma_start3A_677 = tpu.memref_squeeze %dma_start3A_676 : memref<1x!tpu.dma_semaphore, #tpu.memory_space<semaphore_mem>> -> memref<!tpu.dma_semaphore, #tpu.memory_space<semaphore_mem>>
      tpu.enqueue_indirect_dma source(%arg7 : memref<128x128xf32, #tpu.memory_space<vmem>>) target(%dma_start3A_675 : memref<10002x128xf32, #tpu.memory_space<vmem_shared>>) offsets(%dma_start3A_672 : memref<128xi32, #tpu.memory_space<vmem>>) semaphore(%dma_start3A_677 : memref<!tpu.dma_semaphore, #tpu.memory_space<semaphore_mem>>) {add = true}
      %dma_start3A_678 = arith.constant 0 : i32
      %dma_start3A_679 = arith.constant 2 : i32
      %dma_start3A_680 = arith.constant 0 : i32
      %dma_start3A_681 = tpu.memref_slice %arg14[%dma_start3A_678, %dma_start3A_680] : memref<2x128xi32, #tpu.memory_space<vmem>> -> memref<1x128xi32, #tpu.memory_space<vmem>>
      %dma_start3A_682 = tpu.memref_squeeze %dma_start3A_681 : memref<1x128xi32, #tpu.memory_space<vmem>> -> memref<128xi32, #tpu.memory_space<vmem>>
      %dma_start3A_683 = arith.constant 0 : i32
      %dma_start3A_684 = arith.constant 0 : i32
      %dma_start3A_685 = tpu.memref_slice %arg2[%dma_start3A_683, %dma_start3A_684] : memref<20000x128xf32, #tpu.memory_space<hbm>> -> memref<20000x128xf32, #tpu.memory_space<hbm>>
      %dma_start3A_686 = tpu.memref_slice %arg15[%dma_start3A_679] : memref<3x!tpu.dma_semaphore, #tpu.memory_space<semaphore_mem>> -> memref<1x!tpu.dma_semaphore, #tpu.memory_space<semaphore_mem>>
      %dma_start3A_687 = tpu.memref_squeeze %dma_start3A_686 : memref<1x!tpu.dma_semaphore, #tpu.memory_space<semaphore_mem>> -> memref<!tpu.dma_semaphore, #tpu.memory_space<semaphore_mem>>
      tpu.enqueue_indirect_dma source(%dma_start3A_685 : memref<20000x128xf32, #tpu.memory_space<hbm>>) target(%arg8 : memref<128x128xf32, #tpu.memory_space<vmem>>) offsets(%dma_start3A_682 : memref<128xi32, #tpu.memory_space<vmem>>) semaphore(%dma_start3A_687 : memref<!tpu.dma_semaphore, #tpu.memory_space<semaphore_mem>>)
      %add3A_688 = arith.constant 5 : i32
      %add3A_689 = arith.addi %mul3A_462, %add3A_688 : i32
      %add3A_690 = arith.addi %add3A_12, %add3A_689 : i32
      %add3A_691 = arith.constant 1 : i32
      %add3A_692 = arith.addi %add3A_690, %add3A_691 : i32
      "tpu.region"() ({
        %run_scoped3A = tpu.sem_alloc : memref<!tpu.dma_semaphore, #tpu.memory_space<semaphore_mem>>
        %dma_start3A_734 = arith.constant 0 : i32
        %dma_start3A_735 = arith.constant 0 : i32
        %dma_start3A_736 = tpu.memref_slice %arg3[%add3A_692, %dma_start3A_734, %dma_start3A_735] : memref<5120x2x128xi32, #tpu.memory_space<hbm>> -> memref<1x2x128xi32, #tpu.memory_space<hbm>>
        %dma_start3A_737 = tpu.memref_squeeze %dma_start3A_736 : memref<1x2x128xi32, #tpu.memory_space<hbm>> -> memref<2x128xi32, #tpu.memory_space<hbm>>
        %dma_start3A_738 = arith.constant 0 : i32
        %dma_start3A_739 = arith.constant 0 : i32
        %dma_start3A_740 = tpu.memref_slice %arg3[%add3A_692, %dma_start3A_738, %dma_start3A_739] : memref<5120x2x128xi32, #tpu.memory_space<hbm>> -> memref<1x2x128xi32, #tpu.memory_space<hbm>>
        %dma_start3A_741 = tpu.memref_squeeze %dma_start3A_740 : memref<1x2x128xi32, #tpu.memory_space<hbm>> -> memref<2x128xi32, #tpu.memory_space<hbm>>
        tpu.enqueue_dma source(%dma_start3A_741 : memref<2x128xi32, #tpu.memory_space<hbm>>) target(%arg9 : memref<2x128xi32, #tpu.memory_space<vmem>>) target_semaphore(%run_scoped3A : memref<!tpu.dma_semaphore, #tpu.memory_space<semaphore_mem>>)
        %dma_wait3A_742 = arith.constant 0 : i32
        %dma_wait3A_743 = arith.constant 0 : i32
        %dma_wait3A_744 = tpu.memref_slice %arg3[%add3A_692, %dma_wait3A_742, %dma_wait3A_743] : memref<5120x2x128xi32, #tpu.memory_space<hbm>> -> memref<1x2x128xi32, #tpu.memory_space<hbm>>
        %dma_wait3A_745 = tpu.memref_squeeze %dma_wait3A_744 : memref<1x2x128xi32, #tpu.memory_space<hbm>> -> memref<2x128xi32, #tpu.memory_space<hbm>>
        %dma_wait3A_746 = arith.constant 0 : i32
        %dma_wait3A_747 = arith.constant 0 : i32
        %dma_wait3A_748 = tpu.memref_slice %arg3[%add3A_692, %dma_wait3A_746, %dma_wait3A_747] : memref<5120x2x128xi32, #tpu.memory_space<hbm>> -> memref<1x2x128xi32, #tpu.memory_space<hbm>>
        %dma_wait3A_749 = tpu.memref_squeeze %dma_wait3A_748 : memref<1x2x128xi32, #tpu.memory_space<hbm>> -> memref<2x128xi32, #tpu.memory_space<hbm>>
        tpu.wait_dma2 semaphore(%run_scoped3A : memref<!tpu.dma_semaphore, #tpu.memory_space<semaphore_mem>>) src(%dma_wait3A_749 : memref<2x128xi32, #tpu.memory_space<hbm>>) dst(%arg9 : memref<2x128xi32, #tpu.memory_space<vmem>>)
        tpu.yield
      }) : () -> ()
      %dma_wait3A_693 = arith.constant 1 : i32
      %dma_wait3A_694 = arith.constant 0 : i32
      %dma_wait3A_695 = arith.constant 0 : i32
      %dma_wait3A_696 = tpu.memref_slice %arg14[%dma_wait3A_693, %dma_wait3A_695] : memref<2x128xi32, #tpu.memory_space<vmem>> -> memref<1x128xi32, #tpu.memory_space<vmem>>
      %dma_wait3A_697 = tpu.memref_squeeze %dma_wait3A_696 : memref<1x128xi32, #tpu.memory_space<vmem>> -> memref<128xi32, #tpu.memory_space<vmem>>
      %dma_wait3A_698 = arith.constant 0 : i32
      %dma_wait3A_699 = arith.constant 0 : i32
      %dma_wait3A_700 = tpu.memref_slice %arg5[%dma_wait3A_698, %dma_wait3A_699] : memref<10002x128xf32, #tpu.memory_space<vmem_shared>> -> memref<10002x128xf32, #tpu.memory_space<vmem_shared>>
      %dma_wait3A_701 = tpu.memref_slice %arg16[%dma_wait3A_694] : memref<3x!tpu.dma_semaphore, #tpu.memory_space<semaphore_mem>> -> memref<1x!tpu.dma_semaphore, #tpu.memory_space<semaphore_mem>>
      %dma_wait3A_702 = tpu.memref_squeeze %dma_wait3A_701 : memref<1x!tpu.dma_semaphore, #tpu.memory_space<semaphore_mem>> -> memref<!tpu.dma_semaphore, #tpu.memory_space<semaphore_mem>>
      tpu.wait_indirect_dma semaphore(%dma_wait3A_702 : memref<!tpu.dma_semaphore, #tpu.memory_space<semaphore_mem>>) src(%arg6 : memref<128x128xf32, #tpu.memory_space<vmem>>) dst(%dma_wait3A_700 : memref<10002x128xf32, #tpu.memory_space<vmem_shared>>)
      %dma_wait3A_703 = arith.constant 0 : i32
      %dma_wait3A_704 = arith.constant 2 : i32
      %dma_wait3A_705 = arith.constant 0 : i32
      %dma_wait3A_706 = tpu.memref_slice %arg14[%dma_wait3A_703, %dma_wait3A_705] : memref<2x128xi32, #tpu.memory_space<vmem>> -> memref<1x128xi32, #tpu.memory_space<vmem>>
      %dma_wait3A_707 = tpu.memref_squeeze %dma_wait3A_706 : memref<1x128xi32, #tpu.memory_space<vmem>> -> memref<128xi32, #tpu.memory_space<vmem>>
      %dma_wait3A_708 = arith.constant 0 : i32
      %dma_wait3A_709 = arith.constant 0 : i32
      %dma_wait3A_710 = tpu.memref_slice %arg2[%dma_wait3A_708, %dma_wait3A_709] : memref<20000x128xf32, #tpu.memory_space<hbm>> -> memref<20000x128xf32, #tpu.memory_space<hbm>>
      %dma_wait3A_711 = tpu.memref_slice %arg15[%dma_wait3A_704] : memref<3x!tpu.dma_semaphore, #tpu.memory_space<semaphore_mem>> -> memref<1x!tpu.dma_semaphore, #tpu.memory_space<semaphore_mem>>
      %dma_wait3A_712 = tpu.memref_squeeze %dma_wait3A_711 : memref<1x!tpu.dma_semaphore, #tpu.memory_space<semaphore_mem>> -> memref<!tpu.dma_semaphore, #tpu.memory_space<semaphore_mem>>
      tpu.wait_indirect_dma semaphore(%dma_wait3A_712 : memref<!tpu.dma_semaphore, #tpu.memory_space<semaphore_mem>>) src(%dma_wait3A_710 : memref<20000x128xf32, #tpu.memory_space<hbm>>) dst(%arg8 : memref<128x128xf32, #tpu.memory_space<vmem>>)
      %dma_start3A_713 = arith.constant 1 : i32
      %dma_start3A_714 = arith.constant 2 : i32
      %dma_start3A_715 = arith.constant 0 : i32
      %dma_start3A_716 = tpu.memref_slice %arg14[%dma_start3A_713, %dma_start3A_715] : memref<2x128xi32, #tpu.memory_space<vmem>> -> memref<1x128xi32, #tpu.memory_space<vmem>>
      %dma_start3A_717 = tpu.memref_squeeze %dma_start3A_716 : memref<1x128xi32, #tpu.memory_space<vmem>> -> memref<128xi32, #tpu.memory_space<vmem>>
      %dma_start3A_718 = arith.constant 0 : i32
      %dma_start3A_719 = arith.constant 0 : i32
      %dma_start3A_720 = tpu.memref_slice %arg5[%dma_start3A_718, %dma_start3A_719] : memref<10002x128xf32, #tpu.memory_space<vmem_shared>> -> memref<10002x128xf32, #tpu.memory_space<vmem_shared>>
      %dma_start3A_721 = tpu.memref_slice %arg16[%dma_start3A_714] : memref<3x!tpu.dma_semaphore, #tpu.memory_space<semaphore_mem>> -> memref<1x!tpu.dma_semaphore, #tpu.memory_space<semaphore_mem>>
      %dma_start3A_722 = tpu.memref_squeeze %dma_start3A_721 : memref<1x!tpu.dma_semaphore, #tpu.memory_space<semaphore_mem>> -> memref<!tpu.dma_semaphore, #tpu.memory_space<semaphore_mem>>
      tpu.enqueue_indirect_dma source(%arg8 : memref<128x128xf32, #tpu.memory_space<vmem>>) target(%dma_start3A_720 : memref<10002x128xf32, #tpu.memory_space<vmem_shared>>) offsets(%dma_start3A_717 : memref<128xi32, #tpu.memory_space<vmem>>) semaphore(%dma_start3A_722 : memref<!tpu.dma_semaphore, #tpu.memory_space<semaphore_mem>>) {add = true}
      %dma_start3A_723 = arith.constant 0 : i32
      %dma_start3A_724 = arith.constant 0 : i32
      %dma_start3A_725 = arith.constant 0 : i32
      %dma_start3A_726 = tpu.memref_slice %arg9[%dma_start3A_723, %dma_start3A_725] : memref<2x128xi32, #tpu.memory_space<vmem>> -> memref<1x128xi32, #tpu.memory_space<vmem>>
      %dma_start3A_727 = tpu.memref_squeeze %dma_start3A_726 : memref<1x128xi32, #tpu.memory_space<vmem>> -> memref<128xi32, #tpu.memory_space<vmem>>
      %dma_start3A_728 = arith.constant 0 : i32
      %dma_start3A_729 = arith.constant 0 : i32
      %dma_start3A_730 = tpu.memref_slice %arg2[%dma_start3A_728, %dma_start3A_729] : memref<20000x128xf32, #tpu.memory_space<hbm>> -> memref<20000x128xf32, #tpu.memory_space<hbm>>
      %dma_start3A_731 = tpu.memref_slice %arg15[%dma_start3A_724] : memref<3x!tpu.dma_semaphore, #tpu.memory_space<semaphore_mem>> -> memref<1x!tpu.dma_semaphore, #tpu.memory_space<semaphore_mem>>
      %dma_start3A_732 = tpu.memref_squeeze %dma_start3A_731 : memref<1x!tpu.dma_semaphore, #tpu.memory_space<semaphore_mem>> -> memref<!tpu.dma_semaphore, #tpu.memory_space<semaphore_mem>>
      tpu.enqueue_indirect_dma source(%dma_start3A_730 : memref<20000x128xf32, #tpu.memory_space<hbm>>) target(%arg6 : memref<128x128xf32, #tpu.memory_space<vmem>>) offsets(%dma_start3A_727 : memref<128xi32, #tpu.memory_space<vmem>>) semaphore(%dma_start3A_732 : memref<!tpu.dma_semaphore, #tpu.memory_space<semaphore_mem>>)
      %scan3A_733 = arith.constant 0 : i32
      scf.yield %scan3A_733 : i32
    }
    %scan3A_270 = arith.constant 25 : i32
    %add3A_271 = arith.constant 156 : i32
    %add3A_272 = arith.addi %add3A_12, %add3A_271 : i32
    %add3A_273 = arith.constant 1 : i32
    %add3A_274 = arith.addi %add3A_272, %add3A_273 : i32
    "tpu.region"() ({
      %run_scoped3A = tpu.sem_alloc : memref<!tpu.dma_semaphore, #tpu.memory_space<semaphore_mem>>
      %dma_start3A_459 = arith.constant 0 : i32
      %dma_start3A_460 = arith.constant 0 : i32
      %dma_start3A_461 = tpu.memref_slice %arg3[%add3A_274, %dma_start3A_459, %dma_start3A_460] : memref<5120x2x128xi32, #tpu.memory_space<hbm>> -> memref<1x2x128xi32, #tpu.memory_space<hbm>>
      %dma_start3A_462 = tpu.memref_squeeze %dma_start3A_461 : memref<1x2x128xi32, #tpu.memory_space<hbm>> -> memref<2x128xi32, #tpu.memory_space<hbm>>
      %dma_start3A_463 = arith.constant 0 : i32
      %dma_start3A_464 = arith.constant 0 : i32
      %dma_start3A_465 = tpu.memref_slice %arg3[%add3A_274, %dma_start3A_463, %dma_start3A_464] : memref<5120x2x128xi32, #tpu.memory_space<hbm>> -> memref<1x2x128xi32, #tpu.memory_space<hbm>>
      %dma_start3A_466 = tpu.memref_squeeze %dma_start3A_465 : memref<1x2x128xi32, #tpu.memory_space<hbm>> -> memref<2x128xi32, #tpu.memory_space<hbm>>
      tpu.enqueue_dma source(%dma_start3A_466 : memref<2x128xi32, #tpu.memory_space<hbm>>) target(%arg10 : memref<2x128xi32, #tpu.memory_space<vmem>>) target_semaphore(%run_scoped3A : memref<!tpu.dma_semaphore, #tpu.memory_space<semaphore_mem>>)
      %dma_wait3A_467 = arith.constant 0 : i32
      %dma_wait3A_468 = arith.constant 0 : i32
      %dma_wait3A_469 = tpu.memref_slice %arg3[%add3A_274, %dma_wait3A_467, %dma_wait3A_468] : memref<5120x2x128xi32, #tpu.memory_space<hbm>> -> memref<1x2x128xi32, #tpu.memory_space<hbm>>
      %dma_wait3A_470 = tpu.memref_squeeze %dma_wait3A_469 : memref<1x2x128xi32, #tpu.memory_space<hbm>> -> memref<2x128xi32, #tpu.memory_space<hbm>>
      %dma_wait3A_471 = arith.constant 0 : i32
      %dma_wait3A_472 = arith.constant 0 : i32
      %dma_wait3A_473 = tpu.memref_slice %arg3[%add3A_274, %dma_wait3A_471, %dma_wait3A_472] : memref<5120x2x128xi32, #tpu.memory_space<hbm>> -> memref<1x2x128xi32, #tpu.memory_space<hbm>>
      %dma_wait3A_474 = tpu.memref_squeeze %dma_wait3A_473 : memref<1x2x128xi32, #tpu.memory_space<hbm>> -> memref<2x128xi32, #tpu.memory_space<hbm>>
      tpu.wait_dma2 semaphore(%run_scoped3A : memref<!tpu.dma_semaphore, #tpu.memory_space<semaphore_mem>>) src(%dma_wait3A_474 : memref<2x128xi32, #tpu.memory_space<hbm>>) dst(%arg10 : memref<2x128xi32, #tpu.memory_space<vmem>>)
      tpu.yield
    }) : () -> ()
    %dma_wait3A_275 = arith.constant 1 : i32
    %dma_wait3A_276 = arith.constant 1 : i32
    %dma_wait3A_277 = arith.constant 0 : i32
    %dma_wait3A_278 = tpu.memref_slice %arg9[%dma_wait3A_275, %dma_wait3A_277] : memref<2x128xi32, #tpu.memory_space<vmem>> -> memref<1x128xi32, #tpu.memory_space<vmem>>
    %dma_wait3A_279 = tpu.memref_squeeze %dma_wait3A_278 : memref<1x128xi32, #tpu.memory_space<vmem>> -> memref<128xi32, #tpu.memory_space<vmem>>
    %dma_wait3A_280 = arith.constant 0 : i32
    %dma_wait3A_281 = arith.constant 0 : i32
    %dma_wait3A_282 = tpu.memref_slice %arg5[%dma_wait3A_280, %dma_wait3A_281] : memref<10002x128xf32, #tpu.memory_space<vmem_shared>> -> memref<10002x128xf32, #tpu.memory_space<vmem_shared>>
    %dma_wait3A_283 = tpu.memref_slice %arg16[%dma_wait3A_276] : memref<3x!tpu.dma_semaphore, #tpu.memory_space<semaphore_mem>> -> memref<1x!tpu.dma_semaphore, #tpu.memory_space<semaphore_mem>>
    %dma_wait3A_284 = tpu.memref_squeeze %dma_wait3A_283 : memref<1x!tpu.dma_semaphore, #tpu.memory_space<semaphore_mem>> -> memref<!tpu.dma_semaphore, #tpu.memory_space<semaphore_mem>>
    tpu.wait_indirect_dma semaphore(%dma_wait3A_284 : memref<!tpu.dma_semaphore, #tpu.memory_space<semaphore_mem>>) src(%arg7 : memref<128x128xf32, #tpu.memory_space<vmem>>) dst(%dma_wait3A_282 : memref<10002x128xf32, #tpu.memory_space<vmem_shared>>)
    %dma_wait3A_285 = arith.constant 0 : i32
    %dma_wait3A_286 = arith.constant 0 : i32
    %dma_wait3A_287 = arith.constant 0 : i32
    %dma_wait3A_288 = tpu.memref_slice %arg9[%dma_wait3A_285, %dma_wait3A_287] : memref<2x128xi32, #tpu.memory_space<vmem>> -> memref<1x128xi32, #tpu.memory_space<vmem>>
    %dma_wait3A_289 = tpu.memref_squeeze %dma_wait3A_288 : memref<1x128xi32, #tpu.memory_space<vmem>> -> memref<128xi32, #tpu.memory_space<vmem>>
    %dma_wait3A_290 = arith.constant 0 : i32
    %dma_wait3A_291 = arith.constant 0 : i32
    %dma_wait3A_292 = tpu.memref_slice %arg2[%dma_wait3A_290, %dma_wait3A_291] : memref<20000x128xf32, #tpu.memory_space<hbm>> -> memref<20000x128xf32, #tpu.memory_space<hbm>>
    %dma_wait3A_293 = tpu.memref_slice %arg15[%dma_wait3A_286] : memref<3x!tpu.dma_semaphore, #tpu.memory_space<semaphore_mem>> -> memref<1x!tpu.dma_semaphore, #tpu.memory_space<semaphore_mem>>
    %dma_wait3A_294 = tpu.memref_squeeze %dma_wait3A_293 : memref<1x!tpu.dma_semaphore, #tpu.memory_space<semaphore_mem>> -> memref<!tpu.dma_semaphore, #tpu.memory_space<semaphore_mem>>
    tpu.wait_indirect_dma semaphore(%dma_wait3A_294 : memref<!tpu.dma_semaphore, #tpu.memory_space<semaphore_mem>>) src(%dma_wait3A_292 : memref<20000x128xf32, #tpu.memory_space<hbm>>) dst(%arg6 : memref<128x128xf32, #tpu.memory_space<vmem>>)
    %dma_start3A_295 = arith.constant 1 : i32
    %dma_start3A_296 = arith.constant 0 : i32
    %dma_start3A_297 = arith.constant 0 : i32
    %dma_start3A_298 = tpu.memref_slice %arg9[%dma_start3A_295, %dma_start3A_297] : memref<2x128xi32, #tpu.memory_space<vmem>> -> memref<1x128xi32, #tpu.memory_space<vmem>>
    %dma_start3A_299 = tpu.memref_squeeze %dma_start3A_298 : memref<1x128xi32, #tpu.memory_space<vmem>> -> memref<128xi32, #tpu.memory_space<vmem>>
    %dma_start3A_300 = arith.constant 0 : i32
    %dma_start3A_301 = arith.constant 0 : i32
    %dma_start3A_302 = tpu.memref_slice %arg5[%dma_start3A_300, %dma_start3A_301] : memref<10002x128xf32, #tpu.memory_space<vmem_shared>> -> memref<10002x128xf32, #tpu.memory_space<vmem_shared>>
    %dma_start3A_303 = tpu.memref_slice %arg16[%dma_start3A_296] : memref<3x!tpu.dma_semaphore, #tpu.memory_space<semaphore_mem>> -> memref<1x!tpu.dma_semaphore, #tpu.memory_space<semaphore_mem>>
    %dma_start3A_304 = tpu.memref_squeeze %dma_start3A_303 : memref<1x!tpu.dma_semaphore, #tpu.memory_space<semaphore_mem>> -> memref<!tpu.dma_semaphore, #tpu.memory_space<semaphore_mem>>
    tpu.enqueue_indirect_dma source(%arg6 : memref<128x128xf32, #tpu.memory_space<vmem>>) target(%dma_start3A_302 : memref<10002x128xf32, #tpu.memory_space<vmem_shared>>) offsets(%dma_start3A_299 : memref<128xi32, #tpu.memory_space<vmem>>) semaphore(%dma_start3A_304 : memref<!tpu.dma_semaphore, #tpu.memory_space<semaphore_mem>>) {add = true}
    %dma_start3A_305 = arith.constant 0 : i32
    %dma_start3A_306 = arith.constant 1 : i32
    %dma_start3A_307 = arith.constant 0 : i32
    %dma_start3A_308 = tpu.memref_slice %arg10[%dma_start3A_305, %dma_start3A_307] : memref<2x128xi32, #tpu.memory_space<vmem>> -> memref<1x128xi32, #tpu.memory_space<vmem>>
    %dma_start3A_309 = tpu.memref_squeeze %dma_start3A_308 : memref<1x128xi32, #tpu.memory_space<vmem>> -> memref<128xi32, #tpu.memory_space<vmem>>
    %dma_start3A_310 = arith.constant 0 : i32
    %dma_start3A_311 = arith.constant 0 : i32
    %dma_start3A_312 = tpu.memref_slice %arg2[%dma_start3A_310, %dma_start3A_311] : memref<20000x128xf32, #tpu.memory_space<hbm>> -> memref<20000x128xf32, #tpu.memory_space<hbm>>
    %dma_start3A_313 = tpu.memref_slice %arg15[%dma_start3A_306] : memref<3x!tpu.dma_semaphore, #tpu.memory_space<semaphore_mem>> -> memref<1x!tpu.dma_semaphore, #tpu.memory_space<semaphore_mem>>
    %dma_start3A_314 = tpu.memref_squeeze %dma_start3A_313 : memref<1x!tpu.dma_semaphore, #tpu.memory_space<semaphore_mem>> -> memref<!tpu.dma_semaphore, #tpu.memory_space<semaphore_mem>>
    tpu.enqueue_indirect_dma source(%dma_start3A_312 : memref<20000x128xf32, #tpu.memory_space<hbm>>) target(%arg7 : memref<128x128xf32, #tpu.memory_space<vmem>>) offsets(%dma_start3A_309 : memref<128xi32, #tpu.memory_space<vmem>>) semaphore(%dma_start3A_314 : memref<!tpu.dma_semaphore, #tpu.memory_space<semaphore_mem>>)
    %add3A_315 = arith.constant 157 : i32
    %add3A_316 = arith.addi %add3A_12, %add3A_315 : i32
    %add3A_317 = arith.constant 1 : i32
    %add3A_318 = arith.addi %add3A_316, %add3A_317 : i32
    "tpu.region"() ({
      %run_scoped3A = tpu.sem_alloc : memref<!tpu.dma_semaphore, #tpu.memory_space<semaphore_mem>>
      %dma_start3A_459 = arith.constant 0 : i32
      %dma_start3A_460 = arith.constant 0 : i32
      %dma_start3A_461 = tpu.memref_slice %arg3[%add3A_318, %dma_start3A_459, %dma_start3A_460] : memref<5120x2x128xi32, #tpu.memory_space<hbm>> -> memref<1x2x128xi32, #tpu.memory_space<hbm>>
      %dma_start3A_462 = tpu.memref_squeeze %dma_start3A_461 : memref<1x2x128xi32, #tpu.memory_space<hbm>> -> memref<2x128xi32, #tpu.memory_space<hbm>>
      %dma_start3A_463 = arith.constant 0 : i32
      %dma_start3A_464 = arith.constant 0 : i32
      %dma_start3A_465 = tpu.memref_slice %arg3[%add3A_318, %dma_start3A_463, %dma_start3A_464] : memref<5120x2x128xi32, #tpu.memory_space<hbm>> -> memref<1x2x128xi32, #tpu.memory_space<hbm>>
      %dma_start3A_466 = tpu.memref_squeeze %dma_start3A_465 : memref<1x2x128xi32, #tpu.memory_space<hbm>> -> memref<2x128xi32, #tpu.memory_space<hbm>>
      tpu.enqueue_dma source(%dma_start3A_466 : memref<2x128xi32, #tpu.memory_space<hbm>>) target(%arg11 : memref<2x128xi32, #tpu.memory_space<vmem>>) target_semaphore(%run_scoped3A : memref<!tpu.dma_semaphore, #tpu.memory_space<semaphore_mem>>)
      %dma_wait3A_467 = arith.constant 0 : i32
      %dma_wait3A_468 = arith.constant 0 : i32
      %dma_wait3A_469 = tpu.memref_slice %arg3[%add3A_318, %dma_wait3A_467, %dma_wait3A_468] : memref<5120x2x128xi32, #tpu.memory_space<hbm>> -> memref<1x2x128xi32, #tpu.memory_space<hbm>>
      %dma_wait3A_470 = tpu.memref_squeeze %dma_wait3A_469 : memref<1x2x128xi32, #tpu.memory_space<hbm>> -> memref<2x128xi32, #tpu.memory_space<hbm>>
      %dma_wait3A_471 = arith.constant 0 : i32
      %dma_wait3A_472 = arith.constant 0 : i32
      %dma_wait3A_473 = tpu.memref_slice %arg3[%add3A_318, %dma_wait3A_471, %dma_wait3A_472] : memref<5120x2x128xi32, #tpu.memory_space<hbm>> -> memref<1x2x128xi32, #tpu.memory_space<hbm>>
      %dma_wait3A_474 = tpu.memref_squeeze %dma_wait3A_473 : memref<1x2x128xi32, #tpu.memory_space<hbm>> -> memref<2x128xi32, #tpu.memory_space<hbm>>
      tpu.wait_dma2 semaphore(%run_scoped3A : memref<!tpu.dma_semaphore, #tpu.memory_space<semaphore_mem>>) src(%dma_wait3A_474 : memref<2x128xi32, #tpu.memory_space<hbm>>) dst(%arg11 : memref<2x128xi32, #tpu.memory_space<vmem>>)
      tpu.yield
    }) : () -> ()
    %dma_wait3A_319 = arith.constant 1 : i32
    %dma_wait3A_320 = arith.constant 2 : i32
    %dma_wait3A_321 = arith.constant 0 : i32
    %dma_wait3A_322 = tpu.memref_slice %arg10[%dma_wait3A_319, %dma_wait3A_321] : memref<2x128xi32, #tpu.memory_space<vmem>> -> memref<1x128xi32, #tpu.memory_space<vmem>>
    %dma_wait3A_323 = tpu.memref_squeeze %dma_wait3A_322 : memref<1x128xi32, #tpu.memory_space<vmem>> -> memref<128xi32, #tpu.memory_space<vmem>>
    %dma_wait3A_324 = arith.constant 0 : i32
    %dma_wait3A_325 = arith.constant 0 : i32
    %dma_wait3A_326 = tpu.memref_slice %arg5[%dma_wait3A_324, %dma_wait3A_325] : memref<10002x128xf32, #tpu.memory_space<vmem_shared>> -> memref<10002x128xf32, #tpu.memory_space<vmem_shared>>
    %dma_wait3A_327 = tpu.memref_slice %arg16[%dma_wait3A_320] : memref<3x!tpu.dma_semaphore, #tpu.memory_space<semaphore_mem>> -> memref<1x!tpu.dma_semaphore, #tpu.memory_space<semaphore_mem>>
    %dma_wait3A_328 = tpu.memref_squeeze %dma_wait3A_327 : memref<1x!tpu.dma_semaphore, #tpu.memory_space<semaphore_mem>> -> memref<!tpu.dma_semaphore, #tpu.memory_space<semaphore_mem>>
    tpu.wait_indirect_dma semaphore(%dma_wait3A_328 : memref<!tpu.dma_semaphore, #tpu.memory_space<semaphore_mem>>) src(%arg8 : memref<128x128xf32, #tpu.memory_space<vmem>>) dst(%dma_wait3A_326 : memref<10002x128xf32, #tpu.memory_space<vmem_shared>>)
    %dma_wait3A_329 = arith.constant 0 : i32
    %dma_wait3A_330 = arith.constant 1 : i32
    %dma_wait3A_331 = arith.constant 0 : i32
    %dma_wait3A_332 = tpu.memref_slice %arg10[%dma_wait3A_329, %dma_wait3A_331] : memref<2x128xi32, #tpu.memory_space<vmem>> -> memref<1x128xi32, #tpu.memory_space<vmem>>
    %dma_wait3A_333 = tpu.memref_squeeze %dma_wait3A_332 : memref<1x128xi32, #tpu.memory_space<vmem>> -> memref<128xi32, #tpu.memory_space<vmem>>
    %dma_wait3A_334 = arith.constant 0 : i32
    %dma_wait3A_335 = arith.constant 0 : i32
    %dma_wait3A_336 = tpu.memref_slice %arg2[%dma_wait3A_334, %dma_wait3A_335] : memref<20000x128xf32, #tpu.memory_space<hbm>> -> memref<20000x128xf32, #tpu.memory_space<hbm>>
    %dma_wait3A_337 = tpu.memref_slice %arg15[%dma_wait3A_330] : memref<3x!tpu.dma_semaphore, #tpu.memory_space<semaphore_mem>> -> memref<1x!tpu.dma_semaphore, #tpu.memory_space<semaphore_mem>>
    %dma_wait3A_338 = tpu.memref_squeeze %dma_wait3A_337 : memref<1x!tpu.dma_semaphore, #tpu.memory_space<semaphore_mem>> -> memref<!tpu.dma_semaphore, #tpu.memory_space<semaphore_mem>>
    tpu.wait_indirect_dma semaphore(%dma_wait3A_338 : memref<!tpu.dma_semaphore, #tpu.memory_space<semaphore_mem>>) src(%dma_wait3A_336 : memref<20000x128xf32, #tpu.memory_space<hbm>>) dst(%arg7 : memref<128x128xf32, #tpu.memory_space<vmem>>)
    %dma_start3A_339 = arith.constant 1 : i32
    %dma_start3A_340 = arith.constant 1 : i32
    %dma_start3A_341 = arith.constant 0 : i32
    %dma_start3A_342 = tpu.memref_slice %arg10[%dma_start3A_339, %dma_start3A_341] : memref<2x128xi32, #tpu.memory_space<vmem>> -> memref<1x128xi32, #tpu.memory_space<vmem>>
    %dma_start3A_343 = tpu.memref_squeeze %dma_start3A_342 : memref<1x128xi32, #tpu.memory_space<vmem>> -> memref<128xi32, #tpu.memory_space<vmem>>
    %dma_start3A_344 = arith.constant 0 : i32
    %dma_start3A_345 = arith.constant 0 : i32
    %dma_start3A_346 = tpu.memref_slice %arg5[%dma_start3A_344, %dma_start3A_345] : memref<10002x128xf32, #tpu.memory_space<vmem_shared>> -> memref<10002x128xf32, #tpu.memory_space<vmem_shared>>
    %dma_start3A_347 = tpu.memref_slice %arg16[%dma_start3A_340] : memref<3x!tpu.dma_semaphore, #tpu.memory_space<semaphore_mem>> -> memref<1x!tpu.dma_semaphore, #tpu.memory_space<semaphore_mem>>
    %dma_start3A_348 = tpu.memref_squeeze %dma_start3A_347 : memref<1x!tpu.dma_semaphore, #tpu.memory_space<semaphore_mem>> -> memref<!tpu.dma_semaphore, #tpu.memory_space<semaphore_mem>>
    tpu.enqueue_indirect_dma source(%arg7 : memref<128x128xf32, #tpu.memory_space<vmem>>) target(%dma_start3A_346 : memref<10002x128xf32, #tpu.memory_space<vmem_shared>>) offsets(%dma_start3A_343 : memref<128xi32, #tpu.memory_space<vmem>>) semaphore(%dma_start3A_348 : memref<!tpu.dma_semaphore, #tpu.memory_space<semaphore_mem>>) {add = true}
    %dma_start3A_349 = arith.constant 0 : i32
    %dma_start3A_350 = arith.constant 2 : i32
    %dma_start3A_351 = arith.constant 0 : i32
    %dma_start3A_352 = tpu.memref_slice %arg11[%dma_start3A_349, %dma_start3A_351] : memref<2x128xi32, #tpu.memory_space<vmem>> -> memref<1x128xi32, #tpu.memory_space<vmem>>
    %dma_start3A_353 = tpu.memref_squeeze %dma_start3A_352 : memref<1x128xi32, #tpu.memory_space<vmem>> -> memref<128xi32, #tpu.memory_space<vmem>>
    %dma_start3A_354 = arith.constant 0 : i32
    %dma_start3A_355 = arith.constant 0 : i32
    %dma_start3A_356 = tpu.memref_slice %arg2[%dma_start3A_354, %dma_start3A_355] : memref<20000x128xf32, #tpu.memory_space<hbm>> -> memref<20000x128xf32, #tpu.memory_space<hbm>>
    %dma_start3A_357 = tpu.memref_slice %arg15[%dma_start3A_350] : memref<3x!tpu.dma_semaphore, #tpu.memory_space<semaphore_mem>> -> memref<1x!tpu.dma_semaphore, #tpu.memory_space<semaphore_mem>>
    %dma_start3A_358 = tpu.memref_squeeze %dma_start3A_357 : memref<1x!tpu.dma_semaphore, #tpu.memory_space<semaphore_mem>> -> memref<!tpu.dma_semaphore, #tpu.memory_space<semaphore_mem>>
    tpu.enqueue_indirect_dma source(%dma_start3A_356 : memref<20000x128xf32, #tpu.memory_space<hbm>>) target(%arg8 : memref<128x128xf32, #tpu.memory_space<vmem>>) offsets(%dma_start3A_353 : memref<128xi32, #tpu.memory_space<vmem>>) semaphore(%dma_start3A_358 : memref<!tpu.dma_semaphore, #tpu.memory_space<semaphore_mem>>)
    %add3A_359 = arith.constant 158 : i32
    %add3A_360 = arith.addi %add3A_12, %add3A_359 : i32
    %add3A_361 = arith.constant 1 : i32
    %add3A_362 = arith.addi %add3A_360, %add3A_361 : i32
    "tpu.region"() ({
      %run_scoped3A = tpu.sem_alloc : memref<!tpu.dma_semaphore, #tpu.memory_space<semaphore_mem>>
      %dma_start3A_459 = arith.constant 0 : i32
      %dma_start3A_460 = arith.constant 0 : i32
      %dma_start3A_461 = tpu.memref_slice %arg3[%add3A_362, %dma_start3A_459, %dma_start3A_460] : memref<5120x2x128xi32, #tpu.memory_space<hbm>> -> memref<1x2x128xi32, #tpu.memory_space<hbm>>
      %dma_start3A_462 = tpu.memref_squeeze %dma_start3A_461 : memref<1x2x128xi32, #tpu.memory_space<hbm>> -> memref<2x128xi32, #tpu.memory_space<hbm>>
      %dma_start3A_463 = arith.constant 0 : i32
      %dma_start3A_464 = arith.constant 0 : i32
      %dma_start3A_465 = tpu.memref_slice %arg3[%add3A_362, %dma_start3A_463, %dma_start3A_464] : memref<5120x2x128xi32, #tpu.memory_space<hbm>> -> memref<1x2x128xi32, #tpu.memory_space<hbm>>
      %dma_start3A_466 = tpu.memref_squeeze %dma_start3A_465 : memref<1x2x128xi32, #tpu.memory_space<hbm>> -> memref<2x128xi32, #tpu.memory_space<hbm>>
      tpu.enqueue_dma source(%dma_start3A_466 : memref<2x128xi32, #tpu.memory_space<hbm>>) target(%arg12 : memref<2x128xi32, #tpu.memory_space<vmem>>) target_semaphore(%run_scoped3A : memref<!tpu.dma_semaphore, #tpu.memory_space<semaphore_mem>>)
      %dma_wait3A_467 = arith.constant 0 : i32
      %dma_wait3A_468 = arith.constant 0 : i32
      %dma_wait3A_469 = tpu.memref_slice %arg3[%add3A_362, %dma_wait3A_467, %dma_wait3A_468] : memref<5120x2x128xi32, #tpu.memory_space<hbm>> -> memref<1x2x128xi32, #tpu.memory_space<hbm>>
      %dma_wait3A_470 = tpu.memref_squeeze %dma_wait3A_469 : memref<1x2x128xi32, #tpu.memory_space<hbm>> -> memref<2x128xi32, #tpu.memory_space<hbm>>
      %dma_wait3A_471 = arith.constant 0 : i32
      %dma_wait3A_472 = arith.constant 0 : i32
      %dma_wait3A_473 = tpu.memref_slice %arg3[%add3A_362, %dma_wait3A_471, %dma_wait3A_472] : memref<5120x2x128xi32, #tpu.memory_space<hbm>> -> memref<1x2x128xi32, #tpu.memory_space<hbm>>
      %dma_wait3A_474 = tpu.memref_squeeze %dma_wait3A_473 : memref<1x2x128xi32, #tpu.memory_space<hbm>> -> memref<2x128xi32, #tpu.memory_space<hbm>>
      tpu.wait_dma2 semaphore(%run_scoped3A : memref<!tpu.dma_semaphore, #tpu.memory_space<semaphore_mem>>) src(%dma_wait3A_474 : memref<2x128xi32, #tpu.memory_space<hbm>>) dst(%arg12 : memref<2x128xi32, #tpu.memory_space<vmem>>)
      tpu.yield
    }) : () -> ()
    %dma_wait3A_363 = arith.constant 1 : i32
    %dma_wait3A_364 = arith.constant 0 : i32
    %dma_wait3A_365 = arith.constant 0 : i32
    %dma_wait3A_366 = tpu.memref_slice %arg11[%dma_wait3A_363, %dma_wait3A_365] : memref<2x128xi32, #tpu.memory_space<vmem>> -> memref<1x128xi32, #tpu.memory_space<vmem>>
    %dma_wait3A_367 = tpu.memref_squeeze %dma_wait3A_366 : memref<1x128xi32, #tpu.memory_space<vmem>> -> memref<128xi32, #tpu.memory_space<vmem>>
    %dma_wait3A_368 = arith.constant 0 : i32
    %dma_wait3A_369 = arith.constant 0 : i32
    %dma_wait3A_370 = tpu.memref_slice %arg5[%dma_wait3A_368, %dma_wait3A_369] : memref<10002x128xf32, #tpu.memory_space<vmem_shared>> -> memref<10002x128xf32, #tpu.memory_space<vmem_shared>>
    %dma_wait3A_371 = tpu.memref_slice %arg16[%dma_wait3A_364] : memref<3x!tpu.dma_semaphore, #tpu.memory_space<semaphore_mem>> -> memref<1x!tpu.dma_semaphore, #tpu.memory_space<semaphore_mem>>
    %dma_wait3A_372 = tpu.memref_squeeze %dma_wait3A_371 : memref<1x!tpu.dma_semaphore, #tpu.memory_space<semaphore_mem>> -> memref<!tpu.dma_semaphore, #tpu.memory_space<semaphore_mem>>
    tpu.wait_indirect_dma semaphore(%dma_wait3A_372 : memref<!tpu.dma_semaphore, #tpu.memory_space<semaphore_mem>>) src(%arg6 : memref<128x128xf32, #tpu.memory_space<vmem>>) dst(%dma_wait3A_370 : memref<10002x128xf32, #tpu.memory_space<vmem_shared>>)
    %dma_wait3A_373 = arith.constant 0 : i32
    %dma_wait3A_374 = arith.constant 2 : i32
    %dma_wait3A_375 = arith.constant 0 : i32
    %dma_wait3A_376 = tpu.memref_slice %arg11[%dma_wait3A_373, %dma_wait3A_375] : memref<2x128xi32, #tpu.memory_space<vmem>> -> memref<1x128xi32, #tpu.memory_space<vmem>>
    %dma_wait3A_377 = tpu.memref_squeeze %dma_wait3A_376 : memref<1x128xi32, #tpu.memory_space<vmem>> -> memref<128xi32, #tpu.memory_space<vmem>>
    %dma_wait3A_378 = arith.constant 0 : i32
    %dma_wait3A_379 = arith.constant 0 : i32
    %dma_wait3A_380 = tpu.memref_slice %arg2[%dma_wait3A_378, %dma_wait3A_379] : memref<20000x128xf32, #tpu.memory_space<hbm>> -> memref<20000x128xf32, #tpu.memory_space<hbm>>
    %dma_wait3A_381 = tpu.memref_slice %arg15[%dma_wait3A_374] : memref<3x!tpu.dma_semaphore, #tpu.memory_space<semaphore_mem>> -> memref<1x!tpu.dma_semaphore, #tpu.memory_space<semaphore_mem>>
    %dma_wait3A_382 = tpu.memref_squeeze %dma_wait3A_381 : memref<1x!tpu.dma_semaphore, #tpu.memory_space<semaphore_mem>> -> memref<!tpu.dma_semaphore, #tpu.memory_space<semaphore_mem>>
    tpu.wait_indirect_dma semaphore(%dma_wait3A_382 : memref<!tpu.dma_semaphore, #tpu.memory_space<semaphore_mem>>) src(%dma_wait3A_380 : memref<20000x128xf32, #tpu.memory_space<hbm>>) dst(%arg8 : memref<128x128xf32, #tpu.memory_space<vmem>>)
    %dma_start3A_383 = arith.constant 1 : i32
    %dma_start3A_384 = arith.constant 2 : i32
    %dma_start3A_385 = arith.constant 0 : i32
    %dma_start3A_386 = tpu.memref_slice %arg11[%dma_start3A_383, %dma_start3A_385] : memref<2x128xi32, #tpu.memory_space<vmem>> -> memref<1x128xi32, #tpu.memory_space<vmem>>
    %dma_start3A_387 = tpu.memref_squeeze %dma_start3A_386 : memref<1x128xi32, #tpu.memory_space<vmem>> -> memref<128xi32, #tpu.memory_space<vmem>>
    %dma_start3A_388 = arith.constant 0 : i32
    %dma_start3A_389 = arith.constant 0 : i32
    %dma_start3A_390 = tpu.memref_slice %arg5[%dma_start3A_388, %dma_start3A_389] : memref<10002x128xf32, #tpu.memory_space<vmem_shared>> -> memref<10002x128xf32, #tpu.memory_space<vmem_shared>>
    %dma_start3A_391 = tpu.memref_slice %arg16[%dma_start3A_384] : memref<3x!tpu.dma_semaphore, #tpu.memory_space<semaphore_mem>> -> memref<1x!tpu.dma_semaphore, #tpu.memory_space<semaphore_mem>>
    %dma_start3A_392 = tpu.memref_squeeze %dma_start3A_391 : memref<1x!tpu.dma_semaphore, #tpu.memory_space<semaphore_mem>> -> memref<!tpu.dma_semaphore, #tpu.memory_space<semaphore_mem>>
    tpu.enqueue_indirect_dma source(%arg8 : memref<128x128xf32, #tpu.memory_space<vmem>>) target(%dma_start3A_390 : memref<10002x128xf32, #tpu.memory_space<vmem_shared>>) offsets(%dma_start3A_387 : memref<128xi32, #tpu.memory_space<vmem>>) semaphore(%dma_start3A_392 : memref<!tpu.dma_semaphore, #tpu.memory_space<semaphore_mem>>) {add = true}
    %dma_start3A_393 = arith.constant 0 : i32
    %dma_start3A_394 = arith.constant 0 : i32
    %dma_start3A_395 = arith.constant 0 : i32
    %dma_start3A_396 = tpu.memref_slice %arg12[%dma_start3A_393, %dma_start3A_395] : memref<2x128xi32, #tpu.memory_space<vmem>> -> memref<1x128xi32, #tpu.memory_space<vmem>>
    %dma_start3A_397 = tpu.memref_squeeze %dma_start3A_396 : memref<1x128xi32, #tpu.memory_space<vmem>> -> memref<128xi32, #tpu.memory_space<vmem>>
    %dma_start3A_398 = arith.constant 0 : i32
    %dma_start3A_399 = arith.constant 0 : i32
    %dma_start3A_400 = tpu.memref_slice %arg2[%dma_start3A_398, %dma_start3A_399] : memref<20000x128xf32, #tpu.memory_space<hbm>> -> memref<20000x128xf32, #tpu.memory_space<hbm>>
    %dma_start3A_401 = tpu.memref_slice %arg15[%dma_start3A_394] : memref<3x!tpu.dma_semaphore, #tpu.memory_space<semaphore_mem>> -> memref<1x!tpu.dma_semaphore, #tpu.memory_space<semaphore_mem>>
    %dma_start3A_402 = tpu.memref_squeeze %dma_start3A_401 : memref<1x!tpu.dma_semaphore, #tpu.memory_space<semaphore_mem>> -> memref<!tpu.dma_semaphore, #tpu.memory_space<semaphore_mem>>
    tpu.enqueue_indirect_dma source(%dma_start3A_400 : memref<20000x128xf32, #tpu.memory_space<hbm>>) target(%arg6 : memref<128x128xf32, #tpu.memory_space<vmem>>) offsets(%dma_start3A_397 : memref<128xi32, #tpu.memory_space<vmem>>) semaphore(%dma_start3A_402 : memref<!tpu.dma_semaphore, #tpu.memory_space<semaphore_mem>>)
    %dma_wait3A_403 = arith.constant 1 : i32
    %dma_wait3A_404 = arith.constant 1 : i32
    %dma_wait3A_405 = arith.constant 0 : i32
    %dma_wait3A_406 = tpu.memref_slice %arg12[%dma_wait3A_403, %dma_wait3A_405] : memref<2x128xi32, #tpu.memory_space<vmem>> -> memref<1x128xi32, #tpu.memory_space<vmem>>
    %dma_wait3A_407 = tpu.memref_squeeze %dma_wait3A_406 : memref<1x128xi32, #tpu.memory_space<vmem>> -> memref<128xi32, #tpu.memory_space<vmem>>
    %dma_wait3A_408 = arith.constant 0 : i32
    %dma_wait3A_409 = arith.constant 0 : i32
    %dma_wait3A_410 = tpu.memref_slice %arg5[%dma_wait3A_408, %dma_wait3A_409] : memref<10002x128xf32, #tpu.memory_space<vmem_shared>> -> memref<10002x128xf32, #tpu.memory_space<vmem_shared>>
    %dma_wait3A_411 = tpu.memref_slice %arg16[%dma_wait3A_404] : memref<3x!tpu.dma_semaphore, #tpu.memory_space<semaphore_mem>> -> memref<1x!tpu.dma_semaphore, #tpu.memory_space<semaphore_mem>>
    %dma_wait3A_412 = tpu.memref_squeeze %dma_wait3A_411 : memref<1x!tpu.dma_semaphore, #tpu.memory_space<semaphore_mem>> -> memref<!tpu.dma_semaphore, #tpu.memory_space<semaphore_mem>>
    tpu.wait_indirect_dma semaphore(%dma_wait3A_412 : memref<!tpu.dma_semaphore, #tpu.memory_space<semaphore_mem>>) src(%arg7 : memref<128x128xf32, #tpu.memory_space<vmem>>) dst(%dma_wait3A_410 : memref<10002x128xf32, #tpu.memory_space<vmem_shared>>)
    %dma_wait3A_413 = arith.constant 0 : i32
    %dma_wait3A_414 = arith.constant 0 : i32
    %dma_wait3A_415 = arith.constant 0 : i32
    %dma_wait3A_416 = tpu.memref_slice %arg12[%dma_wait3A_413, %dma_wait3A_415] : memref<2x128xi32, #tpu.memory_space<vmem>> -> memref<1x128xi32, #tpu.memory_space<vmem>>
    %dma_wait3A_417 = tpu.memref_squeeze %dma_wait3A_416 : memref<1x128xi32, #tpu.memory_space<vmem>> -> memref<128xi32, #tpu.memory_space<vmem>>
    %dma_wait3A_418 = arith.constant 0 : i32
    %dma_wait3A_419 = arith.constant 0 : i32
    %dma_wait3A_420 = tpu.memref_slice %arg2[%dma_wait3A_418, %dma_wait3A_419] : memref<20000x128xf32, #tpu.memory_space<hbm>> -> memref<20000x128xf32, #tpu.memory_space<hbm>>
    %dma_wait3A_421 = tpu.memref_slice %arg15[%dma_wait3A_414] : memref<3x!tpu.dma_semaphore, #tpu.memory_space<semaphore_mem>> -> memref<1x!tpu.dma_semaphore, #tpu.memory_space<semaphore_mem>>
    %dma_wait3A_422 = tpu.memref_squeeze %dma_wait3A_421 : memref<1x!tpu.dma_semaphore, #tpu.memory_space<semaphore_mem>> -> memref<!tpu.dma_semaphore, #tpu.memory_space<semaphore_mem>>
    tpu.wait_indirect_dma semaphore(%dma_wait3A_422 : memref<!tpu.dma_semaphore, #tpu.memory_space<semaphore_mem>>) src(%dma_wait3A_420 : memref<20000x128xf32, #tpu.memory_space<hbm>>) dst(%arg6 : memref<128x128xf32, #tpu.memory_space<vmem>>)
    %dma_start3A_423 = arith.constant 1 : i32
    %dma_start3A_424 = arith.constant 0 : i32
    %dma_start3A_425 = arith.constant 0 : i32
    %dma_start3A_426 = tpu.memref_slice %arg12[%dma_start3A_423, %dma_start3A_425] : memref<2x128xi32, #tpu.memory_space<vmem>> -> memref<1x128xi32, #tpu.memory_space<vmem>>
    %dma_start3A_427 = tpu.memref_squeeze %dma_start3A_426 : memref<1x128xi32, #tpu.memory_space<vmem>> -> memref<128xi32, #tpu.memory_space<vmem>>
    %dma_start3A_428 = arith.constant 0 : i32
    %dma_start3A_429 = arith.constant 0 : i32
    %dma_start3A_430 = tpu.memref_slice %arg5[%dma_start3A_428, %dma_start3A_429] : memref<10002x128xf32, #tpu.memory_space<vmem_shared>> -> memref<10002x128xf32, #tpu.memory_space<vmem_shared>>
    %dma_start3A_431 = tpu.memref_slice %arg16[%dma_start3A_424] : memref<3x!tpu.dma_semaphore, #tpu.memory_space<semaphore_mem>> -> memref<1x!tpu.dma_semaphore, #tpu.memory_space<semaphore_mem>>
    %dma_start3A_432 = tpu.memref_squeeze %dma_start3A_431 : memref<1x!tpu.dma_semaphore, #tpu.memory_space<semaphore_mem>> -> memref<!tpu.dma_semaphore, #tpu.memory_space<semaphore_mem>>
    tpu.enqueue_indirect_dma source(%arg6 : memref<128x128xf32, #tpu.memory_space<vmem>>) target(%dma_start3A_430 : memref<10002x128xf32, #tpu.memory_space<vmem_shared>>) offsets(%dma_start3A_427 : memref<128xi32, #tpu.memory_space<vmem>>) semaphore(%dma_start3A_432 : memref<!tpu.dma_semaphore, #tpu.memory_space<semaphore_mem>>) {add = true}
    %dma_wait3A_433 = arith.constant 1 : i32
    %dma_wait3A_434 = arith.constant 2 : i32
    %dma_wait3A_435 = arith.constant 0 : i32
    %dma_wait3A_436 = tpu.memref_slice %arg9[%dma_wait3A_433, %dma_wait3A_435] : memref<2x128xi32, #tpu.memory_space<vmem>> -> memref<1x128xi32, #tpu.memory_space<vmem>>
    %dma_wait3A_437 = tpu.memref_squeeze %dma_wait3A_436 : memref<1x128xi32, #tpu.memory_space<vmem>> -> memref<128xi32, #tpu.memory_space<vmem>>
    %dma_wait3A_438 = arith.constant 0 : i32
    %dma_wait3A_439 = arith.constant 0 : i32
    %dma_wait3A_440 = tpu.memref_slice %arg5[%dma_wait3A_438, %dma_wait3A_439] : memref<10002x128xf32, #tpu.memory_space<vmem_shared>> -> memref<10002x128xf32, #tpu.memory_space<vmem_shared>>
    %dma_wait3A_441 = tpu.memref_slice %arg16[%dma_wait3A_434] : memref<3x!tpu.dma_semaphore, #tpu.memory_space<semaphore_mem>> -> memref<1x!tpu.dma_semaphore, #tpu.memory_space<semaphore_mem>>
    %dma_wait3A_442 = tpu.memref_squeeze %dma_wait3A_441 : memref<1x!tpu.dma_semaphore, #tpu.memory_space<semaphore_mem>> -> memref<!tpu.dma_semaphore, #tpu.memory_space<semaphore_mem>>
    tpu.wait_indirect_dma semaphore(%dma_wait3A_442 : memref<!tpu.dma_semaphore, #tpu.memory_space<semaphore_mem>>) src(%arg8 : memref<128x128xf32, #tpu.memory_space<vmem>>) dst(%dma_wait3A_440 : memref<10002x128xf32, #tpu.memory_space<vmem_shared>>)
    %dma_wait3A_443 = arith.constant 1 : i32
    %dma_wait3A_444 = arith.constant 0 : i32
    %dma_wait3A_445 = arith.constant 0 : i32
    %dma_wait3A_446 = tpu.memref_slice %arg9[%dma_wait3A_443, %dma_wait3A_445] : memref<2x128xi32, #tpu.memory_space<vmem>> -> memref<1x128xi32, #tpu.memory_space<vmem>>
    %dma_wait3A_447 = tpu.memref_squeeze %dma_wait3A_446 : memref<1x128xi32, #tpu.memory_space<vmem>> -> memref<128xi32, #tpu.memory_space<vmem>>
    %dma_wait3A_448 = arith.constant 0 : i32
    %dma_wait3A_449 = arith.constant 0 : i32
    %dma_wait3A_450 = tpu.memref_slice %arg5[%dma_wait3A_448, %dma_wait3A_449] : memref<10002x128xf32, #tpu.memory_space<vmem_shared>> -> memref<10002x128xf32, #tpu.memory_space<vmem_shared>>
    %dma_wait3A_451 = tpu.memref_slice %arg16[%dma_wait3A_444] : memref<3x!tpu.dma_semaphore, #tpu.memory_space<semaphore_mem>> -> memref<1x!tpu.dma_semaphore, #tpu.memory_space<semaphore_mem>>
    %dma_wait3A_452 = tpu.memref_squeeze %dma_wait3A_451 : memref<1x!tpu.dma_semaphore, #tpu.memory_space<semaphore_mem>> -> memref<!tpu.dma_semaphore, #tpu.memory_space<semaphore_mem>>
    tpu.wait_indirect_dma semaphore(%dma_wait3A_452 : memref<!tpu.dma_semaphore, #tpu.memory_space<semaphore_mem>>) src(%arg6 : memref<128x128xf32, #tpu.memory_space<vmem>>) dst(%dma_wait3A_450 : memref<10002x128xf32, #tpu.memory_space<vmem_shared>>)
    %barrier3A_453 = arith.constant 0 : index
    tpu.barrier barrier_id(%barrier3A_453)
    "tpu.region"() ({
      %run_scoped3A = tpu.sem_alloc : memref<!tpu.dma_semaphore, #tpu.memory_space<semaphore_mem>>
      %dma_start3A_459 = arith.constant 0 : i32
      %dma_start3A_460 = tpu.memref_slice %arg4[%multiple_of3A_5, %dma_start3A_459] : memref<20000x128xf32, #tpu.memory_space<hbm>> -> memref<624x128xf32, #tpu.memory_space<hbm>>
      %dma_start3A_461 = arith.constant 0 : i32
      %dma_start3A_462 = tpu.memref_slice %arg5[%multiple_of3A, %dma_start3A_461] : memref<10002x128xf32, #tpu.memory_space<vmem_shared>> -> memref<624x128xf32, #tpu.memory_space<vmem_shared>>
      tpu.enqueue_dma source(%dma_start3A_462 : memref<624x128xf32, #tpu.memory_space<vmem_shared>>) target(%dma_start3A_460 : memref<624x128xf32, #tpu.memory_space<hbm>>) target_semaphore(%run_scoped3A : memref<!tpu.dma_semaphore, #tpu.memory_space<semaphore_mem>>)
      %dma_wait3A_463 = arith.constant 0 : i32
      %dma_wait3A_464 = tpu.memref_slice %arg4[%multiple_of3A_5, %dma_wait3A_463] : memref<20000x128xf32, #tpu.memory_space<hbm>> -> memref<624x128xf32, #tpu.memory_space<hbm>>
      %dma_wait3A_465 = arith.constant 0 : i32
      %dma_wait3A_466 = tpu.memref_slice %arg5[%multiple_of3A, %dma_wait3A_465] : memref<10002x128xf32, #tpu.memory_space<vmem_shared>> -> memref<624x128xf32, #tpu.memory_space<vmem_shared>>
      tpu.wait_dma2 semaphore(%run_scoped3A : memref<!tpu.dma_semaphore, #tpu.memory_space<semaphore_mem>>) src(%dma_wait3A_466 : memref<624x128xf32, #tpu.memory_space<vmem_shared>>) dst(%dma_wait3A_464 : memref<624x128xf32, #tpu.memory_space<hbm>>)
      tpu.yield
    }) : () -> ()
    %eq3A_454 = arith.constant 0 : i32
    %eq3A_455 = arith.cmpi eq, %arg1, %eq3A_454 : i32
    %convert_element_type3A_456 = arith.extui %eq3A_455 : i1 to i32
    %cond3A_457 = arith.constant 0 : i32
    %cond3A_458 = arith.cmpi ne, %convert_element_type3A_456, %cond3A_457 : i32
    scf.if %cond3A_458 {
      %mul3A_459 = arith.constant 10000 : i32
      %mul3A_460 = arith.muli %arg0, %mul3A_459 : i32
      %add3A_461 = arith.constant 9984 : i32
      %add3A_462 = arith.addi %mul3A_460, %add3A_461 : i32
      %multiple_of3A_463 = tpu.assume_multiple %add3A_462, 8 : i32
      "tpu.region"() ({
        %run_scoped3A = tpu.sem_alloc : memref<!tpu.dma_semaphore, #tpu.memory_space<semaphore_mem>>
        %dma_start3A_464 = arith.constant 0 : i32
        %dma_start3A_465 = tpu.memref_slice %arg4[%multiple_of3A_463, %dma_start3A_464] : memref<20000x128xf32, #tpu.memory_space<hbm>> -> memref<16x128xf32, #tpu.memory_space<hbm>>
        %dma_start3A_466 = arith.constant 9984 : i32
        %dma_start3A_467 = arith.constant 0 : i32
        %dma_start3A_468 = tpu.memref_slice %arg5[%dma_start3A_466, %dma_start3A_467] : memref<10002x128xf32, #tpu.memory_space<vmem_shared>> -> memref<16x128xf32, #tpu.memory_space<vmem_shared>>
        tpu.enqueue_dma source(%dma_start3A_468 : memref<16x128xf32, #tpu.memory_space<vmem_shared>>) target(%dma_start3A_465 : memref<16x128xf32, #tpu.memory_space<hbm>>) target_semaphore(%run_scoped3A : memref<!tpu.dma_semaphore, #tpu.memory_space<semaphore_mem>>)
        %dma_wait3A_469 = arith.constant 0 : i32
        %dma_wait3A_470 = tpu.memref_slice %arg4[%multiple_of3A_463, %dma_wait3A_469] : memref<20000x128xf32, #tpu.memory_space<hbm>> -> memref<16x128xf32, #tpu.memory_space<hbm>>
        %dma_wait3A_471 = arith.constant 9984 : i32
        %dma_wait3A_472 = arith.constant 0 : i32
        %dma_wait3A_473 = tpu.memref_slice %arg5[%dma_wait3A_471, %dma_wait3A_472] : memref<10002x128xf32, #tpu.memory_space<vmem_shared>> -> memref<16x128xf32, #tpu.memory_space<vmem_shared>>
        tpu.wait_dma2 semaphore(%run_scoped3A : memref<!tpu.dma_semaphore, #tpu.memory_space<semaphore_mem>>) src(%dma_wait3A_473 : memref<16x128xf32, #tpu.memory_space<vmem_shared>>) dst(%dma_wait3A_470 : memref<16x128xf32, #tpu.memory_space<hbm>>)
        tpu.yield
      }) : () -> ()
    } else {
    }
    return
  }
}

#map = affine_map<(d0, d1) -> (0, 0)>
#map1 = affine_map<(d0, d1) -> (0)>
module attributes {stable_mosaic.version = 14 : i64} {
  func.func @_deg_body(%arg0: i32, %arg1: i32, %arg2: memref<5120x128xi32, #tpu.memory_space<hbm>>, %arg3: memref<20480xf32, #tpu.memory_space<hbm>>, %arg4: memref<10240xf32, #tpu.memory_space<vmem_shared>>, %arg5: memref<640xf32, #tpu.memory_space<vmem>>, %arg6: memref<128xf32, #tpu.memory_space<vmem>>, %arg7: memref<160x128xi32, #tpu.memory_space<vmem>>, %arg8: memref<!tpu.dma_semaphore, #tpu.memory_space<semaphore_mem>>) attributes {dimension_semantics = [#tpu.dimension_semantics<core_parallel>, #tpu.dimension_semantics<subcore_parallel>], iteration_bounds = array<i64: 2, 16>, scalar_prefetch = 0 : i64, scratch_operands = 5 : i64, tpu.core_type = #tpu.core_type<sc_vector_subcore>, window_params = [{transform_indices = #map}, {transform_indices = #map1}]} {
    %scan3A = arith.constant 0 : i32
    %scan3A_0 = arith.constant 0 : i32
    %scan3A_1 = arith.constant 40 : i32
    %scan3A_2 = arith.addi %scan3A_0, %scan3A_1 : i32
    %scan3A_3 = arith.constant 1 : i32
    %scan3A_4 = scf.for %scan3A_74 = %scan3A_0 to %scan3A_2 step %scan3A_3 iter_args(%scan3A_75 = %scan3A) -> (i32)  : i32 {
      %broadcast_in_dim3A = arith.constant 0.000000e+00 : f32
      %broadcast_in_dim3A_76 = vector.broadcast %broadcast_in_dim3A : f32 to vector<16xf32>
      %mul3A_77 = arith.constant 16 : i32
      %mul3A_78 = arith.muli %scan3A_74, %mul3A_77 : i32
      %swap3A = arith.index_cast %mul3A_78 : i32 to index
      %swap3A_79 = tpu.vector_load %arg5[%swap3A] {strides = array<i32>} : memref<640xf32, #tpu.memory_space<vmem>>, vector<16xf32>,
      %swap3A_80 = vector.shape_cast %swap3A_79 : vector<16xf32> to vector<16xf32>
      %swap3A_81 = vector.shape_cast %broadcast_in_dim3A_76 : vector<16xf32> to vector<16xf32>
      tpu.vector_store %arg5[%swap3A], %swap3A_81 {strides = array<i32>} : memref<640xf32, #tpu.memory_space<vmem>>, vector<16xf32>,
      %broadcast_in_dim3A_82 = arith.constant 1.000000e+00 : f32
      %broadcast_in_dim3A_83 = vector.broadcast %broadcast_in_dim3A_82 : f32 to vector<16xf32>
      %jit3A = arith.constant 8 : i32
      %eq3A = arith.constant 0 : i32
      %eq3A_84 = arith.cmpi eq, %jit3A, %eq3A : i32
      %jit3A_85 = arith.constant 1 : i32
      %select_n3A = arith.select %eq3A_84, %jit3A_85, %jit3A : i32
      %rem3A = arith.remsi %scan3A_74, %select_n3A : i32
      %ne3A = arith.constant 0 : i32
      %ne3A_86 = arith.cmpi ne, %rem3A, %ne3A : i32
      %lt3A = arith.constant 0 : i32
      %lt3A_87 = arith.cmpi slt, %rem3A, %lt3A : i32
      %lt3A_88 = arith.constant 0 : i32
      %lt3A_89 = arith.cmpi slt, %select_n3A, %lt3A_88 : i32
      %ne3A_90 = arith.xori %lt3A_87, %lt3A_89 : i1
      %and3A = arith.andi %ne3A_90, %ne3A_86 : i1
      %add3A_91 = arith.addi %rem3A, %select_n3A : i32
      %select_n3A_92 = arith.select %and3A, %add3A_91, %rem3A : i32
      %mul3A_93 = arith.constant 16 : i32
      %mul3A_94 = arith.muli %select_n3A_92, %mul3A_93 : i32
      %swap3A_95 = arith.index_cast %mul3A_94 : i32 to index
      %swap3A_96 = tpu.vector_load %arg6[%swap3A_95] {strides = array<i32>} : memref<128xf32, #tpu.memory_space<vmem>>, vector<16xf32>,
      %swap3A_97 = vector.shape_cast %swap3A_96 : vector<16xf32> to vector<16xf32>
      %swap3A_98 = vector.shape_cast %broadcast_in_dim3A_83 : vector<16xf32> to vector<16xf32>
      tpu.vector_store %arg6[%swap3A_95], %swap3A_98 {strides = array<i32>} : memref<128xf32, #tpu.memory_space<vmem>>, vector<16xf32>,
      %scan3A_99 = arith.constant 0 : i32
      scf.yield %scan3A_99 : i32
    }
    %scan3A_5 = arith.constant 40 : i32
    %mul3A = arith.constant 640 : i32
    %mul3A_6 = arith.muli %arg1, %mul3A : i32
    "tpu.region"() ({
      %run_scoped3A = tpu.sem_alloc : memref<!tpu.dma_semaphore, #tpu.memory_space<semaphore_mem>>
      %dma_start3A_74 = tpu.memref_slice %arg4[%mul3A_6] : memref<10240xf32, #tpu.memory_space<vmem_shared>> -> memref<640xf32, #tpu.memory_space<vmem_shared>>
      %dma_start3A_75 = tpu.memref_slice %arg4[%mul3A_6] : memref<10240xf32, #tpu.memory_space<vmem_shared>> -> memref<640xf32, #tpu.memory_space<vmem_shared>>
      tpu.enqueue_dma source(%arg5 : memref<640xf32, #tpu.memory_space<vmem>>) target(%dma_start3A_75 : memref<640xf32, #tpu.memory_space<vmem_shared>>) target_semaphore(%run_scoped3A : memref<!tpu.dma_semaphore, #tpu.memory_space<semaphore_mem>>)
      %dma_wait3A = tpu.memref_slice %arg4[%mul3A_6] : memref<10240xf32, #tpu.memory_space<vmem_shared>> -> memref<640xf32, #tpu.memory_space<vmem_shared>>
      %dma_wait3A_76 = tpu.memref_slice %arg4[%mul3A_6] : memref<10240xf32, #tpu.memory_space<vmem_shared>> -> memref<640xf32, #tpu.memory_space<vmem_shared>>
      tpu.wait_dma2 semaphore(%run_scoped3A : memref<!tpu.dma_semaphore, #tpu.memory_space<semaphore_mem>>) src(%arg5 : memref<640xf32, #tpu.memory_space<vmem>>) dst(%dma_wait3A_76 : memref<640xf32, #tpu.memory_space<vmem_shared>>)
      tpu.yield
    }) : () -> ()
    %mul3A_7 = arith.constant 2560 : i32
    %mul3A_8 = arith.muli %arg0, %mul3A_7 : i32
    %mul3A_9 = arith.constant 160 : i32
    %mul3A_10 = arith.muli %arg1, %mul3A_9 : i32
    %add3A = arith.addi %mul3A_8, %mul3A_10 : i32
    %multiple_of3A = tpu.assume_multiple %add3A, 8 : i32
    "tpu.region"() ({
      %run_scoped3A = tpu.sem_alloc : memref<!tpu.dma_semaphore, #tpu.memory_space<semaphore_mem>>
      %dma_start3A_74 = arith.constant 0 : i32
      %dma_start3A_75 = tpu.memref_slice %arg2[%multiple_of3A, %dma_start3A_74] : memref<5120x128xi32, #tpu.memory_space<hbm>> -> memref<160x128xi32, #tpu.memory_space<hbm>>
      %dma_start3A_76 = arith.constant 0 : i32
      %dma_start3A_77 = tpu.memref_slice %arg2[%multiple_of3A, %dma_start3A_76] : memref<5120x128xi32, #tpu.memory_space<hbm>> -> memref<160x128xi32, #tpu.memory_space<hbm>>
      tpu.enqueue_dma source(%dma_start3A_77 : memref<160x128xi32, #tpu.memory_space<hbm>>) target(%arg7 : memref<160x128xi32, #tpu.memory_space<vmem>>) target_semaphore(%run_scoped3A : memref<!tpu.dma_semaphore, #tpu.memory_space<semaphore_mem>>)
      %dma_wait3A = arith.constant 0 : i32
      %dma_wait3A_78 = tpu.memref_slice %arg2[%multiple_of3A, %dma_wait3A] : memref<5120x128xi32, #tpu.memory_space<hbm>> -> memref<160x128xi32, #tpu.memory_space<hbm>>
      %dma_wait3A_79 = arith.constant 0 : i32
      %dma_wait3A_80 = tpu.memref_slice %arg2[%multiple_of3A, %dma_wait3A_79] : memref<5120x128xi32, #tpu.memory_space<hbm>> -> memref<160x128xi32, #tpu.memory_space<hbm>>
      tpu.wait_dma2 semaphore(%run_scoped3A : memref<!tpu.dma_semaphore, #tpu.memory_space<semaphore_mem>>) src(%dma_wait3A_80 : memref<160x128xi32, #tpu.memory_space<hbm>>) dst(%arg7 : memref<160x128xi32, #tpu.memory_space<vmem>>)
      tpu.yield
    }) : () -> ()
    %barrier3A = arith.constant 0 : index
    tpu.barrier barrier_id(%barrier3A)
    %dma_start3A = arith.constant 0 : i32
    %dma_start3A_11 = arith.constant 0 : i32
    %dma_start3A_12 = tpu.memref_slice %arg7[%dma_start3A, %dma_start3A_11] : memref<160x128xi32, #tpu.memory_space<vmem>> -> memref<1x128xi32, #tpu.memory_space<vmem>>
    %dma_start3A_13 = tpu.memref_squeeze %dma_start3A_12 : memref<1x128xi32, #tpu.memory_space<vmem>> -> memref<128xi32, #tpu.memory_space<vmem>>
    %dma_start3A_14 = arith.constant 0 : i32
    %dma_start3A_15 = tpu.memref_slice %arg4[%dma_start3A_14] : memref<10240xf32, #tpu.memory_space<vmem_shared>> -> memref<10240xf32, #tpu.memory_space<vmem_shared>>
    tpu.enqueue_indirect_dma source(%arg6 : memref<128xf32, #tpu.memory_space<vmem>>) target(%dma_start3A_15 : memref<10240xf32, #tpu.memory_space<vmem_shared>>) offsets(%dma_start3A_13 : memref<128xi32, #tpu.memory_space<vmem>>) semaphore(%arg8 : memref<!tpu.dma_semaphore, #tpu.memory_space<semaphore_mem>>) {add = true}
    %dma_start3A_16 = arith.constant 1 : i32
    %dma_start3A_17 = arith.constant 0 : i32
    %dma_start3A_18 = tpu.memref_slice %arg7[%dma_start3A_16, %dma_start3A_17] : memref<160x128xi32, #tpu.memory_space<vmem>> -> memref<1x128xi32, #tpu.memory_space<vmem>>
    %dma_start3A_19 = tpu.memref_squeeze %dma_start3A_18 : memref<1x128xi32, #tpu.memory_space<vmem>> -> memref<128xi32, #tpu.memory_space<vmem>>
    %dma_start3A_20 = arith.constant 0 : i32
    %dma_start3A_21 = tpu.memref_slice %arg4[%dma_start3A_20] : memref<10240xf32, #tpu.memory_space<vmem_shared>> -> memref<10240xf32, #tpu.memory_space<vmem_shared>>
    tpu.enqueue_indirect_dma source(%arg6 : memref<128xf32, #tpu.memory_space<vmem>>) target(%dma_start3A_21 : memref<10240xf32, #tpu.memory_space<vmem_shared>>) offsets(%dma_start3A_19 : memref<128xi32, #tpu.memory_space<vmem>>) semaphore(%arg8 : memref<!tpu.dma_semaphore, #tpu.memory_space<semaphore_mem>>) {add = true}
    %dma_start3A_22 = arith.constant 2 : i32
    %dma_start3A_23 = arith.constant 0 : i32
    %dma_start3A_24 = tpu.memref_slice %arg7[%dma_start3A_22, %dma_start3A_23] : memref<160x128xi32, #tpu.memory_space<vmem>> -> memref<1x128xi32, #tpu.memory_space<vmem>>
    %dma_start3A_25 = tpu.memref_squeeze %dma_start3A_24 : memref<1x128xi32, #tpu.memory_space<vmem>> -> memref<128xi32, #tpu.memory_space<vmem>>
    %dma_start3A_26 = arith.constant 0 : i32
    %dma_start3A_27 = tpu.memref_slice %arg4[%dma_start3A_26] : memref<10240xf32, #tpu.memory_space<vmem_shared>> -> memref<10240xf32, #tpu.memory_space<vmem_shared>>
    tpu.enqueue_indirect_dma source(%arg6 : memref<128xf32, #tpu.memory_space<vmem>>) target(%dma_start3A_27 : memref<10240xf32, #tpu.memory_space<vmem_shared>>) offsets(%dma_start3A_25 : memref<128xi32, #tpu.memory_space<vmem>>) semaphore(%arg8 : memref<!tpu.dma_semaphore, #tpu.memory_space<semaphore_mem>>) {add = true}
    %dma_start3A_28 = arith.constant 3 : i32
    %dma_start3A_29 = arith.constant 0 : i32
    %dma_start3A_30 = tpu.memref_slice %arg7[%dma_start3A_28, %dma_start3A_29] : memref<160x128xi32, #tpu.memory_space<vmem>> -> memref<1x128xi32, #tpu.memory_space<vmem>>
    %dma_start3A_31 = tpu.memref_squeeze %dma_start3A_30 : memref<1x128xi32, #tpu.memory_space<vmem>> -> memref<128xi32, #tpu.memory_space<vmem>>
    %dma_start3A_32 = arith.constant 0 : i32
    %dma_start3A_33 = tpu.memref_slice %arg4[%dma_start3A_32] : memref<10240xf32, #tpu.memory_space<vmem_shared>> -> memref<10240xf32, #tpu.memory_space<vmem_shared>>
    tpu.enqueue_indirect_dma source(%arg6 : memref<128xf32, #tpu.memory_space<vmem>>) target(%dma_start3A_33 : memref<10240xf32, #tpu.memory_space<vmem_shared>>) offsets(%dma_start3A_31 : memref<128xi32, #tpu.memory_space<vmem>>) semaphore(%arg8 : memref<!tpu.dma_semaphore, #tpu.memory_space<semaphore_mem>>) {add = true}
    %dma_start3A_34 = arith.constant 4 : i32
    %dma_start3A_35 = arith.constant 0 : i32
    %dma_start3A_36 = tpu.memref_slice %arg7[%dma_start3A_34, %dma_start3A_35] : memref<160x128xi32, #tpu.memory_space<vmem>> -> memref<1x128xi32, #tpu.memory_space<vmem>>
    %dma_start3A_37 = tpu.memref_squeeze %dma_start3A_36 : memref<1x128xi32, #tpu.memory_space<vmem>> -> memref<128xi32, #tpu.memory_space<vmem>>
    %dma_start3A_38 = arith.constant 0 : i32
    %dma_start3A_39 = tpu.memref_slice %arg4[%dma_start3A_38] : memref<10240xf32, #tpu.memory_space<vmem_shared>> -> memref<10240xf32, #tpu.memory_space<vmem_shared>>
    tpu.enqueue_indirect_dma source(%arg6 : memref<128xf32, #tpu.memory_space<vmem>>) target(%dma_start3A_39 : memref<10240xf32, #tpu.memory_space<vmem_shared>>) offsets(%dma_start3A_37 : memref<128xi32, #tpu.memory_space<vmem>>) semaphore(%arg8 : memref<!tpu.dma_semaphore, #tpu.memory_space<semaphore_mem>>) {add = true}
    %dma_start3A_40 = arith.constant 5 : i32
    %dma_start3A_41 = arith.constant 0 : i32
    %dma_start3A_42 = tpu.memref_slice %arg7[%dma_start3A_40, %dma_start3A_41] : memref<160x128xi32, #tpu.memory_space<vmem>> -> memref<1x128xi32, #tpu.memory_space<vmem>>
    %dma_start3A_43 = tpu.memref_squeeze %dma_start3A_42 : memref<1x128xi32, #tpu.memory_space<vmem>> -> memref<128xi32, #tpu.memory_space<vmem>>
    %dma_start3A_44 = arith.constant 0 : i32
    %dma_start3A_45 = tpu.memref_slice %arg4[%dma_start3A_44] : memref<10240xf32, #tpu.memory_space<vmem_shared>> -> memref<10240xf32, #tpu.memory_space<vmem_shared>>
    tpu.enqueue_indirect_dma source(%arg6 : memref<128xf32, #tpu.memory_space<vmem>>) target(%dma_start3A_45 : memref<10240xf32, #tpu.memory_space<vmem_shared>>) offsets(%dma_start3A_43 : memref<128xi32, #tpu.memory_space<vmem>>) semaphore(%arg8 : memref<!tpu.dma_semaphore, #tpu.memory_space<semaphore_mem>>) {add = true}
    %dma_start3A_46 = arith.constant 6 : i32
    %dma_start3A_47 = arith.constant 0 : i32
    %dma_start3A_48 = tpu.memref_slice %arg7[%dma_start3A_46, %dma_start3A_47] : memref<160x128xi32, #tpu.memory_space<vmem>> -> memref<1x128xi32, #tpu.memory_space<vmem>>
    %dma_start3A_49 = tpu.memref_squeeze %dma_start3A_48 : memref<1x128xi32, #tpu.memory_space<vmem>> -> memref<128xi32, #tpu.memory_space<vmem>>
    %dma_start3A_50 = arith.constant 0 : i32
    %dma_start3A_51 = tpu.memref_slice %arg4[%dma_start3A_50] : memref<10240xf32, #tpu.memory_space<vmem_shared>> -> memref<10240xf32, #tpu.memory_space<vmem_shared>>
    tpu.enqueue_indirect_dma source(%arg6 : memref<128xf32, #tpu.memory_space<vmem>>) target(%dma_start3A_51 : memref<10240xf32, #tpu.memory_space<vmem_shared>>) offsets(%dma_start3A_49 : memref<128xi32, #tpu.memory_space<vmem>>) semaphore(%arg8 : memref<!tpu.dma_semaphore, #tpu.memory_space<semaphore_mem>>) {add = true}
    %dma_start3A_52 = arith.constant 7 : i32
    %dma_start3A_53 = arith.constant 0 : i32
    %dma_start3A_54 = tpu.memref_slice %arg7[%dma_start3A_52, %dma_start3A_53] : memref<160x128xi32, #tpu.memory_space<vmem>> -> memref<1x128xi32, #tpu.memory_space<vmem>>
    %dma_start3A_55 = tpu.memref_squeeze %dma_start3A_54 : memref<1x128xi32, #tpu.memory_space<vmem>> -> memref<128xi32, #tpu.memory_space<vmem>>
    %dma_start3A_56 = arith.constant 0 : i32
    %dma_start3A_57 = tpu.memref_slice %arg4[%dma_start3A_56] : memref<10240xf32, #tpu.memory_space<vmem_shared>> -> memref<10240xf32, #tpu.memory_space<vmem_shared>>
    tpu.enqueue_indirect_dma source(%arg6 : memref<128xf32, #tpu.memory_space<vmem>>) target(%dma_start3A_57 : memref<10240xf32, #tpu.memory_space<vmem_shared>>) offsets(%dma_start3A_55 : memref<128xi32, #tpu.memory_space<vmem>>) semaphore(%arg8 : memref<!tpu.dma_semaphore, #tpu.memory_space<semaphore_mem>>) {add = true}
    %scan3A_58 = arith.constant 0 : i32
    %scan3A_59 = arith.constant 0 : i32
    %scan3A_60 = arith.constant 20 : i32
    %scan3A_61 = arith.addi %scan3A_59, %scan3A_60 : i32
    %scan3A_62 = arith.constant 1 : i32
    %scan3A_63 = scf.for %scan3A_74 = %scan3A_59 to %scan3A_61 step %scan3A_62 iter_args(%scan3A_75 = %scan3A_58) -> (i32)  : i32 {
      %mul3A_76 = arith.constant 8 : i32
      %mul3A_77 = arith.muli %scan3A_74, %mul3A_76 : i32
      %lt3A = arith.constant 19 : i32
      %lt3A_78 = arith.cmpi slt, %scan3A_74, %lt3A : i32
      %convert_element_type3A = arith.extui %lt3A_78 : i1 to i32
      %cond3A = arith.constant 0 : i32
      %cond3A_79 = arith.cmpi ne, %convert_element_type3A, %cond3A : i32
      scf.if %cond3A_79 {
        %add3A_136 = arith.constant 8 : i32
        %add3A_137 = arith.addi %mul3A_77, %add3A_136 : i32
        %add3A_138 = arith.constant 0 : i32
        %add3A_139 = arith.addi %add3A_137, %add3A_138 : i32
        %dma_start3A_140 = arith.constant 0 : i32
        %dma_start3A_141 = tpu.memref_slice %arg7[%add3A_139, %dma_start3A_140] : memref<160x128xi32, #tpu.memory_space<vmem>> -> memref<1x128xi32, #tpu.memory_space<vmem>>
        %dma_start3A_142 = tpu.memref_squeeze %dma_start3A_141 : memref<1x128xi32, #tpu.memory_space<vmem>> -> memref<128xi32, #tpu.memory_space<vmem>>
        %dma_start3A_143 = arith.constant 0 : i32
        %dma_start3A_144 = tpu.memref_slice %arg4[%dma_start3A_143] : memref<10240xf32, #tpu.memory_space<vmem_shared>> -> memref<10240xf32, #tpu.memory_space<vmem_shared>>
        tpu.enqueue_indirect_dma source(%arg6 : memref<128xf32, #tpu.memory_space<vmem>>) target(%dma_start3A_144 : memref<10240xf32, #tpu.memory_space<vmem_shared>>) offsets(%dma_start3A_142 : memref<128xi32, #tpu.memory_space<vmem>>) semaphore(%arg8 : memref<!tpu.dma_semaphore, #tpu.memory_space<semaphore_mem>>) {add = true}
        %add3A_145 = arith.constant 8 : i32
        %add3A_146 = arith.addi %mul3A_77, %add3A_145 : i32
        %add3A_147 = arith.constant 1 : i32
        %add3A_148 = arith.addi %add3A_146, %add3A_147 : i32
        %dma_start3A_149 = arith.constant 0 : i32
        %dma_start3A_150 = tpu.memref_slice %arg7[%add3A_148, %dma_start3A_149] : memref<160x128xi32, #tpu.memory_space<vmem>> -> memref<1x128xi32, #tpu.memory_space<vmem>>
        %dma_start3A_151 = tpu.memref_squeeze %dma_start3A_150 : memref<1x128xi32, #tpu.memory_space<vmem>> -> memref<128xi32, #tpu.memory_space<vmem>>
        %dma_start3A_152 = arith.constant 0 : i32
        %dma_start3A_153 = tpu.memref_slice %arg4[%dma_start3A_152] : memref<10240xf32, #tpu.memory_space<vmem_shared>> -> memref<10240xf32, #tpu.memory_space<vmem_shared>>
        tpu.enqueue_indirect_dma source(%arg6 : memref<128xf32, #tpu.memory_space<vmem>>) target(%dma_start3A_153 : memref<10240xf32, #tpu.memory_space<vmem_shared>>) offsets(%dma_start3A_151 : memref<128xi32, #tpu.memory_space<vmem>>) semaphore(%arg8 : memref<!tpu.dma_semaphore, #tpu.memory_space<semaphore_mem>>) {add = true}
        %add3A_154 = arith.constant 8 : i32
        %add3A_155 = arith.addi %mul3A_77, %add3A_154 : i32
        %add3A_156 = arith.constant 2 : i32
        %add3A_157 = arith.addi %add3A_155, %add3A_156 : i32
        %dma_start3A_158 = arith.constant 0 : i32
        %dma_start3A_159 = tpu.memref_slice %arg7[%add3A_157, %dma_start3A_158] : memref<160x128xi32, #tpu.memory_space<vmem>> -> memref<1x128xi32, #tpu.memory_space<vmem>>
        %dma_start3A_160 = tpu.memref_squeeze %dma_start3A_159 : memref<1x128xi32, #tpu.memory_space<vmem>> -> memref<128xi32, #tpu.memory_space<vmem>>
        %dma_start3A_161 = arith.constant 0 : i32
        %dma_start3A_162 = tpu.memref_slice %arg4[%dma_start3A_161] : memref<10240xf32, #tpu.memory_space<vmem_shared>> -> memref<10240xf32, #tpu.memory_space<vmem_shared>>
        tpu.enqueue_indirect_dma source(%arg6 : memref<128xf32, #tpu.memory_space<vmem>>) target(%dma_start3A_162 : memref<10240xf32, #tpu.memory_space<vmem_shared>>) offsets(%dma_start3A_160 : memref<128xi32, #tpu.memory_space<vmem>>) semaphore(%arg8 : memref<!tpu.dma_semaphore, #tpu.memory_space<semaphore_mem>>) {add = true}
        %add3A_163 = arith.constant 8 : i32
        %add3A_164 = arith.addi %mul3A_77, %add3A_163 : i32
        %add3A_165 = arith.constant 3 : i32
        %add3A_166 = arith.addi %add3A_164, %add3A_165 : i32
        %dma_start3A_167 = arith.constant 0 : i32
        %dma_start3A_168 = tpu.memref_slice %arg7[%add3A_166, %dma_start3A_167] : memref<160x128xi32, #tpu.memory_space<vmem>> -> memref<1x128xi32, #tpu.memory_space<vmem>>
        %dma_start3A_169 = tpu.memref_squeeze %dma_start3A_168 : memref<1x128xi32, #tpu.memory_space<vmem>> -> memref<128xi32, #tpu.memory_space<vmem>>
        %dma_start3A_170 = arith.constant 0 : i32
        %dma_start3A_171 = tpu.memref_slice %arg4[%dma_start3A_170] : memref<10240xf32, #tpu.memory_space<vmem_shared>> -> memref<10240xf32, #tpu.memory_space<vmem_shared>>
        tpu.enqueue_indirect_dma source(%arg6 : memref<128xf32, #tpu.memory_space<vmem>>) target(%dma_start3A_171 : memref<10240xf32, #tpu.memory_space<vmem_shared>>) offsets(%dma_start3A_169 : memref<128xi32, #tpu.memory_space<vmem>>) semaphore(%arg8 : memref<!tpu.dma_semaphore, #tpu.memory_space<semaphore_mem>>) {add = true}
        %add3A_172 = arith.constant 8 : i32
        %add3A_173 = arith.addi %mul3A_77, %add3A_172 : i32
        %add3A_174 = arith.constant 4 : i32
        %add3A_175 = arith.addi %add3A_173, %add3A_174 : i32
        %dma_start3A_176 = arith.constant 0 : i32
        %dma_start3A_177 = tpu.memref_slice %arg7[%add3A_175, %dma_start3A_176] : memref<160x128xi32, #tpu.memory_space<vmem>> -> memref<1x128xi32, #tpu.memory_space<vmem>>
        %dma_start3A_178 = tpu.memref_squeeze %dma_start3A_177 : memref<1x128xi32, #tpu.memory_space<vmem>> -> memref<128xi32, #tpu.memory_space<vmem>>
        %dma_start3A_179 = arith.constant 0 : i32
        %dma_start3A_180 = tpu.memref_slice %arg4[%dma_start3A_179] : memref<10240xf32, #tpu.memory_space<vmem_shared>> -> memref<10240xf32, #tpu.memory_space<vmem_shared>>
        tpu.enqueue_indirect_dma source(%arg6 : memref<128xf32, #tpu.memory_space<vmem>>) target(%dma_start3A_180 : memref<10240xf32, #tpu.memory_space<vmem_shared>>) offsets(%dma_start3A_178 : memref<128xi32, #tpu.memory_space<vmem>>) semaphore(%arg8 : memref<!tpu.dma_semaphore, #tpu.memory_space<semaphore_mem>>) {add = true}
        %add3A_181 = arith.constant 8 : i32
        %add3A_182 = arith.addi %mul3A_77, %add3A_181 : i32
        %add3A_183 = arith.constant 5 : i32
        %add3A_184 = arith.addi %add3A_182, %add3A_183 : i32
        %dma_start3A_185 = arith.constant 0 : i32
        %dma_start3A_186 = tpu.memref_slice %arg7[%add3A_184, %dma_start3A_185] : memref<160x128xi32, #tpu.memory_space<vmem>> -> memref<1x128xi32, #tpu.memory_space<vmem>>
        %dma_start3A_187 = tpu.memref_squeeze %dma_start3A_186 : memref<1x128xi32, #tpu.memory_space<vmem>> -> memref<128xi32, #tpu.memory_space<vmem>>
        %dma_start3A_188 = arith.constant 0 : i32
        %dma_start3A_189 = tpu.memref_slice %arg4[%dma_start3A_188] : memref<10240xf32, #tpu.memory_space<vmem_shared>> -> memref<10240xf32, #tpu.memory_space<vmem_shared>>
        tpu.enqueue_indirect_dma source(%arg6 : memref<128xf32, #tpu.memory_space<vmem>>) target(%dma_start3A_189 : memref<10240xf32, #tpu.memory_space<vmem_shared>>) offsets(%dma_start3A_187 : memref<128xi32, #tpu.memory_space<vmem>>) semaphore(%arg8 : memref<!tpu.dma_semaphore, #tpu.memory_space<semaphore_mem>>) {add = true}
        %add3A_190 = arith.constant 8 : i32
        %add3A_191 = arith.addi %mul3A_77, %add3A_190 : i32
        %add3A_192 = arith.constant 6 : i32
        %add3A_193 = arith.addi %add3A_191, %add3A_192 : i32
        %dma_start3A_194 = arith.constant 0 : i32
        %dma_start3A_195 = tpu.memref_slice %arg7[%add3A_193, %dma_start3A_194] : memref<160x128xi32, #tpu.memory_space<vmem>> -> memref<1x128xi32, #tpu.memory_space<vmem>>
        %dma_start3A_196 = tpu.memref_squeeze %dma_start3A_195 : memref<1x128xi32, #tpu.memory_space<vmem>> -> memref<128xi32, #tpu.memory_space<vmem>>
        %dma_start3A_197 = arith.constant 0 : i32
        %dma_start3A_198 = tpu.memref_slice %arg4[%dma_start3A_197] : memref<10240xf32, #tpu.memory_space<vmem_shared>> -> memref<10240xf32, #tpu.memory_space<vmem_shared>>
        tpu.enqueue_indirect_dma source(%arg6 : memref<128xf32, #tpu.memory_space<vmem>>) target(%dma_start3A_198 : memref<10240xf32, #tpu.memory_space<vmem_shared>>) offsets(%dma_start3A_196 : memref<128xi32, #tpu.memory_space<vmem>>) semaphore(%arg8 : memref<!tpu.dma_semaphore, #tpu.memory_space<semaphore_mem>>) {add = true}
        %add3A_199 = arith.constant 8 : i32
        %add3A_200 = arith.addi %mul3A_77, %add3A_199 : i32
        %add3A_201 = arith.constant 7 : i32
        %add3A_202 = arith.addi %add3A_200, %add3A_201 : i32
        %dma_start3A_203 = arith.constant 0 : i32
        %dma_start3A_204 = tpu.memref_slice %arg7[%add3A_202, %dma_start3A_203] : memref<160x128xi32, #tpu.memory_space<vmem>> -> memref<1x128xi32, #tpu.memory_space<vmem>>
        %dma_start3A_205 = tpu.memref_squeeze %dma_start3A_204 : memref<1x128xi32, #tpu.memory_space<vmem>> -> memref<128xi32, #tpu.memory_space<vmem>>
        %dma_start3A_206 = arith.constant 0 : i32
        %dma_start3A_207 = tpu.memref_slice %arg4[%dma_start3A_206] : memref<10240xf32, #tpu.memory_space<vmem_shared>> -> memref<10240xf32, #tpu.memory_space<vmem_shared>>
        tpu.enqueue_indirect_dma source(%arg6 : memref<128xf32, #tpu.memory_space<vmem>>) target(%dma_start3A_207 : memref<10240xf32, #tpu.memory_space<vmem_shared>>) offsets(%dma_start3A_205 : memref<128xi32, #tpu.memory_space<vmem>>) semaphore(%arg8 : memref<!tpu.dma_semaphore, #tpu.memory_space<semaphore_mem>>) {add = true}
      } else {
      }
      %add3A_80 = arith.constant 0 : i32
      %add3A_81 = arith.addi %mul3A_77, %add3A_80 : i32
      %dma_wait3A = arith.constant 0 : i32
      %dma_wait3A_82 = tpu.memref_slice %arg7[%add3A_81, %dma_wait3A] : memref<160x128xi32, #tpu.memory_space<vmem>> -> memref<1x128xi32, #tpu.memory_space<vmem>>
      %dma_wait3A_83 = tpu.memref_squeeze %dma_wait3A_82 : memref<1x128xi32, #tpu.memory_space<vmem>> -> memref<128xi32, #tpu.memory_space<vmem>>
      %dma_wait3A_84 = arith.constant 0 : i32
      %dma_wait3A_85 = tpu.memref_slice %arg4[%dma_wait3A_84] : memref<10240xf32, #tpu.memory_space<vmem_shared>> -> memref<10240xf32, #tpu.memory_space<vmem_shared>>
      tpu.wait_indirect_dma semaphore(%arg8 : memref<!tpu.dma_semaphore, #tpu.memory_space<semaphore_mem>>) src(%arg6 : memref<128xf32, #tpu.memory_space<vmem>>) dst(%dma_wait3A_85 : memref<10240xf32, #tpu.memory_space<vmem_shared>>)
      %add3A_86 = arith.constant 1 : i32
      %add3A_87 = arith.addi %mul3A_77, %add3A_86 : i32
      %dma_wait3A_88 = arith.constant 0 : i32
      %dma_wait3A_89 = tpu.memref_slice %arg7[%add3A_87, %dma_wait3A_88] : memref<160x128xi32, #tpu.memory_space<vmem>> -> memref<1x128xi32, #tpu.memory_space<vmem>>
      %dma_wait3A_90 = tpu.memref_squeeze %dma_wait3A_89 : memref<1x128xi32, #tpu.memory_space<vmem>> -> memref<128xi32, #tpu.memory_space<vmem>>
      %dma_wait3A_91 = arith.constant 0 : i32
      %dma_wait3A_92 = tpu.memref_slice %arg4[%dma_wait3A_91] : memref<10240xf32, #tpu.memory_space<vmem_shared>> -> memref<10240xf32, #tpu.memory_space<vmem_shared>>
      tpu.wait_indirect_dma semaphore(%arg8 : memref<!tpu.dma_semaphore, #tpu.memory_space<semaphore_mem>>) src(%arg6 : memref<128xf32, #tpu.memory_space<vmem>>) dst(%dma_wait3A_92 : memref<10240xf32, #tpu.memory_space<vmem_shared>>)
      %add3A_93 = arith.constant 2 : i32
      %add3A_94 = arith.addi %mul3A_77, %add3A_93 : i32
      %dma_wait3A_95 = arith.constant 0 : i32
      %dma_wait3A_96 = tpu.memref_slice %arg7[%add3A_94, %dma_wait3A_95] : memref<160x128xi32, #tpu.memory_space<vmem>> -> memref<1x128xi32, #tpu.memory_space<vmem>>
      %dma_wait3A_97 = tpu.memref_squeeze %dma_wait3A_96 : memref<1x128xi32, #tpu.memory_space<vmem>> -> memref<128xi32, #tpu.memory_space<vmem>>
      %dma_wait3A_98 = arith.constant 0 : i32
      %dma_wait3A_99 = tpu.memref_slice %arg4[%dma_wait3A_98] : memref<10240xf32, #tpu.memory_space<vmem_shared>> -> memref<10240xf32, #tpu.memory_space<vmem_shared>>
      tpu.wait_indirect_dma semaphore(%arg8 : memref<!tpu.dma_semaphore, #tpu.memory_space<semaphore_mem>>) src(%arg6 : memref<128xf32, #tpu.memory_space<vmem>>) dst(%dma_wait3A_99 : memref<10240xf32, #tpu.memory_space<vmem_shared>>)
      %add3A_100 = arith.constant 3 : i32
      %add3A_101 = arith.addi %mul3A_77, %add3A_100 : i32
      %dma_wait3A_102 = arith.constant 0 : i32
      %dma_wait3A_103 = tpu.memref_slice %arg7[%add3A_101, %dma_wait3A_102] : memref<160x128xi32, #tpu.memory_space<vmem>> -> memref<1x128xi32, #tpu.memory_space<vmem>>
      %dma_wait3A_104 = tpu.memref_squeeze %dma_wait3A_103 : memref<1x128xi32, #tpu.memory_space<vmem>> -> memref<128xi32, #tpu.memory_space<vmem>>
      %dma_wait3A_105 = arith.constant 0 : i32
      %dma_wait3A_106 = tpu.memref_slice %arg4[%dma_wait3A_105] : memref<10240xf32, #tpu.memory_space<vmem_shared>> -> memref<10240xf32, #tpu.memory_space<vmem_shared>>
      tpu.wait_indirect_dma semaphore(%arg8 : memref<!tpu.dma_semaphore, #tpu.memory_space<semaphore_mem>>) src(%arg6 : memref<128xf32, #tpu.memory_space<vmem>>) dst(%dma_wait3A_106 : memref<10240xf32, #tpu.memory_space<vmem_shared>>)
      %add3A_107 = arith.constant 4 : i32
      %add3A_108 = arith.addi %mul3A_77, %add3A_107 : i32
      %dma_wait3A_109 = arith.constant 0 : i32
      %dma_wait3A_110 = tpu.memref_slice %arg7[%add3A_108, %dma_wait3A_109] : memref<160x128xi32, #tpu.memory_space<vmem>> -> memref<1x128xi32, #tpu.memory_space<vmem>>
      %dma_wait3A_111 = tpu.memref_squeeze %dma_wait3A_110 : memref<1x128xi32, #tpu.memory_space<vmem>> -> memref<128xi32, #tpu.memory_space<vmem>>
      %dma_wait3A_112 = arith.constant 0 : i32
      %dma_wait3A_113 = tpu.memref_slice %arg4[%dma_wait3A_112] : memref<10240xf32, #tpu.memory_space<vmem_shared>> -> memref<10240xf32, #tpu.memory_space<vmem_shared>>
      tpu.wait_indirect_dma semaphore(%arg8 : memref<!tpu.dma_semaphore, #tpu.memory_space<semaphore_mem>>) src(%arg6 : memref<128xf32, #tpu.memory_space<vmem>>) dst(%dma_wait3A_113 : memref<10240xf32, #tpu.memory_space<vmem_shared>>)
      %add3A_114 = arith.constant 5 : i32
      %add3A_115 = arith.addi %mul3A_77, %add3A_114 : i32
      %dma_wait3A_116 = arith.constant 0 : i32
      %dma_wait3A_117 = tpu.memref_slice %arg7[%add3A_115, %dma_wait3A_116] : memref<160x128xi32, #tpu.memory_space<vmem>> -> memref<1x128xi32, #tpu.memory_space<vmem>>
      %dma_wait3A_118 = tpu.memref_squeeze %dma_wait3A_117 : memref<1x128xi32, #tpu.memory_space<vmem>> -> memref<128xi32, #tpu.memory_space<vmem>>
      %dma_wait3A_119 = arith.constant 0 : i32
      %dma_wait3A_120 = tpu.memref_slice %arg4[%dma_wait3A_119] : memref<10240xf32, #tpu.memory_space<vmem_shared>> -> memref<10240xf32, #tpu.memory_space<vmem_shared>>
      tpu.wait_indirect_dma semaphore(%arg8 : memref<!tpu.dma_semaphore, #tpu.memory_space<semaphore_mem>>) src(%arg6 : memref<128xf32, #tpu.memory_space<vmem>>) dst(%dma_wait3A_120 : memref<10240xf32, #tpu.memory_space<vmem_shared>>)
      %add3A_121 = arith.constant 6 : i32
      %add3A_122 = arith.addi %mul3A_77, %add3A_121 : i32
      %dma_wait3A_123 = arith.constant 0 : i32
      %dma_wait3A_124 = tpu.memref_slice %arg7[%add3A_122, %dma_wait3A_123] : memref<160x128xi32, #tpu.memory_space<vmem>> -> memref<1x128xi32, #tpu.memory_space<vmem>>
      %dma_wait3A_125 = tpu.memref_squeeze %dma_wait3A_124 : memref<1x128xi32, #tpu.memory_space<vmem>> -> memref<128xi32, #tpu.memory_space<vmem>>
      %dma_wait3A_126 = arith.constant 0 : i32
      %dma_wait3A_127 = tpu.memref_slice %arg4[%dma_wait3A_126] : memref<10240xf32, #tpu.memory_space<vmem_shared>> -> memref<10240xf32, #tpu.memory_space<vmem_shared>>
      tpu.wait_indirect_dma semaphore(%arg8 : memref<!tpu.dma_semaphore, #tpu.memory_space<semaphore_mem>>) src(%arg6 : memref<128xf32, #tpu.memory_space<vmem>>) dst(%dma_wait3A_127 : memref<10240xf32, #tpu.memory_space<vmem_shared>>)
      %add3A_128 = arith.constant 7 : i32
      %add3A_129 = arith.addi %mul3A_77, %add3A_128 : i32
      %dma_wait3A_130 = arith.constant 0 : i32
      %dma_wait3A_131 = tpu.memref_slice %arg7[%add3A_129, %dma_wait3A_130] : memref<160x128xi32, #tpu.memory_space<vmem>> -> memref<1x128xi32, #tpu.memory_space<vmem>>
      %dma_wait3A_132 = tpu.memref_squeeze %dma_wait3A_131 : memref<1x128xi32, #tpu.memory_space<vmem>> -> memref<128xi32, #tpu.memory_space<vmem>>
      %dma_wait3A_133 = arith.constant 0 : i32
      %dma_wait3A_134 = tpu.memref_slice %arg4[%dma_wait3A_133] : memref<10240xf32, #tpu.memory_space<vmem_shared>> -> memref<10240xf32, #tpu.memory_space<vmem_shared>>
      tpu.wait_indirect_dma semaphore(%arg8 : memref<!tpu.dma_semaphore, #tpu.memory_space<semaphore_mem>>) src(%arg6 : memref<128xf32, #tpu.memory_space<vmem>>) dst(%dma_wait3A_134 : memref<10240xf32, #tpu.memory_space<vmem_shared>>)
      %scan3A_135 = arith.constant 0 : i32
      scf.yield %scan3A_135 : i32
    }
    %scan3A_64 = arith.constant 20 : i32
    %barrier3A_65 = arith.constant 0 : index
    tpu.barrier barrier_id(%barrier3A_65)
    %mul3A_66 = arith.constant 10240 : i32
    %mul3A_67 = arith.muli %arg0, %mul3A_66 : i32
    %mul3A_68 = arith.constant 640 : i32
    %mul3A_69 = arith.muli %arg1, %mul3A_68 : i32
    %add3A_70 = arith.addi %mul3A_67, %mul3A_69 : i32
    %multiple_of3A_71 = tpu.assume_multiple %add3A_70, 8 : i32
    %mul3A_72 = arith.constant 640 : i32
    %mul3A_73 = arith.muli %arg1, %mul3A_72 : i32
    "tpu.region"() ({
      %run_scoped3A = tpu.sem_alloc : memref<!tpu.dma_semaphore, #tpu.memory_space<semaphore_mem>>
      %dma_start3A_74 = tpu.memref_slice %arg3[%multiple_of3A_71] : memref<20480xf32, #tpu.memory_space<hbm>> -> memref<640xf32, #tpu.memory_space<hbm>>
      %dma_start3A_75 = tpu.memref_slice %arg4[%mul3A_73] : memref<10240xf32, #tpu.memory_space<vmem_shared>> -> memref<640xf32, #tpu.memory_space<vmem_shared>>
      tpu.enqueue_dma source(%dma_start3A_75 : memref<640xf32, #tpu.memory_space<vmem_shared>>) target(%dma_start3A_74 : memref<640xf32, #tpu.memory_space<hbm>>) target_semaphore(%run_scoped3A : memref<!tpu.dma_semaphore, #tpu.memory_space<semaphore_mem>>)
      %dma_wait3A = tpu.memref_slice %arg3[%multiple_of3A_71] : memref<20480xf32, #tpu.memory_space<hbm>> -> memref<640xf32, #tpu.memory_space<hbm>>
      %dma_wait3A_76 = tpu.memref_slice %arg4[%mul3A_73] : memref<10240xf32, #tpu.memory_space<vmem_shared>> -> memref<640xf32, #tpu.memory_space<vmem_shared>>
      tpu.wait_dma2 semaphore(%run_scoped3A : memref<!tpu.dma_semaphore, #tpu.memory_space<semaphore_mem>>) src(%dma_wait3A_76 : memref<640xf32, #tpu.memory_space<vmem_shared>>) dst(%dma_wait3A : memref<640xf32, #tpu.memory_space<hbm>>)
      tpu.yield
    }) : () -> ()
    return
  }
}

#map = affine_map<(d0, d1) -> (0, 0)>
#map1 = affine_map<(d0, d1) -> (0, 0, 0)>
module attributes {stable_mosaic.version = 14 : i64} {
  func.func @_edge_body(%arg0: i32, %arg1: i32, %arg2: memref<20000x128xf32, #tpu.memory_space<hbm>>, %arg3: memref<5120x2x128xi32, #tpu.memory_space<hbm>>, %arg4: memref<20000x128xf32, #tpu.memory_space<hbm>>, %arg5: memref<10002x128xf32, #tpu.memory_space<vmem_shared>>, %arg6: memref<128x128xf32, #tpu.memory_space<vmem>>, %arg7: memref<128x128xf32, #tpu.memory_space<vmem>>, %arg8: memref<128x128xf32, #tpu.memory_space<vmem>>, %arg9: memref<2x128xi32, #tpu.memory_space<vmem>>, %arg10: memref<2x128xi32, #tpu.memory_space<vmem>>, %arg11: memref<2x128xi32, #tpu.memory_space<vmem>>, %arg12: memref<2x128xi32, #tpu.memory_space<vmem>>, %arg13: memref<2x128xi32, #tpu.memory_space<vmem>>, %arg14: memref<2x128xi32, #tpu.memory_space<vmem>>, %arg15: memref<3x!tpu.dma_semaphore, #tpu.memory_space<semaphore_mem>>, %arg16: memref<3x!tpu.dma_semaphore, #tpu.memory_space<semaphore_mem>>) attributes {dimension_semantics = [#tpu.dimension_semantics<core_parallel>, #tpu.dimension_semantics<subcore_parallel>], iteration_bounds = array<i64: 2, 16>, scalar_prefetch = 0 : i64, scratch_operands = 12 : i64, tpu.core_type = #tpu.core_type<sc_vector_subcore>, window_params = [{transform_indices = #map}, {transform_indices = #map1}, {transform_indices = #map}]} {
    %mul3A = arith.constant 624 : i32
    %mul3A_0 = arith.muli %arg1, %mul3A : i32
    %multiple_of3A = tpu.assume_multiple %mul3A_0, 8 : i32
    %mul3A_1 = arith.constant 10000 : i32
    %mul3A_2 = arith.muli %arg0, %mul3A_1 : i32
    %mul3A_3 = arith.constant 624 : i32
    %mul3A_4 = arith.muli %arg1, %mul3A_3 : i32
    %add3A = arith.addi %mul3A_2, %mul3A_4 : i32
    %multiple_of3A_5 = tpu.assume_multiple %add3A, 8 : i32
    "tpu.region"() ({
      %run_scoped3A = tpu.sem_alloc : memref<!tpu.dma_semaphore, #tpu.memory_space<semaphore_mem>>
      %dma_start3A_459 = arith.constant 0 : i32
      %dma_start3A_460 = tpu.memref_slice %arg5[%multiple_of3A, %dma_start3A_459] : memref<10002x128xf32, #tpu.memory_space<vmem_shared>> -> memref<624x128xf32, #tpu.memory_space<vmem_shared>>
      %dma_start3A_461 = arith.constant 0 : i32
      %dma_start3A_462 = tpu.memref_slice %arg2[%multiple_of3A_5, %dma_start3A_461] : memref<20000x128xf32, #tpu.memory_space<hbm>> -> memref<624x128xf32, #tpu.memory_space<hbm>>
      tpu.enqueue_dma source(%dma_start3A_462 : memref<624x128xf32, #tpu.memory_space<hbm>>) target(%dma_start3A_460 : memref<624x128xf32, #tpu.memory_space<vmem_shared>>) target_semaphore(%run_scoped3A : memref<!tpu.dma_semaphore, #tpu.memory_space<semaphore_mem>>)
      %dma_wait3A_463 = arith.constant 0 : i32
      %dma_wait3A_464 = tpu.memref_slice %arg5[%multiple_of3A, %dma_wait3A_463] : memref<10002x128xf32, #tpu.memory_space<vmem_shared>> -> memref<624x128xf32, #tpu.memory_space<vmem_shared>>
      %dma_wait3A_465 = arith.constant 0 : i32
      %dma_wait3A_466 = tpu.memref_slice %arg2[%multiple_of3A_5, %dma_wait3A_465] : memref<20000x128xf32, #tpu.memory_space<hbm>> -> memref<624x128xf32, #tpu.memory_space<hbm>>
      tpu.wait_dma2 semaphore(%run_scoped3A : memref<!tpu.dma_semaphore, #tpu.memory_space<semaphore_mem>>) src(%dma_wait3A_466 : memref<624x128xf32, #tpu.memory_space<hbm>>) dst(%dma_wait3A_464 : memref<624x128xf32, #tpu.memory_space<vmem_shared>>)
      tpu.yield
    }) : () -> ()
    %eq3A = arith.constant 0 : i32
    %eq3A_6 = arith.cmpi eq, %arg1, %eq3A : i32
    %convert_element_type3A = arith.extui %eq3A_6 : i1 to i32
    %cond3A = arith.constant 0 : i32
    %cond3A_7 = arith.cmpi ne, %convert_element_type3A, %cond3A : i32
    scf.if %cond3A_7 {
      %mul3A_459 = arith.constant 10000 : i32
      %mul3A_460 = arith.muli %arg0, %mul3A_459 : i32
      %add3A_461 = arith.constant 9984 : i32
      %add3A_462 = arith.addi %mul3A_460, %add3A_461 : i32
      %multiple_of3A_463 = tpu.assume_multiple %add3A_462, 8 : i32
      "tpu.region"() ({
        %run_scoped3A = tpu.sem_alloc : memref<!tpu.dma_semaphore, #tpu.memory_space<semaphore_mem>>
        %dma_start3A_464 = arith.constant 9984 : i32
        %dma_start3A_465 = arith.constant 0 : i32
        %dma_start3A_466 = tpu.memref_slice %arg5[%dma_start3A_464, %dma_start3A_465] : memref<10002x128xf32, #tpu.memory_space<vmem_shared>> -> memref<16x128xf32, #tpu.memory_space<vmem_shared>>
        %dma_start3A_467 = arith.constant 0 : i32
        %dma_start3A_468 = tpu.memref_slice %arg2[%multiple_of3A_463, %dma_start3A_467] : memref<20000x128xf32, #tpu.memory_space<hbm>> -> memref<16x128xf32, #tpu.memory_space<hbm>>
        tpu.enqueue_dma source(%dma_start3A_468 : memref<16x128xf32, #tpu.memory_space<hbm>>) target(%dma_start3A_466 : memref<16x128xf32, #tpu.memory_space<vmem_shared>>) target_semaphore(%run_scoped3A : memref<!tpu.dma_semaphore, #tpu.memory_space<semaphore_mem>>)
        %dma_wait3A_469 = arith.constant 9984 : i32
        %dma_wait3A_470 = arith.constant 0 : i32
        %dma_wait3A_471 = tpu.memref_slice %arg5[%dma_wait3A_469, %dma_wait3A_470] : memref<10002x128xf32, #tpu.memory_space<vmem_shared>> -> memref<16x128xf32, #tpu.memory_space<vmem_shared>>
        %dma_wait3A_472 = arith.constant 0 : i32
        %dma_wait3A_473 = tpu.memref_slice %arg2[%multiple_of3A_463, %dma_wait3A_472] : memref<20000x128xf32, #tpu.memory_space<hbm>> -> memref<16x128xf32, #tpu.memory_space<hbm>>
        tpu.wait_dma2 semaphore(%run_scoped3A : memref<!tpu.dma_semaphore, #tpu.memory_space<semaphore_mem>>) src(%dma_wait3A_473 : memref<16x128xf32, #tpu.memory_space<hbm>>) dst(%dma_wait3A_471 : memref<16x128xf32, #tpu.memory_space<vmem_shared>>)
        tpu.yield
      }) : () -> ()
    } else {
    }
    %mul3A_8 = arith.constant 2560 : i32
    %mul3A_9 = arith.muli %arg0, %mul3A_8 : i32
    %mul3A_10 = arith.constant 160 : i32
    %mul3A_11 = arith.muli %arg1, %mul3A_10 : i32
    %add3A_12 = arith.addi %mul3A_9, %mul3A_11 : i32
    %barrier3A = arith.constant 0 : index
    tpu.barrier barrier_id(%barrier3A)
    "tpu.region"() ({
      %run_scoped3A = tpu.sem_alloc : memref<!tpu.dma_semaphore, #tpu.memory_space<semaphore_mem>>
      %dma_start3A_459 = arith.constant 0 : i32
      %dma_start3A_460 = arith.constant 0 : i32
      %dma_start3A_461 = tpu.memref_slice %arg3[%add3A_12, %dma_start3A_459, %dma_start3A_460] : memref<5120x2x128xi32, #tpu.memory_space<hbm>> -> memref<1x2x128xi32, #tpu.memory_space<hbm>>
      %dma_start3A_462 = tpu.memref_squeeze %dma_start3A_461 : memref<1x2x128xi32, #tpu.memory_space<hbm>> -> memref<2x128xi32, #tpu.memory_space<hbm>>
      %dma_start3A_463 = arith.constant 0 : i32
      %dma_start3A_464 = arith.constant 0 : i32
      %dma_start3A_465 = tpu.memref_slice %arg3[%add3A_12, %dma_start3A_463, %dma_start3A_464] : memref<5120x2x128xi32, #tpu.memory_space<hbm>> -> memref<1x2x128xi32, #tpu.memory_space<hbm>>
      %dma_start3A_466 = tpu.memref_squeeze %dma_start3A_465 : memref<1x2x128xi32, #tpu.memory_space<hbm>> -> memref<2x128xi32, #tpu.memory_space<hbm>>
      tpu.enqueue_dma source(%dma_start3A_466 : memref<2x128xi32, #tpu.memory_space<hbm>>) target(%arg9 : memref<2x128xi32, #tpu.memory_space<vmem>>) target_semaphore(%run_scoped3A : memref<!tpu.dma_semaphore, #tpu.memory_space<semaphore_mem>>)
      %dma_wait3A_467 = arith.constant 0 : i32
      %dma_wait3A_468 = arith.constant 0 : i32
      %dma_wait3A_469 = tpu.memref_slice %arg3[%add3A_12, %dma_wait3A_467, %dma_wait3A_468] : memref<5120x2x128xi32, #tpu.memory_space<hbm>> -> memref<1x2x128xi32, #tpu.memory_space<hbm>>
      %dma_wait3A_470 = tpu.memref_squeeze %dma_wait3A_469 : memref<1x2x128xi32, #tpu.memory_space<hbm>> -> memref<2x128xi32, #tpu.memory_space<hbm>>
      %dma_wait3A_471 = arith.constant 0 : i32
      %dma_wait3A_472 = arith.constant 0 : i32
      %dma_wait3A_473 = tpu.memref_slice %arg3[%add3A_12, %dma_wait3A_471, %dma_wait3A_472] : memref<5120x2x128xi32, #tpu.memory_space<hbm>> -> memref<1x2x128xi32, #tpu.memory_space<hbm>>
      %dma_wait3A_474 = tpu.memref_squeeze %dma_wait3A_473 : memref<1x2x128xi32, #tpu.memory_space<hbm>> -> memref<2x128xi32, #tpu.memory_space<hbm>>
      tpu.wait_dma2 semaphore(%run_scoped3A : memref<!tpu.dma_semaphore, #tpu.memory_space<semaphore_mem>>) src(%dma_wait3A_474 : memref<2x128xi32, #tpu.memory_space<hbm>>) dst(%arg9 : memref<2x128xi32, #tpu.memory_space<vmem>>)
      tpu.yield
    }) : () -> ()
    %dma_start3A = arith.constant 0 : i32
    %dma_start3A_13 = arith.constant 0 : i32
    %dma_start3A_14 = arith.constant 0 : i32
    %dma_start3A_15 = tpu.memref_slice %arg9[%dma_start3A, %dma_start3A_14] : memref<2x128xi32, #tpu.memory_space<vmem>> -> memref<1x128xi32, #tpu.memory_space<vmem>>
    %dma_start3A_16 = tpu.memref_squeeze %dma_start3A_15 : memref<1x128xi32, #tpu.memory_space<vmem>> -> memref<128xi32, #tpu.memory_space<vmem>>
    %dma_start3A_17 = arith.constant 0 : i32
    %dma_start3A_18 = arith.constant 0 : i32
    %dma_start3A_19 = tpu.memref_slice %arg2[%dma_start3A_17, %dma_start3A_18] : memref<20000x128xf32, #tpu.memory_space<hbm>> -> memref<20000x128xf32, #tpu.memory_space<hbm>>
    %dma_start3A_20 = tpu.memref_slice %arg15[%dma_start3A_13] : memref<3x!tpu.dma_semaphore, #tpu.memory_space<semaphore_mem>> -> memref<1x!tpu.dma_semaphore, #tpu.memory_space<semaphore_mem>>
    %dma_start3A_21 = tpu.memref_squeeze %dma_start3A_20 : memref<1x!tpu.dma_semaphore, #tpu.memory_space<semaphore_mem>> -> memref<!tpu.dma_semaphore, #tpu.memory_space<semaphore_mem>>
    tpu.enqueue_indirect_dma source(%dma_start3A_19 : memref<20000x128xf32, #tpu.memory_space<hbm>>) target(%arg6 : memref<128x128xf32, #tpu.memory_space<vmem>>) offsets(%dma_start3A_16 : memref<128xi32, #tpu.memory_space<vmem>>) semaphore(%dma_start3A_21 : memref<!tpu.dma_semaphore, #tpu.memory_space<semaphore_mem>>)
    %add3A_22 = arith.constant 0 : i32
    %add3A_23 = arith.addi %add3A_12, %add3A_22 : i32
    %add3A_24 = arith.constant 1 : i32
    %add3A_25 = arith.addi %add3A_23, %add3A_24 : i32
    "tpu.region"() ({
      %run_scoped3A = tpu.sem_alloc : memref<!tpu.dma_semaphore, #tpu.memory_space<semaphore_mem>>
      %dma_start3A_459 = arith.constant 0 : i32
      %dma_start3A_460 = arith.constant 0 : i32
      %dma_start3A_461 = tpu.memref_slice %arg3[%add3A_25, %dma_start3A_459, %dma_start3A_460] : memref<5120x2x128xi32, #tpu.memory_space<hbm>> -> memref<1x2x128xi32, #tpu.memory_space<hbm>>
      %dma_start3A_462 = tpu.memref_squeeze %dma_start3A_461 : memref<1x2x128xi32, #tpu.memory_space<hbm>> -> memref<2x128xi32, #tpu.memory_space<hbm>>
      %dma_start3A_463 = arith.constant 0 : i32
      %dma_start3A_464 = arith.constant 0 : i32
      %dma_start3A_465 = tpu.memref_slice %arg3[%add3A_25, %dma_start3A_463, %dma_start3A_464] : memref<5120x2x128xi32, #tpu.memory_space<hbm>> -> memref<1x2x128xi32, #tpu.memory_space<hbm>>
      %dma_start3A_466 = tpu.memref_squeeze %dma_start3A_465 : memref<1x2x128xi32, #tpu.memory_space<hbm>> -> memref<2x128xi32, #tpu.memory_space<hbm>>
      tpu.enqueue_dma source(%dma_start3A_466 : memref<2x128xi32, #tpu.memory_space<hbm>>) target(%arg10 : memref<2x128xi32, #tpu.memory_space<vmem>>) target_semaphore(%run_scoped3A : memref<!tpu.dma_semaphore, #tpu.memory_space<semaphore_mem>>)
      %dma_wait3A_467 = arith.constant 0 : i32
      %dma_wait3A_468 = arith.constant 0 : i32
      %dma_wait3A_469 = tpu.memref_slice %arg3[%add3A_25, %dma_wait3A_467, %dma_wait3A_468] : memref<5120x2x128xi32, #tpu.memory_space<hbm>> -> memref<1x2x128xi32, #tpu.memory_space<hbm>>
      %dma_wait3A_470 = tpu.memref_squeeze %dma_wait3A_469 : memref<1x2x128xi32, #tpu.memory_space<hbm>> -> memref<2x128xi32, #tpu.memory_space<hbm>>
      %dma_wait3A_471 = arith.constant 0 : i32
      %dma_wait3A_472 = arith.constant 0 : i32
      %dma_wait3A_473 = tpu.memref_slice %arg3[%add3A_25, %dma_wait3A_471, %dma_wait3A_472] : memref<5120x2x128xi32, #tpu.memory_space<hbm>> -> memref<1x2x128xi32, #tpu.memory_space<hbm>>
      %dma_wait3A_474 = tpu.memref_squeeze %dma_wait3A_473 : memref<1x2x128xi32, #tpu.memory_space<hbm>> -> memref<2x128xi32, #tpu.memory_space<hbm>>
      tpu.wait_dma2 semaphore(%run_scoped3A : memref<!tpu.dma_semaphore, #tpu.memory_space<semaphore_mem>>) src(%dma_wait3A_474 : memref<2x128xi32, #tpu.memory_space<hbm>>) dst(%arg10 : memref<2x128xi32, #tpu.memory_space<vmem>>)
      tpu.yield
    }) : () -> ()
    %dma_wait3A = arith.constant 0 : i32
    %dma_wait3A_26 = arith.constant 0 : i32
    %dma_wait3A_27 = arith.constant 0 : i32
    %dma_wait3A_28 = tpu.memref_slice %arg9[%dma_wait3A, %dma_wait3A_27] : memref<2x128xi32, #tpu.memory_space<vmem>> -> memref<1x128xi32, #tpu.memory_space<vmem>>
    %dma_wait3A_29 = tpu.memref_squeeze %dma_wait3A_28 : memref<1x128xi32, #tpu.memory_space<vmem>> -> memref<128xi32, #tpu.memory_space<vmem>>
    %dma_wait3A_30 = arith.constant 0 : i32
    %dma_wait3A_31 = arith.constant 0 : i32
    %dma_wait3A_32 = tpu.memref_slice %arg2[%dma_wait3A_30, %dma_wait3A_31] : memref<20000x128xf32, #tpu.memory_space<hbm>> -> memref<20000x128xf32, #tpu.memory_space<hbm>>
    %dma_wait3A_33 = tpu.memref_slice %arg15[%dma_wait3A_26] : memref<3x!tpu.dma_semaphore, #tpu.memory_space<semaphore_mem>> -> memref<1x!tpu.dma_semaphore, #tpu.memory_space<semaphore_mem>>
    %dma_wait3A_34 = tpu.memref_squeeze %dma_wait3A_33 : memref<1x!tpu.dma_semaphore, #tpu.memory_space<semaphore_mem>> -> memref<!tpu.dma_semaphore, #tpu.memory_space<semaphore_mem>>
    tpu.wait_indirect_dma semaphore(%dma_wait3A_34 : memref<!tpu.dma_semaphore, #tpu.memory_space<semaphore_mem>>) src(%dma_wait3A_32 : memref<20000x128xf32, #tpu.memory_space<hbm>>) dst(%arg6 : memref<128x128xf32, #tpu.memory_space<vmem>>)
    %dma_start3A_35 = arith.constant 1 : i32
    %dma_start3A_36 = arith.constant 0 : i32
    %dma_start3A_37 = arith.constant 0 : i32
    %dma_start3A_38 = tpu.memref_slice %arg9[%dma_start3A_35, %dma_start3A_37] : memref<2x128xi32, #tpu.memory_space<vmem>> -> memref<1x128xi32, #tpu.memory_space<vmem>>
    %dma_start3A_39 = tpu.memref_squeeze %dma_start3A_38 : memref<1x128xi32, #tpu.memory_space<vmem>> -> memref<128xi32, #tpu.memory_space<vmem>>
    %dma_start3A_40 = arith.constant 0 : i32
    %dma_start3A_41 = arith.constant 0 : i32
    %dma_start3A_42 = tpu.memref_slice %arg5[%dma_start3A_40, %dma_start3A_41] : memref<10002x128xf32, #tpu.memory_space<vmem_shared>> -> memref<10002x128xf32, #tpu.memory_space<vmem_shared>>
    %dma_start3A_43 = tpu.memref_slice %arg16[%dma_start3A_36] : memref<3x!tpu.dma_semaphore, #tpu.memory_space<semaphore_mem>> -> memref<1x!tpu.dma_semaphore, #tpu.memory_space<semaphore_mem>>
    %dma_start3A_44 = tpu.memref_squeeze %dma_start3A_43 : memref<1x!tpu.dma_semaphore, #tpu.memory_space<semaphore_mem>> -> memref<!tpu.dma_semaphore, #tpu.memory_space<semaphore_mem>>
    tpu.enqueue_indirect_dma source(%arg6 : memref<128x128xf32, #tpu.memory_space<vmem>>) target(%dma_start3A_42 : memref<10002x128xf32, #tpu.memory_space<vmem_shared>>) offsets(%dma_start3A_39 : memref<128xi32, #tpu.memory_space<vmem>>) semaphore(%dma_start3A_44 : memref<!tpu.dma_semaphore, #tpu.memory_space<semaphore_mem>>) {add = true}
    %dma_start3A_45 = arith.constant 0 : i32
    %dma_start3A_46 = arith.constant 1 : i32
    %dma_start3A_47 = arith.constant 0 : i32
    %dma_start3A_48 = tpu.memref_slice %arg10[%dma_start3A_45, %dma_start3A_47] : memref<2x128xi32, #tpu.memory_space<vmem>> -> memref<1x128xi32, #tpu.memory_space<vmem>>
    %dma_start3A_49 = tpu.memref_squeeze %dma_start3A_48 : memref<1x128xi32, #tpu.memory_space<vmem>> -> memref<128xi32, #tpu.memory_space<vmem>>
    %dma_start3A_50 = arith.constant 0 : i32
    %dma_start3A_51 = arith.constant 0 : i32
    %dma_start3A_52 = tpu.memref_slice %arg2[%dma_start3A_50, %dma_start3A_51] : memref<20000x128xf32, #tpu.memory_space<hbm>> -> memref<20000x128xf32, #tpu.memory_space<hbm>>
    %dma_start3A_53 = tpu.memref_slice %arg15[%dma_start3A_46] : memref<3x!tpu.dma_semaphore, #tpu.memory_space<semaphore_mem>> -> memref<1x!tpu.dma_semaphore, #tpu.memory_space<semaphore_mem>>
    %dma_start3A_54 = tpu.memref_squeeze %dma_start3A_53 : memref<1x!tpu.dma_semaphore, #tpu.memory_space<semaphore_mem>> -> memref<!tpu.dma_semaphore, #tpu.memory_space<semaphore_mem>>
    tpu.enqueue_indirect_dma source(%dma_start3A_52 : memref<20000x128xf32, #tpu.memory_space<hbm>>) target(%arg7 : memref<128x128xf32, #tpu.memory_space<vmem>>) offsets(%dma_start3A_49 : memref<128xi32, #tpu.memory_space<vmem>>) semaphore(%dma_start3A_54 : memref<!tpu.dma_semaphore, #tpu.memory_space<semaphore_mem>>)
    %add3A_55 = arith.constant 1 : i32
    %add3A_56 = arith.addi %add3A_12, %add3A_55 : i32
    %add3A_57 = arith.constant 1 : i32
    %add3A_58 = arith.addi %add3A_56, %add3A_57 : i32
    "tpu.region"() ({
      %run_scoped3A = tpu.sem_alloc : memref<!tpu.dma_semaphore, #tpu.memory_space<semaphore_mem>>
      %dma_start3A_459 = arith.constant 0 : i32
      %dma_start3A_460 = arith.constant 0 : i32
      %dma_start3A_461 = tpu.memref_slice %arg3[%add3A_58, %dma_start3A_459, %dma_start3A_460] : memref<5120x2x128xi32, #tpu.memory_space<hbm>> -> memref<1x2x128xi32, #tpu.memory_space<hbm>>
      %dma_start3A_462 = tpu.memref_squeeze %dma_start3A_461 : memref<1x2x128xi32, #tpu.memory_space<hbm>> -> memref<2x128xi32, #tpu.memory_space<hbm>>
      %dma_start3A_463 = arith.constant 0 : i32
      %dma_start3A_464 = arith.constant 0 : i32
      %dma_start3A_465 = tpu.memref_slice %arg3[%add3A_58, %dma_start3A_463, %dma_start3A_464] : memref<5120x2x128xi32, #tpu.memory_space<hbm>> -> memref<1x2x128xi32, #tpu.memory_space<hbm>>
      %dma_start3A_466 = tpu.memref_squeeze %dma_start3A_465 : memref<1x2x128xi32, #tpu.memory_space<hbm>> -> memref<2x128xi32, #tpu.memory_space<hbm>>
      tpu.enqueue_dma source(%dma_start3A_466 : memref<2x128xi32, #tpu.memory_space<hbm>>) target(%arg11 : memref<2x128xi32, #tpu.memory_space<vmem>>) target_semaphore(%run_scoped3A : memref<!tpu.dma_semaphore, #tpu.memory_space<semaphore_mem>>)
      %dma_wait3A_467 = arith.constant 0 : i32
      %dma_wait3A_468 = arith.constant 0 : i32
      %dma_wait3A_469 = tpu.memref_slice %arg3[%add3A_58, %dma_wait3A_467, %dma_wait3A_468] : memref<5120x2x128xi32, #tpu.memory_space<hbm>> -> memref<1x2x128xi32, #tpu.memory_space<hbm>>
      %dma_wait3A_470 = tpu.memref_squeeze %dma_wait3A_469 : memref<1x2x128xi32, #tpu.memory_space<hbm>> -> memref<2x128xi32, #tpu.memory_space<hbm>>
      %dma_wait3A_471 = arith.constant 0 : i32
      %dma_wait3A_472 = arith.constant 0 : i32
      %dma_wait3A_473 = tpu.memref_slice %arg3[%add3A_58, %dma_wait3A_471, %dma_wait3A_472] : memref<5120x2x128xi32, #tpu.memory_space<hbm>> -> memref<1x2x128xi32, #tpu.memory_space<hbm>>
      %dma_wait3A_474 = tpu.memref_squeeze %dma_wait3A_473 : memref<1x2x128xi32, #tpu.memory_space<hbm>> -> memref<2x128xi32, #tpu.memory_space<hbm>>
      tpu.wait_dma2 semaphore(%run_scoped3A : memref<!tpu.dma_semaphore, #tpu.memory_space<semaphore_mem>>) src(%dma_wait3A_474 : memref<2x128xi32, #tpu.memory_space<hbm>>) dst(%arg11 : memref<2x128xi32, #tpu.memory_space<vmem>>)
      tpu.yield
    }) : () -> ()
    %dma_wait3A_59 = arith.constant 0 : i32
    %dma_wait3A_60 = arith.constant 1 : i32
    %dma_wait3A_61 = arith.constant 0 : i32
    %dma_wait3A_62 = tpu.memref_slice %arg10[%dma_wait3A_59, %dma_wait3A_61] : memref<2x128xi32, #tpu.memory_space<vmem>> -> memref<1x128xi32, #tpu.memory_space<vmem>>
    %dma_wait3A_63 = tpu.memref_squeeze %dma_wait3A_62 : memref<1x128xi32, #tpu.memory_space<vmem>> -> memref<128xi32, #tpu.memory_space<vmem>>
    %dma_wait3A_64 = arith.constant 0 : i32
    %dma_wait3A_65 = arith.constant 0 : i32
    %dma_wait3A_66 = tpu.memref_slice %arg2[%dma_wait3A_64, %dma_wait3A_65] : memref<20000x128xf32, #tpu.memory_space<hbm>> -> memref<20000x128xf32, #tpu.memory_space<hbm>>
    %dma_wait3A_67 = tpu.memref_slice %arg15[%dma_wait3A_60] : memref<3x!tpu.dma_semaphore, #tpu.memory_space<semaphore_mem>> -> memref<1x!tpu.dma_semaphore, #tpu.memory_space<semaphore_mem>>
    %dma_wait3A_68 = tpu.memref_squeeze %dma_wait3A_67 : memref<1x!tpu.dma_semaphore, #tpu.memory_space<semaphore_mem>> -> memref<!tpu.dma_semaphore, #tpu.memory_space<semaphore_mem>>
    tpu.wait_indirect_dma semaphore(%dma_wait3A_68 : memref<!tpu.dma_semaphore, #tpu.memory_space<semaphore_mem>>) src(%dma_wait3A_66 : memref<20000x128xf32, #tpu.memory_space<hbm>>) dst(%arg7 : memref<128x128xf32, #tpu.memory_space<vmem>>)
    %dma_start3A_69 = arith.constant 1 : i32
    %dma_start3A_70 = arith.constant 1 : i32
    %dma_start3A_71 = arith.constant 0 : i32
    %dma_start3A_72 = tpu.memref_slice %arg10[%dma_start3A_69, %dma_start3A_71] : memref<2x128xi32, #tpu.memory_space<vmem>> -> memref<1x128xi32, #tpu.memory_space<vmem>>
    %dma_start3A_73 = tpu.memref_squeeze %dma_start3A_72 : memref<1x128xi32, #tpu.memory_space<vmem>> -> memref<128xi32, #tpu.memory_space<vmem>>
    %dma_start3A_74 = arith.constant 0 : i32
    %dma_start3A_75 = arith.constant 0 : i32
    %dma_start3A_76 = tpu.memref_slice %arg5[%dma_start3A_74, %dma_start3A_75] : memref<10002x128xf32, #tpu.memory_space<vmem_shared>> -> memref<10002x128xf32, #tpu.memory_space<vmem_shared>>
    %dma_start3A_77 = tpu.memref_slice %arg16[%dma_start3A_70] : memref<3x!tpu.dma_semaphore, #tpu.memory_space<semaphore_mem>> -> memref<1x!tpu.dma_semaphore, #tpu.memory_space<semaphore_mem>>
    %dma_start3A_78 = tpu.memref_squeeze %dma_start3A_77 : memref<1x!tpu.dma_semaphore, #tpu.memory_space<semaphore_mem>> -> memref<!tpu.dma_semaphore, #tpu.memory_space<semaphore_mem>>
    tpu.enqueue_indirect_dma source(%arg7 : memref<128x128xf32, #tpu.memory_space<vmem>>) target(%dma_start3A_76 : memref<10002x128xf32, #tpu.memory_space<vmem_shared>>) offsets(%dma_start3A_73 : memref<128xi32, #tpu.memory_space<vmem>>) semaphore(%dma_start3A_78 : memref<!tpu.dma_semaphore, #tpu.memory_space<semaphore_mem>>) {add = true}
    %dma_start3A_79 = arith.constant 0 : i32
    %dma_start3A_80 = arith.constant 2 : i32
    %dma_start3A_81 = arith.constant 0 : i32
    %dma_start3A_82 = tpu.memref_slice %arg11[%dma_start3A_79, %dma_start3A_81] : memref<2x128xi32, #tpu.memory_space<vmem>> -> memref<1x128xi32, #tpu.memory_space<vmem>>
    %dma_start3A_83 = tpu.memref_squeeze %dma_start3A_82 : memref<1x128xi32, #tpu.memory_space<vmem>> -> memref<128xi32, #tpu.memory_space<vmem>>
    %dma_start3A_84 = arith.constant 0 : i32
    %dma_start3A_85 = arith.constant 0 : i32
    %dma_start3A_86 = tpu.memref_slice %arg2[%dma_start3A_84, %dma_start3A_85] : memref<20000x128xf32, #tpu.memory_space<hbm>> -> memref<20000x128xf32, #tpu.memory_space<hbm>>
    %dma_start3A_87 = tpu.memref_slice %arg15[%dma_start3A_80] : memref<3x!tpu.dma_semaphore, #tpu.memory_space<semaphore_mem>> -> memref<1x!tpu.dma_semaphore, #tpu.memory_space<semaphore_mem>>
    %dma_start3A_88 = tpu.memref_squeeze %dma_start3A_87 : memref<1x!tpu.dma_semaphore, #tpu.memory_space<semaphore_mem>> -> memref<!tpu.dma_semaphore, #tpu.memory_space<semaphore_mem>>
    tpu.enqueue_indirect_dma source(%dma_start3A_86 : memref<20000x128xf32, #tpu.memory_space<hbm>>) target(%arg8 : memref<128x128xf32, #tpu.memory_space<vmem>>) offsets(%dma_start3A_83 : memref<128xi32, #tpu.memory_space<vmem>>) semaphore(%dma_start3A_88 : memref<!tpu.dma_semaphore, #tpu.memory_space<semaphore_mem>>)
    %add3A_89 = arith.constant 2 : i32
    %add3A_90 = arith.addi %add3A_12, %add3A_89 : i32
    %add3A_91 = arith.constant 1 : i32
    %add3A_92 = arith.addi %add3A_90, %add3A_91 : i32
    "tpu.region"() ({
      %run_scoped3A = tpu.sem_alloc : memref<!tpu.dma_semaphore, #tpu.memory_space<semaphore_mem>>
      %dma_start3A_459 = arith.constant 0 : i32
      %dma_start3A_460 = arith.constant 0 : i32
      %dma_start3A_461 = tpu.memref_slice %arg3[%add3A_92, %dma_start3A_459, %dma_start3A_460] : memref<5120x2x128xi32, #tpu.memory_space<hbm>> -> memref<1x2x128xi32, #tpu.memory_space<hbm>>
      %dma_start3A_462 = tpu.memref_squeeze %dma_start3A_461 : memref<1x2x128xi32, #tpu.memory_space<hbm>> -> memref<2x128xi32, #tpu.memory_space<hbm>>
      %dma_start3A_463 = arith.constant 0 : i32
      %dma_start3A_464 = arith.constant 0 : i32
      %dma_start3A_465 = tpu.memref_slice %arg3[%add3A_92, %dma_start3A_463, %dma_start3A_464] : memref<5120x2x128xi32, #tpu.memory_space<hbm>> -> memref<1x2x128xi32, #tpu.memory_space<hbm>>
      %dma_start3A_466 = tpu.memref_squeeze %dma_start3A_465 : memref<1x2x128xi32, #tpu.memory_space<hbm>> -> memref<2x128xi32, #tpu.memory_space<hbm>>
      tpu.enqueue_dma source(%dma_start3A_466 : memref<2x128xi32, #tpu.memory_space<hbm>>) target(%arg12 : memref<2x128xi32, #tpu.memory_space<vmem>>) target_semaphore(%run_scoped3A : memref<!tpu.dma_semaphore, #tpu.memory_space<semaphore_mem>>)
      %dma_wait3A_467 = arith.constant 0 : i32
      %dma_wait3A_468 = arith.constant 0 : i32
      %dma_wait3A_469 = tpu.memref_slice %arg3[%add3A_92, %dma_wait3A_467, %dma_wait3A_468] : memref<5120x2x128xi32, #tpu.memory_space<hbm>> -> memref<1x2x128xi32, #tpu.memory_space<hbm>>
      %dma_wait3A_470 = tpu.memref_squeeze %dma_wait3A_469 : memref<1x2x128xi32, #tpu.memory_space<hbm>> -> memref<2x128xi32, #tpu.memory_space<hbm>>
      %dma_wait3A_471 = arith.constant 0 : i32
      %dma_wait3A_472 = arith.constant 0 : i32
      %dma_wait3A_473 = tpu.memref_slice %arg3[%add3A_92, %dma_wait3A_471, %dma_wait3A_472] : memref<5120x2x128xi32, #tpu.memory_space<hbm>> -> memref<1x2x128xi32, #tpu.memory_space<hbm>>
      %dma_wait3A_474 = tpu.memref_squeeze %dma_wait3A_473 : memref<1x2x128xi32, #tpu.memory_space<hbm>> -> memref<2x128xi32, #tpu.memory_space<hbm>>
      tpu.wait_dma2 semaphore(%run_scoped3A : memref<!tpu.dma_semaphore, #tpu.memory_space<semaphore_mem>>) src(%dma_wait3A_474 : memref<2x128xi32, #tpu.memory_space<hbm>>) dst(%arg12 : memref<2x128xi32, #tpu.memory_space<vmem>>)
      tpu.yield
    }) : () -> ()
    %dma_wait3A_93 = arith.constant 1 : i32
    %dma_wait3A_94 = arith.constant 0 : i32
    %dma_wait3A_95 = arith.constant 0 : i32
    %dma_wait3A_96 = tpu.memref_slice %arg11[%dma_wait3A_93, %dma_wait3A_95] : memref<2x128xi32, #tpu.memory_space<vmem>> -> memref<1x128xi32, #tpu.memory_space<vmem>>
    %dma_wait3A_97 = tpu.memref_squeeze %dma_wait3A_96 : memref<1x128xi32, #tpu.memory_space<vmem>> -> memref<128xi32, #tpu.memory_space<vmem>>
    %dma_wait3A_98 = arith.constant 0 : i32
    %dma_wait3A_99 = arith.constant 0 : i32
    %dma_wait3A_100 = tpu.memref_slice %arg5[%dma_wait3A_98, %dma_wait3A_99] : memref<10002x128xf32, #tpu.memory_space<vmem_shared>> -> memref<10002x128xf32, #tpu.memory_space<vmem_shared>>
    %dma_wait3A_101 = tpu.memref_slice %arg16[%dma_wait3A_94] : memref<3x!tpu.dma_semaphore, #tpu.memory_space<semaphore_mem>> -> memref<1x!tpu.dma_semaphore, #tpu.memory_space<semaphore_mem>>
    %dma_wait3A_102 = tpu.memref_squeeze %dma_wait3A_101 : memref<1x!tpu.dma_semaphore, #tpu.memory_space<semaphore_mem>> -> memref<!tpu.dma_semaphore, #tpu.memory_space<semaphore_mem>>
    tpu.wait_indirect_dma semaphore(%dma_wait3A_102 : memref<!tpu.dma_semaphore, #tpu.memory_space<semaphore_mem>>) src(%arg6 : memref<128x128xf32, #tpu.memory_space<vmem>>) dst(%dma_wait3A_100 : memref<10002x128xf32, #tpu.memory_space<vmem_shared>>)
    %dma_wait3A_103 = arith.constant 0 : i32
    %dma_wait3A_104 = arith.constant 2 : i32
    %dma_wait3A_105 = arith.constant 0 : i32
    %dma_wait3A_106 = tpu.memref_slice %arg11[%dma_wait3A_103, %dma_wait3A_105] : memref<2x128xi32, #tpu.memory_space<vmem>> -> memref<1x128xi32, #tpu.memory_space<vmem>>
    %dma_wait3A_107 = tpu.memref_squeeze %dma_wait3A_106 : memref<1x128xi32, #tpu.memory_space<vmem>> -> memref<128xi32, #tpu.memory_space<vmem>>
    %dma_wait3A_108 = arith.constant 0 : i32
    %dma_wait3A_109 = arith.constant 0 : i32
    %dma_wait3A_110 = tpu.memref_slice %arg2[%dma_wait3A_108, %dma_wait3A_109] : memref<20000x128xf32, #tpu.memory_space<hbm>> -> memref<20000x128xf32, #tpu.memory_space<hbm>>
    %dma_wait3A_111 = tpu.memref_slice %arg15[%dma_wait3A_104] : memref<3x!tpu.dma_semaphore, #tpu.memory_space<semaphore_mem>> -> memref<1x!tpu.dma_semaphore, #tpu.memory_space<semaphore_mem>>
    %dma_wait3A_112 = tpu.memref_squeeze %dma_wait3A_111 : memref<1x!tpu.dma_semaphore, #tpu.memory_space<semaphore_mem>> -> memref<!tpu.dma_semaphore, #tpu.memory_space<semaphore_mem>>
    tpu.wait_indirect_dma semaphore(%dma_wait3A_112 : memref<!tpu.dma_semaphore, #tpu.memory_space<semaphore_mem>>) src(%dma_wait3A_110 : memref<20000x128xf32, #tpu.memory_space<hbm>>) dst(%arg8 : memref<128x128xf32, #tpu.memory_space<vmem>>)
    %dma_start3A_113 = arith.constant 1 : i32
    %dma_start3A_114 = arith.constant 2 : i32
    %dma_start3A_115 = arith.constant 0 : i32
    %dma_start3A_116 = tpu.memref_slice %arg11[%dma_start3A_113, %dma_start3A_115] : memref<2x128xi32, #tpu.memory_space<vmem>> -> memref<1x128xi32, #tpu.memory_space<vmem>>
    %dma_start3A_117 = tpu.memref_squeeze %dma_start3A_116 : memref<1x128xi32, #tpu.memory_space<vmem>> -> memref<128xi32, #tpu.memory_space<vmem>>
    %dma_start3A_118 = arith.constant 0 : i32
    %dma_start3A_119 = arith.constant 0 : i32
    %dma_start3A_120 = tpu.memref_slice %arg5[%dma_start3A_118, %dma_start3A_119] : memref<10002x128xf32, #tpu.memory_space<vmem_shared>> -> memref<10002x128xf32, #tpu.memory_space<vmem_shared>>
    %dma_start3A_121 = tpu.memref_slice %arg16[%dma_start3A_114] : memref<3x!tpu.dma_semaphore, #tpu.memory_space<semaphore_mem>> -> memref<1x!tpu.dma_semaphore, #tpu.memory_space<semaphore_mem>>
    %dma_start3A_122 = tpu.memref_squeeze %dma_start3A_121 : memref<1x!tpu.dma_semaphore, #tpu.memory_space<semaphore_mem>> -> memref<!tpu.dma_semaphore, #tpu.memory_space<semaphore_mem>>
    tpu.enqueue_indirect_dma source(%arg8 : memref<128x128xf32, #tpu.memory_space<vmem>>) target(%dma_start3A_120 : memref<10002x128xf32, #tpu.memory_space<vmem_shared>>) offsets(%dma_start3A_117 : memref<128xi32, #tpu.memory_space<vmem>>) semaphore(%dma_start3A_122 : memref<!tpu.dma_semaphore, #tpu.memory_space<semaphore_mem>>) {add = true}
    %dma_start3A_123 = arith.constant 0 : i32
    %dma_start3A_124 = arith.constant 0 : i32
    %dma_start3A_125 = arith.constant 0 : i32
    %dma_start3A_126 = tpu.memref_slice %arg12[%dma_start3A_123, %dma_start3A_125] : memref<2x128xi32, #tpu.memory_space<vmem>> -> memref<1x128xi32, #tpu.memory_space<vmem>>
    %dma_start3A_127 = tpu.memref_squeeze %dma_start3A_126 : memref<1x128xi32, #tpu.memory_space<vmem>> -> memref<128xi32, #tpu.memory_space<vmem>>
    %dma_start3A_128 = arith.constant 0 : i32
    %dma_start3A_129 = arith.constant 0 : i32
    %dma_start3A_130 = tpu.memref_slice %arg2[%dma_start3A_128, %dma_start3A_129] : memref<20000x128xf32, #tpu.memory_space<hbm>> -> memref<20000x128xf32, #tpu.memory_space<hbm>>
    %dma_start3A_131 = tpu.memref_slice %arg15[%dma_start3A_124] : memref<3x!tpu.dma_semaphore, #tpu.memory_space<semaphore_mem>> -> memref<1x!tpu.dma_semaphore, #tpu.memory_space<semaphore_mem>>
    %dma_start3A_132 = tpu.memref_squeeze %dma_start3A_131 : memref<1x!tpu.dma_semaphore, #tpu.memory_space<semaphore_mem>> -> memref<!tpu.dma_semaphore, #tpu.memory_space<semaphore_mem>>
    tpu.enqueue_indirect_dma source(%dma_start3A_130 : memref<20000x128xf32, #tpu.memory_space<hbm>>) target(%arg6 : memref<128x128xf32, #tpu.memory_space<vmem>>) offsets(%dma_start3A_127 : memref<128xi32, #tpu.memory_space<vmem>>) semaphore(%dma_start3A_132 : memref<!tpu.dma_semaphore, #tpu.memory_space<semaphore_mem>>)
    %add3A_133 = arith.constant 3 : i32
    %add3A_134 = arith.addi %add3A_12, %add3A_133 : i32
    %add3A_135 = arith.constant 1 : i32
    %add3A_136 = arith.addi %add3A_134, %add3A_135 : i32
    "tpu.region"() ({
      %run_scoped3A = tpu.sem_alloc : memref<!tpu.dma_semaphore, #tpu.memory_space<semaphore_mem>>
      %dma_start3A_459 = arith.constant 0 : i32
      %dma_start3A_460 = arith.constant 0 : i32
      %dma_start3A_461 = tpu.memref_slice %arg3[%add3A_136, %dma_start3A_459, %dma_start3A_460] : memref<5120x2x128xi32, #tpu.memory_space<hbm>> -> memref<1x2x128xi32, #tpu.memory_space<hbm>>
      %dma_start3A_462 = tpu.memref_squeeze %dma_start3A_461 : memref<1x2x128xi32, #tpu.memory_space<hbm>> -> memref<2x128xi32, #tpu.memory_space<hbm>>
      %dma_start3A_463 = arith.constant 0 : i32
      %dma_start3A_464 = arith.constant 0 : i32
      %dma_start3A_465 = tpu.memref_slice %arg3[%add3A_136, %dma_start3A_463, %dma_start3A_464] : memref<5120x2x128xi32, #tpu.memory_space<hbm>> -> memref<1x2x128xi32, #tpu.memory_space<hbm>>
      %dma_start3A_466 = tpu.memref_squeeze %dma_start3A_465 : memref<1x2x128xi32, #tpu.memory_space<hbm>> -> memref<2x128xi32, #tpu.memory_space<hbm>>
      tpu.enqueue_dma source(%dma_start3A_466 : memref<2x128xi32, #tpu.memory_space<hbm>>) target(%arg13 : memref<2x128xi32, #tpu.memory_space<vmem>>) target_semaphore(%run_scoped3A : memref<!tpu.dma_semaphore, #tpu.memory_space<semaphore_mem>>)
      %dma_wait3A_467 = arith.constant 0 : i32
      %dma_wait3A_468 = arith.constant 0 : i32
      %dma_wait3A_469 = tpu.memref_slice %arg3[%add3A_136, %dma_wait3A_467, %dma_wait3A_468] : memref<5120x2x128xi32, #tpu.memory_space<hbm>> -> memref<1x2x128xi32, #tpu.memory_space<hbm>>
      %dma_wait3A_470 = tpu.memref_squeeze %dma_wait3A_469 : memref<1x2x128xi32, #tpu.memory_space<hbm>> -> memref<2x128xi32, #tpu.memory_space<hbm>>
      %dma_wait3A_471 = arith.constant 0 : i32
      %dma_wait3A_472 = arith.constant 0 : i32
      %dma_wait3A_473 = tpu.memref_slice %arg3[%add3A_136, %dma_wait3A_471, %dma_wait3A_472] : memref<5120x2x128xi32, #tpu.memory_space<hbm>> -> memref<1x2x128xi32, #tpu.memory_space<hbm>>
      %dma_wait3A_474 = tpu.memref_squeeze %dma_wait3A_473 : memref<1x2x128xi32, #tpu.memory_space<hbm>> -> memref<2x128xi32, #tpu.memory_space<hbm>>
      tpu.wait_dma2 semaphore(%run_scoped3A : memref<!tpu.dma_semaphore, #tpu.memory_space<semaphore_mem>>) src(%dma_wait3A_474 : memref<2x128xi32, #tpu.memory_space<hbm>>) dst(%arg13 : memref<2x128xi32, #tpu.memory_space<vmem>>)
      tpu.yield
    }) : () -> ()
    %dma_wait3A_137 = arith.constant 1 : i32
    %dma_wait3A_138 = arith.constant 1 : i32
    %dma_wait3A_139 = arith.constant 0 : i32
    %dma_wait3A_140 = tpu.memref_slice %arg12[%dma_wait3A_137, %dma_wait3A_139] : memref<2x128xi32, #tpu.memory_space<vmem>> -> memref<1x128xi32, #tpu.memory_space<vmem>>
    %dma_wait3A_141 = tpu.memref_squeeze %dma_wait3A_140 : memref<1x128xi32, #tpu.memory_space<vmem>> -> memref<128xi32, #tpu.memory_space<vmem>>
    %dma_wait3A_142 = arith.constant 0 : i32
    %dma_wait3A_143 = arith.constant 0 : i32
    %dma_wait3A_144 = tpu.memref_slice %arg5[%dma_wait3A_142, %dma_wait3A_143] : memref<10002x128xf32, #tpu.memory_space<vmem_shared>> -> memref<10002x128xf32, #tpu.memory_space<vmem_shared>>
    %dma_wait3A_145 = tpu.memref_slice %arg16[%dma_wait3A_138] : memref<3x!tpu.dma_semaphore, #tpu.memory_space<semaphore_mem>> -> memref<1x!tpu.dma_semaphore, #tpu.memory_space<semaphore_mem>>
    %dma_wait3A_146 = tpu.memref_squeeze %dma_wait3A_145 : memref<1x!tpu.dma_semaphore, #tpu.memory_space<semaphore_mem>> -> memref<!tpu.dma_semaphore, #tpu.memory_space<semaphore_mem>>
    tpu.wait_indirect_dma semaphore(%dma_wait3A_146 : memref<!tpu.dma_semaphore, #tpu.memory_space<semaphore_mem>>) src(%arg7 : memref<128x128xf32, #tpu.memory_space<vmem>>) dst(%dma_wait3A_144 : memref<10002x128xf32, #tpu.memory_space<vmem_shared>>)
    %dma_wait3A_147 = arith.constant 0 : i32
    %dma_wait3A_148 = arith.constant 0 : i32
    %dma_wait3A_149 = arith.constant 0 : i32
    %dma_wait3A_150 = tpu.memref_slice %arg12[%dma_wait3A_147, %dma_wait3A_149] : memref<2x128xi32, #tpu.memory_space<vmem>> -> memref<1x128xi32, #tpu.memory_space<vmem>>
    %dma_wait3A_151 = tpu.memref_squeeze %dma_wait3A_150 : memref<1x128xi32, #tpu.memory_space<vmem>> -> memref<128xi32, #tpu.memory_space<vmem>>
    %dma_wait3A_152 = arith.constant 0 : i32
    %dma_wait3A_153 = arith.constant 0 : i32
    %dma_wait3A_154 = tpu.memref_slice %arg2[%dma_wait3A_152, %dma_wait3A_153] : memref<20000x128xf32, #tpu.memory_space<hbm>> -> memref<20000x128xf32, #tpu.memory_space<hbm>>
    %dma_wait3A_155 = tpu.memref_slice %arg15[%dma_wait3A_148] : memref<3x!tpu.dma_semaphore, #tpu.memory_space<semaphore_mem>> -> memref<1x!tpu.dma_semaphore, #tpu.memory_space<semaphore_mem>>
    %dma_wait3A_156 = tpu.memref_squeeze %dma_wait3A_155 : memref<1x!tpu.dma_semaphore, #tpu.memory_space<semaphore_mem>> -> memref<!tpu.dma_semaphore, #tpu.memory_space<semaphore_mem>>
    tpu.wait_indirect_dma semaphore(%dma_wait3A_156 : memref<!tpu.dma_semaphore, #tpu.memory_space<semaphore_mem>>) src(%dma_wait3A_154 : memref<20000x128xf32, #tpu.memory_space<hbm>>) dst(%arg6 : memref<128x128xf32, #tpu.memory_space<vmem>>)
    %dma_start3A_157 = arith.constant 1 : i32
    %dma_start3A_158 = arith.constant 0 : i32
    %dma_start3A_159 = arith.constant 0 : i32
    %dma_start3A_160 = tpu.memref_slice %arg12[%dma_start3A_157, %dma_start3A_159] : memref<2x128xi32, #tpu.memory_space<vmem>> -> memref<1x128xi32, #tpu.memory_space<vmem>>
    %dma_start3A_161 = tpu.memref_squeeze %dma_start3A_160 : memref<1x128xi32, #tpu.memory_space<vmem>> -> memref<128xi32, #tpu.memory_space<vmem>>
    %dma_start3A_162 = arith.constant 0 : i32
    %dma_start3A_163 = arith.constant 0 : i32
    %dma_start3A_164 = tpu.memref_slice %arg5[%dma_start3A_162, %dma_start3A_163] : memref<10002x128xf32, #tpu.memory_space<vmem_shared>> -> memref<10002x128xf32, #tpu.memory_space<vmem_shared>>
    %dma_start3A_165 = tpu.memref_slice %arg16[%dma_start3A_158] : memref<3x!tpu.dma_semaphore, #tpu.memory_space<semaphore_mem>> -> memref<1x!tpu.dma_semaphore, #tpu.memory_space<semaphore_mem>>
    %dma_start3A_166 = tpu.memref_squeeze %dma_start3A_165 : memref<1x!tpu.dma_semaphore, #tpu.memory_space<semaphore_mem>> -> memref<!tpu.dma_semaphore, #tpu.memory_space<semaphore_mem>>
    tpu.enqueue_indirect_dma source(%arg6 : memref<128x128xf32, #tpu.memory_space<vmem>>) target(%dma_start3A_164 : memref<10002x128xf32, #tpu.memory_space<vmem_shared>>) offsets(%dma_start3A_161 : memref<128xi32, #tpu.memory_space<vmem>>) semaphore(%dma_start3A_166 : memref<!tpu.dma_semaphore, #tpu.memory_space<semaphore_mem>>) {add = true}
    %dma_start3A_167 = arith.constant 0 : i32
    %dma_start3A_168 = arith.constant 1 : i32
    %dma_start3A_169 = arith.constant 0 : i32
    %dma_start3A_170 = tpu.memref_slice %arg13[%dma_start3A_167, %dma_start3A_169] : memref<2x128xi32, #tpu.memory_space<vmem>> -> memref<1x128xi32, #tpu.memory_space<vmem>>
    %dma_start3A_171 = tpu.memref_squeeze %dma_start3A_170 : memref<1x128xi32, #tpu.memory_space<vmem>> -> memref<128xi32, #tpu.memory_space<vmem>>
    %dma_start3A_172 = arith.constant 0 : i32
    %dma_start3A_173 = arith.constant 0 : i32
    %dma_start3A_174 = tpu.memref_slice %arg2[%dma_start3A_172, %dma_start3A_173] : memref<20000x128xf32, #tpu.memory_space<hbm>> -> memref<20000x128xf32, #tpu.memory_space<hbm>>
    %dma_start3A_175 = tpu.memref_slice %arg15[%dma_start3A_168] : memref<3x!tpu.dma_semaphore, #tpu.memory_space<semaphore_mem>> -> memref<1x!tpu.dma_semaphore, #tpu.memory_space<semaphore_mem>>
    %dma_start3A_176 = tpu.memref_squeeze %dma_start3A_175 : memref<1x!tpu.dma_semaphore, #tpu.memory_space<semaphore_mem>> -> memref<!tpu.dma_semaphore, #tpu.memory_space<semaphore_mem>>
    tpu.enqueue_indirect_dma source(%dma_start3A_174 : memref<20000x128xf32, #tpu.memory_space<hbm>>) target(%arg7 : memref<128x128xf32, #tpu.memory_space<vmem>>) offsets(%dma_start3A_171 : memref<128xi32, #tpu.memory_space<vmem>>) semaphore(%dma_start3A_176 : memref<!tpu.dma_semaphore, #tpu.memory_space<semaphore_mem>>)
    %add3A_177 = arith.constant 4 : i32
    %add3A_178 = arith.addi %add3A_12, %add3A_177 : i32
    %add3A_179 = arith.constant 1 : i32
    %add3A_180 = arith.addi %add3A_178, %add3A_179 : i32
    "tpu.region"() ({
      %run_scoped3A = tpu.sem_alloc : memref<!tpu.dma_semaphore, #tpu.memory_space<semaphore_mem>>
      %dma_start3A_459 = arith.constant 0 : i32
      %dma_start3A_460 = arith.constant 0 : i32
      %dma_start3A_461 = tpu.memref_slice %arg3[%add3A_180, %dma_start3A_459, %dma_start3A_460] : memref<5120x2x128xi32, #tpu.memory_space<hbm>> -> memref<1x2x128xi32, #tpu.memory_space<hbm>>
      %dma_start3A_462 = tpu.memref_squeeze %dma_start3A_461 : memref<1x2x128xi32, #tpu.memory_space<hbm>> -> memref<2x128xi32, #tpu.memory_space<hbm>>
      %dma_start3A_463 = arith.constant 0 : i32
      %dma_start3A_464 = arith.constant 0 : i32
      %dma_start3A_465 = tpu.memref_slice %arg3[%add3A_180, %dma_start3A_463, %dma_start3A_464] : memref<5120x2x128xi32, #tpu.memory_space<hbm>> -> memref<1x2x128xi32, #tpu.memory_space<hbm>>
      %dma_start3A_466 = tpu.memref_squeeze %dma_start3A_465 : memref<1x2x128xi32, #tpu.memory_space<hbm>> -> memref<2x128xi32, #tpu.memory_space<hbm>>
      tpu.enqueue_dma source(%dma_start3A_466 : memref<2x128xi32, #tpu.memory_space<hbm>>) target(%arg14 : memref<2x128xi32, #tpu.memory_space<vmem>>) target_semaphore(%run_scoped3A : memref<!tpu.dma_semaphore, #tpu.memory_space<semaphore_mem>>)
      %dma_wait3A_467 = arith.constant 0 : i32
      %dma_wait3A_468 = arith.constant 0 : i32
      %dma_wait3A_469 = tpu.memref_slice %arg3[%add3A_180, %dma_wait3A_467, %dma_wait3A_468] : memref<5120x2x128xi32, #tpu.memory_space<hbm>> -> memref<1x2x128xi32, #tpu.memory_space<hbm>>
      %dma_wait3A_470 = tpu.memref_squeeze %dma_wait3A_469 : memref<1x2x128xi32, #tpu.memory_space<hbm>> -> memref<2x128xi32, #tpu.memory_space<hbm>>
      %dma_wait3A_471 = arith.constant 0 : i32
      %dma_wait3A_472 = arith.constant 0 : i32
      %dma_wait3A_473 = tpu.memref_slice %arg3[%add3A_180, %dma_wait3A_471, %dma_wait3A_472] : memref<5120x2x128xi32, #tpu.memory_space<hbm>> -> memref<1x2x128xi32, #tpu.memory_space<hbm>>
      %dma_wait3A_474 = tpu.memref_squeeze %dma_wait3A_473 : memref<1x2x128xi32, #tpu.memory_space<hbm>> -> memref<2x128xi32, #tpu.memory_space<hbm>>
      tpu.wait_dma2 semaphore(%run_scoped3A : memref<!tpu.dma_semaphore, #tpu.memory_space<semaphore_mem>>) src(%dma_wait3A_474 : memref<2x128xi32, #tpu.memory_space<hbm>>) dst(%arg14 : memref<2x128xi32, #tpu.memory_space<vmem>>)
      tpu.yield
    }) : () -> ()
    %dma_wait3A_181 = arith.constant 1 : i32
    %dma_wait3A_182 = arith.constant 2 : i32
    %dma_wait3A_183 = arith.constant 0 : i32
    %dma_wait3A_184 = tpu.memref_slice %arg13[%dma_wait3A_181, %dma_wait3A_183] : memref<2x128xi32, #tpu.memory_space<vmem>> -> memref<1x128xi32, #tpu.memory_space<vmem>>
    %dma_wait3A_185 = tpu.memref_squeeze %dma_wait3A_184 : memref<1x128xi32, #tpu.memory_space<vmem>> -> memref<128xi32, #tpu.memory_space<vmem>>
    %dma_wait3A_186 = arith.constant 0 : i32
    %dma_wait3A_187 = arith.constant 0 : i32
    %dma_wait3A_188 = tpu.memref_slice %arg5[%dma_wait3A_186, %dma_wait3A_187] : memref<10002x128xf32, #tpu.memory_space<vmem_shared>> -> memref<10002x128xf32, #tpu.memory_space<vmem_shared>>
    %dma_wait3A_189 = tpu.memref_slice %arg16[%dma_wait3A_182] : memref<3x!tpu.dma_semaphore, #tpu.memory_space<semaphore_mem>> -> memref<1x!tpu.dma_semaphore, #tpu.memory_space<semaphore_mem>>
    %dma_wait3A_190 = tpu.memref_squeeze %dma_wait3A_189 : memref<1x!tpu.dma_semaphore, #tpu.memory_space<semaphore_mem>> -> memref<!tpu.dma_semaphore, #tpu.memory_space<semaphore_mem>>
    tpu.wait_indirect_dma semaphore(%dma_wait3A_190 : memref<!tpu.dma_semaphore, #tpu.memory_space<semaphore_mem>>) src(%arg8 : memref<128x128xf32, #tpu.memory_space<vmem>>) dst(%dma_wait3A_188 : memref<10002x128xf32, #tpu.memory_space<vmem_shared>>)
    %dma_wait3A_191 = arith.constant 0 : i32
    %dma_wait3A_192 = arith.constant 1 : i32
    %dma_wait3A_193 = arith.constant 0 : i32
    %dma_wait3A_194 = tpu.memref_slice %arg13[%dma_wait3A_191, %dma_wait3A_193] : memref<2x128xi32, #tpu.memory_space<vmem>> -> memref<1x128xi32, #tpu.memory_space<vmem>>
    %dma_wait3A_195 = tpu.memref_squeeze %dma_wait3A_194 : memref<1x128xi32, #tpu.memory_space<vmem>> -> memref<128xi32, #tpu.memory_space<vmem>>
    %dma_wait3A_196 = arith.constant 0 : i32
    %dma_wait3A_197 = arith.constant 0 : i32
    %dma_wait3A_198 = tpu.memref_slice %arg2[%dma_wait3A_196, %dma_wait3A_197] : memref<20000x128xf32, #tpu.memory_space<hbm>> -> memref<20000x128xf32, #tpu.memory_space<hbm>>
    %dma_wait3A_199 = tpu.memref_slice %arg15[%dma_wait3A_192] : memref<3x!tpu.dma_semaphore, #tpu.memory_space<semaphore_mem>> -> memref<1x!tpu.dma_semaphore, #tpu.memory_space<semaphore_mem>>
    %dma_wait3A_200 = tpu.memref_squeeze %dma_wait3A_199 : memref<1x!tpu.dma_semaphore, #tpu.memory_space<semaphore_mem>> -> memref<!tpu.dma_semaphore, #tpu.memory_space<semaphore_mem>>
    tpu.wait_indirect_dma semaphore(%dma_wait3A_200 : memref<!tpu.dma_semaphore, #tpu.memory_space<semaphore_mem>>) src(%dma_wait3A_198 : memref<20000x128xf32, #tpu.memory_space<hbm>>) dst(%arg7 : memref<128x128xf32, #tpu.memory_space<vmem>>)
    %dma_start3A_201 = arith.constant 1 : i32
    %dma_start3A_202 = arith.constant 1 : i32
    %dma_start3A_203 = arith.constant 0 : i32
    %dma_start3A_204 = tpu.memref_slice %arg13[%dma_start3A_201, %dma_start3A_203] : memref<2x128xi32, #tpu.memory_space<vmem>> -> memref<1x128xi32, #tpu.memory_space<vmem>>
    %dma_start3A_205 = tpu.memref_squeeze %dma_start3A_204 : memref<1x128xi32, #tpu.memory_space<vmem>> -> memref<128xi32, #tpu.memory_space<vmem>>
    %dma_start3A_206 = arith.constant 0 : i32
    %dma_start3A_207 = arith.constant 0 : i32
    %dma_start3A_208 = tpu.memref_slice %arg5[%dma_start3A_206, %dma_start3A_207] : memref<10002x128xf32, #tpu.memory_space<vmem_shared>> -> memref<10002x128xf32, #tpu.memory_space<vmem_shared>>
    %dma_start3A_209 = tpu.memref_slice %arg16[%dma_start3A_202] : memref<3x!tpu.dma_semaphore, #tpu.memory_space<semaphore_mem>> -> memref<1x!tpu.dma_semaphore, #tpu.memory_space<semaphore_mem>>
    %dma_start3A_210 = tpu.memref_squeeze %dma_start3A_209 : memref<1x!tpu.dma_semaphore, #tpu.memory_space<semaphore_mem>> -> memref<!tpu.dma_semaphore, #tpu.memory_space<semaphore_mem>>
    tpu.enqueue_indirect_dma source(%arg7 : memref<128x128xf32, #tpu.memory_space<vmem>>) target(%dma_start3A_208 : memref<10002x128xf32, #tpu.memory_space<vmem_shared>>) offsets(%dma_start3A_205 : memref<128xi32, #tpu.memory_space<vmem>>) semaphore(%dma_start3A_210 : memref<!tpu.dma_semaphore, #tpu.memory_space<semaphore_mem>>) {add = true}
    %dma_start3A_211 = arith.constant 0 : i32
    %dma_start3A_212 = arith.constant 2 : i32
    %dma_start3A_213 = arith.constant 0 : i32
    %dma_start3A_214 = tpu.memref_slice %arg14[%dma_start3A_211, %dma_start3A_213] : memref<2x128xi32, #tpu.memory_space<vmem>> -> memref<1x128xi32, #tpu.memory_space<vmem>>
    %dma_start3A_215 = tpu.memref_squeeze %dma_start3A_214 : memref<1x128xi32, #tpu.memory_space<vmem>> -> memref<128xi32, #tpu.memory_space<vmem>>
    %dma_start3A_216 = arith.constant 0 : i32
    %dma_start3A_217 = arith.constant 0 : i32
    %dma_start3A_218 = tpu.memref_slice %arg2[%dma_start3A_216, %dma_start3A_217] : memref<20000x128xf32, #tpu.memory_space<hbm>> -> memref<20000x128xf32, #tpu.memory_space<hbm>>
    %dma_start3A_219 = tpu.memref_slice %arg15[%dma_start3A_212] : memref<3x!tpu.dma_semaphore, #tpu.memory_space<semaphore_mem>> -> memref<1x!tpu.dma_semaphore, #tpu.memory_space<semaphore_mem>>
    %dma_start3A_220 = tpu.memref_squeeze %dma_start3A_219 : memref<1x!tpu.dma_semaphore, #tpu.memory_space<semaphore_mem>> -> memref<!tpu.dma_semaphore, #tpu.memory_space<semaphore_mem>>
    tpu.enqueue_indirect_dma source(%dma_start3A_218 : memref<20000x128xf32, #tpu.memory_space<hbm>>) target(%arg8 : memref<128x128xf32, #tpu.memory_space<vmem>>) offsets(%dma_start3A_215 : memref<128xi32, #tpu.memory_space<vmem>>) semaphore(%dma_start3A_220 : memref<!tpu.dma_semaphore, #tpu.memory_space<semaphore_mem>>)
    %add3A_221 = arith.constant 5 : i32
    %add3A_222 = arith.addi %add3A_12, %add3A_221 : i32
    %add3A_223 = arith.constant 1 : i32
    %add3A_224 = arith.addi %add3A_222, %add3A_223 : i32
    "tpu.region"() ({
      %run_scoped3A = tpu.sem_alloc : memref<!tpu.dma_semaphore, #tpu.memory_space<semaphore_mem>>
      %dma_start3A_459 = arith.constant 0 : i32
      %dma_start3A_460 = arith.constant 0 : i32
      %dma_start3A_461 = tpu.memref_slice %arg3[%add3A_224, %dma_start3A_459, %dma_start3A_460] : memref<5120x2x128xi32, #tpu.memory_space<hbm>> -> memref<1x2x128xi32, #tpu.memory_space<hbm>>
      %dma_start3A_462 = tpu.memref_squeeze %dma_start3A_461 : memref<1x2x128xi32, #tpu.memory_space<hbm>> -> memref<2x128xi32, #tpu.memory_space<hbm>>
      %dma_start3A_463 = arith.constant 0 : i32
      %dma_start3A_464 = arith.constant 0 : i32
      %dma_start3A_465 = tpu.memref_slice %arg3[%add3A_224, %dma_start3A_463, %dma_start3A_464] : memref<5120x2x128xi32, #tpu.memory_space<hbm>> -> memref<1x2x128xi32, #tpu.memory_space<hbm>>
      %dma_start3A_466 = tpu.memref_squeeze %dma_start3A_465 : memref<1x2x128xi32, #tpu.memory_space<hbm>> -> memref<2x128xi32, #tpu.memory_space<hbm>>
      tpu.enqueue_dma source(%dma_start3A_466 : memref<2x128xi32, #tpu.memory_space<hbm>>) target(%arg9 : memref<2x128xi32, #tpu.memory_space<vmem>>) target_semaphore(%run_scoped3A : memref<!tpu.dma_semaphore, #tpu.memory_space<semaphore_mem>>)
      %dma_wait3A_467 = arith.constant 0 : i32
      %dma_wait3A_468 = arith.constant 0 : i32
      %dma_wait3A_469 = tpu.memref_slice %arg3[%add3A_224, %dma_wait3A_467, %dma_wait3A_468] : memref<5120x2x128xi32, #tpu.memory_space<hbm>> -> memref<1x2x128xi32, #tpu.memory_space<hbm>>
      %dma_wait3A_470 = tpu.memref_squeeze %dma_wait3A_469 : memref<1x2x128xi32, #tpu.memory_space<hbm>> -> memref<2x128xi32, #tpu.memory_space<hbm>>
      %dma_wait3A_471 = arith.constant 0 : i32
      %dma_wait3A_472 = arith.constant 0 : i32
      %dma_wait3A_473 = tpu.memref_slice %arg3[%add3A_224, %dma_wait3A_471, %dma_wait3A_472] : memref<5120x2x128xi32, #tpu.memory_space<hbm>> -> memref<1x2x128xi32, #tpu.memory_space<hbm>>
      %dma_wait3A_474 = tpu.memref_squeeze %dma_wait3A_473 : memref<1x2x128xi32, #tpu.memory_space<hbm>> -> memref<2x128xi32, #tpu.memory_space<hbm>>
      tpu.wait_dma2 semaphore(%run_scoped3A : memref<!tpu.dma_semaphore, #tpu.memory_space<semaphore_mem>>) src(%dma_wait3A_474 : memref<2x128xi32, #tpu.memory_space<hbm>>) dst(%arg9 : memref<2x128xi32, #tpu.memory_space<vmem>>)
      tpu.yield
    }) : () -> ()
    %dma_wait3A_225 = arith.constant 1 : i32
    %dma_wait3A_226 = arith.constant 0 : i32
    %dma_wait3A_227 = arith.constant 0 : i32
    %dma_wait3A_228 = tpu.memref_slice %arg14[%dma_wait3A_225, %dma_wait3A_227] : memref<2x128xi32, #tpu.memory_space<vmem>> -> memref<1x128xi32, #tpu.memory_space<vmem>>
    %dma_wait3A_229 = tpu.memref_squeeze %dma_wait3A_228 : memref<1x128xi32, #tpu.memory_space<vmem>> -> memref<128xi32, #tpu.memory_space<vmem>>
    %dma_wait3A_230 = arith.constant 0 : i32
    %dma_wait3A_231 = arith.constant 0 : i32
    %dma_wait3A_232 = tpu.memref_slice %arg5[%dma_wait3A_230, %dma_wait3A_231] : memref<10002x128xf32, #tpu.memory_space<vmem_shared>> -> memref<10002x128xf32, #tpu.memory_space<vmem_shared>>
    %dma_wait3A_233 = tpu.memref_slice %arg16[%dma_wait3A_226] : memref<3x!tpu.dma_semaphore, #tpu.memory_space<semaphore_mem>> -> memref<1x!tpu.dma_semaphore, #tpu.memory_space<semaphore_mem>>
    %dma_wait3A_234 = tpu.memref_squeeze %dma_wait3A_233 : memref<1x!tpu.dma_semaphore, #tpu.memory_space<semaphore_mem>> -> memref<!tpu.dma_semaphore, #tpu.memory_space<semaphore_mem>>
    tpu.wait_indirect_dma semaphore(%dma_wait3A_234 : memref<!tpu.dma_semaphore, #tpu.memory_space<semaphore_mem>>) src(%arg6 : memref<128x128xf32, #tpu.memory_space<vmem>>) dst(%dma_wait3A_232 : memref<10002x128xf32, #tpu.memory_space<vmem_shared>>)
    %dma_wait3A_235 = arith.constant 0 : i32
    %dma_wait3A_236 = arith.constant 2 : i32
    %dma_wait3A_237 = arith.constant 0 : i32
    %dma_wait3A_238 = tpu.memref_slice %arg14[%dma_wait3A_235, %dma_wait3A_237] : memref<2x128xi32, #tpu.memory_space<vmem>> -> memref<1x128xi32, #tpu.memory_space<vmem>>
    %dma_wait3A_239 = tpu.memref_squeeze %dma_wait3A_238 : memref<1x128xi32, #tpu.memory_space<vmem>> -> memref<128xi32, #tpu.memory_space<vmem>>
    %dma_wait3A_240 = arith.constant 0 : i32
    %dma_wait3A_241 = arith.constant 0 : i32
    %dma_wait3A_242 = tpu.memref_slice %arg2[%dma_wait3A_240, %dma_wait3A_241] : memref<20000x128xf32, #tpu.memory_space<hbm>> -> memref<20000x128xf32, #tpu.memory_space<hbm>>
    %dma_wait3A_243 = tpu.memref_slice %arg15[%dma_wait3A_236] : memref<3x!tpu.dma_semaphore, #tpu.memory_space<semaphore_mem>> -> memref<1x!tpu.dma_semaphore, #tpu.memory_space<semaphore_mem>>
    %dma_wait3A_244 = tpu.memref_squeeze %dma_wait3A_243 : memref<1x!tpu.dma_semaphore, #tpu.memory_space<semaphore_mem>> -> memref<!tpu.dma_semaphore, #tpu.memory_space<semaphore_mem>>
    tpu.wait_indirect_dma semaphore(%dma_wait3A_244 : memref<!tpu.dma_semaphore, #tpu.memory_space<semaphore_mem>>) src(%dma_wait3A_242 : memref<20000x128xf32, #tpu.memory_space<hbm>>) dst(%arg8 : memref<128x128xf32, #tpu.memory_space<vmem>>)
    %dma_start3A_245 = arith.constant 1 : i32
    %dma_start3A_246 = arith.constant 2 : i32
    %dma_start3A_247 = arith.constant 0 : i32
    %dma_start3A_248 = tpu.memref_slice %arg14[%dma_start3A_245, %dma_start3A_247] : memref<2x128xi32, #tpu.memory_space<vmem>> -> memref<1x128xi32, #tpu.memory_space<vmem>>
    %dma_start3A_249 = tpu.memref_squeeze %dma_start3A_248 : memref<1x128xi32, #tpu.memory_space<vmem>> -> memref<128xi32, #tpu.memory_space<vmem>>
    %dma_start3A_250 = arith.constant 0 : i32
    %dma_start3A_251 = arith.constant 0 : i32
    %dma_start3A_252 = tpu.memref_slice %arg5[%dma_start3A_250, %dma_start3A_251] : memref<10002x128xf32, #tpu.memory_space<vmem_shared>> -> memref<10002x128xf32, #tpu.memory_space<vmem_shared>>
    %dma_start3A_253 = tpu.memref_slice %arg16[%dma_start3A_246] : memref<3x!tpu.dma_semaphore, #tpu.memory_space<semaphore_mem>> -> memref<1x!tpu.dma_semaphore, #tpu.memory_space<semaphore_mem>>
    %dma_start3A_254 = tpu.memref_squeeze %dma_start3A_253 : memref<1x!tpu.dma_semaphore, #tpu.memory_space<semaphore_mem>> -> memref<!tpu.dma_semaphore, #tpu.memory_space<semaphore_mem>>
    tpu.enqueue_indirect_dma source(%arg8 : memref<128x128xf32, #tpu.memory_space<vmem>>) target(%dma_start3A_252 : memref<10002x128xf32, #tpu.memory_space<vmem_shared>>) offsets(%dma_start3A_249 : memref<128xi32, #tpu.memory_space<vmem>>) semaphore(%dma_start3A_254 : memref<!tpu.dma_semaphore, #tpu.memory_space<semaphore_mem>>) {add = true}
    %dma_start3A_255 = arith.constant 0 : i32
    %dma_start3A_256 = arith.constant 0 : i32
    %dma_start3A_257 = arith.constant 0 : i32
    %dma_start3A_258 = tpu.memref_slice %arg9[%dma_start3A_255, %dma_start3A_257] : memref<2x128xi32, #tpu.memory_space<vmem>> -> memref<1x128xi32, #tpu.memory_space<vmem>>
    %dma_start3A_259 = tpu.memref_squeeze %dma_start3A_258 : memref<1x128xi32, #tpu.memory_space<vmem>> -> memref<128xi32, #tpu.memory_space<vmem>>
    %dma_start3A_260 = arith.constant 0 : i32
    %dma_start3A_261 = arith.constant 0 : i32
    %dma_start3A_262 = tpu.memref_slice %arg2[%dma_start3A_260, %dma_start3A_261] : memref<20000x128xf32, #tpu.memory_space<hbm>> -> memref<20000x128xf32, #tpu.memory_space<hbm>>
    %dma_start3A_263 = tpu.memref_slice %arg15[%dma_start3A_256] : memref<3x!tpu.dma_semaphore, #tpu.memory_space<semaphore_mem>> -> memref<1x!tpu.dma_semaphore, #tpu.memory_space<semaphore_mem>>
    %dma_start3A_264 = tpu.memref_squeeze %dma_start3A_263 : memref<1x!tpu.dma_semaphore, #tpu.memory_space<semaphore_mem>> -> memref<!tpu.dma_semaphore, #tpu.memory_space<semaphore_mem>>
    tpu.enqueue_indirect_dma source(%dma_start3A_262 : memref<20000x128xf32, #tpu.memory_space<hbm>>) target(%arg6 : memref<128x128xf32, #tpu.memory_space<vmem>>) offsets(%dma_start3A_259 : memref<128xi32, #tpu.memory_space<vmem>>) semaphore(%dma_start3A_264 : memref<!tpu.dma_semaphore, #tpu.memory_space<semaphore_mem>>)
    %scan3A = arith.constant 0 : i32
    %scan3A_265 = arith.constant 1 : i32
    %scan3A_266 = arith.constant 25 : i32
    %scan3A_267 = arith.addi %scan3A_265, %scan3A_266 : i32
    %scan3A_268 = arith.constant 1 : i32
    %scan3A_269 = scf.for %scan3A_459 = %scan3A_265 to %scan3A_267 step %scan3A_268 iter_args(%scan3A_460 = %scan3A) -> (i32)  : i32 {
      %mul3A_461 = arith.constant 6 : i32
      %mul3A_462 = arith.muli %scan3A_459, %mul3A_461 : i32
      %add3A_463 = arith.constant 0 : i32
      %add3A_464 = arith.addi %mul3A_462, %add3A_463 : i32
      %add3A_465 = arith.addi %add3A_12, %add3A_464 : i32
      %add3A_466 = arith.constant 1 : i32
      %add3A_467 = arith.addi %add3A_465, %add3A_466 : i32
      "tpu.region"() ({
        %run_scoped3A = tpu.sem_alloc : memref<!tpu.dma_semaphore, #tpu.memory_space<semaphore_mem>>
        %dma_start3A_734 = arith.constant 0 : i32
        %dma_start3A_735 = arith.constant 0 : i32
        %dma_start3A_736 = tpu.memref_slice %arg3[%add3A_467, %dma_start3A_734, %dma_start3A_735] : memref<5120x2x128xi32, #tpu.memory_space<hbm>> -> memref<1x2x128xi32, #tpu.memory_space<hbm>>
        %dma_start3A_737 = tpu.memref_squeeze %dma_start3A_736 : memref<1x2x128xi32, #tpu.memory_space<hbm>> -> memref<2x128xi32, #tpu.memory_space<hbm>>
        %dma_start3A_738 = arith.constant 0 : i32
        %dma_start3A_739 = arith.constant 0 : i32
        %dma_start3A_740 = tpu.memref_slice %arg3[%add3A_467, %dma_start3A_738, %dma_start3A_739] : memref<5120x2x128xi32, #tpu.memory_space<hbm>> -> memref<1x2x128xi32, #tpu.memory_space<hbm>>
        %dma_start3A_741 = tpu.memref_squeeze %dma_start3A_740 : memref<1x2x128xi32, #tpu.memory_space<hbm>> -> memref<2x128xi32, #tpu.memory_space<hbm>>
        tpu.enqueue_dma source(%dma_start3A_741 : memref<2x128xi32, #tpu.memory_space<hbm>>) target(%arg10 : memref<2x128xi32, #tpu.memory_space<vmem>>) target_semaphore(%run_scoped3A : memref<!tpu.dma_semaphore, #tpu.memory_space<semaphore_mem>>)
        %dma_wait3A_742 = arith.constant 0 : i32
        %dma_wait3A_743 = arith.constant 0 : i32
        %dma_wait3A_744 = tpu.memref_slice %arg3[%add3A_467, %dma_wait3A_742, %dma_wait3A_743] : memref<5120x2x128xi32, #tpu.memory_space<hbm>> -> memref<1x2x128xi32, #tpu.memory_space<hbm>>
        %dma_wait3A_745 = tpu.memref_squeeze %dma_wait3A_744 : memref<1x2x128xi32, #tpu.memory_space<hbm>> -> memref<2x128xi32, #tpu.memory_space<hbm>>
        %dma_wait3A_746 = arith.constant 0 : i32
        %dma_wait3A_747 = arith.constant 0 : i32
        %dma_wait3A_748 = tpu.memref_slice %arg3[%add3A_467, %dma_wait3A_746, %dma_wait3A_747] : memref<5120x2x128xi32, #tpu.memory_space<hbm>> -> memref<1x2x128xi32, #tpu.memory_space<hbm>>
        %dma_wait3A_749 = tpu.memref_squeeze %dma_wait3A_748 : memref<1x2x128xi32, #tpu.memory_space<hbm>> -> memref<2x128xi32, #tpu.memory_space<hbm>>
        tpu.wait_dma2 semaphore(%run_scoped3A : memref<!tpu.dma_semaphore, #tpu.memory_space<semaphore_mem>>) src(%dma_wait3A_749 : memref<2x128xi32, #tpu.memory_space<hbm>>) dst(%arg10 : memref<2x128xi32, #tpu.memory_space<vmem>>)
        tpu.yield
      }) : () -> ()
      %dma_wait3A_468 = arith.constant 1 : i32
      %dma_wait3A_469 = arith.constant 1 : i32
      %dma_wait3A_470 = arith.constant 0 : i32
      %dma_wait3A_471 = tpu.memref_slice %arg9[%dma_wait3A_468, %dma_wait3A_470] : memref<2x128xi32, #tpu.memory_space<vmem>> -> memref<1x128xi32, #tpu.memory_space<vmem>>
      %dma_wait3A_472 = tpu.memref_squeeze %dma_wait3A_471 : memref<1x128xi32, #tpu.memory_space<vmem>> -> memref<128xi32, #tpu.memory_space<vmem>>
      %dma_wait3A_473 = arith.constant 0 : i32
      %dma_wait3A_474 = arith.constant 0 : i32
      %dma_wait3A_475 = tpu.memref_slice %arg5[%dma_wait3A_473, %dma_wait3A_474] : memref<10002x128xf32, #tpu.memory_space<vmem_shared>> -> memref<10002x128xf32, #tpu.memory_space<vmem_shared>>
      %dma_wait3A_476 = tpu.memref_slice %arg16[%dma_wait3A_469] : memref<3x!tpu.dma_semaphore, #tpu.memory_space<semaphore_mem>> -> memref<1x!tpu.dma_semaphore, #tpu.memory_space<semaphore_mem>>
      %dma_wait3A_477 = tpu.memref_squeeze %dma_wait3A_476 : memref<1x!tpu.dma_semaphore, #tpu.memory_space<semaphore_mem>> -> memref<!tpu.dma_semaphore, #tpu.memory_space<semaphore_mem>>
      tpu.wait_indirect_dma semaphore(%dma_wait3A_477 : memref<!tpu.dma_semaphore, #tpu.memory_space<semaphore_mem>>) src(%arg7 : memref<128x128xf32, #tpu.memory_space<vmem>>) dst(%dma_wait3A_475 : memref<10002x128xf32, #tpu.memory_space<vmem_shared>>)
      %dma_wait3A_478 = arith.constant 0 : i32
      %dma_wait3A_479 = arith.constant 0 : i32
      %dma_wait3A_480 = arith.constant 0 : i32
      %dma_wait3A_481 = tpu.memref_slice %arg9[%dma_wait3A_478, %dma_wait3A_480] : memref<2x128xi32, #tpu.memory_space<vmem>> -> memref<1x128xi32, #tpu.memory_space<vmem>>
      %dma_wait3A_482 = tpu.memref_squeeze %dma_wait3A_481 : memref<1x128xi32, #tpu.memory_space<vmem>> -> memref<128xi32, #tpu.memory_space<vmem>>
      %dma_wait3A_483 = arith.constant 0 : i32
      %dma_wait3A_484 = arith.constant 0 : i32
      %dma_wait3A_485 = tpu.memref_slice %arg2[%dma_wait3A_483, %dma_wait3A_484] : memref<20000x128xf32, #tpu.memory_space<hbm>> -> memref<20000x128xf32, #tpu.memory_space<hbm>>
      %dma_wait3A_486 = tpu.memref_slice %arg15[%dma_wait3A_479] : memref<3x!tpu.dma_semaphore, #tpu.memory_space<semaphore_mem>> -> memref<1x!tpu.dma_semaphore, #tpu.memory_space<semaphore_mem>>
      %dma_wait3A_487 = tpu.memref_squeeze %dma_wait3A_486 : memref<1x!tpu.dma_semaphore, #tpu.memory_space<semaphore_mem>> -> memref<!tpu.dma_semaphore, #tpu.memory_space<semaphore_mem>>
      tpu.wait_indirect_dma semaphore(%dma_wait3A_487 : memref<!tpu.dma_semaphore, #tpu.memory_space<semaphore_mem>>) src(%dma_wait3A_485 : memref<20000x128xf32, #tpu.memory_space<hbm>>) dst(%arg6 : memref<128x128xf32, #tpu.memory_space<vmem>>)
      %dma_start3A_488 = arith.constant 1 : i32
      %dma_start3A_489 = arith.constant 0 : i32
      %dma_start3A_490 = arith.constant 0 : i32
      %dma_start3A_491 = tpu.memref_slice %arg9[%dma_start3A_488, %dma_start3A_490] : memref<2x128xi32, #tpu.memory_space<vmem>> -> memref<1x128xi32, #tpu.memory_space<vmem>>
      %dma_start3A_492 = tpu.memref_squeeze %dma_start3A_491 : memref<1x128xi32, #tpu.memory_space<vmem>> -> memref<128xi32, #tpu.memory_space<vmem>>
      %dma_start3A_493 = arith.constant 0 : i32
      %dma_start3A_494 = arith.constant 0 : i32
      %dma_start3A_495 = tpu.memref_slice %arg5[%dma_start3A_493, %dma_start3A_494] : memref<10002x128xf32, #tpu.memory_space<vmem_shared>> -> memref<10002x128xf32, #tpu.memory_space<vmem_shared>>
      %dma_start3A_496 = tpu.memref_slice %arg16[%dma_start3A_489] : memref<3x!tpu.dma_semaphore, #tpu.memory_space<semaphore_mem>> -> memref<1x!tpu.dma_semaphore, #tpu.memory_space<semaphore_mem>>
      %dma_start3A_497 = tpu.memref_squeeze %dma_start3A_496 : memref<1x!tpu.dma_semaphore, #tpu.memory_space<semaphore_mem>> -> memref<!tpu.dma_semaphore, #tpu.memory_space<semaphore_mem>>
      tpu.enqueue_indirect_dma source(%arg6 : memref<128x128xf32, #tpu.memory_space<vmem>>) target(%dma_start3A_495 : memref<10002x128xf32, #tpu.memory_space<vmem_shared>>) offsets(%dma_start3A_492 : memref<128xi32, #tpu.memory_space<vmem>>) semaphore(%dma_start3A_497 : memref<!tpu.dma_semaphore, #tpu.memory_space<semaphore_mem>>) {add = true}
      %dma_start3A_498 = arith.constant 0 : i32
      %dma_start3A_499 = arith.constant 1 : i32
      %dma_start3A_500 = arith.constant 0 : i32
      %dma_start3A_501 = tpu.memref_slice %arg10[%dma_start3A_498, %dma_start3A_500] : memref<2x128xi32, #tpu.memory_space<vmem>> -> memref<1x128xi32, #tpu.memory_space<vmem>>
      %dma_start3A_502 = tpu.memref_squeeze %dma_start3A_501 : memref<1x128xi32, #tpu.memory_space<vmem>> -> memref<128xi32, #tpu.memory_space<vmem>>
      %dma_start3A_503 = arith.constant 0 : i32
      %dma_start3A_504 = arith.constant 0 : i32
      %dma_start3A_505 = tpu.memref_slice %arg2[%dma_start3A_503, %dma_start3A_504] : memref<20000x128xf32, #tpu.memory_space<hbm>> -> memref<20000x128xf32, #tpu.memory_space<hbm>>
      %dma_start3A_506 = tpu.memref_slice %arg15[%dma_start3A_499] : memref<3x!tpu.dma_semaphore, #tpu.memory_space<semaphore_mem>> -> memref<1x!tpu.dma_semaphore, #tpu.memory_space<semaphore_mem>>
      %dma_start3A_507 = tpu.memref_squeeze %dma_start3A_506 : memref<1x!tpu.dma_semaphore, #tpu.memory_space<semaphore_mem>> -> memref<!tpu.dma_semaphore, #tpu.memory_space<semaphore_mem>>
      tpu.enqueue_indirect_dma source(%dma_start3A_505 : memref<20000x128xf32, #tpu.memory_space<hbm>>) target(%arg7 : memref<128x128xf32, #tpu.memory_space<vmem>>) offsets(%dma_start3A_502 : memref<128xi32, #tpu.memory_space<vmem>>) semaphore(%dma_start3A_507 : memref<!tpu.dma_semaphore, #tpu.memory_space<semaphore_mem>>)
      %add3A_508 = arith.constant 1 : i32
      %add3A_509 = arith.addi %mul3A_462, %add3A_508 : i32
      %add3A_510 = arith.addi %add3A_12, %add3A_509 : i32
      %add3A_511 = arith.constant 1 : i32
      %add3A_512 = arith.addi %add3A_510, %add3A_511 : i32
      "tpu.region"() ({
        %run_scoped3A = tpu.sem_alloc : memref<!tpu.dma_semaphore, #tpu.memory_space<semaphore_mem>>
        %dma_start3A_734 = arith.constant 0 : i32
        %dma_start3A_735 = arith.constant 0 : i32
        %dma_start3A_736 = tpu.memref_slice %arg3[%add3A_512, %dma_start3A_734, %dma_start3A_735] : memref<5120x2x128xi32, #tpu.memory_space<hbm>> -> memref<1x2x128xi32, #tpu.memory_space<hbm>>
        %dma_start3A_737 = tpu.memref_squeeze %dma_start3A_736 : memref<1x2x128xi32, #tpu.memory_space<hbm>> -> memref<2x128xi32, #tpu.memory_space<hbm>>
        %dma_start3A_738 = arith.constant 0 : i32
        %dma_start3A_739 = arith.constant 0 : i32
        %dma_start3A_740 = tpu.memref_slice %arg3[%add3A_512, %dma_start3A_738, %dma_start3A_739] : memref<5120x2x128xi32, #tpu.memory_space<hbm>> -> memref<1x2x128xi32, #tpu.memory_space<hbm>>
        %dma_start3A_741 = tpu.memref_squeeze %dma_start3A_740 : memref<1x2x128xi32, #tpu.memory_space<hbm>> -> memref<2x128xi32, #tpu.memory_space<hbm>>
        tpu.enqueue_dma source(%dma_start3A_741 : memref<2x128xi32, #tpu.memory_space<hbm>>) target(%arg11 : memref<2x128xi32, #tpu.memory_space<vmem>>) target_semaphore(%run_scoped3A : memref<!tpu.dma_semaphore, #tpu.memory_space<semaphore_mem>>)
        %dma_wait3A_742 = arith.constant 0 : i32
        %dma_wait3A_743 = arith.constant 0 : i32
        %dma_wait3A_744 = tpu.memref_slice %arg3[%add3A_512, %dma_wait3A_742, %dma_wait3A_743] : memref<5120x2x128xi32, #tpu.memory_space<hbm>> -> memref<1x2x128xi32, #tpu.memory_space<hbm>>
        %dma_wait3A_745 = tpu.memref_squeeze %dma_wait3A_744 : memref<1x2x128xi32, #tpu.memory_space<hbm>> -> memref<2x128xi32, #tpu.memory_space<hbm>>
        %dma_wait3A_746 = arith.constant 0 : i32
        %dma_wait3A_747 = arith.constant 0 : i32
        %dma_wait3A_748 = tpu.memref_slice %arg3[%add3A_512, %dma_wait3A_746, %dma_wait3A_747] : memref<5120x2x128xi32, #tpu.memory_space<hbm>> -> memref<1x2x128xi32, #tpu.memory_space<hbm>>
        %dma_wait3A_749 = tpu.memref_squeeze %dma_wait3A_748 : memref<1x2x128xi32, #tpu.memory_space<hbm>> -> memref<2x128xi32, #tpu.memory_space<hbm>>
        tpu.wait_dma2 semaphore(%run_scoped3A : memref<!tpu.dma_semaphore, #tpu.memory_space<semaphore_mem>>) src(%dma_wait3A_749 : memref<2x128xi32, #tpu.memory_space<hbm>>) dst(%arg11 : memref<2x128xi32, #tpu.memory_space<vmem>>)
        tpu.yield
      }) : () -> ()
      %dma_wait3A_513 = arith.constant 1 : i32
      %dma_wait3A_514 = arith.constant 2 : i32
      %dma_wait3A_515 = arith.constant 0 : i32
      %dma_wait3A_516 = tpu.memref_slice %arg10[%dma_wait3A_513, %dma_wait3A_515] : memref<2x128xi32, #tpu.memory_space<vmem>> -> memref<1x128xi32, #tpu.memory_space<vmem>>
      %dma_wait3A_517 = tpu.memref_squeeze %dma_wait3A_516 : memref<1x128xi32, #tpu.memory_space<vmem>> -> memref<128xi32, #tpu.memory_space<vmem>>
      %dma_wait3A_518 = arith.constant 0 : i32
      %dma_wait3A_519 = arith.constant 0 : i32
      %dma_wait3A_520 = tpu.memref_slice %arg5[%dma_wait3A_518, %dma_wait3A_519] : memref<10002x128xf32, #tpu.memory_space<vmem_shared>> -> memref<10002x128xf32, #tpu.memory_space<vmem_shared>>
      %dma_wait3A_521 = tpu.memref_slice %arg16[%dma_wait3A_514] : memref<3x!tpu.dma_semaphore, #tpu.memory_space<semaphore_mem>> -> memref<1x!tpu.dma_semaphore, #tpu.memory_space<semaphore_mem>>
      %dma_wait3A_522 = tpu.memref_squeeze %dma_wait3A_521 : memref<1x!tpu.dma_semaphore, #tpu.memory_space<semaphore_mem>> -> memref<!tpu.dma_semaphore, #tpu.memory_space<semaphore_mem>>
      tpu.wait_indirect_dma semaphore(%dma_wait3A_522 : memref<!tpu.dma_semaphore, #tpu.memory_space<semaphore_mem>>) src(%arg8 : memref<128x128xf32, #tpu.memory_space<vmem>>) dst(%dma_wait3A_520 : memref<10002x128xf32, #tpu.memory_space<vmem_shared>>)
      %dma_wait3A_523 = arith.constant 0 : i32
      %dma_wait3A_524 = arith.constant 1 : i32
      %dma_wait3A_525 = arith.constant 0 : i32
      %dma_wait3A_526 = tpu.memref_slice %arg10[%dma_wait3A_523, %dma_wait3A_525] : memref<2x128xi32, #tpu.memory_space<vmem>> -> memref<1x128xi32, #tpu.memory_space<vmem>>
      %dma_wait3A_527 = tpu.memref_squeeze %dma_wait3A_526 : memref<1x128xi32, #tpu.memory_space<vmem>> -> memref<128xi32, #tpu.memory_space<vmem>>
      %dma_wait3A_528 = arith.constant 0 : i32
      %dma_wait3A_529 = arith.constant 0 : i32
      %dma_wait3A_530 = tpu.memref_slice %arg2[%dma_wait3A_528, %dma_wait3A_529] : memref<20000x128xf32, #tpu.memory_space<hbm>> -> memref<20000x128xf32, #tpu.memory_space<hbm>>
      %dma_wait3A_531 = tpu.memref_slice %arg15[%dma_wait3A_524] : memref<3x!tpu.dma_semaphore, #tpu.memory_space<semaphore_mem>> -> memref<1x!tpu.dma_semaphore, #tpu.memory_space<semaphore_mem>>
      %dma_wait3A_532 = tpu.memref_squeeze %dma_wait3A_531 : memref<1x!tpu.dma_semaphore, #tpu.memory_space<semaphore_mem>> -> memref<!tpu.dma_semaphore, #tpu.memory_space<semaphore_mem>>
      tpu.wait_indirect_dma semaphore(%dma_wait3A_532 : memref<!tpu.dma_semaphore, #tpu.memory_space<semaphore_mem>>) src(%dma_wait3A_530 : memref<20000x128xf32, #tpu.memory_space<hbm>>) dst(%arg7 : memref<128x128xf32, #tpu.memory_space<vmem>>)
      %dma_start3A_533 = arith.constant 1 : i32
      %dma_start3A_534 = arith.constant 1 : i32
      %dma_start3A_535 = arith.constant 0 : i32
      %dma_start3A_536 = tpu.memref_slice %arg10[%dma_start3A_533, %dma_start3A_535] : memref<2x128xi32, #tpu.memory_space<vmem>> -> memref<1x128xi32, #tpu.memory_space<vmem>>
      %dma_start3A_537 = tpu.memref_squeeze %dma_start3A_536 : memref<1x128xi32, #tpu.memory_space<vmem>> -> memref<128xi32, #tpu.memory_space<vmem>>
      %dma_start3A_538 = arith.constant 0 : i32
      %dma_start3A_539 = arith.constant 0 : i32
      %dma_start3A_540 = tpu.memref_slice %arg5[%dma_start3A_538, %dma_start3A_539] : memref<10002x128xf32, #tpu.memory_space<vmem_shared>> -> memref<10002x128xf32, #tpu.memory_space<vmem_shared>>
      %dma_start3A_541 = tpu.memref_slice %arg16[%dma_start3A_534] : memref<3x!tpu.dma_semaphore, #tpu.memory_space<semaphore_mem>> -> memref<1x!tpu.dma_semaphore, #tpu.memory_space<semaphore_mem>>
      %dma_start3A_542 = tpu.memref_squeeze %dma_start3A_541 : memref<1x!tpu.dma_semaphore, #tpu.memory_space<semaphore_mem>> -> memref<!tpu.dma_semaphore, #tpu.memory_space<semaphore_mem>>
      tpu.enqueue_indirect_dma source(%arg7 : memref<128x128xf32, #tpu.memory_space<vmem>>) target(%dma_start3A_540 : memref<10002x128xf32, #tpu.memory_space<vmem_shared>>) offsets(%dma_start3A_537 : memref<128xi32, #tpu.memory_space<vmem>>) semaphore(%dma_start3A_542 : memref<!tpu.dma_semaphore, #tpu.memory_space<semaphore_mem>>) {add = true}
      %dma_start3A_543 = arith.constant 0 : i32
      %dma_start3A_544 = arith.constant 2 : i32
      %dma_start3A_545 = arith.constant 0 : i32
      %dma_start3A_546 = tpu.memref_slice %arg11[%dma_start3A_543, %dma_start3A_545] : memref<2x128xi32, #tpu.memory_space<vmem>> -> memref<1x128xi32, #tpu.memory_space<vmem>>
      %dma_start3A_547 = tpu.memref_squeeze %dma_start3A_546 : memref<1x128xi32, #tpu.memory_space<vmem>> -> memref<128xi32, #tpu.memory_space<vmem>>
      %dma_start3A_548 = arith.constant 0 : i32
      %dma_start3A_549 = arith.constant 0 : i32
      %dma_start3A_550 = tpu.memref_slice %arg2[%dma_start3A_548, %dma_start3A_549] : memref<20000x128xf32, #tpu.memory_space<hbm>> -> memref<20000x128xf32, #tpu.memory_space<hbm>>
      %dma_start3A_551 = tpu.memref_slice %arg15[%dma_start3A_544] : memref<3x!tpu.dma_semaphore, #tpu.memory_space<semaphore_mem>> -> memref<1x!tpu.dma_semaphore, #tpu.memory_space<semaphore_mem>>
      %dma_start3A_552 = tpu.memref_squeeze %dma_start3A_551 : memref<1x!tpu.dma_semaphore, #tpu.memory_space<semaphore_mem>> -> memref<!tpu.dma_semaphore, #tpu.memory_space<semaphore_mem>>
      tpu.enqueue_indirect_dma source(%dma_start3A_550 : memref<20000x128xf32, #tpu.memory_space<hbm>>) target(%arg8 : memref<128x128xf32, #tpu.memory_space<vmem>>) offsets(%dma_start3A_547 : memref<128xi32, #tpu.memory_space<vmem>>) semaphore(%dma_start3A_552 : memref<!tpu.dma_semaphore, #tpu.memory_space<semaphore_mem>>)
      %add3A_553 = arith.constant 2 : i32
      %add3A_554 = arith.addi %mul3A_462, %add3A_553 : i32
      %add3A_555 = arith.addi %add3A_12, %add3A_554 : i32
      %add3A_556 = arith.constant 1 : i32
      %add3A_557 = arith.addi %add3A_555, %add3A_556 : i32
      "tpu.region"() ({
        %run_scoped3A = tpu.sem_alloc : memref<!tpu.dma_semaphore, #tpu.memory_space<semaphore_mem>>
        %dma_start3A_734 = arith.constant 0 : i32
        %dma_start3A_735 = arith.constant 0 : i32
        %dma_start3A_736 = tpu.memref_slice %arg3[%add3A_557, %dma_start3A_734, %dma_start3A_735] : memref<5120x2x128xi32, #tpu.memory_space<hbm>> -> memref<1x2x128xi32, #tpu.memory_space<hbm>>
        %dma_start3A_737 = tpu.memref_squeeze %dma_start3A_736 : memref<1x2x128xi32, #tpu.memory_space<hbm>> -> memref<2x128xi32, #tpu.memory_space<hbm>>
        %dma_start3A_738 = arith.constant 0 : i32
        %dma_start3A_739 = arith.constant 0 : i32
        %dma_start3A_740 = tpu.memref_slice %arg3[%add3A_557, %dma_start3A_738, %dma_start3A_739] : memref<5120x2x128xi32, #tpu.memory_space<hbm>> -> memref<1x2x128xi32, #tpu.memory_space<hbm>>
        %dma_start3A_741 = tpu.memref_squeeze %dma_start3A_740 : memref<1x2x128xi32, #tpu.memory_space<hbm>> -> memref<2x128xi32, #tpu.memory_space<hbm>>
        tpu.enqueue_dma source(%dma_start3A_741 : memref<2x128xi32, #tpu.memory_space<hbm>>) target(%arg12 : memref<2x128xi32, #tpu.memory_space<vmem>>) target_semaphore(%run_scoped3A : memref<!tpu.dma_semaphore, #tpu.memory_space<semaphore_mem>>)
        %dma_wait3A_742 = arith.constant 0 : i32
        %dma_wait3A_743 = arith.constant 0 : i32
        %dma_wait3A_744 = tpu.memref_slice %arg3[%add3A_557, %dma_wait3A_742, %dma_wait3A_743] : memref<5120x2x128xi32, #tpu.memory_space<hbm>> -> memref<1x2x128xi32, #tpu.memory_space<hbm>>
        %dma_wait3A_745 = tpu.memref_squeeze %dma_wait3A_744 : memref<1x2x128xi32, #tpu.memory_space<hbm>> -> memref<2x128xi32, #tpu.memory_space<hbm>>
        %dma_wait3A_746 = arith.constant 0 : i32
        %dma_wait3A_747 = arith.constant 0 : i32
        %dma_wait3A_748 = tpu.memref_slice %arg3[%add3A_557, %dma_wait3A_746, %dma_wait3A_747] : memref<5120x2x128xi32, #tpu.memory_space<hbm>> -> memref<1x2x128xi32, #tpu.memory_space<hbm>>
        %dma_wait3A_749 = tpu.memref_squeeze %dma_wait3A_748 : memref<1x2x128xi32, #tpu.memory_space<hbm>> -> memref<2x128xi32, #tpu.memory_space<hbm>>
        tpu.wait_dma2 semaphore(%run_scoped3A : memref<!tpu.dma_semaphore, #tpu.memory_space<semaphore_mem>>) src(%dma_wait3A_749 : memref<2x128xi32, #tpu.memory_space<hbm>>) dst(%arg12 : memref<2x128xi32, #tpu.memory_space<vmem>>)
        tpu.yield
      }) : () -> ()
      %dma_wait3A_558 = arith.constant 1 : i32
      %dma_wait3A_559 = arith.constant 0 : i32
      %dma_wait3A_560 = arith.constant 0 : i32
      %dma_wait3A_561 = tpu.memref_slice %arg11[%dma_wait3A_558, %dma_wait3A_560] : memref<2x128xi32, #tpu.memory_space<vmem>> -> memref<1x128xi32, #tpu.memory_space<vmem>>
      %dma_wait3A_562 = tpu.memref_squeeze %dma_wait3A_561 : memref<1x128xi32, #tpu.memory_space<vmem>> -> memref<128xi32, #tpu.memory_space<vmem>>
      %dma_wait3A_563 = arith.constant 0 : i32
      %dma_wait3A_564 = arith.constant 0 : i32
      %dma_wait3A_565 = tpu.memref_slice %arg5[%dma_wait3A_563, %dma_wait3A_564] : memref<10002x128xf32, #tpu.memory_space<vmem_shared>> -> memref<10002x128xf32, #tpu.memory_space<vmem_shared>>
      %dma_wait3A_566 = tpu.memref_slice %arg16[%dma_wait3A_559] : memref<3x!tpu.dma_semaphore, #tpu.memory_space<semaphore_mem>> -> memref<1x!tpu.dma_semaphore, #tpu.memory_space<semaphore_mem>>
      %dma_wait3A_567 = tpu.memref_squeeze %dma_wait3A_566 : memref<1x!tpu.dma_semaphore, #tpu.memory_space<semaphore_mem>> -> memref<!tpu.dma_semaphore, #tpu.memory_space<semaphore_mem>>
      tpu.wait_indirect_dma semaphore(%dma_wait3A_567 : memref<!tpu.dma_semaphore, #tpu.memory_space<semaphore_mem>>) src(%arg6 : memref<128x128xf32, #tpu.memory_space<vmem>>) dst(%dma_wait3A_565 : memref<10002x128xf32, #tpu.memory_space<vmem_shared>>)
      %dma_wait3A_568 = arith.constant 0 : i32
      %dma_wait3A_569 = arith.constant 2 : i32
      %dma_wait3A_570 = arith.constant 0 : i32
      %dma_wait3A_571 = tpu.memref_slice %arg11[%dma_wait3A_568, %dma_wait3A_570] : memref<2x128xi32, #tpu.memory_space<vmem>> -> memref<1x128xi32, #tpu.memory_space<vmem>>
      %dma_wait3A_572 = tpu.memref_squeeze %dma_wait3A_571 : memref<1x128xi32, #tpu.memory_space<vmem>> -> memref<128xi32, #tpu.memory_space<vmem>>
      %dma_wait3A_573 = arith.constant 0 : i32
      %dma_wait3A_574 = arith.constant 0 : i32
      %dma_wait3A_575 = tpu.memref_slice %arg2[%dma_wait3A_573, %dma_wait3A_574] : memref<20000x128xf32, #tpu.memory_space<hbm>> -> memref<20000x128xf32, #tpu.memory_space<hbm>>
      %dma_wait3A_576 = tpu.memref_slice %arg15[%dma_wait3A_569] : memref<3x!tpu.dma_semaphore, #tpu.memory_space<semaphore_mem>> -> memref<1x!tpu.dma_semaphore, #tpu.memory_space<semaphore_mem>>
      %dma_wait3A_577 = tpu.memref_squeeze %dma_wait3A_576 : memref<1x!tpu.dma_semaphore, #tpu.memory_space<semaphore_mem>> -> memref<!tpu.dma_semaphore, #tpu.memory_space<semaphore_mem>>
      tpu.wait_indirect_dma semaphore(%dma_wait3A_577 : memref<!tpu.dma_semaphore, #tpu.memory_space<semaphore_mem>>) src(%dma_wait3A_575 : memref<20000x128xf32, #tpu.memory_space<hbm>>) dst(%arg8 : memref<128x128xf32, #tpu.memory_space<vmem>>)
      %dma_start3A_578 = arith.constant 1 : i32
      %dma_start3A_579 = arith.constant 2 : i32
      %dma_start3A_580 = arith.constant 0 : i32
      %dma_start3A_581 = tpu.memref_slice %arg11[%dma_start3A_578, %dma_start3A_580] : memref<2x128xi32, #tpu.memory_space<vmem>> -> memref<1x128xi32, #tpu.memory_space<vmem>>
      %dma_start3A_582 = tpu.memref_squeeze %dma_start3A_581 : memref<1x128xi32, #tpu.memory_space<vmem>> -> memref<128xi32, #tpu.memory_space<vmem>>
      %dma_start3A_583 = arith.constant 0 : i32
      %dma_start3A_584 = arith.constant 0 : i32
      %dma_start3A_585 = tpu.memref_slice %arg5[%dma_start3A_583, %dma_start3A_584] : memref<10002x128xf32, #tpu.memory_space<vmem_shared>> -> memref<10002x128xf32, #tpu.memory_space<vmem_shared>>
      %dma_start3A_586 = tpu.memref_slice %arg16[%dma_start3A_579] : memref<3x!tpu.dma_semaphore, #tpu.memory_space<semaphore_mem>> -> memref<1x!tpu.dma_semaphore, #tpu.memory_space<semaphore_mem>>
      %dma_start3A_587 = tpu.memref_squeeze %dma_start3A_586 : memref<1x!tpu.dma_semaphore, #tpu.memory_space<semaphore_mem>> -> memref<!tpu.dma_semaphore, #tpu.memory_space<semaphore_mem>>
      tpu.enqueue_indirect_dma source(%arg8 : memref<128x128xf32, #tpu.memory_space<vmem>>) target(%dma_start3A_585 : memref<10002x128xf32, #tpu.memory_space<vmem_shared>>) offsets(%dma_start3A_582 : memref<128xi32, #tpu.memory_space<vmem>>) semaphore(%dma_start3A_587 : memref<!tpu.dma_semaphore, #tpu.memory_space<semaphore_mem>>) {add = true}
      %dma_start3A_588 = arith.constant 0 : i32
      %dma_start3A_589 = arith.constant 0 : i32
      %dma_start3A_590 = arith.constant 0 : i32
      %dma_start3A_591 = tpu.memref_slice %arg12[%dma_start3A_588, %dma_start3A_590] : memref<2x128xi32, #tpu.memory_space<vmem>> -> memref<1x128xi32, #tpu.memory_space<vmem>>
      %dma_start3A_592 = tpu.memref_squeeze %dma_start3A_591 : memref<1x128xi32, #tpu.memory_space<vmem>> -> memref<128xi32, #tpu.memory_space<vmem>>
      %dma_start3A_593 = arith.constant 0 : i32
      %dma_start3A_594 = arith.constant 0 : i32
      %dma_start3A_595 = tpu.memref_slice %arg2[%dma_start3A_593, %dma_start3A_594] : memref<20000x128xf32, #tpu.memory_space<hbm>> -> memref<20000x128xf32, #tpu.memory_space<hbm>>
      %dma_start3A_596 = tpu.memref_slice %arg15[%dma_start3A_589] : memref<3x!tpu.dma_semaphore, #tpu.memory_space<semaphore_mem>> -> memref<1x!tpu.dma_semaphore, #tpu.memory_space<semaphore_mem>>
      %dma_start3A_597 = tpu.memref_squeeze %dma_start3A_596 : memref<1x!tpu.dma_semaphore, #tpu.memory_space<semaphore_mem>> -> memref<!tpu.dma_semaphore, #tpu.memory_space<semaphore_mem>>
      tpu.enqueue_indirect_dma source(%dma_start3A_595 : memref<20000x128xf32, #tpu.memory_space<hbm>>) target(%arg6 : memref<128x128xf32, #tpu.memory_space<vmem>>) offsets(%dma_start3A_592 : memref<128xi32, #tpu.memory_space<vmem>>) semaphore(%dma_start3A_597 : memref<!tpu.dma_semaphore, #tpu.memory_space<semaphore_mem>>)
      %add3A_598 = arith.constant 3 : i32
      %add3A_599 = arith.addi %mul3A_462, %add3A_598 : i32
      %add3A_600 = arith.addi %add3A_12, %add3A_599 : i32
      %add3A_601 = arith.constant 1 : i32
      %add3A_602 = arith.addi %add3A_600, %add3A_601 : i32
      "tpu.region"() ({
        %run_scoped3A = tpu.sem_alloc : memref<!tpu.dma_semaphore, #tpu.memory_space<semaphore_mem>>
        %dma_start3A_734 = arith.constant 0 : i32
        %dma_start3A_735 = arith.constant 0 : i32
        %dma_start3A_736 = tpu.memref_slice %arg3[%add3A_602, %dma_start3A_734, %dma_start3A_735] : memref<5120x2x128xi32, #tpu.memory_space<hbm>> -> memref<1x2x128xi32, #tpu.memory_space<hbm>>
        %dma_start3A_737 = tpu.memref_squeeze %dma_start3A_736 : memref<1x2x128xi32, #tpu.memory_space<hbm>> -> memref<2x128xi32, #tpu.memory_space<hbm>>
        %dma_start3A_738 = arith.constant 0 : i32
        %dma_start3A_739 = arith.constant 0 : i32
        %dma_start3A_740 = tpu.memref_slice %arg3[%add3A_602, %dma_start3A_738, %dma_start3A_739] : memref<5120x2x128xi32, #tpu.memory_space<hbm>> -> memref<1x2x128xi32, #tpu.memory_space<hbm>>
        %dma_start3A_741 = tpu.memref_squeeze %dma_start3A_740 : memref<1x2x128xi32, #tpu.memory_space<hbm>> -> memref<2x128xi32, #tpu.memory_space<hbm>>
        tpu.enqueue_dma source(%dma_start3A_741 : memref<2x128xi32, #tpu.memory_space<hbm>>) target(%arg13 : memref<2x128xi32, #tpu.memory_space<vmem>>) target_semaphore(%run_scoped3A : memref<!tpu.dma_semaphore, #tpu.memory_space<semaphore_mem>>)
        %dma_wait3A_742 = arith.constant 0 : i32
        %dma_wait3A_743 = arith.constant 0 : i32
        %dma_wait3A_744 = tpu.memref_slice %arg3[%add3A_602, %dma_wait3A_742, %dma_wait3A_743] : memref<5120x2x128xi32, #tpu.memory_space<hbm>> -> memref<1x2x128xi32, #tpu.memory_space<hbm>>
        %dma_wait3A_745 = tpu.memref_squeeze %dma_wait3A_744 : memref<1x2x128xi32, #tpu.memory_space<hbm>> -> memref<2x128xi32, #tpu.memory_space<hbm>>
        %dma_wait3A_746 = arith.constant 0 : i32
        %dma_wait3A_747 = arith.constant 0 : i32
        %dma_wait3A_748 = tpu.memref_slice %arg3[%add3A_602, %dma_wait3A_746, %dma_wait3A_747] : memref<5120x2x128xi32, #tpu.memory_space<hbm>> -> memref<1x2x128xi32, #tpu.memory_space<hbm>>
        %dma_wait3A_749 = tpu.memref_squeeze %dma_wait3A_748 : memref<1x2x128xi32, #tpu.memory_space<hbm>> -> memref<2x128xi32, #tpu.memory_space<hbm>>
        tpu.wait_dma2 semaphore(%run_scoped3A : memref<!tpu.dma_semaphore, #tpu.memory_space<semaphore_mem>>) src(%dma_wait3A_749 : memref<2x128xi32, #tpu.memory_space<hbm>>) dst(%arg13 : memref<2x128xi32, #tpu.memory_space<vmem>>)
        tpu.yield
      }) : () -> ()
      %dma_wait3A_603 = arith.constant 1 : i32
      %dma_wait3A_604 = arith.constant 1 : i32
      %dma_wait3A_605 = arith.constant 0 : i32
      %dma_wait3A_606 = tpu.memref_slice %arg12[%dma_wait3A_603, %dma_wait3A_605] : memref<2x128xi32, #tpu.memory_space<vmem>> -> memref<1x128xi32, #tpu.memory_space<vmem>>
      %dma_wait3A_607 = tpu.memref_squeeze %dma_wait3A_606 : memref<1x128xi32, #tpu.memory_space<vmem>> -> memref<128xi32, #tpu.memory_space<vmem>>
      %dma_wait3A_608 = arith.constant 0 : i32
      %dma_wait3A_609 = arith.constant 0 : i32
      %dma_wait3A_610 = tpu.memref_slice %arg5[%dma_wait3A_608, %dma_wait3A_609] : memref<10002x128xf32, #tpu.memory_space<vmem_shared>> -> memref<10002x128xf32, #tpu.memory_space<vmem_shared>>
      %dma_wait3A_611 = tpu.memref_slice %arg16[%dma_wait3A_604] : memref<3x!tpu.dma_semaphore, #tpu.memory_space<semaphore_mem>> -> memref<1x!tpu.dma_semaphore, #tpu.memory_space<semaphore_mem>>
      %dma_wait3A_612 = tpu.memref_squeeze %dma_wait3A_611 : memref<1x!tpu.dma_semaphore, #tpu.memory_space<semaphore_mem>> -> memref<!tpu.dma_semaphore, #tpu.memory_space<semaphore_mem>>
      tpu.wait_indirect_dma semaphore(%dma_wait3A_612 : memref<!tpu.dma_semaphore, #tpu.memory_space<semaphore_mem>>) src(%arg7 : memref<128x128xf32, #tpu.memory_space<vmem>>) dst(%dma_wait3A_610 : memref<10002x128xf32, #tpu.memory_space<vmem_shared>>)
      %dma_wait3A_613 = arith.constant 0 : i32
      %dma_wait3A_614 = arith.constant 0 : i32
      %dma_wait3A_615 = arith.constant 0 : i32
      %dma_wait3A_616 = tpu.memref_slice %arg12[%dma_wait3A_613, %dma_wait3A_615] : memref<2x128xi32, #tpu.memory_space<vmem>> -> memref<1x128xi32, #tpu.memory_space<vmem>>
      %dma_wait3A_617 = tpu.memref_squeeze %dma_wait3A_616 : memref<1x128xi32, #tpu.memory_space<vmem>> -> memref<128xi32, #tpu.memory_space<vmem>>
      %dma_wait3A_618 = arith.constant 0 : i32
      %dma_wait3A_619 = arith.constant 0 : i32
      %dma_wait3A_620 = tpu.memref_slice %arg2[%dma_wait3A_618, %dma_wait3A_619] : memref<20000x128xf32, #tpu.memory_space<hbm>> -> memref<20000x128xf32, #tpu.memory_space<hbm>>
      %dma_wait3A_621 = tpu.memref_slice %arg15[%dma_wait3A_614] : memref<3x!tpu.dma_semaphore, #tpu.memory_space<semaphore_mem>> -> memref<1x!tpu.dma_semaphore, #tpu.memory_space<semaphore_mem>>
      %dma_wait3A_622 = tpu.memref_squeeze %dma_wait3A_621 : memref<1x!tpu.dma_semaphore, #tpu.memory_space<semaphore_mem>> -> memref<!tpu.dma_semaphore, #tpu.memory_space<semaphore_mem>>
      tpu.wait_indirect_dma semaphore(%dma_wait3A_622 : memref<!tpu.dma_semaphore, #tpu.memory_space<semaphore_mem>>) src(%dma_wait3A_620 : memref<20000x128xf32, #tpu.memory_space<hbm>>) dst(%arg6 : memref<128x128xf32, #tpu.memory_space<vmem>>)
      %dma_start3A_623 = arith.constant 1 : i32
      %dma_start3A_624 = arith.constant 0 : i32
      %dma_start3A_625 = arith.constant 0 : i32
      %dma_start3A_626 = tpu.memref_slice %arg12[%dma_start3A_623, %dma_start3A_625] : memref<2x128xi32, #tpu.memory_space<vmem>> -> memref<1x128xi32, #tpu.memory_space<vmem>>
      %dma_start3A_627 = tpu.memref_squeeze %dma_start3A_626 : memref<1x128xi32, #tpu.memory_space<vmem>> -> memref<128xi32, #tpu.memory_space<vmem>>
      %dma_start3A_628 = arith.constant 0 : i32
      %dma_start3A_629 = arith.constant 0 : i32
      %dma_start3A_630 = tpu.memref_slice %arg5[%dma_start3A_628, %dma_start3A_629] : memref<10002x128xf32, #tpu.memory_space<vmem_shared>> -> memref<10002x128xf32, #tpu.memory_space<vmem_shared>>
      %dma_start3A_631 = tpu.memref_slice %arg16[%dma_start3A_624] : memref<3x!tpu.dma_semaphore, #tpu.memory_space<semaphore_mem>> -> memref<1x!tpu.dma_semaphore, #tpu.memory_space<semaphore_mem>>
      %dma_start3A_632 = tpu.memref_squeeze %dma_start3A_631 : memref<1x!tpu.dma_semaphore, #tpu.memory_space<semaphore_mem>> -> memref<!tpu.dma_semaphore, #tpu.memory_space<semaphore_mem>>
      tpu.enqueue_indirect_dma source(%arg6 : memref<128x128xf32, #tpu.memory_space<vmem>>) target(%dma_start3A_630 : memref<10002x128xf32, #tpu.memory_space<vmem_shared>>) offsets(%dma_start3A_627 : memref<128xi32, #tpu.memory_space<vmem>>) semaphore(%dma_start3A_632 : memref<!tpu.dma_semaphore, #tpu.memory_space<semaphore_mem>>) {add = true}
      %dma_start3A_633 = arith.constant 0 : i32
      %dma_start3A_634 = arith.constant 1 : i32
      %dma_start3A_635 = arith.constant 0 : i32
      %dma_start3A_636 = tpu.memref_slice %arg13[%dma_start3A_633, %dma_start3A_635] : memref<2x128xi32, #tpu.memory_space<vmem>> -> memref<1x128xi32, #tpu.memory_space<vmem>>
      %dma_start3A_637 = tpu.memref_squeeze %dma_start3A_636 : memref<1x128xi32, #tpu.memory_space<vmem>> -> memref<128xi32, #tpu.memory_space<vmem>>
      %dma_start3A_638 = arith.constant 0 : i32
      %dma_start3A_639 = arith.constant 0 : i32
      %dma_start3A_640 = tpu.memref_slice %arg2[%dma_start3A_638, %dma_start3A_639] : memref<20000x128xf32, #tpu.memory_space<hbm>> -> memref<20000x128xf32, #tpu.memory_space<hbm>>
      %dma_start3A_641 = tpu.memref_slice %arg15[%dma_start3A_634] : memref<3x!tpu.dma_semaphore, #tpu.memory_space<semaphore_mem>> -> memref<1x!tpu.dma_semaphore, #tpu.memory_space<semaphore_mem>>
      %dma_start3A_642 = tpu.memref_squeeze %dma_start3A_641 : memref<1x!tpu.dma_semaphore, #tpu.memory_space<semaphore_mem>> -> memref<!tpu.dma_semaphore, #tpu.memory_space<semaphore_mem>>
      tpu.enqueue_indirect_dma source(%dma_start3A_640 : memref<20000x128xf32, #tpu.memory_space<hbm>>) target(%arg7 : memref<128x128xf32, #tpu.memory_space<vmem>>) offsets(%dma_start3A_637 : memref<128xi32, #tpu.memory_space<vmem>>) semaphore(%dma_start3A_642 : memref<!tpu.dma_semaphore, #tpu.memory_space<semaphore_mem>>)
      %add3A_643 = arith.constant 4 : i32
      %add3A_644 = arith.addi %mul3A_462, %add3A_643 : i32
      %add3A_645 = arith.addi %add3A_12, %add3A_644 : i32
      %add3A_646 = arith.constant 1 : i32
      %add3A_647 = arith.addi %add3A_645, %add3A_646 : i32
      "tpu.region"() ({
        %run_scoped3A = tpu.sem_alloc : memref<!tpu.dma_semaphore, #tpu.memory_space<semaphore_mem>>
        %dma_start3A_734 = arith.constant 0 : i32
        %dma_start3A_735 = arith.constant 0 : i32
        %dma_start3A_736 = tpu.memref_slice %arg3[%add3A_647, %dma_start3A_734, %dma_start3A_735] : memref<5120x2x128xi32, #tpu.memory_space<hbm>> -> memref<1x2x128xi32, #tpu.memory_space<hbm>>
        %dma_start3A_737 = tpu.memref_squeeze %dma_start3A_736 : memref<1x2x128xi32, #tpu.memory_space<hbm>> -> memref<2x128xi32, #tpu.memory_space<hbm>>
        %dma_start3A_738 = arith.constant 0 : i32
        %dma_start3A_739 = arith.constant 0 : i32
        %dma_start3A_740 = tpu.memref_slice %arg3[%add3A_647, %dma_start3A_738, %dma_start3A_739] : memref<5120x2x128xi32, #tpu.memory_space<hbm>> -> memref<1x2x128xi32, #tpu.memory_space<hbm>>
        %dma_start3A_741 = tpu.memref_squeeze %dma_start3A_740 : memref<1x2x128xi32, #tpu.memory_space<hbm>> -> memref<2x128xi32, #tpu.memory_space<hbm>>
        tpu.enqueue_dma source(%dma_start3A_741 : memref<2x128xi32, #tpu.memory_space<hbm>>) target(%arg14 : memref<2x128xi32, #tpu.memory_space<vmem>>) target_semaphore(%run_scoped3A : memref<!tpu.dma_semaphore, #tpu.memory_space<semaphore_mem>>)
        %dma_wait3A_742 = arith.constant 0 : i32
        %dma_wait3A_743 = arith.constant 0 : i32
        %dma_wait3A_744 = tpu.memref_slice %arg3[%add3A_647, %dma_wait3A_742, %dma_wait3A_743] : memref<5120x2x128xi32, #tpu.memory_space<hbm>> -> memref<1x2x128xi32, #tpu.memory_space<hbm>>
        %dma_wait3A_745 = tpu.memref_squeeze %dma_wait3A_744 : memref<1x2x128xi32, #tpu.memory_space<hbm>> -> memref<2x128xi32, #tpu.memory_space<hbm>>
        %dma_wait3A_746 = arith.constant 0 : i32
        %dma_wait3A_747 = arith.constant 0 : i32
        %dma_wait3A_748 = tpu.memref_slice %arg3[%add3A_647, %dma_wait3A_746, %dma_wait3A_747] : memref<5120x2x128xi32, #tpu.memory_space<hbm>> -> memref<1x2x128xi32, #tpu.memory_space<hbm>>
        %dma_wait3A_749 = tpu.memref_squeeze %dma_wait3A_748 : memref<1x2x128xi32, #tpu.memory_space<hbm>> -> memref<2x128xi32, #tpu.memory_space<hbm>>
        tpu.wait_dma2 semaphore(%run_scoped3A : memref<!tpu.dma_semaphore, #tpu.memory_space<semaphore_mem>>) src(%dma_wait3A_749 : memref<2x128xi32, #tpu.memory_space<hbm>>) dst(%arg14 : memref<2x128xi32, #tpu.memory_space<vmem>>)
        tpu.yield
      }) : () -> ()
      %dma_wait3A_648 = arith.constant 1 : i32
      %dma_wait3A_649 = arith.constant 2 : i32
      %dma_wait3A_650 = arith.constant 0 : i32
      %dma_wait3A_651 = tpu.memref_slice %arg13[%dma_wait3A_648, %dma_wait3A_650] : memref<2x128xi32, #tpu.memory_space<vmem>> -> memref<1x128xi32, #tpu.memory_space<vmem>>
      %dma_wait3A_652 = tpu.memref_squeeze %dma_wait3A_651 : memref<1x128xi32, #tpu.memory_space<vmem>> -> memref<128xi32, #tpu.memory_space<vmem>>
      %dma_wait3A_653 = arith.constant 0 : i32
      %dma_wait3A_654 = arith.constant 0 : i32
      %dma_wait3A_655 = tpu.memref_slice %arg5[%dma_wait3A_653, %dma_wait3A_654] : memref<10002x128xf32, #tpu.memory_space<vmem_shared>> -> memref<10002x128xf32, #tpu.memory_space<vmem_shared>>
      %dma_wait3A_656 = tpu.memref_slice %arg16[%dma_wait3A_649] : memref<3x!tpu.dma_semaphore, #tpu.memory_space<semaphore_mem>> -> memref<1x!tpu.dma_semaphore, #tpu.memory_space<semaphore_mem>>
      %dma_wait3A_657 = tpu.memref_squeeze %dma_wait3A_656 : memref<1x!tpu.dma_semaphore, #tpu.memory_space<semaphore_mem>> -> memref<!tpu.dma_semaphore, #tpu.memory_space<semaphore_mem>>
      tpu.wait_indirect_dma semaphore(%dma_wait3A_657 : memref<!tpu.dma_semaphore, #tpu.memory_space<semaphore_mem>>) src(%arg8 : memref<128x128xf32, #tpu.memory_space<vmem>>) dst(%dma_wait3A_655 : memref<10002x128xf32, #tpu.memory_space<vmem_shared>>)
      %dma_wait3A_658 = arith.constant 0 : i32
      %dma_wait3A_659 = arith.constant 1 : i32
      %dma_wait3A_660 = arith.constant 0 : i32
      %dma_wait3A_661 = tpu.memref_slice %arg13[%dma_wait3A_658, %dma_wait3A_660] : memref<2x128xi32, #tpu.memory_space<vmem>> -> memref<1x128xi32, #tpu.memory_space<vmem>>
      %dma_wait3A_662 = tpu.memref_squeeze %dma_wait3A_661 : memref<1x128xi32, #tpu.memory_space<vmem>> -> memref<128xi32, #tpu.memory_space<vmem>>
      %dma_wait3A_663 = arith.constant 0 : i32
      %dma_wait3A_664 = arith.constant 0 : i32
      %dma_wait3A_665 = tpu.memref_slice %arg2[%dma_wait3A_663, %dma_wait3A_664] : memref<20000x128xf32, #tpu.memory_space<hbm>> -> memref<20000x128xf32, #tpu.memory_space<hbm>>
      %dma_wait3A_666 = tpu.memref_slice %arg15[%dma_wait3A_659] : memref<3x!tpu.dma_semaphore, #tpu.memory_space<semaphore_mem>> -> memref<1x!tpu.dma_semaphore, #tpu.memory_space<semaphore_mem>>
      %dma_wait3A_667 = tpu.memref_squeeze %dma_wait3A_666 : memref<1x!tpu.dma_semaphore, #tpu.memory_space<semaphore_mem>> -> memref<!tpu.dma_semaphore, #tpu.memory_space<semaphore_mem>>
      tpu.wait_indirect_dma semaphore(%dma_wait3A_667 : memref<!tpu.dma_semaphore, #tpu.memory_space<semaphore_mem>>) src(%dma_wait3A_665 : memref<20000x128xf32, #tpu.memory_space<hbm>>) dst(%arg7 : memref<128x128xf32, #tpu.memory_space<vmem>>)
      %dma_start3A_668 = arith.constant 1 : i32
      %dma_start3A_669 = arith.constant 1 : i32
      %dma_start3A_670 = arith.constant 0 : i32
      %dma_start3A_671 = tpu.memref_slice %arg13[%dma_start3A_668, %dma_start3A_670] : memref<2x128xi32, #tpu.memory_space<vmem>> -> memref<1x128xi32, #tpu.memory_space<vmem>>
      %dma_start3A_672 = tpu.memref_squeeze %dma_start3A_671 : memref<1x128xi32, #tpu.memory_space<vmem>> -> memref<128xi32, #tpu.memory_space<vmem>>
      %dma_start3A_673 = arith.constant 0 : i32
      %dma_start3A_674 = arith.constant 0 : i32
      %dma_start3A_675 = tpu.memref_slice %arg5[%dma_start3A_673, %dma_start3A_674] : memref<10002x128xf32, #tpu.memory_space<vmem_shared>> -> memref<10002x128xf32, #tpu.memory_space<vmem_shared>>
      %dma_start3A_676 = tpu.memref_slice %arg16[%dma_start3A_669] : memref<3x!tpu.dma_semaphore, #tpu.memory_space<semaphore_mem>> -> memref<1x!tpu.dma_semaphore, #tpu.memory_space<semaphore_mem>>
      %dma_start3A_677 = tpu.memref_squeeze %dma_start3A_676 : memref<1x!tpu.dma_semaphore, #tpu.memory_space<semaphore_mem>> -> memref<!tpu.dma_semaphore, #tpu.memory_space<semaphore_mem>>
      tpu.enqueue_indirect_dma source(%arg7 : memref<128x128xf32, #tpu.memory_space<vmem>>) target(%dma_start3A_675 : memref<10002x128xf32, #tpu.memory_space<vmem_shared>>) offsets(%dma_start3A_672 : memref<128xi32, #tpu.memory_space<vmem>>) semaphore(%dma_start3A_677 : memref<!tpu.dma_semaphore, #tpu.memory_space<semaphore_mem>>) {add = true}
      %dma_start3A_678 = arith.constant 0 : i32
      %dma_start3A_679 = arith.constant 2 : i32
      %dma_start3A_680 = arith.constant 0 : i32
      %dma_start3A_681 = tpu.memref_slice %arg14[%dma_start3A_678, %dma_start3A_680] : memref<2x128xi32, #tpu.memory_space<vmem>> -> memref<1x128xi32, #tpu.memory_space<vmem>>
      %dma_start3A_682 = tpu.memref_squeeze %dma_start3A_681 : memref<1x128xi32, #tpu.memory_space<vmem>> -> memref<128xi32, #tpu.memory_space<vmem>>
      %dma_start3A_683 = arith.constant 0 : i32
      %dma_start3A_684 = arith.constant 0 : i32
      %dma_start3A_685 = tpu.memref_slice %arg2[%dma_start3A_683, %dma_start3A_684] : memref<20000x128xf32, #tpu.memory_space<hbm>> -> memref<20000x128xf32, #tpu.memory_space<hbm>>
      %dma_start3A_686 = tpu.memref_slice %arg15[%dma_start3A_679] : memref<3x!tpu.dma_semaphore, #tpu.memory_space<semaphore_mem>> -> memref<1x!tpu.dma_semaphore, #tpu.memory_space<semaphore_mem>>
      %dma_start3A_687 = tpu.memref_squeeze %dma_start3A_686 : memref<1x!tpu.dma_semaphore, #tpu.memory_space<semaphore_mem>> -> memref<!tpu.dma_semaphore, #tpu.memory_space<semaphore_mem>>
      tpu.enqueue_indirect_dma source(%dma_start3A_685 : memref<20000x128xf32, #tpu.memory_space<hbm>>) target(%arg8 : memref<128x128xf32, #tpu.memory_space<vmem>>) offsets(%dma_start3A_682 : memref<128xi32, #tpu.memory_space<vmem>>) semaphore(%dma_start3A_687 : memref<!tpu.dma_semaphore, #tpu.memory_space<semaphore_mem>>)
      %add3A_688 = arith.constant 5 : i32
      %add3A_689 = arith.addi %mul3A_462, %add3A_688 : i32
      %add3A_690 = arith.addi %add3A_12, %add3A_689 : i32
      %add3A_691 = arith.constant 1 : i32
      %add3A_692 = arith.addi %add3A_690, %add3A_691 : i32
      "tpu.region"() ({
        %run_scoped3A = tpu.sem_alloc : memref<!tpu.dma_semaphore, #tpu.memory_space<semaphore_mem>>
        %dma_start3A_734 = arith.constant 0 : i32
        %dma_start3A_735 = arith.constant 0 : i32
        %dma_start3A_736 = tpu.memref_slice %arg3[%add3A_692, %dma_start3A_734, %dma_start3A_735] : memref<5120x2x128xi32, #tpu.memory_space<hbm>> -> memref<1x2x128xi32, #tpu.memory_space<hbm>>
        %dma_start3A_737 = tpu.memref_squeeze %dma_start3A_736 : memref<1x2x128xi32, #tpu.memory_space<hbm>> -> memref<2x128xi32, #tpu.memory_space<hbm>>
        %dma_start3A_738 = arith.constant 0 : i32
        %dma_start3A_739 = arith.constant 0 : i32
        %dma_start3A_740 = tpu.memref_slice %arg3[%add3A_692, %dma_start3A_738, %dma_start3A_739] : memref<5120x2x128xi32, #tpu.memory_space<hbm>> -> memref<1x2x128xi32, #tpu.memory_space<hbm>>
        %dma_start3A_741 = tpu.memref_squeeze %dma_start3A_740 : memref<1x2x128xi32, #tpu.memory_space<hbm>> -> memref<2x128xi32, #tpu.memory_space<hbm>>
        tpu.enqueue_dma source(%dma_start3A_741 : memref<2x128xi32, #tpu.memory_space<hbm>>) target(%arg9 : memref<2x128xi32, #tpu.memory_space<vmem>>) target_semaphore(%run_scoped3A : memref<!tpu.dma_semaphore, #tpu.memory_space<semaphore_mem>>)
        %dma_wait3A_742 = arith.constant 0 : i32
        %dma_wait3A_743 = arith.constant 0 : i32
        %dma_wait3A_744 = tpu.memref_slice %arg3[%add3A_692, %dma_wait3A_742, %dma_wait3A_743] : memref<5120x2x128xi32, #tpu.memory_space<hbm>> -> memref<1x2x128xi32, #tpu.memory_space<hbm>>
        %dma_wait3A_745 = tpu.memref_squeeze %dma_wait3A_744 : memref<1x2x128xi32, #tpu.memory_space<hbm>> -> memref<2x128xi32, #tpu.memory_space<hbm>>
        %dma_wait3A_746 = arith.constant 0 : i32
        %dma_wait3A_747 = arith.constant 0 : i32
        %dma_wait3A_748 = tpu.memref_slice %arg3[%add3A_692, %dma_wait3A_746, %dma_wait3A_747] : memref<5120x2x128xi32, #tpu.memory_space<hbm>> -> memref<1x2x128xi32, #tpu.memory_space<hbm>>
        %dma_wait3A_749 = tpu.memref_squeeze %dma_wait3A_748 : memref<1x2x128xi32, #tpu.memory_space<hbm>> -> memref<2x128xi32, #tpu.memory_space<hbm>>
        tpu.wait_dma2 semaphore(%run_scoped3A : memref<!tpu.dma_semaphore, #tpu.memory_space<semaphore_mem>>) src(%dma_wait3A_749 : memref<2x128xi32, #tpu.memory_space<hbm>>) dst(%arg9 : memref<2x128xi32, #tpu.memory_space<vmem>>)
        tpu.yield
      }) : () -> ()
      %dma_wait3A_693 = arith.constant 1 : i32
      %dma_wait3A_694 = arith.constant 0 : i32
      %dma_wait3A_695 = arith.constant 0 : i32
      %dma_wait3A_696 = tpu.memref_slice %arg14[%dma_wait3A_693, %dma_wait3A_695] : memref<2x128xi32, #tpu.memory_space<vmem>> -> memref<1x128xi32, #tpu.memory_space<vmem>>
      %dma_wait3A_697 = tpu.memref_squeeze %dma_wait3A_696 : memref<1x128xi32, #tpu.memory_space<vmem>> -> memref<128xi32, #tpu.memory_space<vmem>>
      %dma_wait3A_698 = arith.constant 0 : i32
      %dma_wait3A_699 = arith.constant 0 : i32
      %dma_wait3A_700 = tpu.memref_slice %arg5[%dma_wait3A_698, %dma_wait3A_699] : memref<10002x128xf32, #tpu.memory_space<vmem_shared>> -> memref<10002x128xf32, #tpu.memory_space<vmem_shared>>
      %dma_wait3A_701 = tpu.memref_slice %arg16[%dma_wait3A_694] : memref<3x!tpu.dma_semaphore, #tpu.memory_space<semaphore_mem>> -> memref<1x!tpu.dma_semaphore, #tpu.memory_space<semaphore_mem>>
      %dma_wait3A_702 = tpu.memref_squeeze %dma_wait3A_701 : memref<1x!tpu.dma_semaphore, #tpu.memory_space<semaphore_mem>> -> memref<!tpu.dma_semaphore, #tpu.memory_space<semaphore_mem>>
      tpu.wait_indirect_dma semaphore(%dma_wait3A_702 : memref<!tpu.dma_semaphore, #tpu.memory_space<semaphore_mem>>) src(%arg6 : memref<128x128xf32, #tpu.memory_space<vmem>>) dst(%dma_wait3A_700 : memref<10002x128xf32, #tpu.memory_space<vmem_shared>>)
      %dma_wait3A_703 = arith.constant 0 : i32
      %dma_wait3A_704 = arith.constant 2 : i32
      %dma_wait3A_705 = arith.constant 0 : i32
      %dma_wait3A_706 = tpu.memref_slice %arg14[%dma_wait3A_703, %dma_wait3A_705] : memref<2x128xi32, #tpu.memory_space<vmem>> -> memref<1x128xi32, #tpu.memory_space<vmem>>
      %dma_wait3A_707 = tpu.memref_squeeze %dma_wait3A_706 : memref<1x128xi32, #tpu.memory_space<vmem>> -> memref<128xi32, #tpu.memory_space<vmem>>
      %dma_wait3A_708 = arith.constant 0 : i32
      %dma_wait3A_709 = arith.constant 0 : i32
      %dma_wait3A_710 = tpu.memref_slice %arg2[%dma_wait3A_708, %dma_wait3A_709] : memref<20000x128xf32, #tpu.memory_space<hbm>> -> memref<20000x128xf32, #tpu.memory_space<hbm>>
      %dma_wait3A_711 = tpu.memref_slice %arg15[%dma_wait3A_704] : memref<3x!tpu.dma_semaphore, #tpu.memory_space<semaphore_mem>> -> memref<1x!tpu.dma_semaphore, #tpu.memory_space<semaphore_mem>>
      %dma_wait3A_712 = tpu.memref_squeeze %dma_wait3A_711 : memref<1x!tpu.dma_semaphore, #tpu.memory_space<semaphore_mem>> -> memref<!tpu.dma_semaphore, #tpu.memory_space<semaphore_mem>>
      tpu.wait_indirect_dma semaphore(%dma_wait3A_712 : memref<!tpu.dma_semaphore, #tpu.memory_space<semaphore_mem>>) src(%dma_wait3A_710 : memref<20000x128xf32, #tpu.memory_space<hbm>>) dst(%arg8 : memref<128x128xf32, #tpu.memory_space<vmem>>)
      %dma_start3A_713 = arith.constant 1 : i32
      %dma_start3A_714 = arith.constant 2 : i32
      %dma_start3A_715 = arith.constant 0 : i32
      %dma_start3A_716 = tpu.memref_slice %arg14[%dma_start3A_713, %dma_start3A_715] : memref<2x128xi32, #tpu.memory_space<vmem>> -> memref<1x128xi32, #tpu.memory_space<vmem>>
      %dma_start3A_717 = tpu.memref_squeeze %dma_start3A_716 : memref<1x128xi32, #tpu.memory_space<vmem>> -> memref<128xi32, #tpu.memory_space<vmem>>
      %dma_start3A_718 = arith.constant 0 : i32
      %dma_start3A_719 = arith.constant 0 : i32
      %dma_start3A_720 = tpu.memref_slice %arg5[%dma_start3A_718, %dma_start3A_719] : memref<10002x128xf32, #tpu.memory_space<vmem_shared>> -> memref<10002x128xf32, #tpu.memory_space<vmem_shared>>
      %dma_start3A_721 = tpu.memref_slice %arg16[%dma_start3A_714] : memref<3x!tpu.dma_semaphore, #tpu.memory_space<semaphore_mem>> -> memref<1x!tpu.dma_semaphore, #tpu.memory_space<semaphore_mem>>
      %dma_start3A_722 = tpu.memref_squeeze %dma_start3A_721 : memref<1x!tpu.dma_semaphore, #tpu.memory_space<semaphore_mem>> -> memref<!tpu.dma_semaphore, #tpu.memory_space<semaphore_mem>>
      tpu.enqueue_indirect_dma source(%arg8 : memref<128x128xf32, #tpu.memory_space<vmem>>) target(%dma_start3A_720 : memref<10002x128xf32, #tpu.memory_space<vmem_shared>>) offsets(%dma_start3A_717 : memref<128xi32, #tpu.memory_space<vmem>>) semaphore(%dma_start3A_722 : memref<!tpu.dma_semaphore, #tpu.memory_space<semaphore_mem>>) {add = true}
      %dma_start3A_723 = arith.constant 0 : i32
      %dma_start3A_724 = arith.constant 0 : i32
      %dma_start3A_725 = arith.constant 0 : i32
      %dma_start3A_726 = tpu.memref_slice %arg9[%dma_start3A_723, %dma_start3A_725] : memref<2x128xi32, #tpu.memory_space<vmem>> -> memref<1x128xi32, #tpu.memory_space<vmem>>
      %dma_start3A_727 = tpu.memref_squeeze %dma_start3A_726 : memref<1x128xi32, #tpu.memory_space<vmem>> -> memref<128xi32, #tpu.memory_space<vmem>>
      %dma_start3A_728 = arith.constant 0 : i32
      %dma_start3A_729 = arith.constant 0 : i32
      %dma_start3A_730 = tpu.memref_slice %arg2[%dma_start3A_728, %dma_start3A_729] : memref<20000x128xf32, #tpu.memory_space<hbm>> -> memref<20000x128xf32, #tpu.memory_space<hbm>>
      %dma_start3A_731 = tpu.memref_slice %arg15[%dma_start3A_724] : memref<3x!tpu.dma_semaphore, #tpu.memory_space<semaphore_mem>> -> memref<1x!tpu.dma_semaphore, #tpu.memory_space<semaphore_mem>>
      %dma_start3A_732 = tpu.memref_squeeze %dma_start3A_731 : memref<1x!tpu.dma_semaphore, #tpu.memory_space<semaphore_mem>> -> memref<!tpu.dma_semaphore, #tpu.memory_space<semaphore_mem>>
      tpu.enqueue_indirect_dma source(%dma_start3A_730 : memref<20000x128xf32, #tpu.memory_space<hbm>>) target(%arg6 : memref<128x128xf32, #tpu.memory_space<vmem>>) offsets(%dma_start3A_727 : memref<128xi32, #tpu.memory_space<vmem>>) semaphore(%dma_start3A_732 : memref<!tpu.dma_semaphore, #tpu.memory_space<semaphore_mem>>)
      %scan3A_733 = arith.constant 0 : i32
      scf.yield %scan3A_733 : i32
    }
    %scan3A_270 = arith.constant 25 : i32
    %add3A_271 = arith.constant 156 : i32
    %add3A_272 = arith.addi %add3A_12, %add3A_271 : i32
    %add3A_273 = arith.constant 1 : i32
    %add3A_274 = arith.addi %add3A_272, %add3A_273 : i32
    "tpu.region"() ({
      %run_scoped3A = tpu.sem_alloc : memref<!tpu.dma_semaphore, #tpu.memory_space<semaphore_mem>>
      %dma_start3A_459 = arith.constant 0 : i32
      %dma_start3A_460 = arith.constant 0 : i32
      %dma_start3A_461 = tpu.memref_slice %arg3[%add3A_274, %dma_start3A_459, %dma_start3A_460] : memref<5120x2x128xi32, #tpu.memory_space<hbm>> -> memref<1x2x128xi32, #tpu.memory_space<hbm>>
      %dma_start3A_462 = tpu.memref_squeeze %dma_start3A_461 : memref<1x2x128xi32, #tpu.memory_space<hbm>> -> memref<2x128xi32, #tpu.memory_space<hbm>>
      %dma_start3A_463 = arith.constant 0 : i32
      %dma_start3A_464 = arith.constant 0 : i32
      %dma_start3A_465 = tpu.memref_slice %arg3[%add3A_274, %dma_start3A_463, %dma_start3A_464] : memref<5120x2x128xi32, #tpu.memory_space<hbm>> -> memref<1x2x128xi32, #tpu.memory_space<hbm>>
      %dma_start3A_466 = tpu.memref_squeeze %dma_start3A_465 : memref<1x2x128xi32, #tpu.memory_space<hbm>> -> memref<2x128xi32, #tpu.memory_space<hbm>>
      tpu.enqueue_dma source(%dma_start3A_466 : memref<2x128xi32, #tpu.memory_space<hbm>>) target(%arg10 : memref<2x128xi32, #tpu.memory_space<vmem>>) target_semaphore(%run_scoped3A : memref<!tpu.dma_semaphore, #tpu.memory_space<semaphore_mem>>)
      %dma_wait3A_467 = arith.constant 0 : i32
      %dma_wait3A_468 = arith.constant 0 : i32
      %dma_wait3A_469 = tpu.memref_slice %arg3[%add3A_274, %dma_wait3A_467, %dma_wait3A_468] : memref<5120x2x128xi32, #tpu.memory_space<hbm>> -> memref<1x2x128xi32, #tpu.memory_space<hbm>>
      %dma_wait3A_470 = tpu.memref_squeeze %dma_wait3A_469 : memref<1x2x128xi32, #tpu.memory_space<hbm>> -> memref<2x128xi32, #tpu.memory_space<hbm>>
      %dma_wait3A_471 = arith.constant 0 : i32
      %dma_wait3A_472 = arith.constant 0 : i32
      %dma_wait3A_473 = tpu.memref_slice %arg3[%add3A_274, %dma_wait3A_471, %dma_wait3A_472] : memref<5120x2x128xi32, #tpu.memory_space<hbm>> -> memref<1x2x128xi32, #tpu.memory_space<hbm>>
      %dma_wait3A_474 = tpu.memref_squeeze %dma_wait3A_473 : memref<1x2x128xi32, #tpu.memory_space<hbm>> -> memref<2x128xi32, #tpu.memory_space<hbm>>
      tpu.wait_dma2 semaphore(%run_scoped3A : memref<!tpu.dma_semaphore, #tpu.memory_space<semaphore_mem>>) src(%dma_wait3A_474 : memref<2x128xi32, #tpu.memory_space<hbm>>) dst(%arg10 : memref<2x128xi32, #tpu.memory_space<vmem>>)
      tpu.yield
    }) : () -> ()
    %dma_wait3A_275 = arith.constant 1 : i32
    %dma_wait3A_276 = arith.constant 1 : i32
    %dma_wait3A_277 = arith.constant 0 : i32
    %dma_wait3A_278 = tpu.memref_slice %arg9[%dma_wait3A_275, %dma_wait3A_277] : memref<2x128xi32, #tpu.memory_space<vmem>> -> memref<1x128xi32, #tpu.memory_space<vmem>>
    %dma_wait3A_279 = tpu.memref_squeeze %dma_wait3A_278 : memref<1x128xi32, #tpu.memory_space<vmem>> -> memref<128xi32, #tpu.memory_space<vmem>>
    %dma_wait3A_280 = arith.constant 0 : i32
    %dma_wait3A_281 = arith.constant 0 : i32
    %dma_wait3A_282 = tpu.memref_slice %arg5[%dma_wait3A_280, %dma_wait3A_281] : memref<10002x128xf32, #tpu.memory_space<vmem_shared>> -> memref<10002x128xf32, #tpu.memory_space<vmem_shared>>
    %dma_wait3A_283 = tpu.memref_slice %arg16[%dma_wait3A_276] : memref<3x!tpu.dma_semaphore, #tpu.memory_space<semaphore_mem>> -> memref<1x!tpu.dma_semaphore, #tpu.memory_space<semaphore_mem>>
    %dma_wait3A_284 = tpu.memref_squeeze %dma_wait3A_283 : memref<1x!tpu.dma_semaphore, #tpu.memory_space<semaphore_mem>> -> memref<!tpu.dma_semaphore, #tpu.memory_space<semaphore_mem>>
    tpu.wait_indirect_dma semaphore(%dma_wait3A_284 : memref<!tpu.dma_semaphore, #tpu.memory_space<semaphore_mem>>) src(%arg7 : memref<128x128xf32, #tpu.memory_space<vmem>>) dst(%dma_wait3A_282 : memref<10002x128xf32, #tpu.memory_space<vmem_shared>>)
    %dma_wait3A_285 = arith.constant 0 : i32
    %dma_wait3A_286 = arith.constant 0 : i32
    %dma_wait3A_287 = arith.constant 0 : i32
    %dma_wait3A_288 = tpu.memref_slice %arg9[%dma_wait3A_285, %dma_wait3A_287] : memref<2x128xi32, #tpu.memory_space<vmem>> -> memref<1x128xi32, #tpu.memory_space<vmem>>
    %dma_wait3A_289 = tpu.memref_squeeze %dma_wait3A_288 : memref<1x128xi32, #tpu.memory_space<vmem>> -> memref<128xi32, #tpu.memory_space<vmem>>
    %dma_wait3A_290 = arith.constant 0 : i32
    %dma_wait3A_291 = arith.constant 0 : i32
    %dma_wait3A_292 = tpu.memref_slice %arg2[%dma_wait3A_290, %dma_wait3A_291] : memref<20000x128xf32, #tpu.memory_space<hbm>> -> memref<20000x128xf32, #tpu.memory_space<hbm>>
    %dma_wait3A_293 = tpu.memref_slice %arg15[%dma_wait3A_286] : memref<3x!tpu.dma_semaphore, #tpu.memory_space<semaphore_mem>> -> memref<1x!tpu.dma_semaphore, #tpu.memory_space<semaphore_mem>>
    %dma_wait3A_294 = tpu.memref_squeeze %dma_wait3A_293 : memref<1x!tpu.dma_semaphore, #tpu.memory_space<semaphore_mem>> -> memref<!tpu.dma_semaphore, #tpu.memory_space<semaphore_mem>>
    tpu.wait_indirect_dma semaphore(%dma_wait3A_294 : memref<!tpu.dma_semaphore, #tpu.memory_space<semaphore_mem>>) src(%dma_wait3A_292 : memref<20000x128xf32, #tpu.memory_space<hbm>>) dst(%arg6 : memref<128x128xf32, #tpu.memory_space<vmem>>)
    %dma_start3A_295 = arith.constant 1 : i32
    %dma_start3A_296 = arith.constant 0 : i32
    %dma_start3A_297 = arith.constant 0 : i32
    %dma_start3A_298 = tpu.memref_slice %arg9[%dma_start3A_295, %dma_start3A_297] : memref<2x128xi32, #tpu.memory_space<vmem>> -> memref<1x128xi32, #tpu.memory_space<vmem>>
    %dma_start3A_299 = tpu.memref_squeeze %dma_start3A_298 : memref<1x128xi32, #tpu.memory_space<vmem>> -> memref<128xi32, #tpu.memory_space<vmem>>
    %dma_start3A_300 = arith.constant 0 : i32
    %dma_start3A_301 = arith.constant 0 : i32
    %dma_start3A_302 = tpu.memref_slice %arg5[%dma_start3A_300, %dma_start3A_301] : memref<10002x128xf32, #tpu.memory_space<vmem_shared>> -> memref<10002x128xf32, #tpu.memory_space<vmem_shared>>
    %dma_start3A_303 = tpu.memref_slice %arg16[%dma_start3A_296] : memref<3x!tpu.dma_semaphore, #tpu.memory_space<semaphore_mem>> -> memref<1x!tpu.dma_semaphore, #tpu.memory_space<semaphore_mem>>
    %dma_start3A_304 = tpu.memref_squeeze %dma_start3A_303 : memref<1x!tpu.dma_semaphore, #tpu.memory_space<semaphore_mem>> -> memref<!tpu.dma_semaphore, #tpu.memory_space<semaphore_mem>>
    tpu.enqueue_indirect_dma source(%arg6 : memref<128x128xf32, #tpu.memory_space<vmem>>) target(%dma_start3A_302 : memref<10002x128xf32, #tpu.memory_space<vmem_shared>>) offsets(%dma_start3A_299 : memref<128xi32, #tpu.memory_space<vmem>>) semaphore(%dma_start3A_304 : memref<!tpu.dma_semaphore, #tpu.memory_space<semaphore_mem>>) {add = true}
    %dma_start3A_305 = arith.constant 0 : i32
    %dma_start3A_306 = arith.constant 1 : i32
    %dma_start3A_307 = arith.constant 0 : i32
    %dma_start3A_308 = tpu.memref_slice %arg10[%dma_start3A_305, %dma_start3A_307] : memref<2x128xi32, #tpu.memory_space<vmem>> -> memref<1x128xi32, #tpu.memory_space<vmem>>
    %dma_start3A_309 = tpu.memref_squeeze %dma_start3A_308 : memref<1x128xi32, #tpu.memory_space<vmem>> -> memref<128xi32, #tpu.memory_space<vmem>>
    %dma_start3A_310 = arith.constant 0 : i32
    %dma_start3A_311 = arith.constant 0 : i32
    %dma_start3A_312 = tpu.memref_slice %arg2[%dma_start3A_310, %dma_start3A_311] : memref<20000x128xf32, #tpu.memory_space<hbm>> -> memref<20000x128xf32, #tpu.memory_space<hbm>>
    %dma_start3A_313 = tpu.memref_slice %arg15[%dma_start3A_306] : memref<3x!tpu.dma_semaphore, #tpu.memory_space<semaphore_mem>> -> memref<1x!tpu.dma_semaphore, #tpu.memory_space<semaphore_mem>>
    %dma_start3A_314 = tpu.memref_squeeze %dma_start3A_313 : memref<1x!tpu.dma_semaphore, #tpu.memory_space<semaphore_mem>> -> memref<!tpu.dma_semaphore, #tpu.memory_space<semaphore_mem>>
    tpu.enqueue_indirect_dma source(%dma_start3A_312 : memref<20000x128xf32, #tpu.memory_space<hbm>>) target(%arg7 : memref<128x128xf32, #tpu.memory_space<vmem>>) offsets(%dma_start3A_309 : memref<128xi32, #tpu.memory_space<vmem>>) semaphore(%dma_start3A_314 : memref<!tpu.dma_semaphore, #tpu.memory_space<semaphore_mem>>)
    %add3A_315 = arith.constant 157 : i32
    %add3A_316 = arith.addi %add3A_12, %add3A_315 : i32
    %add3A_317 = arith.constant 1 : i32
    %add3A_318 = arith.addi %add3A_316, %add3A_317 : i32
    "tpu.region"() ({
      %run_scoped3A = tpu.sem_alloc : memref<!tpu.dma_semaphore, #tpu.memory_space<semaphore_mem>>
      %dma_start3A_459 = arith.constant 0 : i32
      %dma_start3A_460 = arith.constant 0 : i32
      %dma_start3A_461 = tpu.memref_slice %arg3[%add3A_318, %dma_start3A_459, %dma_start3A_460] : memref<5120x2x128xi32, #tpu.memory_space<hbm>> -> memref<1x2x128xi32, #tpu.memory_space<hbm>>
      %dma_start3A_462 = tpu.memref_squeeze %dma_start3A_461 : memref<1x2x128xi32, #tpu.memory_space<hbm>> -> memref<2x128xi32, #tpu.memory_space<hbm>>
      %dma_start3A_463 = arith.constant 0 : i32
      %dma_start3A_464 = arith.constant 0 : i32
      %dma_start3A_465 = tpu.memref_slice %arg3[%add3A_318, %dma_start3A_463, %dma_start3A_464] : memref<5120x2x128xi32, #tpu.memory_space<hbm>> -> memref<1x2x128xi32, #tpu.memory_space<hbm>>
      %dma_start3A_466 = tpu.memref_squeeze %dma_start3A_465 : memref<1x2x128xi32, #tpu.memory_space<hbm>> -> memref<2x128xi32, #tpu.memory_space<hbm>>
      tpu.enqueue_dma source(%dma_start3A_466 : memref<2x128xi32, #tpu.memory_space<hbm>>) target(%arg11 : memref<2x128xi32, #tpu.memory_space<vmem>>) target_semaphore(%run_scoped3A : memref<!tpu.dma_semaphore, #tpu.memory_space<semaphore_mem>>)
      %dma_wait3A_467 = arith.constant 0 : i32
      %dma_wait3A_468 = arith.constant 0 : i32
      %dma_wait3A_469 = tpu.memref_slice %arg3[%add3A_318, %dma_wait3A_467, %dma_wait3A_468] : memref<5120x2x128xi32, #tpu.memory_space<hbm>> -> memref<1x2x128xi32, #tpu.memory_space<hbm>>
      %dma_wait3A_470 = tpu.memref_squeeze %dma_wait3A_469 : memref<1x2x128xi32, #tpu.memory_space<hbm>> -> memref<2x128xi32, #tpu.memory_space<hbm>>
      %dma_wait3A_471 = arith.constant 0 : i32
      %dma_wait3A_472 = arith.constant 0 : i32
      %dma_wait3A_473 = tpu.memref_slice %arg3[%add3A_318, %dma_wait3A_471, %dma_wait3A_472] : memref<5120x2x128xi32, #tpu.memory_space<hbm>> -> memref<1x2x128xi32, #tpu.memory_space<hbm>>
      %dma_wait3A_474 = tpu.memref_squeeze %dma_wait3A_473 : memref<1x2x128xi32, #tpu.memory_space<hbm>> -> memref<2x128xi32, #tpu.memory_space<hbm>>
      tpu.wait_dma2 semaphore(%run_scoped3A : memref<!tpu.dma_semaphore, #tpu.memory_space<semaphore_mem>>) src(%dma_wait3A_474 : memref<2x128xi32, #tpu.memory_space<hbm>>) dst(%arg11 : memref<2x128xi32, #tpu.memory_space<vmem>>)
      tpu.yield
    }) : () -> ()
    %dma_wait3A_319 = arith.constant 1 : i32
    %dma_wait3A_320 = arith.constant 2 : i32
    %dma_wait3A_321 = arith.constant 0 : i32
    %dma_wait3A_322 = tpu.memref_slice %arg10[%dma_wait3A_319, %dma_wait3A_321] : memref<2x128xi32, #tpu.memory_space<vmem>> -> memref<1x128xi32, #tpu.memory_space<vmem>>
    %dma_wait3A_323 = tpu.memref_squeeze %dma_wait3A_322 : memref<1x128xi32, #tpu.memory_space<vmem>> -> memref<128xi32, #tpu.memory_space<vmem>>
    %dma_wait3A_324 = arith.constant 0 : i32
    %dma_wait3A_325 = arith.constant 0 : i32
    %dma_wait3A_326 = tpu.memref_slice %arg5[%dma_wait3A_324, %dma_wait3A_325] : memref<10002x128xf32, #tpu.memory_space<vmem_shared>> -> memref<10002x128xf32, #tpu.memory_space<vmem_shared>>
    %dma_wait3A_327 = tpu.memref_slice %arg16[%dma_wait3A_320] : memref<3x!tpu.dma_semaphore, #tpu.memory_space<semaphore_mem>> -> memref<1x!tpu.dma_semaphore, #tpu.memory_space<semaphore_mem>>
    %dma_wait3A_328 = tpu.memref_squeeze %dma_wait3A_327 : memref<1x!tpu.dma_semaphore, #tpu.memory_space<semaphore_mem>> -> memref<!tpu.dma_semaphore, #tpu.memory_space<semaphore_mem>>
    tpu.wait_indirect_dma semaphore(%dma_wait3A_328 : memref<!tpu.dma_semaphore, #tpu.memory_space<semaphore_mem>>) src(%arg8 : memref<128x128xf32, #tpu.memory_space<vmem>>) dst(%dma_wait3A_326 : memref<10002x128xf32, #tpu.memory_space<vmem_shared>>)
    %dma_wait3A_329 = arith.constant 0 : i32
    %dma_wait3A_330 = arith.constant 1 : i32
    %dma_wait3A_331 = arith.constant 0 : i32
    %dma_wait3A_332 = tpu.memref_slice %arg10[%dma_wait3A_329, %dma_wait3A_331] : memref<2x128xi32, #tpu.memory_space<vmem>> -> memref<1x128xi32, #tpu.memory_space<vmem>>
    %dma_wait3A_333 = tpu.memref_squeeze %dma_wait3A_332 : memref<1x128xi32, #tpu.memory_space<vmem>> -> memref<128xi32, #tpu.memory_space<vmem>>
    %dma_wait3A_334 = arith.constant 0 : i32
    %dma_wait3A_335 = arith.constant 0 : i32
    %dma_wait3A_336 = tpu.memref_slice %arg2[%dma_wait3A_334, %dma_wait3A_335] : memref<20000x128xf32, #tpu.memory_space<hbm>> -> memref<20000x128xf32, #tpu.memory_space<hbm>>
    %dma_wait3A_337 = tpu.memref_slice %arg15[%dma_wait3A_330] : memref<3x!tpu.dma_semaphore, #tpu.memory_space<semaphore_mem>> -> memref<1x!tpu.dma_semaphore, #tpu.memory_space<semaphore_mem>>
    %dma_wait3A_338 = tpu.memref_squeeze %dma_wait3A_337 : memref<1x!tpu.dma_semaphore, #tpu.memory_space<semaphore_mem>> -> memref<!tpu.dma_semaphore, #tpu.memory_space<semaphore_mem>>
    tpu.wait_indirect_dma semaphore(%dma_wait3A_338 : memref<!tpu.dma_semaphore, #tpu.memory_space<semaphore_mem>>) src(%dma_wait3A_336 : memref<20000x128xf32, #tpu.memory_space<hbm>>) dst(%arg7 : memref<128x128xf32, #tpu.memory_space<vmem>>)
    %dma_start3A_339 = arith.constant 1 : i32
    %dma_start3A_340 = arith.constant 1 : i32
    %dma_start3A_341 = arith.constant 0 : i32
    %dma_start3A_342 = tpu.memref_slice %arg10[%dma_start3A_339, %dma_start3A_341] : memref<2x128xi32, #tpu.memory_space<vmem>> -> memref<1x128xi32, #tpu.memory_space<vmem>>
    %dma_start3A_343 = tpu.memref_squeeze %dma_start3A_342 : memref<1x128xi32, #tpu.memory_space<vmem>> -> memref<128xi32, #tpu.memory_space<vmem>>
    %dma_start3A_344 = arith.constant 0 : i32
    %dma_start3A_345 = arith.constant 0 : i32
    %dma_start3A_346 = tpu.memref_slice %arg5[%dma_start3A_344, %dma_start3A_345] : memref<10002x128xf32, #tpu.memory_space<vmem_shared>> -> memref<10002x128xf32, #tpu.memory_space<vmem_shared>>
    %dma_start3A_347 = tpu.memref_slice %arg16[%dma_start3A_340] : memref<3x!tpu.dma_semaphore, #tpu.memory_space<semaphore_mem>> -> memref<1x!tpu.dma_semaphore, #tpu.memory_space<semaphore_mem>>
    %dma_start3A_348 = tpu.memref_squeeze %dma_start3A_347 : memref<1x!tpu.dma_semaphore, #tpu.memory_space<semaphore_mem>> -> memref<!tpu.dma_semaphore, #tpu.memory_space<semaphore_mem>>
    tpu.enqueue_indirect_dma source(%arg7 : memref<128x128xf32, #tpu.memory_space<vmem>>) target(%dma_start3A_346 : memref<10002x128xf32, #tpu.memory_space<vmem_shared>>) offsets(%dma_start3A_343 : memref<128xi32, #tpu.memory_space<vmem>>) semaphore(%dma_start3A_348 : memref<!tpu.dma_semaphore, #tpu.memory_space<semaphore_mem>>) {add = true}
    %dma_start3A_349 = arith.constant 0 : i32
    %dma_start3A_350 = arith.constant 2 : i32
    %dma_start3A_351 = arith.constant 0 : i32
    %dma_start3A_352 = tpu.memref_slice %arg11[%dma_start3A_349, %dma_start3A_351] : memref<2x128xi32, #tpu.memory_space<vmem>> -> memref<1x128xi32, #tpu.memory_space<vmem>>
    %dma_start3A_353 = tpu.memref_squeeze %dma_start3A_352 : memref<1x128xi32, #tpu.memory_space<vmem>> -> memref<128xi32, #tpu.memory_space<vmem>>
    %dma_start3A_354 = arith.constant 0 : i32
    %dma_start3A_355 = arith.constant 0 : i32
    %dma_start3A_356 = tpu.memref_slice %arg2[%dma_start3A_354, %dma_start3A_355] : memref<20000x128xf32, #tpu.memory_space<hbm>> -> memref<20000x128xf32, #tpu.memory_space<hbm>>
    %dma_start3A_357 = tpu.memref_slice %arg15[%dma_start3A_350] : memref<3x!tpu.dma_semaphore, #tpu.memory_space<semaphore_mem>> -> memref<1x!tpu.dma_semaphore, #tpu.memory_space<semaphore_mem>>
    %dma_start3A_358 = tpu.memref_squeeze %dma_start3A_357 : memref<1x!tpu.dma_semaphore, #tpu.memory_space<semaphore_mem>> -> memref<!tpu.dma_semaphore, #tpu.memory_space<semaphore_mem>>
    tpu.enqueue_indirect_dma source(%dma_start3A_356 : memref<20000x128xf32, #tpu.memory_space<hbm>>) target(%arg8 : memref<128x128xf32, #tpu.memory_space<vmem>>) offsets(%dma_start3A_353 : memref<128xi32, #tpu.memory_space<vmem>>) semaphore(%dma_start3A_358 : memref<!tpu.dma_semaphore, #tpu.memory_space<semaphore_mem>>)
    %add3A_359 = arith.constant 158 : i32
    %add3A_360 = arith.addi %add3A_12, %add3A_359 : i32
    %add3A_361 = arith.constant 1 : i32
    %add3A_362 = arith.addi %add3A_360, %add3A_361 : i32
    "tpu.region"() ({
      %run_scoped3A = tpu.sem_alloc : memref<!tpu.dma_semaphore, #tpu.memory_space<semaphore_mem>>
      %dma_start3A_459 = arith.constant 0 : i32
      %dma_start3A_460 = arith.constant 0 : i32
      %dma_start3A_461 = tpu.memref_slice %arg3[%add3A_362, %dma_start3A_459, %dma_start3A_460] : memref<5120x2x128xi32, #tpu.memory_space<hbm>> -> memref<1x2x128xi32, #tpu.memory_space<hbm>>
      %dma_start3A_462 = tpu.memref_squeeze %dma_start3A_461 : memref<1x2x128xi32, #tpu.memory_space<hbm>> -> memref<2x128xi32, #tpu.memory_space<hbm>>
      %dma_start3A_463 = arith.constant 0 : i32
      %dma_start3A_464 = arith.constant 0 : i32
      %dma_start3A_465 = tpu.memref_slice %arg3[%add3A_362, %dma_start3A_463, %dma_start3A_464] : memref<5120x2x128xi32, #tpu.memory_space<hbm>> -> memref<1x2x128xi32, #tpu.memory_space<hbm>>
      %dma_start3A_466 = tpu.memref_squeeze %dma_start3A_465 : memref<1x2x128xi32, #tpu.memory_space<hbm>> -> memref<2x128xi32, #tpu.memory_space<hbm>>
      tpu.enqueue_dma source(%dma_start3A_466 : memref<2x128xi32, #tpu.memory_space<hbm>>) target(%arg12 : memref<2x128xi32, #tpu.memory_space<vmem>>) target_semaphore(%run_scoped3A : memref<!tpu.dma_semaphore, #tpu.memory_space<semaphore_mem>>)
      %dma_wait3A_467 = arith.constant 0 : i32
      %dma_wait3A_468 = arith.constant 0 : i32
      %dma_wait3A_469 = tpu.memref_slice %arg3[%add3A_362, %dma_wait3A_467, %dma_wait3A_468] : memref<5120x2x128xi32, #tpu.memory_space<hbm>> -> memref<1x2x128xi32, #tpu.memory_space<hbm>>
      %dma_wait3A_470 = tpu.memref_squeeze %dma_wait3A_469 : memref<1x2x128xi32, #tpu.memory_space<hbm>> -> memref<2x128xi32, #tpu.memory_space<hbm>>
      %dma_wait3A_471 = arith.constant 0 : i32
      %dma_wait3A_472 = arith.constant 0 : i32
      %dma_wait3A_473 = tpu.memref_slice %arg3[%add3A_362, %dma_wait3A_471, %dma_wait3A_472] : memref<5120x2x128xi32, #tpu.memory_space<hbm>> -> memref<1x2x128xi32, #tpu.memory_space<hbm>>
      %dma_wait3A_474 = tpu.memref_squeeze %dma_wait3A_473 : memref<1x2x128xi32, #tpu.memory_space<hbm>> -> memref<2x128xi32, #tpu.memory_space<hbm>>
      tpu.wait_dma2 semaphore(%run_scoped3A : memref<!tpu.dma_semaphore, #tpu.memory_space<semaphore_mem>>) src(%dma_wait3A_474 : memref<2x128xi32, #tpu.memory_space<hbm>>) dst(%arg12 : memref<2x128xi32, #tpu.memory_space<vmem>>)
      tpu.yield
    }) : () -> ()
    %dma_wait3A_363 = arith.constant 1 : i32
    %dma_wait3A_364 = arith.constant 0 : i32
    %dma_wait3A_365 = arith.constant 0 : i32
    %dma_wait3A_366 = tpu.memref_slice %arg11[%dma_wait3A_363, %dma_wait3A_365] : memref<2x128xi32, #tpu.memory_space<vmem>> -> memref<1x128xi32, #tpu.memory_space<vmem>>
    %dma_wait3A_367 = tpu.memref_squeeze %dma_wait3A_366 : memref<1x128xi32, #tpu.memory_space<vmem>> -> memref<128xi32, #tpu.memory_space<vmem>>
    %dma_wait3A_368 = arith.constant 0 : i32
    %dma_wait3A_369 = arith.constant 0 : i32
    %dma_wait3A_370 = tpu.memref_slice %arg5[%dma_wait3A_368, %dma_wait3A_369] : memref<10002x128xf32, #tpu.memory_space<vmem_shared>> -> memref<10002x128xf32, #tpu.memory_space<vmem_shared>>
    %dma_wait3A_371 = tpu.memref_slice %arg16[%dma_wait3A_364] : memref<3x!tpu.dma_semaphore, #tpu.memory_space<semaphore_mem>> -> memref<1x!tpu.dma_semaphore, #tpu.memory_space<semaphore_mem>>
    %dma_wait3A_372 = tpu.memref_squeeze %dma_wait3A_371 : memref<1x!tpu.dma_semaphore, #tpu.memory_space<semaphore_mem>> -> memref<!tpu.dma_semaphore, #tpu.memory_space<semaphore_mem>>
    tpu.wait_indirect_dma semaphore(%dma_wait3A_372 : memref<!tpu.dma_semaphore, #tpu.memory_space<semaphore_mem>>) src(%arg6 : memref<128x128xf32, #tpu.memory_space<vmem>>) dst(%dma_wait3A_370 : memref<10002x128xf32, #tpu.memory_space<vmem_shared>>)
    %dma_wait3A_373 = arith.constant 0 : i32
    %dma_wait3A_374 = arith.constant 2 : i32
    %dma_wait3A_375 = arith.constant 0 : i32
    %dma_wait3A_376 = tpu.memref_slice %arg11[%dma_wait3A_373, %dma_wait3A_375] : memref<2x128xi32, #tpu.memory_space<vmem>> -> memref<1x128xi32, #tpu.memory_space<vmem>>
    %dma_wait3A_377 = tpu.memref_squeeze %dma_wait3A_376 : memref<1x128xi32, #tpu.memory_space<vmem>> -> memref<128xi32, #tpu.memory_space<vmem>>
    %dma_wait3A_378 = arith.constant 0 : i32
    %dma_wait3A_379 = arith.constant 0 : i32
    %dma_wait3A_380 = tpu.memref_slice %arg2[%dma_wait3A_378, %dma_wait3A_379] : memref<20000x128xf32, #tpu.memory_space<hbm>> -> memref<20000x128xf32, #tpu.memory_space<hbm>>
    %dma_wait3A_381 = tpu.memref_slice %arg15[%dma_wait3A_374] : memref<3x!tpu.dma_semaphore, #tpu.memory_space<semaphore_mem>> -> memref<1x!tpu.dma_semaphore, #tpu.memory_space<semaphore_mem>>
    %dma_wait3A_382 = tpu.memref_squeeze %dma_wait3A_381 : memref<1x!tpu.dma_semaphore, #tpu.memory_space<semaphore_mem>> -> memref<!tpu.dma_semaphore, #tpu.memory_space<semaphore_mem>>
    tpu.wait_indirect_dma semaphore(%dma_wait3A_382 : memref<!tpu.dma_semaphore, #tpu.memory_space<semaphore_mem>>) src(%dma_wait3A_380 : memref<20000x128xf32, #tpu.memory_space<hbm>>) dst(%arg8 : memref<128x128xf32, #tpu.memory_space<vmem>>)
    %dma_start3A_383 = arith.constant 1 : i32
    %dma_start3A_384 = arith.constant 2 : i32
    %dma_start3A_385 = arith.constant 0 : i32
    %dma_start3A_386 = tpu.memref_slice %arg11[%dma_start3A_383, %dma_start3A_385] : memref<2x128xi32, #tpu.memory_space<vmem>> -> memref<1x128xi32, #tpu.memory_space<vmem>>
    %dma_start3A_387 = tpu.memref_squeeze %dma_start3A_386 : memref<1x128xi32, #tpu.memory_space<vmem>> -> memref<128xi32, #tpu.memory_space<vmem>>
    %dma_start3A_388 = arith.constant 0 : i32
    %dma_start3A_389 = arith.constant 0 : i32
    %dma_start3A_390 = tpu.memref_slice %arg5[%dma_start3A_388, %dma_start3A_389] : memref<10002x128xf32, #tpu.memory_space<vmem_shared>> -> memref<10002x128xf32, #tpu.memory_space<vmem_shared>>
    %dma_start3A_391 = tpu.memref_slice %arg16[%dma_start3A_384] : memref<3x!tpu.dma_semaphore, #tpu.memory_space<semaphore_mem>> -> memref<1x!tpu.dma_semaphore, #tpu.memory_space<semaphore_mem>>
    %dma_start3A_392 = tpu.memref_squeeze %dma_start3A_391 : memref<1x!tpu.dma_semaphore, #tpu.memory_space<semaphore_mem>> -> memref<!tpu.dma_semaphore, #tpu.memory_space<semaphore_mem>>
    tpu.enqueue_indirect_dma source(%arg8 : memref<128x128xf32, #tpu.memory_space<vmem>>) target(%dma_start3A_390 : memref<10002x128xf32, #tpu.memory_space<vmem_shared>>) offsets(%dma_start3A_387 : memref<128xi32, #tpu.memory_space<vmem>>) semaphore(%dma_start3A_392 : memref<!tpu.dma_semaphore, #tpu.memory_space<semaphore_mem>>) {add = true}
    %dma_start3A_393 = arith.constant 0 : i32
    %dma_start3A_394 = arith.constant 0 : i32
    %dma_start3A_395 = arith.constant 0 : i32
    %dma_start3A_396 = tpu.memref_slice %arg12[%dma_start3A_393, %dma_start3A_395] : memref<2x128xi32, #tpu.memory_space<vmem>> -> memref<1x128xi32, #tpu.memory_space<vmem>>
    %dma_start3A_397 = tpu.memref_squeeze %dma_start3A_396 : memref<1x128xi32, #tpu.memory_space<vmem>> -> memref<128xi32, #tpu.memory_space<vmem>>
    %dma_start3A_398 = arith.constant 0 : i32
    %dma_start3A_399 = arith.constant 0 : i32
    %dma_start3A_400 = tpu.memref_slice %arg2[%dma_start3A_398, %dma_start3A_399] : memref<20000x128xf32, #tpu.memory_space<hbm>> -> memref<20000x128xf32, #tpu.memory_space<hbm>>
    %dma_start3A_401 = tpu.memref_slice %arg15[%dma_start3A_394] : memref<3x!tpu.dma_semaphore, #tpu.memory_space<semaphore_mem>> -> memref<1x!tpu.dma_semaphore, #tpu.memory_space<semaphore_mem>>
    %dma_start3A_402 = tpu.memref_squeeze %dma_start3A_401 : memref<1x!tpu.dma_semaphore, #tpu.memory_space<semaphore_mem>> -> memref<!tpu.dma_semaphore, #tpu.memory_space<semaphore_mem>>
    tpu.enqueue_indirect_dma source(%dma_start3A_400 : memref<20000x128xf32, #tpu.memory_space<hbm>>) target(%arg6 : memref<128x128xf32, #tpu.memory_space<vmem>>) offsets(%dma_start3A_397 : memref<128xi32, #tpu.memory_space<vmem>>) semaphore(%dma_start3A_402 : memref<!tpu.dma_semaphore, #tpu.memory_space<semaphore_mem>>)
    %dma_wait3A_403 = arith.constant 1 : i32
    %dma_wait3A_404 = arith.constant 1 : i32
    %dma_wait3A_405 = arith.constant 0 : i32
    %dma_wait3A_406 = tpu.memref_slice %arg12[%dma_wait3A_403, %dma_wait3A_405] : memref<2x128xi32, #tpu.memory_space<vmem>> -> memref<1x128xi32, #tpu.memory_space<vmem>>
    %dma_wait3A_407 = tpu.memref_squeeze %dma_wait3A_406 : memref<1x128xi32, #tpu.memory_space<vmem>> -> memref<128xi32, #tpu.memory_space<vmem>>
    %dma_wait3A_408 = arith.constant 0 : i32
    %dma_wait3A_409 = arith.constant 0 : i32
    %dma_wait3A_410 = tpu.memref_slice %arg5[%dma_wait3A_408, %dma_wait3A_409] : memref<10002x128xf32, #tpu.memory_space<vmem_shared>> -> memref<10002x128xf32, #tpu.memory_space<vmem_shared>>
    %dma_wait3A_411 = tpu.memref_slice %arg16[%dma_wait3A_404] : memref<3x!tpu.dma_semaphore, #tpu.memory_space<semaphore_mem>> -> memref<1x!tpu.dma_semaphore, #tpu.memory_space<semaphore_mem>>
    %dma_wait3A_412 = tpu.memref_squeeze %dma_wait3A_411 : memref<1x!tpu.dma_semaphore, #tpu.memory_space<semaphore_mem>> -> memref<!tpu.dma_semaphore, #tpu.memory_space<semaphore_mem>>
    tpu.wait_indirect_dma semaphore(%dma_wait3A_412 : memref<!tpu.dma_semaphore, #tpu.memory_space<semaphore_mem>>) src(%arg7 : memref<128x128xf32, #tpu.memory_space<vmem>>) dst(%dma_wait3A_410 : memref<10002x128xf32, #tpu.memory_space<vmem_shared>>)
    %dma_wait3A_413 = arith.constant 0 : i32
    %dma_wait3A_414 = arith.constant 0 : i32
    %dma_wait3A_415 = arith.constant 0 : i32
    %dma_wait3A_416 = tpu.memref_slice %arg12[%dma_wait3A_413, %dma_wait3A_415] : memref<2x128xi32, #tpu.memory_space<vmem>> -> memref<1x128xi32, #tpu.memory_space<vmem>>
    %dma_wait3A_417 = tpu.memref_squeeze %dma_wait3A_416 : memref<1x128xi32, #tpu.memory_space<vmem>> -> memref<128xi32, #tpu.memory_space<vmem>>
    %dma_wait3A_418 = arith.constant 0 : i32
    %dma_wait3A_419 = arith.constant 0 : i32
    %dma_wait3A_420 = tpu.memref_slice %arg2[%dma_wait3A_418, %dma_wait3A_419] : memref<20000x128xf32, #tpu.memory_space<hbm>> -> memref<20000x128xf32, #tpu.memory_space<hbm>>
    %dma_wait3A_421 = tpu.memref_slice %arg15[%dma_wait3A_414] : memref<3x!tpu.dma_semaphore, #tpu.memory_space<semaphore_mem>> -> memref<1x!tpu.dma_semaphore, #tpu.memory_space<semaphore_mem>>
    %dma_wait3A_422 = tpu.memref_squeeze %dma_wait3A_421 : memref<1x!tpu.dma_semaphore, #tpu.memory_space<semaphore_mem>> -> memref<!tpu.dma_semaphore, #tpu.memory_space<semaphore_mem>>
    tpu.wait_indirect_dma semaphore(%dma_wait3A_422 : memref<!tpu.dma_semaphore, #tpu.memory_space<semaphore_mem>>) src(%dma_wait3A_420 : memref<20000x128xf32, #tpu.memory_space<hbm>>) dst(%arg6 : memref<128x128xf32, #tpu.memory_space<vmem>>)
    %dma_start3A_423 = arith.constant 1 : i32
    %dma_start3A_424 = arith.constant 0 : i32
    %dma_start3A_425 = arith.constant 0 : i32
    %dma_start3A_426 = tpu.memref_slice %arg12[%dma_start3A_423, %dma_start3A_425] : memref<2x128xi32, #tpu.memory_space<vmem>> -> memref<1x128xi32, #tpu.memory_space<vmem>>
    %dma_start3A_427 = tpu.memref_squeeze %dma_start3A_426 : memref<1x128xi32, #tpu.memory_space<vmem>> -> memref<128xi32, #tpu.memory_space<vmem>>
    %dma_start3A_428 = arith.constant 0 : i32
    %dma_start3A_429 = arith.constant 0 : i32
    %dma_start3A_430 = tpu.memref_slice %arg5[%dma_start3A_428, %dma_start3A_429] : memref<10002x128xf32, #tpu.memory_space<vmem_shared>> -> memref<10002x128xf32, #tpu.memory_space<vmem_shared>>
    %dma_start3A_431 = tpu.memref_slice %arg16[%dma_start3A_424] : memref<3x!tpu.dma_semaphore, #tpu.memory_space<semaphore_mem>> -> memref<1x!tpu.dma_semaphore, #tpu.memory_space<semaphore_mem>>
    %dma_start3A_432 = tpu.memref_squeeze %dma_start3A_431 : memref<1x!tpu.dma_semaphore, #tpu.memory_space<semaphore_mem>> -> memref<!tpu.dma_semaphore, #tpu.memory_space<semaphore_mem>>
    tpu.enqueue_indirect_dma source(%arg6 : memref<128x128xf32, #tpu.memory_space<vmem>>) target(%dma_start3A_430 : memref<10002x128xf32, #tpu.memory_space<vmem_shared>>) offsets(%dma_start3A_427 : memref<128xi32, #tpu.memory_space<vmem>>) semaphore(%dma_start3A_432 : memref<!tpu.dma_semaphore, #tpu.memory_space<semaphore_mem>>) {add = true}
    %dma_wait3A_433 = arith.constant 1 : i32
    %dma_wait3A_434 = arith.constant 2 : i32
    %dma_wait3A_435 = arith.constant 0 : i32
    %dma_wait3A_436 = tpu.memref_slice %arg9[%dma_wait3A_433, %dma_wait3A_435] : memref<2x128xi32, #tpu.memory_space<vmem>> -> memref<1x128xi32, #tpu.memory_space<vmem>>
    %dma_wait3A_437 = tpu.memref_squeeze %dma_wait3A_436 : memref<1x128xi32, #tpu.memory_space<vmem>> -> memref<128xi32, #tpu.memory_space<vmem>>
    %dma_wait3A_438 = arith.constant 0 : i32
    %dma_wait3A_439 = arith.constant 0 : i32
    %dma_wait3A_440 = tpu.memref_slice %arg5[%dma_wait3A_438, %dma_wait3A_439] : memref<10002x128xf32, #tpu.memory_space<vmem_shared>> -> memref<10002x128xf32, #tpu.memory_space<vmem_shared>>
    %dma_wait3A_441 = tpu.memref_slice %arg16[%dma_wait3A_434] : memref<3x!tpu.dma_semaphore, #tpu.memory_space<semaphore_mem>> -> memref<1x!tpu.dma_semaphore, #tpu.memory_space<semaphore_mem>>
    %dma_wait3A_442 = tpu.memref_squeeze %dma_wait3A_441 : memref<1x!tpu.dma_semaphore, #tpu.memory_space<semaphore_mem>> -> memref<!tpu.dma_semaphore, #tpu.memory_space<semaphore_mem>>
    tpu.wait_indirect_dma semaphore(%dma_wait3A_442 : memref<!tpu.dma_semaphore, #tpu.memory_space<semaphore_mem>>) src(%arg8 : memref<128x128xf32, #tpu.memory_space<vmem>>) dst(%dma_wait3A_440 : memref<10002x128xf32, #tpu.memory_space<vmem_shared>>)
    %dma_wait3A_443 = arith.constant 1 : i32
    %dma_wait3A_444 = arith.constant 0 : i32
    %dma_wait3A_445 = arith.constant 0 : i32
    %dma_wait3A_446 = tpu.memref_slice %arg9[%dma_wait3A_443, %dma_wait3A_445] : memref<2x128xi32, #tpu.memory_space<vmem>> -> memref<1x128xi32, #tpu.memory_space<vmem>>
    %dma_wait3A_447 = tpu.memref_squeeze %dma_wait3A_446 : memref<1x128xi32, #tpu.memory_space<vmem>> -> memref<128xi32, #tpu.memory_space<vmem>>
    %dma_wait3A_448 = arith.constant 0 : i32
    %dma_wait3A_449 = arith.constant 0 : i32
    %dma_wait3A_450 = tpu.memref_slice %arg5[%dma_wait3A_448, %dma_wait3A_449] : memref<10002x128xf32, #tpu.memory_space<vmem_shared>> -> memref<10002x128xf32, #tpu.memory_space<vmem_shared>>
    %dma_wait3A_451 = tpu.memref_slice %arg16[%dma_wait3A_444] : memref<3x!tpu.dma_semaphore, #tpu.memory_space<semaphore_mem>> -> memref<1x!tpu.dma_semaphore, #tpu.memory_space<semaphore_mem>>
    %dma_wait3A_452 = tpu.memref_squeeze %dma_wait3A_451 : memref<1x!tpu.dma_semaphore, #tpu.memory_space<semaphore_mem>> -> memref<!tpu.dma_semaphore, #tpu.memory_space<semaphore_mem>>
    tpu.wait_indirect_dma semaphore(%dma_wait3A_452 : memref<!tpu.dma_semaphore, #tpu.memory_space<semaphore_mem>>) src(%arg6 : memref<128x128xf32, #tpu.memory_space<vmem>>) dst(%dma_wait3A_450 : memref<10002x128xf32, #tpu.memory_space<vmem_shared>>)
    %barrier3A_453 = arith.constant 0 : index
    tpu.barrier barrier_id(%barrier3A_453)
    "tpu.region"() ({
      %run_scoped3A = tpu.sem_alloc : memref<!tpu.dma_semaphore, #tpu.memory_space<semaphore_mem>>
      %dma_start3A_459 = arith.constant 0 : i32
      %dma_start3A_460 = tpu.memref_slice %arg4[%multiple_of3A_5, %dma_start3A_459] : memref<20000x128xf32, #tpu.memory_space<hbm>> -> memref<624x128xf32, #tpu.memory_space<hbm>>
      %dma_start3A_461 = arith.constant 0 : i32
      %dma_start3A_462 = tpu.memref_slice %arg5[%multiple_of3A, %dma_start3A_461] : memref<10002x128xf32, #tpu.memory_space<vmem_shared>> -> memref<624x128xf32, #tpu.memory_space<vmem_shared>>
      tpu.enqueue_dma source(%dma_start3A_462 : memref<624x128xf32, #tpu.memory_space<vmem_shared>>) target(%dma_start3A_460 : memref<624x128xf32, #tpu.memory_space<hbm>>) target_semaphore(%run_scoped3A : memref<!tpu.dma_semaphore, #tpu.memory_space<semaphore_mem>>)
      %dma_wait3A_463 = arith.constant 0 : i32
      %dma_wait3A_464 = tpu.memref_slice %arg4[%multiple_of3A_5, %dma_wait3A_463] : memref<20000x128xf32, #tpu.memory_space<hbm>> -> memref<624x128xf32, #tpu.memory_space<hbm>>
      %dma_wait3A_465 = arith.constant 0 : i32
      %dma_wait3A_466 = tpu.memref_slice %arg5[%multiple_of3A, %dma_wait3A_465] : memref<10002x128xf32, #tpu.memory_space<vmem_shared>> -> memref<624x128xf32, #tpu.memory_space<vmem_shared>>
      tpu.wait_dma2 semaphore(%run_scoped3A : memref<!tpu.dma_semaphore, #tpu.memory_space<semaphore_mem>>) src(%dma_wait3A_466 : memref<624x128xf32, #tpu.memory_space<vmem_shared>>) dst(%dma_wait3A_464 : memref<624x128xf32, #tpu.memory_space<hbm>>)
      tpu.yield
    }) : () -> ()
    %eq3A_454 = arith.constant 0 : i32
    %eq3A_455 = arith.cmpi eq, %arg1, %eq3A_454 : i32
    %convert_element_type3A_456 = arith.extui %eq3A_455 : i1 to i32
    %cond3A_457 = arith.constant 0 : i32
    %cond3A_458 = arith.cmpi ne, %convert_element_type3A_456, %cond3A_457 : i32
    scf.if %cond3A_458 {
      %mul3A_459 = arith.constant 10000 : i32
      %mul3A_460 = arith.muli %arg0, %mul3A_459 : i32
      %add3A_461 = arith.constant 9984 : i32
      %add3A_462 = arith.addi %mul3A_460, %add3A_461 : i32
      %multiple_of3A_463 = tpu.assume_multiple %add3A_462, 8 : i32
      "tpu.region"() ({
        %run_scoped3A = tpu.sem_alloc : memref<!tpu.dma_semaphore, #tpu.memory_space<semaphore_mem>>
        %dma_start3A_464 = arith.constant 0 : i32
        %dma_start3A_465 = tpu.memref_slice %arg4[%multiple_of3A_463, %dma_start3A_464] : memref<20000x128xf32, #tpu.memory_space<hbm>> -> memref<16x128xf32, #tpu.memory_space<hbm>>
        %dma_start3A_466 = arith.constant 9984 : i32
        %dma_start3A_467 = arith.constant 0 : i32
        %dma_start3A_468 = tpu.memref_slice %arg5[%dma_start3A_466, %dma_start3A_467] : memref<10002x128xf32, #tpu.memory_space<vmem_shared>> -> memref<16x128xf32, #tpu.memory_space<vmem_shared>>
        tpu.enqueue_dma source(%dma_start3A_468 : memref<16x128xf32, #tpu.memory_space<vmem_shared>>) target(%dma_start3A_465 : memref<16x128xf32, #tpu.memory_space<hbm>>) target_semaphore(%run_scoped3A : memref<!tpu.dma_semaphore, #tpu.memory_space<semaphore_mem>>)
        %dma_wait3A_469 = arith.constant 0 : i32
        %dma_wait3A_470 = tpu.memref_slice %arg4[%multiple_of3A_463, %dma_wait3A_469] : memref<20000x128xf32, #tpu.memory_space<hbm>> -> memref<16x128xf32, #tpu.memory_space<hbm>>
        %dma_wait3A_471 = arith.constant 9984 : i32
        %dma_wait3A_472 = arith.constant 0 : i32
        %dma_wait3A_473 = tpu.memref_slice %arg5[%dma_wait3A_471, %dma_wait3A_472] : memref<10002x128xf32, #tpu.memory_space<vmem_shared>> -> memref<16x128xf32, #tpu.memory_space<vmem_shared>>
        tpu.wait_dma2 semaphore(%run_scoped3A : memref<!tpu.dma_semaphore, #tpu.memory_space<semaphore_mem>>) src(%dma_wait3A_473 : memref<16x128xf32, #tpu.memory_space<vmem_shared>>) dst(%dma_wait3A_470 : memref<16x128xf32, #tpu.memory_space<hbm>>)
        tpu.yield
      }) : () -> ()
    } else {
    }
    return
  }
}

module attributes {stable_mosaic.version = 14 : i64} {
  func.func @_scale_body(%arg0: i32, %arg1: memref<1000x128xf32, #tpu.memory_space<vmem>>, %arg2: memref<1000x1xf32, #tpu.memory_space<vmem>>, %arg3: memref<1000x128xf32, #tpu.memory_space<vmem>>) attributes {dimension_semantics = [#tpu.dimension_semantics<arbitrary>], iteration_bounds = array<i64: 20>, scalar_prefetch = 0 : i64, scratch_operands = 0 : i64, tpu.core_type = #tpu.core_type<tc>, window_params = [{transform_indices = @transform_0, window_bounds = array<i64: 1000, 128>}, {transform_indices = @transform_1, window_bounds = array<i64: 1000, 1>}, {transform_indices = @transform_2, window_bounds = array<i64: 1000, 128>}]} {
    %get3A = arith.constant 0 : index
    %get3A_0 = arith.constant 0 : index
    %get3A_1 = vector.load %arg2[%get3A, %get3A_0] : memref<1000x1xf32, #tpu.memory_space<vmem>>, vector<1000x1xf32>
    %add3A = arith.constant 1.000000e+00 : f32
    %add3A_2 = vector.broadcast %add3A : f32 to vector<1000x1xf32>
    %add3A_3 = arith.addf %get3A_1, %add3A_2 : vector<1000x1xf32>
    %rsqrt3A = math.rsqrt %add3A_3 : vector<1000x1xf32>
    %get3A_4 = arith.constant 0 : index
    %get3A_5 = arith.constant 0 : index
    %get3A_6 = vector.load %arg1[%get3A_4, %get3A_5] : memref<1000x128xf32, #tpu.memory_space<vmem>>, vector<1000x128xf32>
    %mul3A = vector.broadcast %rsqrt3A : vector<1000x1xf32> to vector<1000x128xf32>
    %mul3A_7 = arith.mulf %get3A_6, %mul3A : vector<1000x128xf32>
    %swap3A = arith.constant 0 : index
    %swap3A_8 = arith.constant 0 : index
    %swap3A_9 = vector.load %arg3[%swap3A, %swap3A_8] : memref<1000x128xf32, #tpu.memory_space<vmem>>, vector<1000x128xf32>
    tpu.vector_store %arg3[%swap3A, %swap3A_8], %mul3A_7 {strides = array<i32>} : memref<1000x128xf32, #tpu.memory_space<vmem>>, vector<1000x128xf32>,
    return
  }
  func.func @transform_0(%arg0: i32) -> (i32, i32) {
    %c0_i32 = arith.constant 0 : i32
    %c0_i32_0 = arith.constant 0 : i32
    return %arg0, %c0_i32 : i32, i32
  }
  func.func @transform_1(%arg0: i32) -> (i32, i32) {
    %c0_i32 = arith.constant 0 : i32
    %c0_i32_0 = arith.constant 0 : i32
    return %arg0, %c0_i32 : i32, i32
  }
  func.func @transform_2(%arg0: i32) -> (i32, i32) {
    %c0_i32 = arith.constant 0 : i32
    %c0_i32_0 = arith.constant 0 : i32
    return %arg0, %c0_i32 : i32, i32
  }
}

module attributes {stable_mosaic.version = 14 : i64} {
  func.func @_conv_relu_body(%arg0: i32, %arg1: memref<1000x128xf32, #tpu.memory_space<vmem>>, %arg2: memref<1000x1xf32, #tpu.memory_space<vmem>>, %arg3: memref<1x128x128xf32, #tpu.memory_space<vmem>>, %arg4: memref<1x1x128xf32, #tpu.memory_space<vmem>>, %arg5: memref<1000x128xf32, #tpu.memory_space<vmem>>) attributes {dimension_semantics = [#tpu.dimension_semantics<arbitrary>], iteration_bounds = array<i64: 20>, scalar_prefetch = 0 : i64, scratch_operands = 0 : i64, tpu.core_type = #tpu.core_type<tc>, window_params = [{transform_indices = @transform_0, window_bounds = array<i64: 1000, 128>}, {transform_indices = @transform_1, window_bounds = array<i64: 1000, 1>}, {transform_indices = @transform_2, window_bounds = array<i64: 1, 128, 128>}, {transform_indices = @transform_3, window_bounds = array<i64: 1, 1, 128>}, {transform_indices = @transform_4, window_bounds = array<i64: 1000, 128>}]} {
    %get3A = arith.constant 0 : index
    %get3A_0 = arith.constant 0 : index
    %get3A_1 = vector.load %arg2[%get3A, %get3A_0] : memref<1000x1xf32, #tpu.memory_space<vmem>>, vector<1000x1xf32>
    %add3A = arith.constant 1.000000e+00 : f32
    %add3A_2 = vector.broadcast %add3A : f32 to vector<1000x1xf32>
    %add3A_3 = arith.addf %get3A_1, %add3A_2 : vector<1000x1xf32>
    %rsqrt3A = math.rsqrt %add3A_3 : vector<1000x1xf32>
    %get3A_4 = arith.constant 0 : index
    %get3A_5 = arith.constant 0 : index
    %get3A_6 = vector.load %arg1[%get3A_4, %get3A_5] : memref<1000x128xf32, #tpu.memory_space<vmem>>, vector<1000x128xf32>
    %mul3A = vector.broadcast %rsqrt3A : vector<1000x1xf32> to vector<1000x128xf32>
    %mul3A_7 = arith.mulf %get3A_6, %mul3A : vector<1000x128xf32>
    %get3A_8 = arith.constant 0 : index
    %get3A_9 = arith.constant 0 : index
    %get3A_10 = arith.constant 0 : index
    %get3A_11 = vector.load %arg3[%get3A_8, %get3A_9, %get3A_10] : memref<1x128x128xf32, #tpu.memory_space<vmem>>, vector<1x128x128xf32>
    %get3A_12 = vector.shape_cast %get3A_11 : vector<1x128x128xf32> to vector<128x128xf32>
    %dot_general3A = arith.constant dense<0.000000e+00> : vector<1000x128xf32>
    %dot_general3A_13 = tpu.matmul %mul3A_7, %get3A_12, %dot_general3A {dimension_numbers = #tpu.dot_dimension_numbers<[1], [0], [0], [1], [0, 0, 1, 1], [], []>, transpose_lhs_hint = false} : vector<1000x128xf32>, vector<128x128xf32>, vector<1000x128xf32> -> vector<1000x128xf32>
    %get3A_14 = arith.constant 0 : index
    %get3A_15 = arith.constant 0 : index
    %get3A_16 = arith.constant 0 : index
    %get3A_17 = vector.load %arg4[%get3A_14, %get3A_15, %get3A_16] : memref<1x1x128xf32, #tpu.memory_space<vmem>>, vector<1x1x128xf32>
    %get3A_18 = vector.shape_cast %get3A_17 : vector<1x1x128xf32> to vector<1x128xf32>
    %add3A_19 = vector.broadcast %get3A_18 : vector<1x128xf32> to vector<1000x128xf32>
    %add3A_20 = arith.addf %dot_general3A_13, %add3A_19 : vector<1000x128xf32>
    %max3A = arith.constant 0.000000e+00 : f32
    %max3A_21 = vector.broadcast %max3A : f32 to vector<1000x128xf32>
    %max3A_22 = arith.maximumf %add3A_20, %max3A_21 : vector<1000x128xf32>
    %mul3A_23 = vector.broadcast %rsqrt3A : vector<1000x1xf32> to vector<1000x128xf32>
    %mul3A_24 = arith.mulf %max3A_22, %mul3A_23 : vector<1000x128xf32>
    %swap3A = arith.constant 0 : index
    %swap3A_25 = arith.constant 0 : index
    %swap3A_26 = vector.load %arg5[%swap3A, %swap3A_25] : memref<1000x128xf32, #tpu.memory_space<vmem>>, vector<1000x128xf32>
    tpu.vector_store %arg5[%swap3A, %swap3A_25], %mul3A_24 {strides = array<i32>} : memref<1000x128xf32, #tpu.memory_space<vmem>>, vector<1000x128xf32>,
    return
  }
  func.func @transform_0(%arg0: i32) -> (i32, i32) {
    %c0_i32 = arith.constant 0 : i32
    %c0_i32_0 = arith.constant 0 : i32
    return %arg0, %c0_i32 : i32, i32
  }
  func.func @transform_1(%arg0: i32) -> (i32, i32) {
    %c0_i32 = arith.constant 0 : i32
    %c0_i32_0 = arith.constant 0 : i32
    return %arg0, %c0_i32 : i32, i32
  }
  func.func @transform_2(%arg0: i32) -> (i32, i32, i32) {
    %jit3A = arith.constant 10 : i32
    %div3A = arith.divsi %arg0, %jit3A : i32
    %sign3A = arith.constant 0 : i32
    %sign3A_0 = arith.cmpi sgt, %arg0, %sign3A : i32
    %sign3A_1 = arith.extui %sign3A_0 : i1 to i32
    %sign3A_2 = arith.constant 0 : i32
    %sign3A_3 = arith.cmpi slt, %arg0, %sign3A_2 : i32
    %sign3A_4 = arith.extui %sign3A_3 : i1 to i32
    %sign3A_5 = arith.subi %sign3A_1, %sign3A_4 : i32
    %sign3A_6 = arith.constant 0 : i32
    %sign3A_7 = arith.cmpi sgt, %jit3A, %sign3A_6 : i32
    %sign3A_8 = arith.extui %sign3A_7 : i1 to i32
    %sign3A_9 = arith.constant 0 : i32
    %sign3A_10 = arith.cmpi slt, %jit3A, %sign3A_9 : i32
    %sign3A_11 = arith.extui %sign3A_10 : i1 to i32
    %sign3A_12 = arith.subi %sign3A_8, %sign3A_11 : i32
    %ne3A = arith.cmpi ne, %sign3A_5, %sign3A_12 : i32
    %rem3A = arith.remsi %arg0, %jit3A : i32
    %ne3A_13 = arith.constant 0 : i32
    %ne3A_14 = arith.cmpi ne, %rem3A, %ne3A_13 : i32
    %and3A = arith.andi %ne3A, %ne3A_14 : i1
    %sub3A = arith.constant 1 : i32
    %sub3A_15 = arith.subi %div3A, %sub3A : i32
    %select_n3A = arith.select %and3A, %sub3A_15, %div3A : i32
    %c0_i32 = arith.constant 0 : i32
    %c0_i32_16 = arith.constant 0 : i32
    %c0_i32_17 = arith.constant 0 : i32
    return %select_n3A, %c0_i32, %c0_i32_16 : i32, i32, i32
  }
  func.func @transform_3(%arg0: i32) -> (i32, i32, i32) {
    %jit3A = arith.constant 10 : i32
    %div3A = arith.divsi %arg0, %jit3A : i32
    %sign3A = arith.constant 0 : i32
    %sign3A_0 = arith.cmpi sgt, %arg0, %sign3A : i32
    %sign3A_1 = arith.extui %sign3A_0 : i1 to i32
    %sign3A_2 = arith.constant 0 : i32
    %sign3A_3 = arith.cmpi slt, %arg0, %sign3A_2 : i32
    %sign3A_4 = arith.extui %sign3A_3 : i1 to i32
    %sign3A_5 = arith.subi %sign3A_1, %sign3A_4 : i32
    %sign3A_6 = arith.constant 0 : i32
    %sign3A_7 = arith.cmpi sgt, %jit3A, %sign3A_6 : i32
    %sign3A_8 = arith.extui %sign3A_7 : i1 to i32
    %sign3A_9 = arith.constant 0 : i32
    %sign3A_10 = arith.cmpi slt, %jit3A, %sign3A_9 : i32
    %sign3A_11 = arith.extui %sign3A_10 : i1 to i32
    %sign3A_12 = arith.subi %sign3A_8, %sign3A_11 : i32
    %ne3A = arith.cmpi ne, %sign3A_5, %sign3A_12 : i32
    %rem3A = arith.remsi %arg0, %jit3A : i32
    %ne3A_13 = arith.constant 0 : i32
    %ne3A_14 = arith.cmpi ne, %rem3A, %ne3A_13 : i32
    %and3A = arith.andi %ne3A, %ne3A_14 : i1
    %sub3A = arith.constant 1 : i32
    %sub3A_15 = arith.subi %div3A, %sub3A : i32
    %select_n3A = arith.select %and3A, %sub3A_15, %div3A : i32
    %c0_i32 = arith.constant 0 : i32
    %c0_i32_16 = arith.constant 0 : i32
    %c0_i32_17 = arith.constant 0 : i32
    return %select_n3A, %c0_i32, %c0_i32_16 : i32, i32, i32
  }
  func.func @transform_4(%arg0: i32) -> (i32, i32) {
    %c0_i32 = arith.constant 0 : i32
    %c0_i32_0 = arith.constant 0 : i32
    return %arg0, %c0_i32 : i32, i32
  }
}

module attributes {stable_mosaic.version = 14 : i64} {
  func.func @_head_body(%arg0: i32, %arg1: memref<1000x128xf32, #tpu.memory_space<vmem>>, %arg2: memref<1000x1xf32, #tpu.memory_space<vmem>>, %arg3: memref<1x128x128xf32, #tpu.memory_space<vmem>>, %arg4: memref<1x1x128xf32, #tpu.memory_space<vmem>>, %arg5: memref<128x128xf32, #tpu.memory_space<vmem>>, %arg6: memref<1x128xf32, #tpu.memory_space<vmem>>, %arg7: memref<128x128xf32, #tpu.memory_space<vmem>>, %arg8: memref<1x128xf32, #tpu.memory_space<vmem>>, %arg9: memref<128x1xf32, #tpu.memory_space<vmem>>, %arg10: memref<1x1xf32, #tpu.memory_space<vmem>>, %arg11: memref<1000x1xf32, #tpu.memory_space<vmem>>) attributes {dimension_semantics = [#tpu.dimension_semantics<arbitrary>], iteration_bounds = array<i64: 20>, scalar_prefetch = 0 : i64, scratch_operands = 0 : i64, tpu.core_type = #tpu.core_type<tc>, window_params = [{transform_indices = @transform_0, window_bounds = array<i64: 1000, 128>}, {transform_indices = @transform_1, window_bounds = array<i64: 1000, 1>}, {transform_indices = @transform_2, window_bounds = array<i64: 1, 128, 128>}, {transform_indices = @transform_3, window_bounds = array<i64: 1, 1, 128>}, {pipeline_mode = #tpu.pipeline_mode<synchronous>, transform_indices = @transform_4, window_bounds = array<i64: 128, 128>}, {pipeline_mode = #tpu.pipeline_mode<synchronous>, transform_indices = @transform_5, window_bounds = array<i64: 1, 128>}, {pipeline_mode = #tpu.pipeline_mode<synchronous>, transform_indices = @transform_6, window_bounds = array<i64: 128, 128>}, {pipeline_mode = #tpu.pipeline_mode<synchronous>, transform_indices = @transform_7, window_bounds = array<i64: 1, 128>}, {pipeline_mode = #tpu.pipeline_mode<synchronous>, transform_indices = @transform_8, window_bounds = array<i64: 128, 1>}, {pipeline_mode = #tpu.pipeline_mode<synchronous>, transform_indices = @transform_9, window_bounds = array<i64: 1, 1>}, {transform_indices = @transform_10, window_bounds = array<i64: 1000, 1>}]} {
    %get3A = arith.constant 0 : index
    %get3A_0 = arith.constant 0 : index
    %get3A_1 = vector.load %arg2[%get3A, %get3A_0] : memref<1000x1xf32, #tpu.memory_space<vmem>>, vector<1000x1xf32>
    %add3A = arith.constant 1.000000e+00 : f32
    %add3A_2 = vector.broadcast %add3A : f32 to vector<1000x1xf32>
    %add3A_3 = arith.addf %get3A_1, %add3A_2 : vector<1000x1xf32>
    %rsqrt3A = math.rsqrt %add3A_3 : vector<1000x1xf32>
    %get3A_4 = arith.constant 0 : index
    %get3A_5 = arith.constant 0 : index
    %get3A_6 = vector.load %arg1[%get3A_4, %get3A_5] : memref<1000x128xf32, #tpu.memory_space<vmem>>, vector<1000x128xf32>
    %mul3A = vector.broadcast %rsqrt3A : vector<1000x1xf32> to vector<1000x128xf32>
    %mul3A_7 = arith.mulf %get3A_6, %mul3A : vector<1000x128xf32>
    %get3A_8 = arith.constant 0 : index
    %get3A_9 = arith.constant 0 : index
    %get3A_10 = arith.constant 0 : index
    %get3A_11 = vector.load %arg3[%get3A_8, %get3A_9, %get3A_10] : memref<1x128x128xf32, #tpu.memory_space<vmem>>, vector<1x128x128xf32>
    %get3A_12 = vector.shape_cast %get3A_11 : vector<1x128x128xf32> to vector<128x128xf32>
    %dot_general3A = arith.constant dense<0.000000e+00> : vector<1000x128xf32>
    %dot_general3A_13 = tpu.matmul %mul3A_7, %get3A_12, %dot_general3A {dimension_numbers = #tpu.dot_dimension_numbers<[1], [0], [0], [1], [0, 0, 1, 1], [], []>, transpose_lhs_hint = false} : vector<1000x128xf32>, vector<128x128xf32>, vector<1000x128xf32> -> vector<1000x128xf32>
    %get3A_14 = arith.constant 0 : index
    %get3A_15 = arith.constant 0 : index
    %get3A_16 = arith.constant 0 : index
    %get3A_17 = vector.load %arg4[%get3A_14, %get3A_15, %get3A_16] : memref<1x1x128xf32, #tpu.memory_space<vmem>>, vector<1x1x128xf32>
    %get3A_18 = vector.shape_cast %get3A_17 : vector<1x1x128xf32> to vector<1x128xf32>
    %add3A_19 = vector.broadcast %get3A_18 : vector<1x128xf32> to vector<1000x128xf32>
    %add3A_20 = arith.addf %dot_general3A_13, %add3A_19 : vector<1000x128xf32>
    %get3A_21 = arith.constant 0 : index
    %get3A_22 = arith.constant 0 : index
    %get3A_23 = vector.load %arg5[%get3A_21, %get3A_22] : memref<128x128xf32, #tpu.memory_space<vmem>>, vector<128x128xf32>
    %dot_general3A_24 = arith.constant dense<0.000000e+00> : vector<1000x128xf32>
    %dot_general3A_25 = tpu.matmul %add3A_20, %get3A_23, %dot_general3A_24 {dimension_numbers = #tpu.dot_dimension_numbers<[1], [0], [0], [1], [0, 0, 1, 1], [], []>, transpose_lhs_hint = false} : vector<1000x128xf32>, vector<128x128xf32>, vector<1000x128xf32> -> vector<1000x128xf32>
    %get3A_26 = arith.constant 0 : index
    %get3A_27 = arith.constant 0 : index
    %get3A_28 = vector.load %arg6[%get3A_26, %get3A_27] : memref<1x128xf32, #tpu.memory_space<vmem>>, vector<1x128xf32>
    %add3A_29 = vector.broadcast %get3A_28 : vector<1x128xf32> to vector<1000x128xf32>
    %add3A_30 = arith.addf %dot_general3A_25, %add3A_29 : vector<1000x128xf32>
    %max3A = arith.constant 0.000000e+00 : f32
    %max3A_31 = vector.broadcast %max3A : f32 to vector<1000x128xf32>
    %max3A_32 = arith.maximumf %add3A_30, %max3A_31 : vector<1000x128xf32>
    %get3A_33 = arith.constant 0 : index
    %get3A_34 = arith.constant 0 : index
    %get3A_35 = vector.load %arg7[%get3A_33, %get3A_34] : memref<128x128xf32, #tpu.memory_space<vmem>>, vector<128x128xf32>
    %dot_general3A_36 = arith.constant dense<0.000000e+00> : vector<1000x128xf32>
    %dot_general3A_37 = tpu.matmul %max3A_32, %get3A_35, %dot_general3A_36 {dimension_numbers = #tpu.dot_dimension_numbers<[1], [0], [0], [1], [0, 0, 1, 1], [], []>, transpose_lhs_hint = false} : vector<1000x128xf32>, vector<128x128xf32>, vector<1000x128xf32> -> vector<1000x128xf32>
    %get3A_38 = arith.constant 0 : index
    %get3A_39 = arith.constant 0 : index
    %get3A_40 = vector.load %arg8[%get3A_38, %get3A_39] : memref<1x128xf32, #tpu.memory_space<vmem>>, vector<1x128xf32>
    %add3A_41 = vector.broadcast %get3A_40 : vector<1x128xf32> to vector<1000x128xf32>
    %add3A_42 = arith.addf %dot_general3A_37, %add3A_41 : vector<1000x128xf32>
    %max3A_43 = arith.constant 0.000000e+00 : f32
    %max3A_44 = vector.broadcast %max3A_43 : f32 to vector<1000x128xf32>
    %max3A_45 = arith.maximumf %add3A_42, %max3A_44 : vector<1000x128xf32>
    %get3A_46 = arith.constant 0 : index
    %get3A_47 = arith.constant 0 : index
    %get3A_48 = vector.load %arg9[%get3A_46, %get3A_47] : memref<128x1xf32, #tpu.memory_space<vmem>>, vector<128x1xf32>
    %dot_general3A_49 = arith.constant dense<0.000000e+00> : vector<1000x1xf32>
    %dot_general3A_50 = tpu.matmul %max3A_45, %get3A_48, %dot_general3A_49 {dimension_numbers = #tpu.dot_dimension_numbers<[1], [0], [0], [1], [0, 0, 1, 1], [], []>, transpose_lhs_hint = false} : vector<1000x128xf32>, vector<128x1xf32>, vector<1000x1xf32> -> vector<1000x1xf32>
    %get3A_51 = arith.constant 0 : index
    %get3A_52 = arith.constant 0 : index
    %get3A_53 = vector.load %arg10[%get3A_51, %get3A_52] : memref<1x1xf32, #tpu.memory_space<vmem>>, vector<1x1xf32>
    %add3A_54 = vector.broadcast %get3A_53 : vector<1x1xf32> to vector<1000x1xf32>
    %add3A_55 = arith.addf %dot_general3A_50, %add3A_54 : vector<1000x1xf32>
    %swap3A = arith.constant 0 : index
    %swap3A_56 = arith.constant 0 : index
    %swap3A_57 = vector.load %arg11[%swap3A, %swap3A_56] : memref<1000x1xf32, #tpu.memory_space<vmem>>, vector<1000x1xf32>
    tpu.vector_store %arg11[%swap3A, %swap3A_56], %add3A_55 {strides = array<i32>} : memref<1000x1xf32, #tpu.memory_space<vmem>>, vector<1000x1xf32>,
    return
  }
  func.func @transform_0(%arg0: i32) -> (i32, i32) {
    %c0_i32 = arith.constant 0 : i32
    %c0_i32_0 = arith.constant 0 : i32
    return %arg0, %c0_i32 : i32, i32
  }
  func.func @transform_1(%arg0: i32) -> (i32, i32) {
    %c0_i32 = arith.constant 0 : i32
    %c0_i32_0 = arith.constant 0 : i32
    return %arg0, %c0_i32 : i32, i32
  }
  func.func @transform_2(%arg0: i32) -> (i32, i32, i32) {
    %jit3A = arith.constant 10 : i32
    %div3A = arith.divsi %arg0, %jit3A : i32
    %sign3A = arith.constant 0 : i32
    %sign3A_0 = arith.cmpi sgt, %arg0, %sign3A : i32
    %sign3A_1 = arith.extui %sign3A_0 : i1 to i32
    %sign3A_2 = arith.constant 0 : i32
    %sign3A_3 = arith.cmpi slt, %arg0, %sign3A_2 : i32
    %sign3A_4 = arith.extui %sign3A_3 : i1 to i32
    %sign3A_5 = arith.subi %sign3A_1, %sign3A_4 : i32
    %sign3A_6 = arith.constant 0 : i32
    %sign3A_7 = arith.cmpi sgt, %jit3A, %sign3A_6 : i32
    %sign3A_8 = arith.extui %sign3A_7 : i1 to i32
    %sign3A_9 = arith.constant 0 : i32
    %sign3A_10 = arith.cmpi slt, %jit3A, %sign3A_9 : i32
    %sign3A_11 = arith.extui %sign3A_10 : i1 to i32
    %sign3A_12 = arith.subi %sign3A_8, %sign3A_11 : i32
    %ne3A = arith.cmpi ne, %sign3A_5, %sign3A_12 : i32
    %rem3A = arith.remsi %arg0, %jit3A : i32
    %ne3A_13 = arith.constant 0 : i32
    %ne3A_14 = arith.cmpi ne, %rem3A, %ne3A_13 : i32
    %and3A = arith.andi %ne3A, %ne3A_14 : i1
    %sub3A = arith.constant 1 : i32
    %sub3A_15 = arith.subi %div3A, %sub3A : i32
    %select_n3A = arith.select %and3A, %sub3A_15, %div3A : i32
    %c0_i32 = arith.constant 0 : i32
    %c0_i32_16 = arith.constant 0 : i32
    %c0_i32_17 = arith.constant 0 : i32
    return %select_n3A, %c0_i32, %c0_i32_16 : i32, i32, i32
  }
  func.func @transform_3(%arg0: i32) -> (i32, i32, i32) {
    %jit3A = arith.constant 10 : i32
    %div3A = arith.divsi %arg0, %jit3A : i32
    %sign3A = arith.constant 0 : i32
    %sign3A_0 = arith.cmpi sgt, %arg0, %sign3A : i32
    %sign3A_1 = arith.extui %sign3A_0 : i1 to i32
    %sign3A_2 = arith.constant 0 : i32
    %sign3A_3 = arith.cmpi slt, %arg0, %sign3A_2 : i32
    %sign3A_4 = arith.extui %sign3A_3 : i1 to i32
    %sign3A_5 = arith.subi %sign3A_1, %sign3A_4 : i32
    %sign3A_6 = arith.constant 0 : i32
    %sign3A_7 = arith.cmpi sgt, %jit3A, %sign3A_6 : i32
    %sign3A_8 = arith.extui %sign3A_7 : i1 to i32
    %sign3A_9 = arith.constant 0 : i32
    %sign3A_10 = arith.cmpi slt, %jit3A, %sign3A_9 : i32
    %sign3A_11 = arith.extui %sign3A_10 : i1 to i32
    %sign3A_12 = arith.subi %sign3A_8, %sign3A_11 : i32
    %ne3A = arith.cmpi ne, %sign3A_5, %sign3A_12 : i32
    %rem3A = arith.remsi %arg0, %jit3A : i32
    %ne3A_13 = arith.constant 0 : i32
    %ne3A_14 = arith.cmpi ne, %rem3A, %ne3A_13 : i32
    %and3A = arith.andi %ne3A, %ne3A_14 : i1
    %sub3A = arith.constant 1 : i32
    %sub3A_15 = arith.subi %div3A, %sub3A : i32
    %select_n3A = arith.select %and3A, %sub3A_15, %div3A : i32
    %c0_i32 = arith.constant 0 : i32
    %c0_i32_16 = arith.constant 0 : i32
    %c0_i32_17 = arith.constant 0 : i32
    return %select_n3A, %c0_i32, %c0_i32_16 : i32, i32, i32
  }
  func.func @transform_4(%arg0: i32) -> (i32, i32) {
    %c0_i32 = arith.constant 0 : i32
    %c0_i32_0 = arith.constant 0 : i32
    %c0_i32_1 = arith.constant 0 : i32
    return %c0_i32, %c0_i32_0 : i32, i32
  }
  func.func @transform_5(%arg0: i32) -> (i32, i32) {
    %c0_i32 = arith.constant 0 : i32
    %c0_i32_0 = arith.constant 0 : i32
    %c0_i32_1 = arith.constant 0 : i32
    return %c0_i32, %c0_i32_0 : i32, i32
  }
  func.func @transform_6(%arg0: i32) -> (i32, i32) {
    %c0_i32 = arith.constant 0 : i32
    %c0_i32_0 = arith.constant 0 : i32
    %c0_i32_1 = arith.constant 0 : i32
    return %c0_i32, %c0_i32_0 : i32, i32
  }
  func.func @transform_7(%arg0: i32) -> (i32, i32) {
    %c0_i32 = arith.constant 0 : i32
    %c0_i32_0 = arith.constant 0 : i32
    %c0_i32_1 = arith.constant 0 : i32
    return %c0_i32, %c0_i32_0 : i32, i32
  }
  func.func @transform_8(%arg0: i32) -> (i32, i32) {
    %c0_i32 = arith.constant 0 : i32
    %c0_i32_0 = arith.constant 0 : i32
    %c0_i32_1 = arith.constant 0 : i32
    return %c0_i32, %c0_i32_0 : i32, i32
  }
  func.func @transform_9(%arg0: i32) -> (i32, i32) {
    %c0_i32 = arith.constant 0 : i32
    %c0_i32_0 = arith.constant 0 : i32
    %c0_i32_1 = arith.constant 0 : i32
    return %c0_i32, %c0_i32_0 : i32, i32
  }
  func.func @transform_10(%arg0: i32) -> (i32, i32) {
    %c0_i32 = arith.constant 0 : i32
    %c0_i32_0 = arith.constant 0 : i32
    return %arg0, %c0_i32 : i32, i32
  }
}

</mosaic_0001>

<sc_bundles>
// kernel: kernel.11.cloned.1.call-start
scs
__scs_entry_jumppad:
0x0: {  	(pc) =	sbr.rel $0x88, $3  }
0x1: {  	(tag) =	ssettag $0x0;
	lr =	simm.s32 $0x1  }
0x2: {  	[smem:$0x3F8F] =	sst lr;
	_ =	strace $0xD0000000  }
0x3: {  	_ = 	snop  }
0x4: {  	_ = 	snop  }
0x5: {  	_ = 	snop  }
0x6: {  	_ = 	snop  }
0x7: {  	_ = 	snop  }
__scs_overlays_trampoline_lowered:
0x8: {  	[smem:$0x3F9E] =	sst s0  }
0x9: {  	[smem:$0x3F9F] =	sst s1  }
0xa: {  	[smem:$0x3FA0] =	sst s2  }
0xb: {  	[smem:$0x3FA1] =	sst s3  }
0xc: {  	[smem:$0x3FA2] =	sst s4  }
0xd: {  	[smem:$0x3FA3] =	sst s5  }
0xe: {  	[smem:$0x3FA4] =	sst s6  }
0xf: {  	[smem:$0x3FA5] =	sst s7  }
0x10: {  	[smem:$0x3FA6] =	sst s8  }
0x11: {  	[smem:$0x3FA7] =	sst s9;
	s0 =	simm.s32 @!p0 $0x0  }
0x12: {  	s1 =	sld [smem:$0x3F8D];
	s0 =	simm.s32 @p0 $0x1  }
0x13: {  	[smem:$0x3FA8] =	sst s0;
	s0 =	simm.s32 @!p1 $0x0  }
0x14: {  	s2 =	sld [smem:$0x3F8C];
	s0 =	simm.s32 @p1 $0x1  }
0x15: {  	[smem:$0x3FA9] =	sst s0;
	s0 =	simm.s32 @!p2 $0x0  }
0x16: {  	s3 =	sld [smem:$0x3FDB];
	s0 =	simm.s32 @p2 $0x1  }
0x17: {  	s4 =	simm.s32 $0x1BF5;
	[smem:$0x3FAB] =	sst s0  }
0x18: {  	s0 =	sld [smem:$0x3F8E];
	_ =	swait.ge [sflag:s4], $0x0  }
0x19: {  	s7 =	sld [smem:$0x3F8F]  }
0x1a: {  	s8 =	sadd.s32 $0xFFFFE003, lr  }
0x1b: {  	s9 =	sadd.s32 $0xFFFFFEF7, lr;
	s5 =	simm.s32 $0xFFFFFFFF;
	p2 =	slt.u32 s8, $0xFFFFF086  }
0x1c: {  	p1 =	slt.u32 s9, $0xF7A;
	s5 =	simm.s32 @!p2 $0x0  }
0x1d: {  	s5 =	simm.s32 @p1 $0x1;
	p0 =	seq.s32 s7, s2  }
0x1e: {  	s7 =	smul.u32 @!p0 $0xF7A, s2;
	p2 =	seq.s32 @!p0 s5, $0x0  }
0x1f: {  	s9 =	smul.u32 $0xF7A, s1;
	s8 =	simm.s32 @!p0 $0x1BF5;
	p2 =	por !p2, p0  }
0x20: {  	[sflag:s8] =	ssyncset.s32 @!p0 $0xFFFFF086;
	s6 =	sadd.s32 @!p0 s3, s7;
	s7 =	simm.s32 @!p0 $0x108  }
0x21: {  	s3 =	sadd.s32 s3, s9;
	s6 =	sadd.s32 @!p0 $0x88, s6;
	s7 =	simm.s32 @p2 $0x1082  }
0x22: {  	[simem:s7], [sflag:s8] =	dma.local @!p0 [hbm:s6], $0xF7A  }
0x23: {  	s9 =	sor.u32 $0xD0000000, s2;
	s6 =	simm.s32 $0x108;
	_ =	swait.ge @!p0 [sflag:s8], $0x0  }
0x24: {  	s3 =	sadd.s32 $0x88, s3;
	s6 =	simm.s32 @!p1 $0x1082;
	[sflag:s4] =	ssyncset.s32 $0xFFFFF086  }
0x25: {  	[simem:s6], [sflag:s4] =	dma.local [hbm:s3], $0xF7A  }
0x26: {  	[smem:$0x3F8F] =	sst s1;
	(tag) =	ssettag s2;
	_ =	strace s9  }
0x27: {  	s1 =	sld [smem:$0x3F9F]  }
0x28: {  	s2 =	sld [smem:$0x3FA0]  }
0x29: {  	s4 =	sld [smem:$0x3FA2]  }
0x2a: {  	p0 =	seq.s32 s5, $0x0;
	s5 =	sld [smem:$0x3FA3]  }
0x2b: {  	s6 =	sld [smem:$0x3FA4]  }
0x2c: {  	s7 =	sld [smem:$0x3FA5]  }
0x2d: {  	s3 =	simm.s32 $0x108;
	s8 =	sld [smem:$0x3FA6]  }
0x2e: {  	s3 =	simm.s32 @!p0 $0x1082;
	s9 =	sld [smem:$0x3FA7]  }
0x2f: {  	lr =	sadd.s32 s0, s3;
	s0 =	sld [smem:$0x3F9E]  }
0x30: {  	s3 =	sld [smem:$0x3FA1]  }
0x31: {  	[smem:$0x3FAA] =	sst s10  }
0x32: {  	s10 =	sld [smem:$0x3FA8];
	_ =	sdelay $0x3  }
0x33: {  	p0 =	seq.s32 s10, $0x1;
	s10 =	sld [smem:$0x3FAA];
	_ =	sdelay $0x3  }
0x34: {  	[smem:$0x3FAA] =	sst s10  }
0x35: {  	s10 =	sld [smem:$0x3FA9];
	_ =	sdelay $0x3  }
0x36: {  	p1 =	seq.s32 s10, $0x1;
	s10 =	sld [smem:$0x3FAA];
	_ =	sdelay $0x3  }
0x37: {  	[smem:$0x3FAA] =	sst s10  }
0x38: {  	s10 =	sld [smem:$0x3FAB]  }
0x39: {  	_ = 	snop;
	(pc) =	sbr.ind lr, $3  }
0x3a: {  	_ = 	snop  }
0x3b: {  	_ = 	snop  }
0x3c: {  	p2 =	seq.s32 s10, $0x1;
	s10 =	sld [smem:$0x3FAA]  }
0x3d: {  	_ =	shalt  }
0x3e: {  	_ =	shalt  }
0x3f: {  	_ =	shalt  }
0x40: {  	_ =	shalt  }
0x41: {  	_ =	shalt  }
0x42: {  	_ =	shalt  }
0x43: {  	_ =	shalt  }
0x44: {  	_ =	shalt  }
0x45: {  	_ =	shalt  }
0x46: {  	_ =	shalt  }
0x47: {  	_ =	shalt  }
0x48: {  	_ =	shalt  }
0x49: {  	_ =	shalt  }
0x4a: {  	_ =	shalt  }
0x4b: {  	_ =	shalt  }
0x4c: {  	_ =	shalt  }
0x4d: {  	_ =	shalt  }
0x4e: {  	_ =	shalt  }
0x4f: {  	_ =	shalt  }
0x50: {  	_ =	shalt  }
0x51: {  	_ =	shalt  }
0x52: {  	_ =	shalt  }
0x53: {  	_ =	shalt  }
0x54: {  	_ =	shalt  }
0x55: {  	_ =	shalt  }
0x56: {  	_ =	shalt  }
0x57: {  	_ =	shalt  }
0x58: {  	_ =	shalt  }
0x59: {  	_ =	shalt  }
0x5a: {  	_ =	shalt  }
0x5b: {  	_ =	shalt  }
0x5c: {  	_ =	shalt  }
0x5d: {  	_ =	shalt  }
0x5e: {  	_ =	shalt  }
0x5f: {  	_ =	shalt  }
0x60: {  	_ =	shalt  }
0x61: {  	_ =	shalt  }
0x62: {  	_ =	shalt  }
0x63: {  	_ =	shalt  }
0x64: {  	_ =	shalt  }
0x65: {  	_ =	shalt  }
0x66: {  	_ =	shalt  }
0x67: {  	_ =	shalt  }
0x68: {  	_ =	shalt  }
0x69: {  	_ =	shalt  }
0x6a: {  	_ =	shalt  }
0x6b: {  	_ =	shalt  }
0x6c: {  	_ =	shalt  }
0x6d: {  	_ =	shalt  }
0x6e: {  	_ =	shalt  }
0x6f: {  	_ =	shalt  }
0x70: {  	_ =	shalt  }
0x71: {  	_ =	shalt  }
0x72: {  	_ =	shalt  }
0x73: {  	_ =	shalt  }
0x74: {  	_ =	shalt  }
0x75: {  	_ =	shalt  }
0x76: {  	_ =	shalt  }
0x77: {  	_ =	shalt  }
0x78: {  	_ =	shalt  }
0x79: {  	_ =	shalt  }
0x7a: {  	_ =	shalt  }
0x7b: {  	_ =	shalt  }
0x7c: {  	_ =	shalt  }
0x7d: {  	_ =	shalt  }
0x7e: {  	_ =	shalt  }
0x7f: {  	_ =	shalt  }
0x80: {  	_ =	shalt  }
0x81: {  	_ =	shalt  }
0x82: {  	_ =	shalt  }
0x83: {  	_ =	shalt  }
0x84: {  	_ =	shalt  }
0x85: {  	_ =	shalt  }
0x86: {  	_ =	shalt  }
0x87: {  	_ =	shalt  }
.Lfunc_end0:
.L_simem_size_0:
called_computation.1_lowered:
.L_overlay_start_0:
0x88: {  	s2 =	sld [smem:$0x3FD9]  }
0x89: {  	s3 =	sld [smem:$0x3FFE];
	_ =	sdelay $0x1  }
0x8a: {  	s1 =	srdreg.scid  }
0x8b: {  	s0 =	sand.u32 $0x1, s1  }
0x8c: {  	s16 =	sshll.u32 s0, $0xA;
	s2 =	sadd.s32 s3, s2  }
0x8d: {  	s2 =	sadd.s32 s2, s16  }
0x8e: {  	[smem:$0x3FB6] =	sst s2  }
0x8f: {  	_ = 	snop  }
0x90: {  	(tm) =	ssettm $0x1  }
0x91: {  	s17 =	sld [smem:$0x3FFB];
	_ =	sdelay $0x3  }
0x92: {  	_ =	strace s17  }
0x93: {  	s2 =	sld [smem:$0x3FFC];
	_ =	sdelay $0x3  }
0x94: {  	_ =	strace s2  }
0x95: {  	s2 =	sld [smem:$0x3FFD];
	_ =	sdelay $0x3  }
0x96: {  	_ =	strace s2  }
0x97: {  	_ =	strace $0x8FFFFFFF  }
0x98: {  	s18 =	sld [smem:$0x3FDB];
	_ =	sdelay $0x1  }
0x99: {  	s19 =	simm.s32 $_scs_section_size  }
0x9a: {  	s4 =	simm.s32 $_size__tile_overlayer_lowered;
	s5 =	simm.s32 $_tile_overlayer_lowered  }
0x9b: {  	s22 =	simm.s32 $0x1BFF;
	s21 =	sshll.u32 s5, $0x1;
	s2 =	sadd.s32 s19, s18  }
0x9c: {  	s6 =	simm.s32 $0x0;
	s20 =	sshll.u32 s4, $0x1;
	s4 =	sadd.s32 s21, s2  }
0x9d: {  	[timem:s6], [sflag:s22] =	dma.local [hbm:s4], s20  }
0x9e: {  	_ =	swait.ge [sflag:s22], s20  }
0x9f: {  	s3 =	ssub.s32 $0x0, s20;
	[sflag:s22] =	ssyncset.done $0x0  }
0xa0: {  	[sflag:s22] =	ssyncadd.s32 s3;
	_ =	sdelay $0x1  }
0xa1: {  	s23 =	simm.s32 $0x1B8B  }
0xa2: {  	_ =	swait.ge [sflag:s23], $0x1  }
0xa3: {  	[sflag:s23] =	ssyncset.done $0x0  }
0xa4: {  	s25 =	simm.s32 $0x1B8E;
	s24 =	sld [smem:$0x3FFE];
	[sflag:s23] =	ssyncadd.s32 $0xFFFFFFFF  }
0xa5: {  	s26 =	simm.s32 $execute0_lowered;
	[smem:$0x3FD2] =	sst s25  }
0xa6: {  	s4 =	sshll.u32 s26, $0x1;
	_ =	strace $0x80000049;
	[dreg:$0x1] =	wrdreg $0xFFFFFFFF  }
0xa7: {  	s28 =	simm.s32 $_size_execute0_lowered;
	s2 =	sadd.s32 s2, s4;
	[dreg:$0x0] =	wrdreg $0x0  }
0xa8: {  	s4 =	sshll.u32 s28, $0x1;
	[dreg:$0x2] =	wrdreg s2  }
0xa9: {  	[dreg:$0x3] =	wrdreg s4  }
0xaa: {  	[dreg:$0x4] =	wrdreg $0xC0  }
0xab: {  	_ =	task [dreg:s6], $0x5FFFF  }
0xac: {  	[dreg:$0x1] =	wrdreg $0xFFFFFFFF  }
0xad: {  	[dreg:$0x0] =	wrdreg $0x60  }
0xae: {  	[dreg:$0x2] =	wrdreg s24  }
0xaf: {  	[dreg:$0x3] =	wrdreg $0x0  }
0xb0: {  	[dreg:$0x4] =	wrdreg $0x9  }
0xb1: {  	_ =	task.clear_ibuf [dreg:s6], $0x5FFFF;
	_ =	strace $0x90000049  }
0xb2: {  	s29 =	simm.s32 $0x9;
	_ =	strace $0x8000004B  }
0xb3: {  	_ =	swait.ge [sflag:s29], $0x1  }
0xb4: {  	[sflag:s29] =	ssyncadd.s32 $0xFFFFFFFF  }
0xb5: {  	_ =	strace $0x9000004B  }
0xb6: {  	_ =	sfence  }
0xb7: {  	s30 =	sld [smem:$0x0];
	_ =	sdelay $0x2  }
0xb8: {  	s31 =	sshll.u32 s1, $0xD;
	s1 =	sshrl.u32 s1, $0x2  }
0xb9: {  	s3 =	sand.u32 $0x4000, s31;
	s1 =	sadd.s32 s1, s30  }
0xba: {  	s0 =	sor.u32 s3, s0;
	s1 =	sshll.u32 s1, $0x11  }
0xbb: {  	s0 =	sor.u32 s1, s0  }
0xbc: {  	s0 =	sadd.s32 $0x8F2B, s0  }
0xbd: {  	[sflag:s0] =	ssyncadd.remote.s32 $0x1  }
0xbe: {  	_ =	sfence.sel $0xFFFF  }
0xbf: {  	[dreg:$0x0] =	wrdreg $0xFFFFFFFF;
	(pc) =	sbr.abs _section_cstart, $3  }
0xc0: {  	[dreg:$0x1] =	wrdreg $0xFFFFFFFF  }
0xc1: {  	_ =	task.clear_ibuf [dreg:s6], $0x2FFFF;
	_ =	strace $0x9FFFFFFF  }
0xc2: {  	(tm) =	ssettm $0x7FFFFFFF  }
0xc3: {  	_ =	shalt  }
tec
execute0_lowered:
.L_overlay_start_1:
0x0: {  	(tag) =	ssettag $0x1  }
0x1: {  	s0 =	rddreg [dreg:$0x0]  }
0x2: {  	s1 =	rddreg [dreg:$0x1];
	s2 =	simm.s32 $0x0;
	s4 =	stileid.u32  }
0x3: {  	s3 =	srdreg.scid;
	s28 =	simm.s32 $0x1;
	s6 =	smul.u32 $0x4E000, s4  }
0x4: {  	s29 =	simm.s32 $0x1F910;
	s30 =	simm.s32 $0x17890;
	s9 =	smul.u32 $0x270, s4  }
0x5: {  	s31 =	simm.s32 $0x1FA90;
	[smem:$0x7FF] =	sst s2;
	s13 =	smul.u32 $0xA0, s4  }
0x6: {  	s5 =	sand.u32 $0x1, s3;
	s3 =	sadd.s32 $0x8D800, s0;
	s22 =	smul.u32 $0x1400, s4  }
0x7: {  	s8 =	sadd.s32 $0x17600, s0;
	s0 =	sadd.s32 $0xDBA00, s0;
	s7 =	smul.u32 $0x2710, s5  }
0x8: {  	s26 =	sshll.u32 s4, $0x6;
	p0 =	sne.s32 s4, $0x0;
	s11 =	smul.u32 $0x138800, s5  }
0x9: {  	_ =	strace $0x8000004A;
	s10 =	ssub.s32 $0x2, s5;
	s24 =	smul.u32 $0xA00, s5  }
0xa: {  	s20 =	sor.u32 $0x1C07, s26;
	s5 =	smul.u32 $0x14000, s5;
	s12 =	sshrl.u32 s10, $0x1  }
0xb: {  	s6 =	sshrl.u32 s6, $0x2;
	[dreg:$0x6] =	wrdreg s20;
	s7 =	sadd.s32 s9, s7  }
0xc: {  	s10 =	ssub.s32 s10, s12;
	s6 =	sadd.s32 s6, s1;
	s11 =	sshrl.u32 s11, $0x3  }
0xd: {  	s9 =	sadd.s32 s13, s24;
	s12 =	sadd.s32 $0x138000, s1;
	[dreg:$0x4] =	wrdreg s6  }
0xe: {  	s7 =	sshll.u32 s7, $0x4;
	[dreg:$0x7] =	wrdreg s12;
	s26 =	smax.u32 s10, $0x1  }
0xf: {  	s11 =	sadd.s32 $0x27000, s11;
	s25 =	sadd.s32 s3, s7;
	[dreg:$0x15] =	wrdreg s26  }
0x10: {  	s9 =	sshll.u32 s9, $0x5;
	s13 =	sadd.s32 s3, s11;
	[dreg:$0x5] =	wrdreg s25  }
0x11: {  	s4 =	simm.s32 $0x1FA10;
	s14 =	sadd.s32 s8, s9;
	[dreg:$0x8] =	wrdreg s13  }
0x12: {  	s5 =	sadd.s32 s5, s8;
	s24 =	sadd.s32 s0, s7;
	[dreg:$0x9] =	wrdreg s14  }
0x13: {  	s10 =	simm.s32 $0x3;
	s0 =	sadd.s32 s0, s11;
	[dreg:$0x13] =	wrdreg s24  }
0x14: {  	s12 =	simm.s32 $0x1FC90;
	s9 =	sadd.s32 $0x20, s14;
	[dreg:$0x14] =	wrdreg s0  }
0x15: {  	s26 =	simm.s32 $0x1F990;
	s15 =	sadd.s32 $0x40, s14;
	[dreg:$0xa] =	wrdreg s9  }
0x16: {  	s7 =	simm.s32 $0x1FB90;
	s16 =	sadd.s32 $0x60, s14;
	[dreg:$0xb] =	wrdreg s15  }
0x17: {  	s8 =	simm.s32 $0x4;
	s17 =	sadd.s32 $0x80, s14;
	[dreg:$0xc] =	wrdreg s16  }
0x18: {  	s11 =	simm.s32 $0x1FB10;
	s18 =	sadd.s32 $0xA0, s14;
	[dreg:$0xd] =	wrdreg s17  }
0x19: {  	s19 =	sadd.s32 $0xC0, s14;
	s21 =	sadd.s32 $0x13A0, s14;
	[dreg:$0xe] =	wrdreg s18  }
0x1a: {  	s23 =	sadd.s32 $0x13C0, s14;
	s6 =	sadd.s32 $0x13E0, s14;
	[dreg:$0xf] =	wrdreg s19  }
0x1b: {  	s25 =	sadd.s32 s22, s5;
	s22 =	simm.s32 $0x7;
	[dreg:$0x10] =	wrdreg s21  }
0x1c: {  	s24 =	simm.s32 $0x80;
	s0 =	simm.s32 $0x2;
	[dreg:$0x11] =	wrdreg s23  }
0x1d: {  	s5 =	simm.s32 $0x1B890;
	s13 =	simm.s32 $0x5;
	[dreg:$0x12] =	wrdreg s6  }
0x1e: {  	s14 =	simm.s32 $0x1FC10;
	[dreg:$0x3] =	wrdreg s25;
	s23 =	simm.s32 $0x1F890  }
0x1f: {  	s25 =	simm.s32 $0x13890;
	s15 =	simm.s32 $0x1FD90;
	s16 =	simm.s32 $0x6  }
0x20: {  	s17 =	simm.s32 $0x1FD10;
	s18 =	simm.s32 $0x1FE10;
	s19 =	simm.s32 $0x0  }
.LBB2_1:
0x21: {  	s6 =	rddreg [dreg:$0x4]  }
0x22: {  	s21 =	rddreg [dreg:$0x5];
	s9 =	sshrl.u32 s6, $0x3  }
0x23: {  	[dreg:$0x16] =	wrdreg s9  }
0x24: {  	[spmem:s9], [sflag:s20] =	dma.local [hbm:s21], $0x2700  }
0x25: {  	_ =	swait.ge [sflag:s22], $0x2700  }
0x26: {  	s6 =	rddreg [dreg:$0x7]  }
0x27: {  	[sflag:s22] =	ssyncset.done $0x0;
	s9 =	sshrl.u32 @!p0 s6, $0x3;
	s6 =	rddreg [dreg:$0x8]  }
0x28: {  	[sflag:s22] =	ssyncadd.s32 $0xFFFFD900;
	[dreg:$0x17] =	wrdreg s9  }
0x29: {  	[spmem:s9], [sflag:s20] =	dma.local @!p0 [hbm:s6], $0x100  }
0x2a: {  	s9 =	simm.s32 @!p0 $0x7  }
0x2b: {  	_ =	swait.ge @!p0 [sflag:s9], $0x100  }
0x2c: {  	[sflag:s9] =	ssyncset.done @!p0 $0x0  }
0x2d: {  	[sflag:s9] =	ssyncadd.s32 @!p0 $0xFFFFFF00  }
0x2e: {  	[bflag:$0x0] =	sbarrier.arrive $0xFFFF  }
0x2f: {  	s9 =	rddreg [dreg:$0x9]  }
0x30: {  	[tilespmem:s23], [sflag:$0x7] =	stream.linear.gather [hbm4b:s9+s2], $0x100, $0x38;
	[tilespmem:$0x1FE90] =	vst v63  }
0x31: {  	_ =	swait.ge [sflag:s22], $0x100  }
0x32: {  	[sflag:s22] =	ssyncset.done $0x0  }
0x33: {  	[sflag:s22] =	ssyncadd.s32 $0xFFFFFF00  }
0x34: {  	[tilespmem:s25], [sflag:$0x1] =	stream.indirect.gather [hbm4b:s3+s24], $0x80, s23, s24, $0xb8;
	[tilespmem:$0x1FE90] =	vst v63  }
0x35: {  	s20 =	rddreg [dreg:$0xa]  }
0x36: {  	[tilespmem:s26], [sflag:$0x7] =	stream.linear.gather [hbm4b:s20+s2], $0x100, $0x38;
	[tilespmem:$0x1FE90] =	vst v63  }
0x37: {  	_ =	swait.ge [sflag:s22], $0x100  }
0x38: {  	[sflag:s22] =	ssyncset.done $0x0  }
0x39: {  	[sflag:s22] =	ssyncadd.s32 $0xFFFFFF00  }
0x3a: {  	_ =	swait.ge [sflag:s28], $0x4000  }
0x3b: {  	[sflag:s28] =	ssyncset.done $0x0  }
0x3c: {  	[sflag:s28] =	ssyncadd.s32 $0xFFFFC000  }
0x3d: {  	[spmem:s1] =	stream.indirect.scatter.add.f32 [tilespmem:s25], [sflag:$0x4], $0x80, s29, s24, $0xb8;
	[tilespmem:$0x1FE90] =	vst v63  }
0x3e: {  	_ = 	snop  }
0x3f: {  	[tilespmem:s30], [sflag:$0x2] =	stream.indirect.gather [hbm4b:s3+s24], $0x80, s26, s24, $0xb8;
	[tilespmem:$0x1FE90] =	vst v63  }
0x40: {  	s21 =	rddreg [dreg:$0xb]  }
0x41: {  	[tilespmem:s31], [sflag:$0x7] =	stream.linear.gather [hbm4b:s21+s2], $0x100, $0x38;
	[tilespmem:$0x1FE90] =	vst v63  }
0x42: {  	_ =	swait.ge [sflag:s22], $0x100  }
0x43: {  	[sflag:s22] =	ssyncset.done $0x0  }
0x44: {  	[sflag:s22] =	ssyncadd.s32 $0xFFFFFF00  }
0x45: {  	_ =	swait.ge [sflag:s0], $0x4000  }
0x46: {  	[sflag:s0] =	ssyncset.done $0x0  }
0x47: {  	[sflag:s0] =	ssyncadd.s32 $0xFFFFC000  }
0x48: {  	[spmem:s1] =	stream.indirect.scatter.add.f32 [tilespmem:s30], [sflag:$0x5], $0x80, s4, s24, $0xb8;
	[tilespmem:$0x1FE90] =	vst v63  }
0x49: {  	_ = 	snop  }
0x4a: {  	[tilespmem:s5], [sflag:$0x3] =	stream.indirect.gather [hbm4b:s3+s24], $0x80, s31, s24, $0xb8;
	[tilespmem:$0x1FE90] =	vst v63  }
0x4b: {  	s9 =	rddreg [dreg:$0xc]  }
0x4c: {  	[tilespmem:s7], [sflag:$0x7] =	stream.linear.gather [hbm4b:s9+s2], $0x100, $0x38;
	[tilespmem:$0x1FE90] =	vst v63  }
0x4d: {  	_ =	swait.ge [sflag:s22], $0x100  }
0x4e: {  	[sflag:s22] =	ssyncset.done $0x0  }
0x4f: {  	[sflag:s22] =	ssyncadd.s32 $0xFFFFFF00  }
0x50: {  	_ =	swait.ge [sflag:s8], $0x4000  }
0x51: {  	[sflag:s8] =	ssyncset.done $0x0  }
0x52: {  	[sflag:s8] =	ssyncadd.s32 $0xFFFFC000  }
0x53: {  	_ =	swait.ge [sflag:s10], $0x4000  }
0x54: {  	[sflag:s10] =	ssyncset.done $0x0  }
0x55: {  	[sflag:s10] =	ssyncadd.s32 $0xFFFFC000  }
0x56: {  	[spmem:s1] =	stream.indirect.scatter.add.f32 [tilespmem:s5], [sflag:$0x6], $0x80, s11, s24, $0xb8;
	[tilespmem:$0x1FE90] =	vst v63  }
0x57: {  	_ = 	snop  }
0x58: {  	[tilespmem:s25], [sflag:$0x1] =	stream.indirect.gather [hbm4b:s3+s24], $0x80, s7, s24, $0xb8;
	[tilespmem:$0x1FE90] =	vst v63  }
0x59: {  	s20 =	rddreg [dreg:$0xd]  }
0x5a: {  	[tilespmem:s12], [sflag:$0x7] =	stream.linear.gather [hbm4b:s20+s2], $0x100, $0x38;
	[tilespmem:$0x1FE90] =	vst v63  }
0x5b: {  	_ =	swait.ge [sflag:s22], $0x100  }
0x5c: {  	[sflag:s22] =	ssyncset.done $0x0  }
0x5d: {  	[sflag:s22] =	ssyncadd.s32 $0xFFFFFF00  }
0x5e: {  	_ =	swait.ge [sflag:s13], $0x4000  }
0x5f: {  	[sflag:s13] =	ssyncset.done $0x0  }
0x60: {  	[sflag:s13] =	ssyncadd.s32 $0xFFFFC000  }
0x61: {  	_ =	swait.ge [sflag:s28], $0x4000  }
0x62: {  	[sflag:s28] =	ssyncset.done $0x0  }
0x63: {  	[sflag:s28] =	ssyncadd.s32 $0xFFFFC000  }
0x64: {  	[spmem:s1] =	stream.indirect.scatter.add.f32 [tilespmem:s25], [sflag:$0x4], $0x80, s14, s24, $0xb8;
	[tilespmem:$0x1FE90] =	vst v63  }
0x65: {  	_ = 	snop  }
0x66: {  	[tilespmem:s30], [sflag:$0x2] =	stream.indirect.gather [hbm4b:s3+s24], $0x80, s12, s24, $0xb8;
	[tilespmem:$0x1FE90] =	vst v63  }
0x67: {  	s21 =	rddreg [dreg:$0xe]  }
0x68: {  	[tilespmem:s15], [sflag:$0x7] =	stream.linear.gather [hbm4b:s21+s2], $0x100, $0x38;
	[tilespmem:$0x1FE90] =	vst v63  }
0x69: {  	_ =	swait.ge [sflag:s22], $0x100  }
0x6a: {  	[sflag:s22] =	ssyncset.done $0x0  }
0x6b: {  	[sflag:s22] =	ssyncadd.s32 $0xFFFFFF00  }
0x6c: {  	_ =	swait.ge [sflag:s16], $0x4000  }
0x6d: {  	[sflag:s16] =	ssyncset.done $0x0  }
0x6e: {  	[sflag:s16] =	ssyncadd.s32 $0xFFFFC000  }
0x6f: {  	_ =	swait.ge [sflag:s0], $0x4000  }
0x70: {  	[sflag:s0] =	ssyncset.done $0x0  }
0x71: {  	[sflag:s0] =	ssyncadd.s32 $0xFFFFC000  }
0x72: {  	[spmem:s1] =	stream.indirect.scatter.add.f32 [tilespmem:s30], [sflag:$0x5], $0x80, s17, s24, $0xb8;
	[tilespmem:$0x1FE90] =	vst v63  }
0x73: {  	_ = 	snop  }
0x74: {  	[tilespmem:s5], [sflag:$0x3] =	stream.indirect.gather [hbm4b:s3+s24], $0x80, s15, s24, $0xb8;
	[tilespmem:$0x1FE90] =	vst v63  }
0x75: {  	s9 =	rddreg [dreg:$0xf]  }
0x76: {  	[tilespmem:s23], [sflag:$0x7] =	stream.linear.gather [hbm4b:s9+s2], $0x100, $0x38;
	[tilespmem:$0x1FE90] =	vst v63  }
0x77: {  	_ =	swait.ge [sflag:s22], $0x100  }
0x78: {  	[sflag:s22] =	ssyncset.done $0x0  }
0x79: {  	[sflag:s22] =	ssyncadd.s32 $0xFFFFFF00  }
0x7a: {  	_ =	swait.ge [sflag:s8], $0x4000  }
0x7b: {  	[sflag:s8] =	ssyncset.done $0x0  }
0x7c: {  	[sflag:s8] =	ssyncadd.s32 $0xFFFFC000  }
0x7d: {  	_ =	swait.ge [sflag:s10], $0x4000  }
0x7e: {  	[sflag:s10] =	ssyncset.done $0x0  }
0x7f: {  	s20 =	rddreg [dreg:$0x3];
	[sflag:s10] =	ssyncadd.s32 $0xFFFFC000  }
0x80: {  	[spmem:s1] =	stream.indirect.scatter.add.f32 [tilespmem:s5], [sflag:$0x6], $0x80, s18, s24, $0xb8;
	[tilespmem:$0x1FE90] =	vst v63  }
0x81: {  	s9 =	sadd.s32 $0x0, s20  }
0x82: {  	[tilespmem:s25], [sflag:$0x1] =	stream.indirect.gather [hbm4b:s3+s24], $0x80, s23, s24, $0xb8;
	[tilespmem:$0x1FE90] =	vst v63  }
0x83: {  	s21 =	sadd.s32 $0xE0, s9  }
0x84: {  	[tilespmem:s26], [sflag:$0x7] =	stream.linear.gather [hbm4b:s21+s2], $0x100, $0x38;
	[tilespmem:$0x1FE90] =	vst v63  }
0x85: {  	_ =	swait.ge [sflag:s22], $0x100  }
0x86: {  	[sflag:s22] =	ssyncset.done $0x0  }
0x87: {  	[sflag:s22] =	ssyncadd.s32 $0xFFFFFF00  }
0x88: {  	_ =	swait.ge [sflag:s13], $0x4000  }
0x89: {  	[sflag:s13] =	ssyncset.done $0x0  }
0x8a: {  	[sflag:s13] =	ssyncadd.s32 $0xFFFFC000  }
0x8b: {  	_ =	swait.ge [sflag:s28], $0x4000  }
0x8c: {  	[sflag:s28] =	ssyncset.done $0x0  }
0x8d: {  	[sflag:s28] =	ssyncadd.s32 $0xFFFFC000  }
0x8e: {  	[spmem:s1] =	stream.indirect.scatter.add.f32 [tilespmem:s25], [sflag:$0x4], $0x80, s29, s24, $0xb8;
	[tilespmem:$0x1FE90] =	vst v63  }
0x8f: {  	_ = 	snop  }
0x90: {  	[tilespmem:s30], [sflag:$0x2] =	stream.indirect.gather [hbm4b:s3+s24], $0x80, s26, s24, $0xb8;
	[tilespmem:$0x1FE90] =	vst v63  }
0x91: {  	s6 =	sadd.s32 $0x100, s9  }
0x92: {  	[tilespmem:s31], [sflag:$0x7] =	stream.linear.gather [hbm4b:s6+s2], $0x100, $0x38;
	[tilespmem:$0x1FE90] =	vst v63  }
0x93: {  	_ =	swait.ge [sflag:s22], $0x100  }
0x94: {  	[sflag:s22] =	ssyncset.done $0x0  }
0x95: {  	[sflag:s22] =	ssyncadd.s32 $0xFFFFFF00  }
0x96: {  	_ =	swait.ge [sflag:s16], $0x4000  }
0x97: {  	[sflag:s16] =	ssyncset.done $0x0  }
0x98: {  	[sflag:s16] =	ssyncadd.s32 $0xFFFFC000  }
0x99: {  	_ =	swait.ge [sflag:s0], $0x4000  }
0x9a: {  	[sflag:s0] =	ssyncset.done $0x0  }
0x9b: {  	[sflag:s0] =	ssyncadd.s32 $0xFFFFC000  }
0x9c: {  	[spmem:s1] =	stream.indirect.scatter.add.f32 [tilespmem:s30], [sflag:$0x5], $0x80, s4, s24, $0xb8;
	[tilespmem:$0x1FE90] =	vst v63  }
0x9d: {  	_ = 	snop  }
0x9e: {  	[tilespmem:s5], [sflag:$0x3] =	stream.indirect.gather [hbm4b:s3+s24], $0x80, s31, s24, $0xb8;
	[tilespmem:$0x1FE90] =	vst v63  }
0x9f: {  	s21 =	sadd.s32 $0x120, s9  }
0xa0: {  	[tilespmem:s7], [sflag:$0x7] =	stream.linear.gather [hbm4b:s21+s2], $0x100, $0x38;
	[tilespmem:$0x1FE90] =	vst v63  }
0xa1: {  	_ =	swait.ge [sflag:s22], $0x100  }
0xa2: {  	[sflag:s22] =	ssyncset.done $0x0  }
0xa3: {  	[sflag:s22] =	ssyncadd.s32 $0xFFFFFF00  }
0xa4: {  	_ =	swait.ge [sflag:s8], $0x4000  }
0xa5: {  	[sflag:s8] =	ssyncset.done $0x0  }
0xa6: {  	[sflag:s8] =	ssyncadd.s32 $0xFFFFC000  }
0xa7: {  	_ =	swait.ge [sflag:s10], $0x4000  }
0xa8: {  	[sflag:s10] =	ssyncset.done $0x0  }
0xa9: {  	[sflag:s10] =	ssyncadd.s32 $0xFFFFC000  }
0xaa: {  	[spmem:s1] =	stream.indirect.scatter.add.f32 [tilespmem:s5], [sflag:$0x6], $0x80, s11, s24, $0xb8;
	[tilespmem:$0x1FE90] =	vst v63  }
0xab: {  	_ = 	snop  }
0xac: {  	[tilespmem:s25], [sflag:$0x1] =	stream.indirect.gather [hbm4b:s3+s24], $0x80, s7, s24, $0xb8;
	[tilespmem:$0x1FE90] =	vst v63  }
0xad: {  	s6 =	sadd.s32 $0x140, s9  }
0xae: {  	[tilespmem:s12], [sflag:$0x7] =	stream.linear.gather [hbm4b:s6+s2], $0x100, $0x38;
	[tilespmem:$0x1FE90] =	vst v63  }
0xaf: {  	_ =	swait.ge [sflag:s22], $0x100  }
0xb0: {  	[sflag:s22] =	ssyncset.done $0x0  }
0xb1: {  	[sflag:s22] =	ssyncadd.s32 $0xFFFFFF00  }
0xb2: {  	_ =	swait.ge [sflag:s13], $0x4000  }
0xb3: {  	[sflag:s13] =	ssyncset.done $0x0  }
0xb4: {  	[sflag:s13] =	ssyncadd.s32 $0xFFFFC000  }
0xb5: {  	_ =	swait.ge [sflag:s28], $0x4000  }
0xb6: {  	[sflag:s28] =	ssyncset.done $0x0  }
0xb7: {  	[sflag:s28] =	ssyncadd.s32 $0xFFFFC000  }
0xb8: {  	[spmem:s1] =	stream.indirect.scatter.add.f32 [tilespmem:s25], [sflag:$0x4], $0x80, s14, s24, $0xb8;
	[tilespmem:$0x1FE90] =	vst v63  }
0xb9: {  	_ = 	snop  }
0xba: {  	[tilespmem:s30], [sflag:$0x2] =	stream.indirect.gather [hbm4b:s3+s24], $0x80, s12, s24, $0xb8;
	[tilespmem:$0x1FE90] =	vst v63  }
0xbb: {  	s21 =	sadd.s32 $0x160, s9  }
0xbc: {  	[tilespmem:s15], [sflag:$0x7] =	stream.linear.gather [hbm4b:s21+s2], $0x100, $0x38;
	[tilespmem:$0x1FE90] =	vst v63  }
0xbd: {  	_ =	swait.ge [sflag:s22], $0x100  }
0xbe: {  	[sflag:s22] =	ssyncset.done $0x0  }
0xbf: {  	[sflag:s22] =	ssyncadd.s32 $0xFFFFFF00  }
0xc0: {  	_ =	swait.ge [sflag:s16], $0x4000  }
0xc1: {  	[sflag:s16] =	ssyncset.done $0x0  }
0xc2: {  	[sflag:s16] =	ssyncadd.s32 $0xFFFFC000  }
0xc3: {  	_ =	swait.ge [sflag:s0], $0x4000  }
0xc4: {  	[sflag:s0] =	ssyncset.done $0x0  }
0xc5: {  	[sflag:s0] =	ssyncadd.s32 $0xFFFFC000  }
0xc6: {  	[spmem:s1] =	stream.indirect.scatter.add.f32 [tilespmem:s30], [sflag:$0x5], $0x80, s17, s24, $0xb8;
	[tilespmem:$0x1FE90] =	vst v63  }
0xc7: {  	_ = 	snop  }
0xc8: {  	[tilespmem:s5], [sflag:$0x3] =	stream.indirect.gather [hbm4b:s3+s24], $0x80, s15, s24, $0xb8;
	[tilespmem:$0x1FE90] =	vst v63  }
0xc9: {  	s9 =	sadd.s32 $0x180, s9  }
0xca: {  	[tilespmem:s23], [sflag:$0x7] =	stream.linear.gather [hbm4b:s9+s2], $0x100, $0x38;
	[tilespmem:$0x1FE90] =	vst v63  }
0xcb: {  	_ =	swait.ge [sflag:s22], $0x100  }
0xcc: {  	[sflag:s22] =	ssyncset.done $0x0  }
0xcd: {  	[sflag:s22] =	ssyncadd.s32 $0xFFFFFF00  }
0xce: {  	_ =	swait.ge [sflag:s8], $0x4000  }
0xcf: {  	[sflag:s8] =	ssyncset.done $0x0  }
0xd0: {  	[sflag:s8] =	ssyncadd.s32 $0xFFFFC000  }
0xd1: {  	_ =	swait.ge [sflag:s10], $0x4000  }
0xd2: {  	s20 =	simm.s32 $0x180;
	[sflag:s10] =	ssyncset.done $0x0  }
0xd3: {  	s9 =	simm.s32 $0xC0;
	s21 =	rddreg [dreg:$0x3];
	[sflag:s10] =	ssyncadd.s32 $0xFFFFC000  }
0xd4: {  	[spmem:s1] =	stream.indirect.scatter.add.f32 [tilespmem:s5], [sflag:$0x6], $0x80, s18, s24, $0xb8;
	[tilespmem:$0x1FE90] =	vst v63  }
.LBB2_2:
0xd5: {  	s21 =	sadd.s32 s9, s21  }
0xd6: {  	[tilespmem:s25], [sflag:$0x1] =	stream.indirect.gather [hbm4b:s3+s24], $0x80, s23, s24, $0xb8;
	[tilespmem:$0x1FE90] =	vst v63  }
0xd7: {  	s6 =	sadd.s32 $0xE0, s21  }
0xd8: {  	[tilespmem:s26], [sflag:$0x7] =	stream.linear.gather [hbm4b:s6+s2], $0x100, $0x38;
	[tilespmem:$0x1FE90] =	vst v63  }
0xd9: {  	_ =	swait.ge [sflag:s22], $0x100  }
0xda: {  	[sflag:s22] =	ssyncset.done $0x0  }
0xdb: {  	[sflag:s22] =	ssyncadd.s32 $0xFFFFFF00  }
0xdc: {  	_ =	swait.ge [sflag:s13], $0x4000  }
0xdd: {  	[sflag:s13] =	ssyncset.done $0x0  }
0xde: {  	[sflag:s13] =	ssyncadd.s32 $0xFFFFC000  }
0xdf: {  	_ =	swait.ge [sflag:s28], $0x4000  }
0xe0: {  	[sflag:s28] =	ssyncset.done $0x0  }
0xe1: {  	[sflag:s28] =	ssyncadd.s32 $0xFFFFC000  }
0xe2: {  	[spmem:s1] =	stream.indirect.scatter.add.f32 [tilespmem:s25], [sflag:$0x4], $0x80, s29, s24, $0xb8;
	[tilespmem:$0x1FE90] =	vst v63  }
0xe3: {  	_ = 	snop  }
0xe4: {  	[tilespmem:s30], [sflag:$0x2] =	stream.indirect.gather [hbm4b:s3+s24], $0x80, s26, s24, $0xb8;
	[tilespmem:$0x1FE90] =	vst v63  }
0xe5: {  	s6 =	sadd.s32 $0x100, s21  }
0xe6: {  	[tilespmem:s31], [sflag:$0x7] =	stream.linear.gather [hbm4b:s6+s2], $0x100, $0x38;
	[tilespmem:$0x1FE90] =	vst v63  }
0xe7: {  	_ =	swait.ge [sflag:s22], $0x100  }
0xe8: {  	[sflag:s22] =	ssyncset.done $0x0  }
0xe9: {  	[sflag:s22] =	ssyncadd.s32 $0xFFFFFF00  }
0xea: {  	_ =	swait.ge [sflag:s16], $0x4000  }
0xeb: {  	[sflag:s16] =	ssyncset.done $0x0  }
0xec: {  	[sflag:s16] =	ssyncadd.s32 $0xFFFFC000  }
0xed: {  	_ =	swait.ge [sflag:s0], $0x4000  }
0xee: {  	[sflag:s0] =	ssyncset.done $0x0  }
0xef: {  	[sflag:s0] =	ssyncadd.s32 $0xFFFFC000  }
0xf0: {  	[spmem:s1] =	stream.indirect.scatter.add.f32 [tilespmem:s30], [sflag:$0x5], $0x80, s4, s24, $0xb8;
	[tilespmem:$0x1FE90] =	vst v63  }
0xf1: {  	_ = 	snop  }
0xf2: {  	[tilespmem:s5], [sflag:$0x3] =	stream.indirect.gather [hbm4b:s3+s24], $0x80, s31, s24, $0xb8;
	[tilespmem:$0x1FE90] =	vst v63  }
0xf3: {  	s6 =	sadd.s32 $0x120, s21  }
0xf4: {  	[tilespmem:s7], [sflag:$0x7] =	stream.linear.gather [hbm4b:s6+s2], $0x100, $0x38;
	[tilespmem:$0x1FE90] =	vst v63  }
0xf5: {  	_ =	swait.ge [sflag:s22], $0x100  }
0xf6: {  	[sflag:s22] =	ssyncset.done $0x0  }
0xf7: {  	[sflag:s22] =	ssyncadd.s32 $0xFFFFFF00  }
0xf8: {  	_ =	swait.ge [sflag:s8], $0x4000  }
0xf9: {  	[sflag:s8] =	ssyncset.done $0x0  }
0xfa: {  	[sflag:s8] =	ssyncadd.s32 $0xFFFFC000  }
0xfb: {  	_ =	swait.ge [sflag:s10], $0x4000  }
0xfc: {  	[sflag:s10] =	ssyncset.done $0x0  }
0xfd: {  	[sflag:s10] =	ssyncadd.s32 $0xFFFFC000  }
0xfe: {  	[spmem:s1] =	stream.indirect.scatter.add.f32 [tilespmem:s5], [sflag:$0x6], $0x80, s11, s24, $0xb8;
	[tilespmem:$0x1FE90] =	vst v63  }
0xff: {  	_ = 	snop  }
0x100: {  	[tilespmem:s25], [sflag:$0x1] =	stream.indirect.gather [hbm4b:s3+s24], $0x80, s7, s24, $0xb8;
	[tilespmem:$0x1FE90] =	vst v63  }
0x101: {  	s6 =	sadd.s32 $0x140, s21  }
0x102: {  	[tilespmem:s12], [sflag:$0x7] =	stream.linear.gather [hbm4b:s6+s2], $0x100, $0x38;
	[tilespmem:$0x1FE90] =	vst v63  }
0x103: {  	_ =	swait.ge [sflag:s22], $0x100  }
0x104: {  	[sflag:s22] =	ssyncset.done $0x0  }
0x105: {  	[sflag:s22] =	ssyncadd.s32 $0xFFFFFF00  }
0x106: {  	_ =	swait.ge [sflag:s13], $0x4000  }
0x107: {  	[sflag:s13] =	ssyncset.done $0x0  }
0x108: {  	[sflag:s13] =	ssyncadd.s32 $0xFFFFC000  }
0x109: {  	_ =	swait.ge [sflag:s28], $0x4000  }
0x10a: {  	[sflag:s28] =	ssyncset.done $0x0  }
0x10b: {  	[sflag:s28] =	ssyncadd.s32 $0xFFFFC000  }
0x10c: {  	[spmem:s1] =	stream.indirect.scatter.add.f32 [tilespmem:s25], [sflag:$0x4], $0x80, s14, s24, $0xb8;
	[tilespmem:$0x1FE90] =	vst v63  }
0x10d: {  	_ = 	snop  }
0x10e: {  	[tilespmem:s30], [sflag:$0x2] =	stream.indirect.gather [hbm4b:s3+s24], $0x80, s12, s24, $0xb8;
	[tilespmem:$0x1FE90] =	vst v63  }
0x10f: {  	s6 =	sadd.s32 $0x160, s21  }
0x110: {  	[tilespmem:s15], [sflag:$0x7] =	stream.linear.gather [hbm4b:s6+s2], $0x100, $0x38;
	[tilespmem:$0x1FE90] =	vst v63  }
0x111: {  	_ =	swait.ge [sflag:s22], $0x100  }
0x112: {  	[sflag:s22] =	ssyncset.done $0x0  }
0x113: {  	[sflag:s22] =	ssyncadd.s32 $0xFFFFFF00  }
0x114: {  	_ =	swait.ge [sflag:s16], $0x4000  }
0x115: {  	[sflag:s16] =	ssyncset.done $0x0  }
0x116: {  	[sflag:s16] =	ssyncadd.s32 $0xFFFFC000  }
0x117: {  	_ =	swait.ge [sflag:s0], $0x4000  }
0x118: {  	[sflag:s0] =	ssyncset.done $0x0  }
0x119: {  	[sflag:s0] =	ssyncadd.s32 $0xFFFFC000  }
0x11a: {  	[spmem:s1] =	stream.indirect.scatter.add.f32 [tilespmem:s30], [sflag:$0x5], $0x80, s17, s24, $0xb8;
	[tilespmem:$0x1FE90] =	vst v63  }
0x11b: {  	_ = 	snop  }
0x11c: {  	[tilespmem:s5], [sflag:$0x3] =	stream.indirect.gather [hbm4b:s3+s24], $0x80, s15, s24, $0xb8;
	[tilespmem:$0x1FE90] =	vst v63  }
0x11d: {  	s21 =	sadd.s32 $0x180, s21  }
0x11e: {  	[tilespmem:s23], [sflag:$0x7] =	stream.linear.gather [hbm4b:s21+s2], $0x100, $0x38;
	[tilespmem:$0x1FE90] =	vst v63  }
0x11f: {  	_ =	swait.ge [sflag:s22], $0x100  }
0x120: {  	[sflag:s22] =	ssyncset.done $0x0  }
0x121: {  	[sflag:s22] =	ssyncadd.s32 $0xFFFFFF00  }
0x122: {  	_ =	swait.ge [sflag:s8], $0x4000  }
0x123: {  	p1 =	sne.s32 s20, $0x1200;
	[sflag:s8] =	ssyncset.done $0x0  }
.Ltmp0:
0x124: {  	[sflag:s8] =	ssyncadd.s32 $0xFFFFC000;
	(pc) =	sbr.rel @p1 .LBB2_2-.Ltmp0, $4  }
0x125: {  	_ =	swait.ge [sflag:s10], $0x4000  }
0x126: {  	s9 =	smov.u32 s20;
	[sflag:s10] =	ssyncset.done $0x0  }
0x127: {  	s20 =	sadd.s32 $0xC0, s20;
	s21 =	rddreg [dreg:$0x3];
	[sflag:s10] =	ssyncadd.s32 $0xFFFFC000  }
0x128: {  	[spmem:s1] =	stream.indirect.scatter.add.f32 [tilespmem:s5], [sflag:$0x6], $0x80, s18, s24, $0xb8;
	[tilespmem:$0x1FE90] =	vst v63  }
0x129: {  	s9 =	sadd.s32 s9, s21  }
0x12a: {  	[tilespmem:s25], [sflag:$0x1] =	stream.indirect.gather [hbm4b:s3+s24], $0x80, s23, s24, $0xb8;
	[tilespmem:$0x1FE90] =	vst v63  }
0x12b: {  	s6 =	sadd.s32 $0xE0, s9  }
0x12c: {  	[tilespmem:s26], [sflag:$0x7] =	stream.linear.gather [hbm4b:s6+s2], $0x100, $0x38;
	[tilespmem:$0x1FE90] =	vst v63  }
0x12d: {  	_ =	swait.ge [sflag:s22], $0x100  }
0x12e: {  	[sflag:s22] =	ssyncset.done $0x0  }
0x12f: {  	[sflag:s22] =	ssyncadd.s32 $0xFFFFFF00  }
0x130: {  	_ =	swait.ge [sflag:s13], $0x4000  }
0x131: {  	[sflag:s13] =	ssyncset.done $0x0  }
0x132: {  	[sflag:s13] =	ssyncadd.s32 $0xFFFFC000  }
0x133: {  	_ =	swait.ge [sflag:s28], $0x4000  }
0x134: {  	[sflag:s28] =	ssyncset.done $0x0  }
0x135: {  	[sflag:s28] =	ssyncadd.s32 $0xFFFFC000  }
0x136: {  	[spmem:s1] =	stream.indirect.scatter.add.f32 [tilespmem:s25], [sflag:$0x4], $0x80, s29, s24, $0xb8;
	[tilespmem:$0x1FE90] =	vst v63  }
0x137: {  	_ = 	snop  }
0x138: {  	[tilespmem:s30], [sflag:$0x2] =	stream.indirect.gather [hbm4b:s3+s24], $0x80, s26, s24, $0xb8;
	[tilespmem:$0x1FE90] =	vst v63  }
0x139: {  	s21 =	sadd.s32 $0x100, s9  }
0x13a: {  	[tilespmem:s31], [sflag:$0x7] =	stream.linear.gather [hbm4b:s21+s2], $0x100, $0x38;
	[tilespmem:$0x1FE90] =	vst v63  }
0x13b: {  	_ =	swait.ge [sflag:s22], $0x100  }
0x13c: {  	[sflag:s22] =	ssyncset.done $0x0  }
0x13d: {  	[sflag:s22] =	ssyncadd.s32 $0xFFFFFF00  }
0x13e: {  	_ =	swait.ge [sflag:s16], $0x4000  }
0x13f: {  	[sflag:s16] =	ssyncset.done $0x0  }
0x140: {  	[sflag:s16] =	ssyncadd.s32 $0xFFFFC000  }
0x141: {  	_ =	swait.ge [sflag:s0], $0x4000  }
0x142: {  	[sflag:s0] =	ssyncset.done $0x0  }
0x143: {  	[sflag:s0] =	ssyncadd.s32 $0xFFFFC000  }
0x144: {  	[spmem:s1] =	stream.indirect.scatter.add.f32 [tilespmem:s30], [sflag:$0x5], $0x80, s4, s24, $0xb8;
	[tilespmem:$0x1FE90] =	vst v63  }
0x145: {  	_ = 	snop  }
0x146: {  	[tilespmem:s5], [sflag:$0x3] =	stream.indirect.gather [hbm4b:s3+s24], $0x80, s31, s24, $0xb8;
	[tilespmem:$0x1FE90] =	vst v63  }
0x147: {  	s20 =	sadd.s32 $0x120, s9  }
0x148: {  	[tilespmem:s7], [sflag:$0x7] =	stream.linear.gather [hbm4b:s20+s2], $0x100, $0x38;
	[tilespmem:$0x1FE90] =	vst v63  }
0x149: {  	_ =	swait.ge [sflag:s22], $0x100  }
0x14a: {  	[sflag:s22] =	ssyncset.done $0x0  }
0x14b: {  	[sflag:s22] =	ssyncadd.s32 $0xFFFFFF00  }
0x14c: {  	_ =	swait.ge [sflag:s8], $0x4000  }
0x14d: {  	[sflag:s8] =	ssyncset.done $0x0  }
0x14e: {  	[sflag:s8] =	ssyncadd.s32 $0xFFFFC000  }
0x14f: {  	_ =	swait.ge [sflag:s10], $0x4000  }
0x150: {  	[sflag:s10] =	ssyncset.done $0x0  }
0x151: {  	[sflag:s10] =	ssyncadd.s32 $0xFFFFC000  }
0x152: {  	[spmem:s1] =	stream.indirect.scatter.add.f32 [tilespmem:s5], [sflag:$0x6], $0x80, s11, s24, $0xb8;
	[tilespmem:$0x1FE90] =	vst v63  }
0x153: {  	_ = 	snop  }
0x154: {  	[tilespmem:s25], [sflag:$0x1] =	stream.indirect.gather [hbm4b:s3+s24], $0x80, s7, s24, $0xb8;
	[tilespmem:$0x1FE90] =	vst v63  }
0x155: {  	s21 =	sadd.s32 $0x140, s9  }
0x156: {  	[tilespmem:s12], [sflag:$0x7] =	stream.linear.gather [hbm4b:s21+s2], $0x100, $0x38;
	[tilespmem:$0x1FE90] =	vst v63  }
0x157: {  	_ =	swait.ge [sflag:s22], $0x100  }
0x158: {  	[sflag:s22] =	ssyncset.done $0x0  }
0x159: {  	[sflag:s22] =	ssyncadd.s32 $0xFFFFFF00  }
0x15a: {  	_ =	swait.ge [sflag:s13], $0x4000  }
0x15b: {  	[sflag:s13] =	ssyncset.done $0x0  }
0x15c: {  	[sflag:s13] =	ssyncadd.s32 $0xFFFFC000  }
0x15d: {  	_ =	swait.ge [sflag:s28], $0x4000  }
0x15e: {  	[sflag:s28] =	ssyncset.done $0x0  }
0x15f: {  	[sflag:s28] =	ssyncadd.s32 $0xFFFFC000  }
0x160: {  	[spmem:s1] =	stream.indirect.scatter.add.f32 [tilespmem:s25], [sflag:$0x4], $0x80, s14, s24, $0xb8;
	[tilespmem:$0x1FE90] =	vst v63  }
0x161: {  	_ = 	snop  }
0x162: {  	[tilespmem:s30], [sflag:$0x2] =	stream.indirect.gather [hbm4b:s3+s24], $0x80, s12, s24, $0xb8;
	[tilespmem:$0x1FE90] =	vst v63  }
0x163: {  	s20 =	sadd.s32 $0x160, s9  }
0x164: {  	[tilespmem:s15], [sflag:$0x7] =	stream.linear.gather [hbm4b:s20+s2], $0x100, $0x38;
	[tilespmem:$0x1FE90] =	vst v63  }
0x165: {  	_ =	swait.ge [sflag:s22], $0x100  }
0x166: {  	[sflag:s22] =	ssyncset.done $0x0  }
0x167: {  	[sflag:s22] =	ssyncadd.s32 $0xFFFFFF00  }
0x168: {  	_ =	swait.ge [sflag:s16], $0x4000  }
0x169: {  	[sflag:s16] =	ssyncset.done $0x0  }
0x16a: {  	[sflag:s16] =	ssyncadd.s32 $0xFFFFC000  }
0x16b: {  	_ =	swait.ge [sflag:s0], $0x4000  }
0x16c: {  	[sflag:s0] =	ssyncset.done $0x0  }
0x16d: {  	[sflag:s0] =	ssyncadd.s32 $0xFFFFC000  }
0x16e: {  	[spmem:s1] =	stream.indirect.scatter.add.f32 [tilespmem:s30], [sflag:$0x5], $0x80, s17, s24, $0xb8;
	[tilespmem:$0x1FE90] =	vst v63  }
0x16f: {  	_ = 	snop  }
0x170: {  	[tilespmem:s5], [sflag:$0x3] =	stream.indirect.gather [hbm4b:s3+s24], $0x80, s15, s24, $0xb8;
	[tilespmem:$0x1FE90] =	vst v63  }
0x171: {  	s21 =	sadd.s32 $0x180, s9  }
0x172: {  	[tilespmem:s23], [sflag:$0x7] =	stream.linear.gather [hbm4b:s21+s2], $0x100, $0x38;
	[tilespmem:$0x1FE90] =	vst v63  }
0x173: {  	_ =	swait.ge [sflag:s22], $0x100  }
0x174: {  	[sflag:s22] =	ssyncset.done $0x0  }
0x175: {  	[sflag:s22] =	ssyncadd.s32 $0xFFFFFF00  }
0x176: {  	_ =	swait.ge [sflag:s8], $0x4000  }
0x177: {  	[sflag:s8] =	ssyncset.done $0x0  }
0x178: {  	[sflag:s8] =	ssyncadd.s32 $0xFFFFC000  }
0x179: {  	_ =	swait.ge [sflag:s10], $0x4000  }
0x17a: {  	[sflag:s10] =	ssyncset.done $0x0  }
0x17b: {  	[sflag:s10] =	ssyncadd.s32 $0xFFFFC000  }
0x17c: {  	[spmem:s1] =	stream.indirect.scatter.add.f32 [tilespmem:s5], [sflag:$0x6], $0x80, s18, s24, $0xb8;
	[tilespmem:$0x1FE90] =	vst v63  }
0x17d: {  	_ = 	snop  }
0x17e: {  	[tilespmem:s25], [sflag:$0x1] =	stream.indirect.gather [hbm4b:s3+s24], $0x80, s23, s24, $0xb8;
	[tilespmem:$0x1FE90] =	vst v63  }
0x17f: {  	s9 =	rddreg [dreg:$0x10]  }
0x180: {  	[tilespmem:s26], [sflag:$0x7] =	stream.linear.gather [hbm4b:s9+s2], $0x100, $0x38;
	[tilespmem:$0x1FE90] =	vst v63  }
0x181: {  	_ =	swait.ge [sflag:s22], $0x100  }
0x182: {  	[sflag:s22] =	ssyncset.done $0x0  }
0x183: {  	[sflag:s22] =	ssyncadd.s32 $0xFFFFFF00  }
0x184: {  	_ =	swait.ge [sflag:s13], $0x4000  }
0x185: {  	[sflag:s13] =	ssyncset.done $0x0  }
0x186: {  	[sflag:s13] =	ssyncadd.s32 $0xFFFFC000  }
0x187: {  	_ =	swait.ge [sflag:s28], $0x4000  }
0x188: {  	[sflag:s28] =	ssyncset.done $0x0  }
0x189: {  	[sflag:s28] =	ssyncadd.s32 $0xFFFFC000  }
0x18a: {  	[spmem:s1] =	stream.indirect.scatter.add.f32 [tilespmem:s25], [sflag:$0x4], $0x80, s29, s24, $0xb8;
	[tilespmem:$0x1FE90] =	vst v63  }
0x18b: {  	_ = 	snop  }
0x18c: {  	[tilespmem:s30], [sflag:$0x2] =	stream.indirect.gather [hbm4b:s3+s24], $0x80, s26, s24, $0xb8;
	[tilespmem:$0x1FE90] =	vst v63  }
0x18d: {  	s20 =	rddreg [dreg:$0x11]  }
0x18e: {  	[tilespmem:s31], [sflag:$0x7] =	stream.linear.gather [hbm4b:s20+s2], $0x100, $0x38;
	[tilespmem:$0x1FE90] =	vst v63  }
0x18f: {  	_ =	swait.ge [sflag:s22], $0x100  }
0x190: {  	[sflag:s22] =	ssyncset.done $0x0  }
0x191: {  	[sflag:s22] =	ssyncadd.s32 $0xFFFFFF00  }
0x192: {  	_ =	swait.ge [sflag:s16], $0x4000  }
0x193: {  	[sflag:s16] =	ssyncset.done $0x0  }
0x194: {  	[sflag:s16] =	ssyncadd.s32 $0xFFFFC000  }
0x195: {  	_ =	swait.ge [sflag:s0], $0x4000  }
0x196: {  	[sflag:s0] =	ssyncset.done $0x0  }
0x197: {  	[sflag:s0] =	ssyncadd.s32 $0xFFFFC000  }
0x198: {  	[spmem:s1] =	stream.indirect.scatter.add.f32 [tilespmem:s30], [sflag:$0x5], $0x80, s4, s24, $0xb8;
	[tilespmem:$0x1FE90] =	vst v63  }
0x199: {  	_ = 	snop  }
0x19a: {  	[tilespmem:s5], [sflag:$0x3] =	stream.indirect.gather [hbm4b:s3+s24], $0x80, s31, s24, $0xb8;
	[tilespmem:$0x1FE90] =	vst v63  }
0x19b: {  	s21 =	rddreg [dreg:$0x12]  }
0x19c: {  	[tilespmem:s7], [sflag:$0x7] =	stream.linear.gather [hbm4b:s21+s2], $0x100, $0x38;
	[tilespmem:$0x1FE90] =	vst v63  }
0x19d: {  	_ =	swait.ge [sflag:s22], $0x100  }
0x19e: {  	[sflag:s22] =	ssyncset.done $0x0  }
0x19f: {  	[sflag:s22] =	ssyncadd.s32 $0xFFFFFF00  }
0x1a0: {  	_ =	swait.ge [sflag:s8], $0x4000  }
0x1a1: {  	[sflag:s8] =	ssyncset.done $0x0  }
0x1a2: {  	[sflag:s8] =	ssyncadd.s32 $0xFFFFC000  }
0x1a3: {  	_ =	swait.ge [sflag:s10], $0x4000  }
0x1a4: {  	[sflag:s10] =	ssyncset.done $0x0  }
0x1a5: {  	[sflag:s10] =	ssyncadd.s32 $0xFFFFC000  }
0x1a6: {  	[spmem:s1] =	stream.indirect.scatter.add.f32 [tilespmem:s5], [sflag:$0x6], $0x80, s11, s24, $0xb8;
	[tilespmem:$0x1FE90] =	vst v63  }
0x1a7: {  	_ = 	snop  }
0x1a8: {  	[tilespmem:s25], [sflag:$0x1] =	stream.indirect.gather [hbm4b:s3+s24], $0x80, s7, s24, $0xb8;
	[tilespmem:$0x1FE90] =	vst v63  }
0x1a9: {  	_ =	swait.ge [sflag:s13], $0x4000  }
0x1aa: {  	[sflag:s13] =	ssyncset.done $0x0  }
0x1ab: {  	[sflag:s13] =	ssyncadd.s32 $0xFFFFC000  }
0x1ac: {  	_ =	swait.ge [sflag:s28], $0x4000  }
0x1ad: {  	[sflag:s28] =	ssyncset.done $0x0  }
0x1ae: {  	[sflag:s28] =	ssyncadd.s32 $0xFFFFC000  }
0x1af: {  	[spmem:s1] =	stream.indirect.scatter.add.f32 [tilespmem:s25], [sflag:$0x4], $0x80, s14, s24, $0xb8;
	[tilespmem:$0x1FE90] =	vst v63  }
0x1b0: {  	_ =	swait.ge [sflag:s16], $0x4000  }
0x1b1: {  	[sflag:s16] =	ssyncset.done $0x0  }
0x1b2: {  	[sflag:s16] =	ssyncadd.s32 $0xFFFFC000  }
0x1b3: {  	_ =	swait.ge [sflag:s8], $0x4000  }
0x1b4: {  	[sflag:s8] =	ssyncset.done $0x0  }
0x1b5: {  	[sflag:s8] =	ssyncadd.s32 $0xFFFFC000  }
0x1b6: {  	[bflag:$0x0] =	sbarrier.arrive $0xFFFF  }
0x1b7: {  	s20 =	rddreg [dreg:$0x6]  }
0x1b8: {  	s9 =	rddreg [dreg:$0x13]  }
0x1b9: {  	s21 =	rddreg [dreg:$0x16]  }
0x1ba: {  	[hbm:s9], [sflag:s20] =	dma.local [spmem:s21], $0x2700  }
0x1bb: {  	_ =	swait.ge [sflag:s22], $0x2700  }
0x1bc: {  	[sflag:s22] =	ssyncset.done $0x0;
	s6 =	rddreg [dreg:$0x14]  }
0x1bd: {  	s9 =	rddreg [dreg:$0x17];
	[sflag:s22] =	ssyncadd.s32 $0xFFFFD900  }
0x1be: {  	[hbm:s6], [sflag:s20] =	dma.local @!p0 [spmem:s9], $0x100  }
0x1bf: {  	s6 =	simm.s32 @!p0 $0x7  }
0x1c0: {  	_ =	swait.ge @!p0 [sflag:s6], $0x100  }
0x1c1: {  	s19 =	sadd.s32 $0x1, s19;
	s21 =	rddreg [dreg:$0x15]  }
0x1c2: {  	p1 =	sne.s32 s19, s21  }
.Ltmp1:
0x1c3: {  	_ = 	snop;
	(pc) =	sbr.rel @p1 .LBB2_1-.Ltmp1, $3  }
0x1c4: {  	_ =	sdelay $0x1  }
0x1c5: {  	[sflag:s6] =	ssyncset.done @!p0 $0x0  }
0x1c6: {  	[sflag:s6] =	ssyncadd.s32 @!p0 $0xFFFFFF00  }
0x1c7: {  	_ =	sfence.sel $0x180000  }
0x1c8: {  	[bflag:$0x0] =	sbarrier.arrive $0xFFFF  }
0x1c9: {  	_ =	strace $0x9000004A  }
0x1ca: {  	[bflag:$0x2] =	sbarrier.arrive $0xFFFF  }
0x1cb: {  	s0 =	rddreg [dreg:$0x2]  }
0x1cc: {  	s0 =	sadd.s32 @!p0 $0x100000, s0  }
0x1cd: {  	[sflag:s0] =	ssyncadd.tile.s32 @!p0 $0x1;
	_ =	shalt  }
.Lfunc_end2:
_tile_overlayer_lowered:
.L_overlay_start_2:
0x1ce: {  	(tag) =	ssettag $0x2  }
0x1cf: {  	s0 =	rddreg [dreg:$0x0];
	s2 =	stileid.u32  }
0x1d0: {  	s1 =	rddreg [dreg:$0x1];
	p0 =	sne.s32 s2, $0x0  }
0x1d1: {  	s3 =	rddreg [dreg:$0x2];
	[bflag:$0x3] =	sbarrier.arrive $0xFFFF;
	s2 =	simm.s32 @!p0 $0x1C07  }
0x1d2: {  	[timem:s3], [sflag:s2] =	dma.local @!p0 [hbm:s0], s1  }
0x1d3: {  	s0 =	simm.s32 @!p0 $0x7  }
0x1d4: {  	_ =	swait.ge @!p0 [sflag:s0], s1  }
0x1d5: {  	s1 =	ssub.s32 @!p0 $0x0, s1;
	[sflag:s0] =	ssyncset.done @!p0 $0x0  }
0x1d6: {  	[sflag:s0] =	ssyncadd.s32 @!p0 s1  }
0x1d7: {  	[bflag:$0x3] =	sbarrier.arrive $0xFFFF  }
0x1d8: {  	_ =	shalt  }

// kernel: kernel.14.cloned.1.call-start
scs
__scs_entry_jumppad:
0x0: {  	(pc) =	sbr.rel $0x88, $3  }
0x1: {  	(tag) =	ssettag $0x0;
	lr =	simm.s32 $0x1  }
0x2: {  	[smem:$0x3F8F] =	sst lr;
	_ =	strace $0xD0000000  }
0x3: {  	_ = 	snop  }
0x4: {  	_ = 	snop  }
0x5: {  	_ = 	snop  }
0x6: {  	_ = 	snop  }
0x7: {  	_ = 	snop  }
__scs_overlays_trampoline_lowered:
0x8: {  	[smem:$0x3F9E] =	sst s0  }
0x9: {  	[smem:$0x3F9F] =	sst s1  }
0xa: {  	[smem:$0x3FA0] =	sst s2  }
0xb: {  	[smem:$0x3FA1] =	sst s3  }
0xc: {  	[smem:$0x3FA2] =	sst s4  }
0xd: {  	[smem:$0x3FA3] =	sst s5  }
0xe: {  	[smem:$0x3FA4] =	sst s6  }
0xf: {  	[smem:$0x3FA5] =	sst s7  }
0x10: {  	[smem:$0x3FA6] =	sst s8  }
0x11: {  	[smem:$0x3FA7] =	sst s9;
	s0 =	simm.s32 @!p0 $0x0  }
0x12: {  	s1 =	sld [smem:$0x3F8D];
	s0 =	simm.s32 @p0 $0x1  }
0x13: {  	[smem:$0x3FA8] =	sst s0;
	s0 =	simm.s32 @!p1 $0x0  }
0x14: {  	s2 =	sld [smem:$0x3F8C];
	s0 =	simm.s32 @p1 $0x1  }
0x15: {  	[smem:$0x3FA9] =	sst s0;
	s0 =	simm.s32 @!p2 $0x0  }
0x16: {  	s3 =	sld [smem:$0x3FDB];
	s0 =	simm.s32 @p2 $0x1  }
0x17: {  	s4 =	simm.s32 $0x1BF5;
	[smem:$0x3FAB] =	sst s0  }
0x18: {  	s0 =	sld [smem:$0x3F8E];
	_ =	swait.ge [sflag:s4], $0x0  }
0x19: {  	s7 =	sld [smem:$0x3F8F]  }
0x1a: {  	s8 =	sadd.s32 $0xFFFFE003, lr  }
0x1b: {  	s9 =	sadd.s32 $0xFFFFFEF7, lr;
	s5 =	simm.s32 $0xFFFFFFFF;
	p2 =	slt.u32 s8, $0xFFFFF086  }
0x1c: {  	p1 =	slt.u32 s9, $0xF7A;
	s5 =	simm.s32 @!p2 $0x0  }
0x1d: {  	s5 =	simm.s32 @p1 $0x1;
	p0 =	seq.s32 s7, s2  }
0x1e: {  	s7 =	smul.u32 @!p0 $0xF7A, s2;
	p2 =	seq.s32 @!p0 s5, $0x0  }
0x1f: {  	s9 =	smul.u32 $0xF7A, s1;
	s8 =	simm.s32 @!p0 $0x1BF5;
	p2 =	por !p2, p0  }
0x20: {  	[sflag:s8] =	ssyncset.s32 @!p0 $0xFFFFF086;
	s6 =	sadd.s32 @!p0 s3, s7;
	s7 =	simm.s32 @!p0 $0x108  }
0x21: {  	s3 =	sadd.s32 s3, s9;
	s6 =	sadd.s32 @!p0 $0x88, s6;
	s7 =	simm.s32 @p2 $0x1082  }
0x22: {  	[simem:s7], [sflag:s8] =	dma.local @!p0 [hbm:s6], $0xF7A  }
0x23: {  	s9 =	sor.u32 $0xD0000000, s2;
	s6 =	simm.s32 $0x108;
	_ =	swait.ge @!p0 [sflag:s8], $0x0  }
0x24: {  	s3 =	sadd.s32 $0x88, s3;
	s6 =	simm.s32 @!p1 $0x1082;
	[sflag:s4] =	ssyncset.s32 $0xFFFFF086  }
0x25: {  	[simem:s6], [sflag:s4] =	dma.local [hbm:s3], $0xF7A  }
0x26: {  	[smem:$0x3F8F] =	sst s1;
	(tag) =	ssettag s2;
	_ =	strace s9  }
0x27: {  	s1 =	sld [smem:$0x3F9F]  }
0x28: {  	s2 =	sld [smem:$0x3FA0]  }
0x29: {  	s4 =	sld [smem:$0x3FA2]  }
0x2a: {  	p0 =	seq.s32 s5, $0x0;
	s5 =	sld [smem:$0x3FA3]  }
0x2b: {  	s6 =	sld [smem:$0x3FA4]  }
0x2c: {  	s7 =	sld [smem:$0x3FA5]  }
0x2d: {  	s3 =	simm.s32 $0x108;
	s8 =	sld [smem:$0x3FA6]  }
0x2e: {  	s3 =	simm.s32 @!p0 $0x1082;
	s9 =	sld [smem:$0x3FA7]  }
0x2f: {  	lr =	sadd.s32 s0, s3;
	s0 =	sld [smem:$0x3F9E]  }
0x30: {  	s3 =	sld [smem:$0x3FA1]  }
0x31: {  	[smem:$0x3FAA] =	sst s10  }
0x32: {  	s10 =	sld [smem:$0x3FA8];
	_ =	sdelay $0x3  }
0x33: {  	p0 =	seq.s32 s10, $0x1;
	s10 =	sld [smem:$0x3FAA];
	_ =	sdelay $0x3  }
0x34: {  	[smem:$0x3FAA] =	sst s10  }
0x35: {  	s10 =	sld [smem:$0x3FA9];
	_ =	sdelay $0x3  }
0x36: {  	p1 =	seq.s32 s10, $0x1;
	s10 =	sld [smem:$0x3FAA];
	_ =	sdelay $0x3  }
0x37: {  	[smem:$0x3FAA] =	sst s10  }
0x38: {  	s10 =	sld [smem:$0x3FAB]  }
0x39: {  	_ = 	snop;
	(pc) =	sbr.ind lr, $3  }
0x3a: {  	_ = 	snop  }
0x3b: {  	_ = 	snop  }
0x3c: {  	p2 =	seq.s32 s10, $0x1;
	s10 =	sld [smem:$0x3FAA]  }
0x3d: {  	_ =	shalt  }
0x3e: {  	_ =	shalt  }
0x3f: {  	_ =	shalt  }
0x40: {  	_ =	shalt  }
0x41: {  	_ =	shalt  }
0x42: {  	_ =	shalt  }
0x43: {  	_ =	shalt  }
0x44: {  	_ =	shalt  }
0x45: {  	_ =	shalt  }
0x46: {  	_ =	shalt  }
0x47: {  	_ =	shalt  }
0x48: {  	_ =	shalt  }
0x49: {  	_ =	shalt  }
0x4a: {  	_ =	shalt  }
0x4b: {  	_ =	shalt  }
0x4c: {  	_ =	shalt  }
0x4d: {  	_ =	shalt  }
0x4e: {  	_ =	shalt  }
0x4f: {  	_ =	shalt  }
0x50: {  	_ =	shalt  }
0x51: {  	_ =	shalt  }
0x52: {  	_ =	shalt  }
0x53: {  	_ =	shalt  }
0x54: {  	_ =	shalt  }
0x55: {  	_ =	shalt  }
0x56: {  	_ =	shalt  }
0x57: {  	_ =	shalt  }
0x58: {  	_ =	shalt  }
0x59: {  	_ =	shalt  }
0x5a: {  	_ =	shalt  }
0x5b: {  	_ =	shalt  }
0x5c: {  	_ =	shalt  }
0x5d: {  	_ =	shalt  }
0x5e: {  	_ =	shalt  }
0x5f: {  	_ =	shalt  }
0x60: {  	_ =	shalt  }
0x61: {  	_ =	shalt  }
0x62: {  	_ =	shalt  }
0x63: {  	_ =	shalt  }
0x64: {  	_ =	shalt  }
0x65: {  	_ =	shalt  }
0x66: {  	_ =	shalt  }
0x67: {  	_ =	shalt  }
0x68: {  	_ =	shalt  }
0x69: {  	_ =	shalt  }
0x6a: {  	_ =	shalt  }
0x6b: {  	_ =	shalt  }
0x6c: {  	_ =	shalt  }
0x6d: {  	_ =	shalt  }
0x6e: {  	_ =	shalt  }
0x6f: {  	_ =	shalt  }
0x70: {  	_ =	shalt  }
0x71: {  	_ =	shalt  }
0x72: {  	_ =	shalt  }
0x73: {  	_ =	shalt  }
0x74: {  	_ =	shalt  }
0x75: {  	_ =	shalt  }
0x76: {  	_ =	shalt  }
0x77: {  	_ =	shalt  }
0x78: {  	_ =	shalt  }
0x79: {  	_ =	shalt  }
0x7a: {  	_ =	shalt  }
0x7b: {  	_ =	shalt  }
0x7c: {  	_ =	shalt  }
0x7d: {  	_ =	shalt  }
0x7e: {  	_ =	shalt  }
0x7f: {  	_ =	shalt  }
0x80: {  	_ =	shalt  }
0x81: {  	_ =	shalt  }
0x82: {  	_ =	shalt  }
0x83: {  	_ =	shalt  }
0x84: {  	_ =	shalt  }
0x85: {  	_ =	shalt  }
0x86: {  	_ =	shalt  }
0x87: {  	_ =	shalt  }
.Lfunc_end0:
.L_simem_size_0:
called_computation.2_lowered:
.L_overlay_start_0:
0x88: {  	s2 =	sld [smem:$0x3FD9]  }
0x89: {  	s3 =	sld [smem:$0x3FFE];
	_ =	sdelay $0x1  }
0x8a: {  	s1 =	srdreg.scid  }
0x8b: {  	s0 =	sand.u32 $0x1, s1  }
0x8c: {  	s16 =	sshll.u32 s0, $0xA;
	s2 =	sadd.s32 s3, s2  }
0x8d: {  	s2 =	sadd.s32 s2, s16  }
0x8e: {  	[smem:$0x3FB6] =	sst s2  }
0x8f: {  	_ = 	snop  }
0x90: {  	(tm) =	ssettm $0x1  }
0x91: {  	s17 =	sld [smem:$0x3FFB];
	_ =	sdelay $0x3  }
0x92: {  	_ =	strace s17  }
0x93: {  	s2 =	sld [smem:$0x3FFC];
	_ =	sdelay $0x3  }
0x94: {  	_ =	strace s2  }
0x95: {  	s2 =	sld [smem:$0x3FFD];
	_ =	sdelay $0x3  }
0x96: {  	_ =	strace s2  }
0x97: {  	_ =	strace $0x8FFFFFFF  }
0x98: {  	s18 =	sld [smem:$0x3FDB];
	_ =	sdelay $0x1  }
0x99: {  	s19 =	simm.s32 $_scs_section_size  }
0x9a: {  	s4 =	simm.s32 $_size__tile_overlayer_lowered;
	s5 =	simm.s32 $_tile_overlayer_lowered  }
0x9b: {  	s22 =	simm.s32 $0x1BFF;
	s21 =	sshll.u32 s5, $0x1;
	s2 =	sadd.s32 s19, s18  }
0x9c: {  	s6 =	simm.s32 $0x0;
	s20 =	sshll.u32 s4, $0x1;
	s4 =	sadd.s32 s21, s2  }
0x9d: {  	[timem:s6], [sflag:s22] =	dma.local [hbm:s4], s20  }
0x9e: {  	_ =	swait.ge [sflag:s22], s20  }
0x9f: {  	s3 =	ssub.s32 $0x0, s20;
	[sflag:s22] =	ssyncset.done $0x0  }
0xa0: {  	[sflag:s22] =	ssyncadd.s32 s3;
	_ =	sdelay $0x1  }
0xa1: {  	s23 =	simm.s32 $0x1B8B  }
0xa2: {  	_ =	swait.ge [sflag:s23], $0x1  }
0xa3: {  	[sflag:s23] =	ssyncset.done $0x0  }
0xa4: {  	s25 =	simm.s32 $0x1B8E;
	s24 =	sld [smem:$0x3FFE];
	[sflag:s23] =	ssyncadd.s32 $0xFFFFFFFF  }
0xa5: {  	s26 =	simm.s32 $execute0_lowered;
	[smem:$0x3FD2] =	sst s25  }
0xa6: {  	s4 =	sshll.u32 s26, $0x1;
	_ =	strace $0x8000004C;
	[dreg:$0x1] =	wrdreg $0xFFFFFFFF  }
0xa7: {  	s28 =	simm.s32 $_size_execute0_lowered;
	s2 =	sadd.s32 s2, s4;
	[dreg:$0x0] =	wrdreg $0x0  }
0xa8: {  	s4 =	sshll.u32 s28, $0x1;
	[dreg:$0x2] =	wrdreg s2  }
0xa9: {  	[dreg:$0x3] =	wrdreg s4  }
0xaa: {  	[dreg:$0x4] =	wrdreg $0xC0  }
0xab: {  	_ =	task [dreg:s6], $0x5FFFF  }
0xac: {  	[dreg:$0x1] =	wrdreg $0xFFFFFFFF  }
0xad: {  	[dreg:$0x0] =	wrdreg $0x60  }
0xae: {  	[dreg:$0x2] =	wrdreg s24  }
0xaf: {  	[dreg:$0x3] =	wrdreg $0x0  }
0xb0: {  	[dreg:$0x4] =	wrdreg $0x9  }
0xb1: {  	_ =	task.clear_ibuf [dreg:s6], $0x5FFFF;
	_ =	strace $0x9000004C  }
0xb2: {  	s29 =	simm.s32 $0x9;
	_ =	strace $0x8000004E  }
0xb3: {  	_ =	swait.ge [sflag:s29], $0x1  }
0xb4: {  	[sflag:s29] =	ssyncadd.s32 $0xFFFFFFFF  }
0xb5: {  	_ =	strace $0x9000004E  }
0xb6: {  	_ =	sfence  }
0xb7: {  	s30 =	sld [smem:$0x0];
	_ =	sdelay $0x2  }
0xb8: {  	s31 =	sshll.u32 s1, $0xD;
	s1 =	sshrl.u32 s1, $0x2  }
0xb9: {  	s3 =	sand.u32 $0x4000, s31;
	s1 =	sadd.s32 s1, s30  }
0xba: {  	s0 =	sor.u32 s3, s0;
	s1 =	sshll.u32 s1, $0x11  }
0xbb: {  	s0 =	sor.u32 s1, s0  }
0xbc: {  	s0 =	sadd.s32 $0x8F2B, s0  }
0xbd: {  	[sflag:s0] =	ssyncadd.remote.s32 $0x1  }
0xbe: {  	_ =	sfence.sel $0xFFFF  }
0xbf: {  	[dreg:$0x0] =	wrdreg $0xFFFFFFFF;
	(pc) =	sbr.abs _section_cstart, $3  }
0xc0: {  	[dreg:$0x1] =	wrdreg $0xFFFFFFFF  }
0xc1: {  	_ =	task.clear_ibuf [dreg:s6], $0x2FFFF;
	_ =	strace $0x9FFFFFFF  }
0xc2: {  	(tm) =	ssettm $0x7FFFFFFF  }
0xc3: {  	_ =	shalt  }
tec
execute0_lowered:
.L_overlay_start_1:
0x0: {  	(tag) =	ssettag $0x1  }
0x1: {  	s0 =	rddreg [dreg:$0x0]  }
0x2: {  	s1 =	rddreg [dreg:$0x1];
	s2 =	simm.s32 $0x0;
	s4 =	stileid.u32  }
0x3: {  	s3 =	srdreg.scid;
	s28 =	simm.s32 $0x1;
	s6 =	smul.u32 $0x4E000, s4  }
0x4: {  	s29 =	simm.s32 $0x1F910;
	s30 =	simm.s32 $0x17890;
	s9 =	smul.u32 $0x270, s4  }
0x5: {  	s31 =	simm.s32 $0x1FA90;
	[smem:$0x7FF] =	sst s2;
	s13 =	smul.u32 $0xA0, s4  }
0x6: {  	s5 =	sand.u32 $0x1, s3;
	s3 =	sadd.s32 $0x8D800, s0;
	s22 =	smul.u32 $0x1400, s4  }
0x7: {  	s8 =	sadd.s32 $0x17600, s0;
	s0 =	sadd.s32 $0xDBA00, s0;
	s7 =	smul.u32 $0x2710, s5  }
0x8: {  	s26 =	sshll.u32 s4, $0x6;
	p0 =	sne.s32 s4, $0x0;
	s11 =	smul.u32 $0x138800, s5  }
0x9: {  	_ =	strace $0x8000004D;
	s10 =	ssub.s32 $0x2, s5;
	s24 =	smul.u32 $0xA00, s5  }
0xa: {  	s20 =	sor.u32 $0x1C07, s26;
	s5 =	smul.u32 $0x14000, s5;
	s12 =	sshrl.u32 s10, $0x1  }
0xb: {  	s6 =	sshrl.u32 s6, $0x2;
	[dreg:$0x6] =	wrdreg s20;
	s7 =	sadd.s32 s9, s7  }
0xc: {  	s10 =	ssub.s32 s10, s12;
	s6 =	sadd.s32 s6, s1;
	s11 =	sshrl.u32 s11, $0x3  }
0xd: {  	s9 =	sadd.s32 s13, s24;
	s12 =	sadd.s32 $0x138000, s1;
	[dreg:$0x4] =	wrdreg s6  }
0xe: {  	s7 =	sshll.u32 s7, $0x4;
	[dreg:$0x7] =	wrdreg s12;
	s26 =	smax.u32 s10, $0x1  }
0xf: {  	s11 =	sadd.s32 $0x27000, s11;
	s25 =	sadd.s32 s3, s7;
	[dreg:$0x15] =	wrdreg s26  }
0x10: {  	s9 =	sshll.u32 s9, $0x5;
	s13 =	sadd.s32 s3, s11;
	[dreg:$0x5] =	wrdreg s25  }
0x11: {  	s4 =	simm.s32 $0x1FA10;
	s14 =	sadd.s32 s8, s9;
	[dreg:$0x8] =	wrdreg s13  }
0x12: {  	s5 =	sadd.s32 s5, s8;
	s24 =	sadd.s32 s0, s7;
	[dreg:$0x9] =	wrdreg s14  }
0x13: {  	s10 =	simm.s32 $0x3;
	s0 =	sadd.s32 s0, s11;
	[dreg:$0x13] =	wrdreg s24  }
0x14: {  	s12 =	simm.s32 $0x1FC90;
	s9 =	sadd.s32 $0x20, s14;
	[dreg:$0x14] =	wrdreg s0  }
0x15: {  	s26 =	simm.s32 $0x1F990;
	s15 =	sadd.s32 $0x40, s14;
	[dreg:$0xa] =	wrdreg s9  }
0x16: {  	s7 =	simm.s32 $0x1FB90;
	s16 =	sadd.s32 $0x60, s14;
	[dreg:$0xb] =	wrdreg s15  }
0x17: {  	s8 =	simm.s32 $0x4;
	s17 =	sadd.s32 $0x80, s14;
	[dreg:$0xc] =	wrdreg s16  }
0x18: {  	s11 =	simm.s32 $0x1FB10;
	s18 =	sadd.s32 $0xA0, s14;
	[dreg:$0xd] =	wrdreg s17  }
0x19: {  	s19 =	sadd.s32 $0xC0, s14;
	s21 =	sadd.s32 $0x13A0, s14;
	[dreg:$0xe] =	wrdreg s18  }
0x1a: {  	s23 =	sadd.s32 $0x13C0, s14;
	s6 =	sadd.s32 $0x13E0, s14;
	[dreg:$0xf] =	wrdreg s19  }
0x1b: {  	s25 =	sadd.s32 s22, s5;
	s22 =	simm.s32 $0x7;
	[dreg:$0x10] =	wrdreg s21  }
0x1c: {  	s24 =	simm.s32 $0x80;
	s0 =	simm.s32 $0x2;
	[dreg:$0x11] =	wrdreg s23  }
0x1d: {  	s5 =	simm.s32 $0x1B890;
	s13 =	simm.s32 $0x5;
	[dreg:$0x12] =	wrdreg s6  }
0x1e: {  	s14 =	simm.s32 $0x1FC10;
	[dreg:$0x3] =	wrdreg s25;
	s23 =	simm.s32 $0x1F890  }
0x1f: {  	s25 =	simm.s32 $0x13890;
	s15 =	simm.s32 $0x1FD90;
	s16 =	simm.s32 $0x6  }
0x20: {  	s17 =	simm.s32 $0x1FD10;
	s18 =	simm.s32 $0x1FE10;
	s19 =	simm.s32 $0x0  }
.LBB2_1:
0x21: {  	s6 =	rddreg [dreg:$0x4]  }
0x22: {  	s21 =	rddreg [dreg:$0x5];
	s9 =	sshrl.u32 s6, $0x3  }
0x23: {  	[dreg:$0x16] =	wrdreg s9  }
0x24: {  	[spmem:s9], [sflag:s20] =	dma.local [hbm:s21], $0x2700  }
0x25: {  	_ =	swait.ge [sflag:s22], $0x2700  }
0x26: {  	s6 =	rddreg [dreg:$0x7]  }
0x27: {  	[sflag:s22] =	ssyncset.done $0x0;
	s9 =	sshrl.u32 @!p0 s6, $0x3;
	s6 =	rddreg [dreg:$0x8]  }
0x28: {  	[sflag:s22] =	ssyncadd.s32 $0xFFFFD900;
	[dreg:$0x17] =	wrdreg s9  }
0x29: {  	[spmem:s9], [sflag:s20] =	dma.local @!p0 [hbm:s6], $0x100  }
0x2a: {  	s9 =	simm.s32 @!p0 $0x7  }
0x2b: {  	_ =	swait.ge @!p0 [sflag:s9], $0x100  }
0x2c: {  	[sflag:s9] =	ssyncset.done @!p0 $0x0  }
0x2d: {  	[sflag:s9] =	ssyncadd.s32 @!p0 $0xFFFFFF00  }
0x2e: {  	[bflag:$0x0] =	sbarrier.arrive $0xFFFF  }
0x2f: {  	s9 =	rddreg [dreg:$0x9]  }
0x30: {  	[tilespmem:s23], [sflag:$0x7] =	stream.linear.gather [hbm4b:s9+s2], $0x100, $0x38;
	[tilespmem:$0x1FE90] =	vst v63  }
0x31: {  	_ =	swait.ge [sflag:s22], $0x100  }
0x32: {  	[sflag:s22] =	ssyncset.done $0x0  }
0x33: {  	[sflag:s22] =	ssyncadd.s32 $0xFFFFFF00  }
0x34: {  	[tilespmem:s25], [sflag:$0x1] =	stream.indirect.gather [hbm4b:s3+s24], $0x80, s23, s24, $0xb8;
	[tilespmem:$0x1FE90] =	vst v63  }
0x35: {  	s20 =	rddreg [dreg:$0xa]  }
0x36: {  	[tilespmem:s26], [sflag:$0x7] =	stream.linear.gather [hbm4b:s20+s2], $0x100, $0x38;
	[tilespmem:$0x1FE90] =	vst v63  }
0x37: {  	_ =	swait.ge [sflag:s22], $0x100  }
0x38: {  	[sflag:s22] =	ssyncset.done $0x0  }
0x39: {  	[sflag:s22] =	ssyncadd.s32 $0xFFFFFF00  }
0x3a: {  	_ =	swait.ge [sflag:s28], $0x4000  }
0x3b: {  	[sflag:s28] =	ssyncset.done $0x0  }
0x3c: {  	[sflag:s28] =	ssyncadd.s32 $0xFFFFC000  }
0x3d: {  	[spmem:s1] =	stream.indirect.scatter.add.f32 [tilespmem:s25], [sflag:$0x4], $0x80, s29, s24, $0xb8;
	[tilespmem:$0x1FE90] =	vst v63  }
0x3e: {  	_ = 	snop  }
0x3f: {  	[tilespmem:s30], [sflag:$0x2] =	stream.indirect.gather [hbm4b:s3+s24], $0x80, s26, s24, $0xb8;
	[tilespmem:$0x1FE90] =	vst v63  }
0x40: {  	s21 =	rddreg [dreg:$0xb]  }
0x41: {  	[tilespmem:s31], [sflag:$0x7] =	stream.linear.gather [hbm4b:s21+s2], $0x100, $0x38;
	[tilespmem:$0x1FE90] =	vst v63  }
0x42: {  	_ =	swait.ge [sflag:s22], $0x100  }
0x43: {  	[sflag:s22] =	ssyncset.done $0x0  }
0x44: {  	[sflag:s22] =	ssyncadd.s32 $0xFFFFFF00  }
0x45: {  	_ =	swait.ge [sflag:s0], $0x4000  }
0x46: {  	[sflag:s0] =	ssyncset.done $0x0  }
0x47: {  	[sflag:s0] =	ssyncadd.s32 $0xFFFFC000  }
0x48: {  	[spmem:s1] =	stream.indirect.scatter.add.f32 [tilespmem:s30], [sflag:$0x5], $0x80, s4, s24, $0xb8;
	[tilespmem:$0x1FE90] =	vst v63  }
0x49: {  	_ = 	snop  }
0x4a: {  	[tilespmem:s5], [sflag:$0x3] =	stream.indirect.gather [hbm4b:s3+s24], $0x80, s31, s24, $0xb8;
	[tilespmem:$0x1FE90] =	vst v63  }
0x4b: {  	s9 =	rddreg [dreg:$0xc]  }
0x4c: {  	[tilespmem:s7], [sflag:$0x7] =	stream.linear.gather [hbm4b:s9+s2], $0x100, $0x38;
	[tilespmem:$0x1FE90] =	vst v63  }
0x4d: {  	_ =	swait.ge [sflag:s22], $0x100  }
0x4e: {  	[sflag:s22] =	ssyncset.done $0x0  }
0x4f: {  	[sflag:s22] =	ssyncadd.s32 $0xFFFFFF00  }
0x50: {  	_ =	swait.ge [sflag:s8], $0x4000  }
0x51: {  	[sflag:s8] =	ssyncset.done $0x0  }
0x52: {  	[sflag:s8] =	ssyncadd.s32 $0xFFFFC000  }
0x53: {  	_ =	swait.ge [sflag:s10], $0x4000  }
0x54: {  	[sflag:s10] =	ssyncset.done $0x0  }
0x55: {  	[sflag:s10] =	ssyncadd.s32 $0xFFFFC000  }
0x56: {  	[spmem:s1] =	stream.indirect.scatter.add.f32 [tilespmem:s5], [sflag:$0x6], $0x80, s11, s24, $0xb8;
	[tilespmem:$0x1FE90] =	vst v63  }
0x57: {  	_ = 	snop  }
0x58: {  	[tilespmem:s25], [sflag:$0x1] =	stream.indirect.gather [hbm4b:s3+s24], $0x80, s7, s24, $0xb8;
	[tilespmem:$0x1FE90] =	vst v63  }
0x59: {  	s20 =	rddreg [dreg:$0xd]  }
0x5a: {  	[tilespmem:s12], [sflag:$0x7] =	stream.linear.gather [hbm4b:s20+s2], $0x100, $0x38;
	[tilespmem:$0x1FE90] =	vst v63  }
0x5b: {  	_ =	swait.ge [sflag:s22], $0x100  }
0x5c: {  	[sflag:s22] =	ssyncset.done $0x0  }
0x5d: {  	[sflag:s22] =	ssyncadd.s32 $0xFFFFFF00  }
0x5e: {  	_ =	swait.ge [sflag:s13], $0x4000  }
0x5f: {  	[sflag:s13] =	ssyncset.done $0x0  }
0x60: {  	[sflag:s13] =	ssyncadd.s32 $0xFFFFC000  }
0x61: {  	_ =	swait.ge [sflag:s28], $0x4000  }
0x62: {  	[sflag:s28] =	ssyncset.done $0x0  }
0x63: {  	[sflag:s28] =	ssyncadd.s32 $0xFFFFC000  }
0x64: {  	[spmem:s1] =	stream.indirect.scatter.add.f32 [tilespmem:s25], [sflag:$0x4], $0x80, s14, s24, $0xb8;
	[tilespmem:$0x1FE90] =	vst v63  }
0x65: {  	_ = 	snop  }
0x66: {  	[tilespmem:s30], [sflag:$0x2] =	stream.indirect.gather [hbm4b:s3+s24], $0x80, s12, s24, $0xb8;
	[tilespmem:$0x1FE90] =	vst v63  }
0x67: {  	s21 =	rddreg [dreg:$0xe]  }
0x68: {  	[tilespmem:s15], [sflag:$0x7] =	stream.linear.gather [hbm4b:s21+s2], $0x100, $0x38;
	[tilespmem:$0x1FE90] =	vst v63  }
0x69: {  	_ =	swait.ge [sflag:s22], $0x100  }
0x6a: {  	[sflag:s22] =	ssyncset.done $0x0  }
0x6b: {  	[sflag:s22] =	ssyncadd.s32 $0xFFFFFF00  }
0x6c: {  	_ =	swait.ge [sflag:s16], $0x4000  }
0x6d: {  	[sflag:s16] =	ssyncset.done $0x0  }
0x6e: {  	[sflag:s16] =	ssyncadd.s32 $0xFFFFC000  }
0x6f: {  	_ =	swait.ge [sflag:s0], $0x4000  }
0x70: {  	[sflag:s0] =	ssyncset.done $0x0  }
0x71: {  	[sflag:s0] =	ssyncadd.s32 $0xFFFFC000  }
0x72: {  	[spmem:s1] =	stream.indirect.scatter.add.f32 [tilespmem:s30], [sflag:$0x5], $0x80, s17, s24, $0xb8;
	[tilespmem:$0x1FE90] =	vst v63  }
0x73: {  	_ = 	snop  }
0x74: {  	[tilespmem:s5], [sflag:$0x3] =	stream.indirect.gather [hbm4b:s3+s24], $0x80, s15, s24, $0xb8;
	[tilespmem:$0x1FE90] =	vst v63  }
0x75: {  	s9 =	rddreg [dreg:$0xf]  }
0x76: {  	[tilespmem:s23], [sflag:$0x7] =	stream.linear.gather [hbm4b:s9+s2], $0x100, $0x38;
	[tilespmem:$0x1FE90] =	vst v63  }
0x77: {  	_ =	swait.ge [sflag:s22], $0x100  }
0x78: {  	[sflag:s22] =	ssyncset.done $0x0  }
0x79: {  	[sflag:s22] =	ssyncadd.s32 $0xFFFFFF00  }
0x7a: {  	_ =	swait.ge [sflag:s8], $0x4000  }
0x7b: {  	[sflag:s8] =	ssyncset.done $0x0  }
0x7c: {  	[sflag:s8] =	ssyncadd.s32 $0xFFFFC000  }
0x7d: {  	_ =	swait.ge [sflag:s10], $0x4000  }
0x7e: {  	[sflag:s10] =	ssyncset.done $0x0  }
0x7f: {  	s20 =	rddreg [dreg:$0x3];
	[sflag:s10] =	ssyncadd.s32 $0xFFFFC000  }
0x80: {  	[spmem:s1] =	stream.indirect.scatter.add.f32 [tilespmem:s5], [sflag:$0x6], $0x80, s18, s24, $0xb8;
	[tilespmem:$0x1FE90] =	vst v63  }
0x81: {  	s9 =	sadd.s32 $0x0, s20  }
0x82: {  	[tilespmem:s25], [sflag:$0x1] =	stream.indirect.gather [hbm4b:s3+s24], $0x80, s23, s24, $0xb8;
	[tilespmem:$0x1FE90] =	vst v63  }
0x83: {  	s21 =	sadd.s32 $0xE0, s9  }
0x84: {  	[tilespmem:s26], [sflag:$0x7] =	stream.linear.gather [hbm4b:s21+s2], $0x100, $0x38;
	[tilespmem:$0x1FE90] =	vst v63  }
0x85: {  	_ =	swait.ge [sflag:s22], $0x100  }
0x86: {  	[sflag:s22] =	ssyncset.done $0x0  }
0x87: {  	[sflag:s22] =	ssyncadd.s32 $0xFFFFFF00  }
0x88: {  	_ =	swait.ge [sflag:s13], $0x4000  }
0x89: {  	[sflag:s13] =	ssyncset.done $0x0  }
0x8a: {  	[sflag:s13] =	ssyncadd.s32 $0xFFFFC000  }
0x8b: {  	_ =	swait.ge [sflag:s28], $0x4000  }
0x8c: {  	[sflag:s28] =	ssyncset.done $0x0  }
0x8d: {  	[sflag:s28] =	ssyncadd.s32 $0xFFFFC000  }
0x8e: {  	[spmem:s1] =	stream.indirect.scatter.add.f32 [tilespmem:s25], [sflag:$0x4], $0x80, s29, s24, $0xb8;
	[tilespmem:$0x1FE90] =	vst v63  }
0x8f: {  	_ = 	snop  }
0x90: {  	[tilespmem:s30], [sflag:$0x2] =	stream.indirect.gather [hbm4b:s3+s24], $0x80, s26, s24, $0xb8;
	[tilespmem:$0x1FE90] =	vst v63  }
0x91: {  	s6 =	sadd.s32 $0x100, s9  }
0x92: {  	[tilespmem:s31], [sflag:$0x7] =	stream.linear.gather [hbm4b:s6+s2], $0x100, $0x38;
	[tilespmem:$0x1FE90] =	vst v63  }
0x93: {  	_ =	swait.ge [sflag:s22], $0x100  }
0x94: {  	[sflag:s22] =	ssyncset.done $0x0  }
0x95: {  	[sflag:s22] =	ssyncadd.s32 $0xFFFFFF00  }
0x96: {  	_ =	swait.ge [sflag:s16], $0x4000  }
0x97: {  	[sflag:s16] =	ssyncset.done $0x0  }
0x98: {  	[sflag:s16] =	ssyncadd.s32 $0xFFFFC000  }
0x99: {  	_ =	swait.ge [sflag:s0], $0x4000  }
0x9a: {  	[sflag:s0] =	ssyncset.done $0x0  }
0x9b: {  	[sflag:s0] =	ssyncadd.s32 $0xFFFFC000  }
0x9c: {  	[spmem:s1] =	stream.indirect.scatter.add.f32 [tilespmem:s30], [sflag:$0x5], $0x80, s4, s24, $0xb8;
	[tilespmem:$0x1FE90] =	vst v63  }
0x9d: {  	_ = 	snop  }
0x9e: {  	[tilespmem:s5], [sflag:$0x3] =	stream.indirect.gather [hbm4b:s3+s24], $0x80, s31, s24, $0xb8;
	[tilespmem:$0x1FE90] =	vst v63  }
0x9f: {  	s21 =	sadd.s32 $0x120, s9  }
0xa0: {  	[tilespmem:s7], [sflag:$0x7] =	stream.linear.gather [hbm4b:s21+s2], $0x100, $0x38;
	[tilespmem:$0x1FE90] =	vst v63  }
0xa1: {  	_ =	swait.ge [sflag:s22], $0x100  }
0xa2: {  	[sflag:s22] =	ssyncset.done $0x0  }
0xa3: {  	[sflag:s22] =	ssyncadd.s32 $0xFFFFFF00  }
0xa4: {  	_ =	swait.ge [sflag:s8], $0x4000  }
0xa5: {  	[sflag:s8] =	ssyncset.done $0x0  }
0xa6: {  	[sflag:s8] =	ssyncadd.s32 $0xFFFFC000  }
0xa7: {  	_ =	swait.ge [sflag:s10], $0x4000  }
0xa8: {  	[sflag:s10] =	ssyncset.done $0x0  }
0xa9: {  	[sflag:s10] =	ssyncadd.s32 $0xFFFFC000  }
0xaa: {  	[spmem:s1] =	stream.indirect.scatter.add.f32 [tilespmem:s5], [sflag:$0x6], $0x80, s11, s24, $0xb8;
	[tilespmem:$0x1FE90] =	vst v63  }
0xab: {  	_ = 	snop  }
0xac: {  	[tilespmem:s25], [sflag:$0x1] =	stream.indirect.gather [hbm4b:s3+s24], $0x80, s7, s24, $0xb8;
	[tilespmem:$0x1FE90] =	vst v63  }
0xad: {  	s6 =	sadd.s32 $0x140, s9  }
0xae: {  	[tilespmem:s12], [sflag:$0x7] =	stream.linear.gather [hbm4b:s6+s2], $0x100, $0x38;
	[tilespmem:$0x1FE90] =	vst v63  }
0xaf: {  	_ =	swait.ge [sflag:s22], $0x100  }
0xb0: {  	[sflag:s22] =	ssyncset.done $0x0  }
0xb1: {  	[sflag:s22] =	ssyncadd.s32 $0xFFFFFF00  }
0xb2: {  	_ =	swait.ge [sflag:s13], $0x4000  }
0xb3: {  	[sflag:s13] =	ssyncset.done $0x0  }
0xb4: {  	[sflag:s13] =	ssyncadd.s32 $0xFFFFC000  }
0xb5: {  	_ =	swait.ge [sflag:s28], $0x4000  }
0xb6: {  	[sflag:s28] =	ssyncset.done $0x0  }
0xb7: {  	[sflag:s28] =	ssyncadd.s32 $0xFFFFC000  }
0xb8: {  	[spmem:s1] =	stream.indirect.scatter.add.f32 [tilespmem:s25], [sflag:$0x4], $0x80, s14, s24, $0xb8;
	[tilespmem:$0x1FE90] =	vst v63  }
0xb9: {  	_ = 	snop  }
0xba: {  	[tilespmem:s30], [sflag:$0x2] =	stream.indirect.gather [hbm4b:s3+s24], $0x80, s12, s24, $0xb8;
	[tilespmem:$0x1FE90] =	vst v63  }
0xbb: {  	s21 =	sadd.s32 $0x160, s9  }
0xbc: {  	[tilespmem:s15], [sflag:$0x7] =	stream.linear.gather [hbm4b:s21+s2], $0x100, $0x38;
	[tilespmem:$0x1FE90] =	vst v63  }
0xbd: {  	_ =	swait.ge [sflag:s22], $0x100  }
0xbe: {  	[sflag:s22] =	ssyncset.done $0x0  }
0xbf: {  	[sflag:s22] =	ssyncadd.s32 $0xFFFFFF00  }
0xc0: {  	_ =	swait.ge [sflag:s16], $0x4000  }
0xc1: {  	[sflag:s16] =	ssyncset.done $0x0  }
0xc2: {  	[sflag:s16] =	ssyncadd.s32 $0xFFFFC000  }
0xc3: {  	_ =	swait.ge [sflag:s0], $0x4000  }
0xc4: {  	[sflag:s0] =	ssyncset.done $0x0  }
0xc5: {  	[sflag:s0] =	ssyncadd.s32 $0xFFFFC000  }
0xc6: {  	[spmem:s1] =	stream.indirect.scatter.add.f32 [tilespmem:s30], [sflag:$0x5], $0x80, s17, s24, $0xb8;
	[tilespmem:$0x1FE90] =	vst v63  }
0xc7: {  	_ = 	snop  }
0xc8: {  	[tilespmem:s5], [sflag:$0x3] =	stream.indirect.gather [hbm4b:s3+s24], $0x80, s15, s24, $0xb8;
	[tilespmem:$0x1FE90] =	vst v63  }
0xc9: {  	s9 =	sadd.s32 $0x180, s9  }
0xca: {  	[tilespmem:s23], [sflag:$0x7] =	stream.linear.gather [hbm4b:s9+s2], $0x100, $0x38;
	[tilespmem:$0x1FE90] =	vst v63  }
0xcb: {  	_ =	swait.ge [sflag:s22], $0x100  }
0xcc: {  	[sflag:s22] =	ssyncset.done $0x0  }
0xcd: {  	[sflag:s22] =	ssyncadd.s32 $0xFFFFFF00  }
0xce: {  	_ =	swait.ge [sflag:s8], $0x4000  }
0xcf: {  	[sflag:s8] =	ssyncset.done $0x0  }
0xd0: {  	[sflag:s8] =	ssyncadd.s32 $0xFFFFC000  }
0xd1: {  	_ =	swait.ge [sflag:s10], $0x4000  }
0xd2: {  	s20 =	simm.s32 $0x180;
	[sflag:s10] =	ssyncset.done $0x0  }
0xd3: {  	s9 =	simm.s32 $0xC0;
	s21 =	rddreg [dreg:$0x3];
	[sflag:s10] =	ssyncadd.s32 $0xFFFFC000  }
0xd4: {  	[spmem:s1] =	stream.indirect.scatter.add.f32 [tilespmem:s5], [sflag:$0x6], $0x80, s18, s24, $0xb8;
	[tilespmem:$0x1FE90] =	vst v63  }
.LBB2_2:
0xd5: {  	s21 =	sadd.s32 s9, s21  }
0xd6: {  	[tilespmem:s25], [sflag:$0x1] =	stream.indirect.gather [hbm4b:s3+s24], $0x80, s23, s24, $0xb8;
	[tilespmem:$0x1FE90] =	vst v63  }
0xd7: {  	s6 =	sadd.s32 $0xE0, s21  }
0xd8: {  	[tilespmem:s26], [sflag:$0x7] =	stream.linear.gather [hbm4b:s6+s2], $0x100, $0x38;
	[tilespmem:$0x1FE90] =	vst v63  }
0xd9: {  	_ =	swait.ge [sflag:s22], $0x100  }
0xda: {  	[sflag:s22] =	ssyncset.done $0x0  }
0xdb: {  	[sflag:s22] =	ssyncadd.s32 $0xFFFFFF00  }
0xdc: {  	_ =	swait.ge [sflag:s13], $0x4000  }
0xdd: {  	[sflag:s13] =	ssyncset.done $0x0  }
0xde: {  	[sflag:s13] =	ssyncadd.s32 $0xFFFFC000  }
0xdf: {  	_ =	swait.ge [sflag:s28], $0x4000  }
0xe0: {  	[sflag:s28] =	ssyncset.done $0x0  }
0xe1: {  	[sflag:s28] =	ssyncadd.s32 $0xFFFFC000  }
0xe2: {  	[spmem:s1] =	stream.indirect.scatter.add.f32 [tilespmem:s25], [sflag:$0x4], $0x80, s29, s24, $0xb8;
	[tilespmem:$0x1FE90] =	vst v63  }
0xe3: {  	_ = 	snop  }
0xe4: {  	[tilespmem:s30], [sflag:$0x2] =	stream.indirect.gather [hbm4b:s3+s24], $0x80, s26, s24, $0xb8;
	[tilespmem:$0x1FE90] =	vst v63  }
0xe5: {  	s6 =	sadd.s32 $0x100, s21  }
0xe6: {  	[tilespmem:s31], [sflag:$0x7] =	stream.linear.gather [hbm4b:s6+s2], $0x100, $0x38;
	[tilespmem:$0x1FE90] =	vst v63  }
0xe7: {  	_ =	swait.ge [sflag:s22], $0x100  }
0xe8: {  	[sflag:s22] =	ssyncset.done $0x0  }
0xe9: {  	[sflag:s22] =	ssyncadd.s32 $0xFFFFFF00  }
0xea: {  	_ =	swait.ge [sflag:s16], $0x4000  }
0xeb: {  	[sflag:s16] =	ssyncset.done $0x0  }
0xec: {  	[sflag:s16] =	ssyncadd.s32 $0xFFFFC000  }
0xed: {  	_ =	swait.ge [sflag:s0], $0x4000  }
0xee: {  	[sflag:s0] =	ssyncset.done $0x0  }
0xef: {  	[sflag:s0] =	ssyncadd.s32 $0xFFFFC000  }
0xf0: {  	[spmem:s1] =	stream.indirect.scatter.add.f32 [tilespmem:s30], [sflag:$0x5], $0x80, s4, s24, $0xb8;
	[tilespmem:$0x1FE90] =	vst v63  }
0xf1: {  	_ = 	snop  }
0xf2: {  	[tilespmem:s5], [sflag:$0x3] =	stream.indirect.gather [hbm4b:s3+s24], $0x80, s31, s24, $0xb8;
	[tilespmem:$0x1FE90] =	vst v63  }
0xf3: {  	s6 =	sadd.s32 $0x120, s21  }
0xf4: {  	[tilespmem:s7], [sflag:$0x7] =	stream.linear.gather [hbm4b:s6+s2], $0x100, $0x38;
	[tilespmem:$0x1FE90] =	vst v63  }
0xf5: {  	_ =	swait.ge [sflag:s22], $0x100  }
0xf6: {  	[sflag:s22] =	ssyncset.done $0x0  }
0xf7: {  	[sflag:s22] =	ssyncadd.s32 $0xFFFFFF00  }
0xf8: {  	_ =	swait.ge [sflag:s8], $0x4000  }
0xf9: {  	[sflag:s8] =	ssyncset.done $0x0  }
0xfa: {  	[sflag:s8] =	ssyncadd.s32 $0xFFFFC000  }
0xfb: {  	_ =	swait.ge [sflag:s10], $0x4000  }
0xfc: {  	[sflag:s10] =	ssyncset.done $0x0  }
0xfd: {  	[sflag:s10] =	ssyncadd.s32 $0xFFFFC000  }
0xfe: {  	[spmem:s1] =	stream.indirect.scatter.add.f32 [tilespmem:s5], [sflag:$0x6], $0x80, s11, s24, $0xb8;
	[tilespmem:$0x1FE90] =	vst v63  }
0xff: {  	_ = 	snop  }
0x100: {  	[tilespmem:s25], [sflag:$0x1] =	stream.indirect.gather [hbm4b:s3+s24], $0x80, s7, s24, $0xb8;
	[tilespmem:$0x1FE90] =	vst v63  }
0x101: {  	s6 =	sadd.s32 $0x140, s21  }
0x102: {  	[tilespmem:s12], [sflag:$0x7] =	stream.linear.gather [hbm4b:s6+s2], $0x100, $0x38;
	[tilespmem:$0x1FE90] =	vst v63  }
0x103: {  	_ =	swait.ge [sflag:s22], $0x100  }
0x104: {  	[sflag:s22] =	ssyncset.done $0x0  }
0x105: {  	[sflag:s22] =	ssyncadd.s32 $0xFFFFFF00  }
0x106: {  	_ =	swait.ge [sflag:s13], $0x4000  }
0x107: {  	[sflag:s13] =	ssyncset.done $0x0  }
0x108: {  	[sflag:s13] =	ssyncadd.s32 $0xFFFFC000  }
0x109: {  	_ =	swait.ge [sflag:s28], $0x4000  }
0x10a: {  	[sflag:s28] =	ssyncset.done $0x0  }
0x10b: {  	[sflag:s28] =	ssyncadd.s32 $0xFFFFC000  }
0x10c: {  	[spmem:s1] =	stream.indirect.scatter.add.f32 [tilespmem:s25], [sflag:$0x4], $0x80, s14, s24, $0xb8;
	[tilespmem:$0x1FE90] =	vst v63  }
0x10d: {  	_ = 	snop  }
0x10e: {  	[tilespmem:s30], [sflag:$0x2] =	stream.indirect.gather [hbm4b:s3+s24], $0x80, s12, s24, $0xb8;
	[tilespmem:$0x1FE90] =	vst v63  }
0x10f: {  	s6 =	sadd.s32 $0x160, s21  }
0x110: {  	[tilespmem:s15], [sflag:$0x7] =	stream.linear.gather [hbm4b:s6+s2], $0x100, $0x38;
	[tilespmem:$0x1FE90] =	vst v63  }
0x111: {  	_ =	swait.ge [sflag:s22], $0x100  }
0x112: {  	[sflag:s22] =	ssyncset.done $0x0  }
0x113: {  	[sflag:s22] =	ssyncadd.s32 $0xFFFFFF00  }
0x114: {  	_ =	swait.ge [sflag:s16], $0x4000  }
0x115: {  	[sflag:s16] =	ssyncset.done $0x0  }
0x116: {  	[sflag:s16] =	ssyncadd.s32 $0xFFFFC000  }
0x117: {  	_ =	swait.ge [sflag:s0], $0x4000  }
0x118: {  	[sflag:s0] =	ssyncset.done $0x0  }
0x119: {  	[sflag:s0] =	ssyncadd.s32 $0xFFFFC000  }
0x11a: {  	[spmem:s1] =	stream.indirect.scatter.add.f32 [tilespmem:s30], [sflag:$0x5], $0x80, s17, s24, $0xb8;
	[tilespmem:$0x1FE90] =	vst v63  }
0x11b: {  	_ = 	snop  }
0x11c: {  	[tilespmem:s5], [sflag:$0x3] =	stream.indirect.gather [hbm4b:s3+s24], $0x80, s15, s24, $0xb8;
	[tilespmem:$0x1FE90] =	vst v63  }
0x11d: {  	s21 =	sadd.s32 $0x180, s21  }
0x11e: {  	[tilespmem:s23], [sflag:$0x7] =	stream.linear.gather [hbm4b:s21+s2], $0x100, $0x38;
	[tilespmem:$0x1FE90] =	vst v63  }
0x11f: {  	_ =	swait.ge [sflag:s22], $0x100  }
0x120: {  	[sflag:s22] =	ssyncset.done $0x0  }
0x121: {  	[sflag:s22] =	ssyncadd.s32 $0xFFFFFF00  }
0x122: {  	_ =	swait.ge [sflag:s8], $0x4000  }
0x123: {  	p1 =	sne.s32 s20, $0x1200;
	[sflag:s8] =	ssyncset.done $0x0  }
.Ltmp0:
0x124: {  	[sflag:s8] =	ssyncadd.s32 $0xFFFFC000;
	(pc) =	sbr.rel @p1 .LBB2_2-.Ltmp0, $4  }
0x125: {  	_ =	swait.ge [sflag:s10], $0x4000  }
0x126: {  	s9 =	smov.u32 s20;
	[sflag:s10] =	ssyncset.done $0x0  }
0x127: {  	s20 =	sadd.s32 $0xC0, s20;
	s21 =	rddreg [dreg:$0x3];
	[sflag:s10] =	ssyncadd.s32 $0xFFFFC000  }
0x128: {  	[spmem:s1] =	stream.indirect.scatter.add.f32 [tilespmem:s5], [sflag:$0x6], $0x80, s18, s24, $0xb8;
	[tilespmem:$0x1FE90] =	vst v63  }
0x129: {  	s9 =	sadd.s32 s9, s21  }
0x12a: {  	[tilespmem:s25], [sflag:$0x1] =	stream.indirect.gather [hbm4b:s3+s24], $0x80, s23, s24, $0xb8;
	[tilespmem:$0x1FE90] =	vst v63  }
0x12b: {  	s6 =	sadd.s32 $0xE0, s9  }
0x12c: {  	[tilespmem:s26], [sflag:$0x7] =	stream.linear.gather [hbm4b:s6+s2], $0x100, $0x38;
	[tilespmem:$0x1FE90] =	vst v63  }
0x12d: {  	_ =	swait.ge [sflag:s22], $0x100  }
0x12e: {  	[sflag:s22] =	ssyncset.done $0x0  }
0x12f: {  	[sflag:s22] =	ssyncadd.s32 $0xFFFFFF00  }
0x130: {  	_ =	swait.ge [sflag:s13], $0x4000  }
0x131: {  	[sflag:s13] =	ssyncset.done $0x0  }
0x132: {  	[sflag:s13] =	ssyncadd.s32 $0xFFFFC000  }
0x133: {  	_ =	swait.ge [sflag:s28], $0x4000  }
0x134: {  	[sflag:s28] =	ssyncset.done $0x0  }
0x135: {  	[sflag:s28] =	ssyncadd.s32 $0xFFFFC000  }
0x136: {  	[spmem:s1] =	stream.indirect.scatter.add.f32 [tilespmem:s25], [sflag:$0x4], $0x80, s29, s24, $0xb8;
	[tilespmem:$0x1FE90] =	vst v63  }
0x137: {  	_ = 	snop  }
0x138: {  	[tilespmem:s30], [sflag:$0x2] =	stream.indirect.gather [hbm4b:s3+s24], $0x80, s26, s24, $0xb8;
	[tilespmem:$0x1FE90] =	vst v63  }
0x139: {  	s21 =	sadd.s32 $0x100, s9  }
0x13a: {  	[tilespmem:s31], [sflag:$0x7] =	stream.linear.gather [hbm4b:s21+s2], $0x100, $0x38;
	[tilespmem:$0x1FE90] =	vst v63  }
0x13b: {  	_ =	swait.ge [sflag:s22], $0x100  }
0x13c: {  	[sflag:s22] =	ssyncset.done $0x0  }
0x13d: {  	[sflag:s22] =	ssyncadd.s32 $0xFFFFFF00  }
0x13e: {  	_ =	swait.ge [sflag:s16], $0x4000  }
0x13f: {  	[sflag:s16] =	ssyncset.done $0x0  }
0x140: {  	[sflag:s16] =	ssyncadd.s32 $0xFFFFC000  }
0x141: {  	_ =	swait.ge [sflag:s0], $0x4000  }
0x142: {  	[sflag:s0] =	ssyncset.done $0x0  }
0x143: {  	[sflag:s0] =	ssyncadd.s32 $0xFFFFC000  }
0x144: {  	[spmem:s1] =	stream.indirect.scatter.add.f32 [tilespmem:s30], [sflag:$0x5], $0x80, s4, s24, $0xb8;
	[tilespmem:$0x1FE90] =	vst v63  }
0x145: {  	_ = 	snop  }
0x146: {  	[tilespmem:s5], [sflag:$0x3] =	stream.indirect.gather [hbm4b:s3+s24], $0x80, s31, s24, $0xb8;
	[tilespmem:$0x1FE90] =	vst v63  }
0x147: {  	s20 =	sadd.s32 $0x120, s9  }
0x148: {  	[tilespmem:s7], [sflag:$0x7] =	stream.linear.gather [hbm4b:s20+s2], $0x100, $0x38;
	[tilespmem:$0x1FE90] =	vst v63  }
0x149: {  	_ =	swait.ge [sflag:s22], $0x100  }
0x14a: {  	[sflag:s22] =	ssyncset.done $0x0  }
0x14b: {  	[sflag:s22] =	ssyncadd.s32 $0xFFFFFF00  }
0x14c: {  	_ =	swait.ge [sflag:s8], $0x4000  }
0x14d: {  	[sflag:s8] =	ssyncset.done $0x0  }
0x14e: {  	[sflag:s8] =	ssyncadd.s32 $0xFFFFC000  }
0x14f: {  	_ =	swait.ge [sflag:s10], $0x4000  }
0x150: {  	[sflag:s10] =	ssyncset.done $0x0  }
0x151: {  	[sflag:s10] =	ssyncadd.s32 $0xFFFFC000  }
0x152: {  	[spmem:s1] =	stream.indirect.scatter.add.f32 [tilespmem:s5], [sflag:$0x6], $0x80, s11, s24, $0xb8;
	[tilespmem:$0x1FE90] =	vst v63  }
0x153: {  	_ = 	snop  }
0x154: {  	[tilespmem:s25], [sflag:$0x1] =	stream.indirect.gather [hbm4b:s3+s24], $0x80, s7, s24, $0xb8;
	[tilespmem:$0x1FE90] =	vst v63  }
0x155: {  	s21 =	sadd.s32 $0x140, s9  }
0x156: {  	[tilespmem:s12], [sflag:$0x7] =	stream.linear.gather [hbm4b:s21+s2], $0x100, $0x38;
	[tilespmem:$0x1FE90] =	vst v63  }
0x157: {  	_ =	swait.ge [sflag:s22], $0x100  }
0x158: {  	[sflag:s22] =	ssyncset.done $0x0  }
0x159: {  	[sflag:s22] =	ssyncadd.s32 $0xFFFFFF00  }
0x15a: {  	_ =	swait.ge [sflag:s13], $0x4000  }
0x15b: {  	[sflag:s13] =	ssyncset.done $0x0  }
0x15c: {  	[sflag:s13] =	ssyncadd.s32 $0xFFFFC000  }
0x15d: {  	_ =	swait.ge [sflag:s28], $0x4000  }
0x15e: {  	[sflag:s28] =	ssyncset.done $0x0  }
0x15f: {  	[sflag:s28] =	ssyncadd.s32 $0xFFFFC000  }
0x160: {  	[spmem:s1] =	stream.indirect.scatter.add.f32 [tilespmem:s25], [sflag:$0x4], $0x80, s14, s24, $0xb8;
	[tilespmem:$0x1FE90] =	vst v63  }
0x161: {  	_ = 	snop  }
0x162: {  	[tilespmem:s30], [sflag:$0x2] =	stream.indirect.gather [hbm4b:s3+s24], $0x80, s12, s24, $0xb8;
	[tilespmem:$0x1FE90] =	vst v63  }
0x163: {  	s20 =	sadd.s32 $0x160, s9  }
0x164: {  	[tilespmem:s15], [sflag:$0x7] =	stream.linear.gather [hbm4b:s20+s2], $0x100, $0x38;
	[tilespmem:$0x1FE90] =	vst v63  }
0x165: {  	_ =	swait.ge [sflag:s22], $0x100  }
0x166: {  	[sflag:s22] =	ssyncset.done $0x0  }
0x167: {  	[sflag:s22] =	ssyncadd.s32 $0xFFFFFF00  }
0x168: {  	_ =	swait.ge [sflag:s16], $0x4000  }
0x169: {  	[sflag:s16] =	ssyncset.done $0x0  }
0x16a: {  	[sflag:s16] =	ssyncadd.s32 $0xFFFFC000  }
0x16b: {  	_ =	swait.ge [sflag:s0], $0x4000  }
0x16c: {  	[sflag:s0] =	ssyncset.done $0x0  }
0x16d: {  	[sflag:s0] =	ssyncadd.s32 $0xFFFFC000  }
0x16e: {  	[spmem:s1] =	stream.indirect.scatter.add.f32 [tilespmem:s30], [sflag:$0x5], $0x80, s17, s24, $0xb8;
	[tilespmem:$0x1FE90] =	vst v63  }
0x16f: {  	_ = 	snop  }
0x170: {  	[tilespmem:s5], [sflag:$0x3] =	stream.indirect.gather [hbm4b:s3+s24], $0x80, s15, s24, $0xb8;
	[tilespmem:$0x1FE90] =	vst v63  }
0x171: {  	s21 =	sadd.s32 $0x180, s9  }
0x172: {  	[tilespmem:s23], [sflag:$0x7] =	stream.linear.gather [hbm4b:s21+s2], $0x100, $0x38;
	[tilespmem:$0x1FE90] =	vst v63  }
0x173: {  	_ =	swait.ge [sflag:s22], $0x100  }
0x174: {  	[sflag:s22] =	ssyncset.done $0x0  }
0x175: {  	[sflag:s22] =	ssyncadd.s32 $0xFFFFFF00  }
0x176: {  	_ =	swait.ge [sflag:s8], $0x4000  }
0x177: {  	[sflag:s8] =	ssyncset.done $0x0  }
0x178: {  	[sflag:s8] =	ssyncadd.s32 $0xFFFFC000  }
0x179: {  	_ =	swait.ge [sflag:s10], $0x4000  }
0x17a: {  	[sflag:s10] =	ssyncset.done $0x0  }
0x17b: {  	[sflag:s10] =	ssyncadd.s32 $0xFFFFC000  }
0x17c: {  	[spmem:s1] =	stream.indirect.scatter.add.f32 [tilespmem:s5], [sflag:$0x6], $0x80, s18, s24, $0xb8;
	[tilespmem:$0x1FE90] =	vst v63  }
0x17d: {  	_ = 	snop  }
0x17e: {  	[tilespmem:s25], [sflag:$0x1] =	stream.indirect.gather [hbm4b:s3+s24], $0x80, s23, s24, $0xb8;
	[tilespmem:$0x1FE90] =	vst v63  }
0x17f: {  	s9 =	rddreg [dreg:$0x10]  }
0x180: {  	[tilespmem:s26], [sflag:$0x7] =	stream.linear.gather [hbm4b:s9+s2], $0x100, $0x38;
	[tilespmem:$0x1FE90] =	vst v63  }
0x181: {  	_ =	swait.ge [sflag:s22], $0x100  }
0x182: {  	[sflag:s22] =	ssyncset.done $0x0  }
0x183: {  	[sflag:s22] =	ssyncadd.s32 $0xFFFFFF00  }
0x184: {  	_ =	swait.ge [sflag:s13], $0x4000  }
0x185: {  	[sflag:s13] =	ssyncset.done $0x0  }
0x186: {  	[sflag:s13] =	ssyncadd.s32 $0xFFFFC000  }
0x187: {  	_ =	swait.ge [sflag:s28], $0x4000  }
0x188: {  	[sflag:s28] =	ssyncset.done $0x0  }
0x189: {  	[sflag:s28] =	ssyncadd.s32 $0xFFFFC000  }
0x18a: {  	[spmem:s1] =	stream.indirect.scatter.add.f32 [tilespmem:s25], [sflag:$0x4], $0x80, s29, s24, $0xb8;
	[tilespmem:$0x1FE90] =	vst v63  }
0x18b: {  	_ = 	snop  }
0x18c: {  	[tilespmem:s30], [sflag:$0x2] =	stream.indirect.gather [hbm4b:s3+s24], $0x80, s26, s24, $0xb8;
	[tilespmem:$0x1FE90] =	vst v63  }
0x18d: {  	s20 =	rddreg [dreg:$0x11]  }
0x18e: {  	[tilespmem:s31], [sflag:$0x7] =	stream.linear.gather [hbm4b:s20+s2], $0x100, $0x38;
	[tilespmem:$0x1FE90] =	vst v63  }
0x18f: {  	_ =	swait.ge [sflag:s22], $0x100  }
0x190: {  	[sflag:s22] =	ssyncset.done $0x0  }
0x191: {  	[sflag:s22] =	ssyncadd.s32 $0xFFFFFF00  }
0x192: {  	_ =	swait.ge [sflag:s16], $0x4000  }
0x193: {  	[sflag:s16] =	ssyncset.done $0x0  }
0x194: {  	[sflag:s16] =	ssyncadd.s32 $0xFFFFC000  }
0x195: {  	_ =	swait.ge [sflag:s0], $0x4000  }
0x196: {  	[sflag:s0] =	ssyncset.done $0x0  }
0x197: {  	[sflag:s0] =	ssyncadd.s32 $0xFFFFC000  }
0x198: {  	[spmem:s1] =	stream.indirect.scatter.add.f32 [tilespmem:s30], [sflag:$0x5], $0x80, s4, s24, $0xb8;
	[tilespmem:$0x1FE90] =	vst v63  }
0x199: {  	_ = 	snop  }
0x19a: {  	[tilespmem:s5], [sflag:$0x3] =	stream.indirect.gather [hbm4b:s3+s24], $0x80, s31, s24, $0xb8;
	[tilespmem:$0x1FE90] =	vst v63  }
0x19b: {  	s21 =	rddreg [dreg:$0x12]  }
0x19c: {  	[tilespmem:s7], [sflag:$0x7] =	stream.linear.gather [hbm4b:s21+s2], $0x100, $0x38;
	[tilespmem:$0x1FE90] =	vst v63  }
0x19d: {  	_ =	swait.ge [sflag:s22], $0x100  }
0x19e: {  	[sflag:s22] =	ssyncset.done $0x0  }
0x19f: {  	[sflag:s22] =	ssyncadd.s32 $0xFFFFFF00  }
0x1a0: {  	_ =	swait.ge [sflag:s8], $0x4000  }
0x1a1: {  	[sflag:s8] =	ssyncset.done $0x0  }
0x1a2: {  	[sflag:s8] =	ssyncadd.s32 $0xFFFFC000  }
0x1a3: {  	_ =	swait.ge [sflag:s10], $0x4000  }
0x1a4: {  	[sflag:s10] =	ssyncset.done $0x0  }
0x1a5: {  	[sflag:s10] =	ssyncadd.s32 $0xFFFFC000  }
0x1a6: {  	[spmem:s1] =	stream.indirect.scatter.add.f32 [tilespmem:s5], [sflag:$0x6], $0x80, s11, s24, $0xb8;
	[tilespmem:$0x1FE90] =	vst v63  }
0x1a7: {  	_ = 	snop  }
0x1a8: {  	[tilespmem:s25], [sflag:$0x1] =	stream.indirect.gather [hbm4b:s3+s24], $0x80, s7, s24, $0xb8;
	[tilespmem:$0x1FE90] =	vst v63  }
0x1a9: {  	_ =	swait.ge [sflag:s13], $0x4000  }
0x1aa: {  	[sflag:s13] =	ssyncset.done $0x0  }
0x1ab: {  	[sflag:s13] =	ssyncadd.s32 $0xFFFFC000  }
0x1ac: {  	_ =	swait.ge [sflag:s28], $0x4000  }
0x1ad: {  	[sflag:s28] =	ssyncset.done $0x0  }
0x1ae: {  	[sflag:s28] =	ssyncadd.s32 $0xFFFFC000  }
0x1af: {  	[spmem:s1] =	stream.indirect.scatter.add.f32 [tilespmem:s25], [sflag:$0x4], $0x80, s14, s24, $0xb8;
	[tilespmem:$0x1FE90] =	vst v63  }
0x1b0: {  	_ =	swait.ge [sflag:s16], $0x4000  }
0x1b1: {  	[sflag:s16] =	ssyncset.done $0x0  }
0x1b2: {  	[sflag:s16] =	ssyncadd.s32 $0xFFFFC000  }
0x1b3: {  	_ =	swait.ge [sflag:s8], $0x4000  }
0x1b4: {  	[sflag:s8] =	ssyncset.done $0x0  }
0x1b5: {  	[sflag:s8] =	ssyncadd.s32 $0xFFFFC000  }
0x1b6: {  	[bflag:$0x0] =	sbarrier.arrive $0xFFFF  }
0x1b7: {  	s20 =	rddreg [dreg:$0x6]  }
0x1b8: {  	s9 =	rddreg [dreg:$0x13]  }
0x1b9: {  	s21 =	rddreg [dreg:$0x16]  }
0x1ba: {  	[hbm:s9], [sflag:s20] =	dma.local [spmem:s21], $0x2700  }
0x1bb: {  	_ =	swait.ge [sflag:s22], $0x2700  }
0x1bc: {  	[sflag:s22] =	ssyncset.done $0x0;
	s6 =	rddreg [dreg:$0x14]  }
0x1bd: {  	s9 =	rddreg [dreg:$0x17];
	[sflag:s22] =	ssyncadd.s32 $0xFFFFD900  }
0x1be: {  	[hbm:s6], [sflag:s20] =	dma.local @!p0 [spmem:s9], $0x100  }
0x1bf: {  	s6 =	simm.s32 @!p0 $0x7  }
0x1c0: {  	_ =	swait.ge @!p0 [sflag:s6], $0x100  }
0x1c1: {  	s19 =	sadd.s32 $0x1, s19;
	s21 =	rddreg [dreg:$0x15]  }
0x1c2: {  	p1 =	sne.s32 s19, s21  }
.Ltmp1:
0x1c3: {  	_ = 	snop;
	(pc) =	sbr.rel @p1 .LBB2_1-.Ltmp1, $3  }
0x1c4: {  	_ =	sdelay $0x1  }
0x1c5: {  	[sflag:s6] =	ssyncset.done @!p0 $0x0  }
0x1c6: {  	[sflag:s6] =	ssyncadd.s32 @!p0 $0xFFFFFF00  }
0x1c7: {  	_ =	sfence.sel $0x180000  }
0x1c8: {  	[bflag:$0x0] =	sbarrier.arrive $0xFFFF  }
0x1c9: {  	_ =	strace $0x9000004D  }
0x1ca: {  	[bflag:$0x2] =	sbarrier.arrive $0xFFFF  }
0x1cb: {  	s0 =	rddreg [dreg:$0x2]  }
0x1cc: {  	s0 =	sadd.s32 @!p0 $0x100000, s0  }
0x1cd: {  	[sflag:s0] =	ssyncadd.tile.s32 @!p0 $0x1;
	_ =	shalt  }
.Lfunc_end2:
_tile_overlayer_lowered:
.L_overlay_start_2:
0x1ce: {  	(tag) =	ssettag $0x2  }
0x1cf: {  	s0 =	rddreg [dreg:$0x0];
	s2 =	stileid.u32  }
0x1d0: {  	s1 =	rddreg [dreg:$0x1];
	p0 =	sne.s32 s2, $0x0  }
0x1d1: {  	s3 =	rddreg [dreg:$0x2];
	[bflag:$0x3] =	sbarrier.arrive $0xFFFF;
	s2 =	simm.s32 @!p0 $0x1C07  }
0x1d2: {  	[timem:s3], [sflag:s2] =	dma.local @!p0 [hbm:s0], s1  }
0x1d3: {  	s0 =	simm.s32 @!p0 $0x7  }
0x1d4: {  	_ =	swait.ge @!p0 [sflag:s0], s1  }
0x1d5: {  	s1 =	ssub.s32 @!p0 $0x0, s1;
	[sflag:s0] =	ssyncset.done @!p0 $0x0  }
0x1d6: {  	[sflag:s0] =	ssyncadd.s32 @!p0 s1  }
0x1d7: {  	[bflag:$0x3] =	sbarrier.arrive $0xFFFF  }
0x1d8: {  	_ =	shalt  }

// kernel: kernel.8.cloned.1.call-start
scs
__scs_entry_jumppad:
0x0: {  	(pc) =	sbr.rel $0x88, $3  }
0x1: {  	(tag) =	ssettag $0x0;
	lr =	simm.s32 $0x1  }
0x2: {  	[smem:$0x3F8F] =	sst lr;
	_ =	strace $0xD0000000  }
0x3: {  	_ = 	snop  }
0x4: {  	_ = 	snop  }
0x5: {  	_ = 	snop  }
0x6: {  	_ = 	snop  }
0x7: {  	_ = 	snop  }
__scs_overlays_trampoline_lowered:
0x8: {  	[smem:$0x3F9E] =	sst s0  }
0x9: {  	[smem:$0x3F9F] =	sst s1  }
0xa: {  	[smem:$0x3FA0] =	sst s2  }
0xb: {  	[smem:$0x3FA1] =	sst s3  }
0xc: {  	[smem:$0x3FA2] =	sst s4  }
0xd: {  	[smem:$0x3FA3] =	sst s5  }
0xe: {  	[smem:$0x3FA4] =	sst s6  }
0xf: {  	[smem:$0x3FA5] =	sst s7  }
0x10: {  	[smem:$0x3FA6] =	sst s8  }
0x11: {  	[smem:$0x3FA7] =	sst s9;
	s0 =	simm.s32 @!p0 $0x0  }
0x12: {  	s1 =	sld [smem:$0x3F8D];
	s0 =	simm.s32 @p0 $0x1  }
0x13: {  	[smem:$0x3FA8] =	sst s0;
	s0 =	simm.s32 @!p1 $0x0  }
0x14: {  	s2 =	sld [smem:$0x3F8C];
	s0 =	simm.s32 @p1 $0x1  }
0x15: {  	[smem:$0x3FA9] =	sst s0;
	s0 =	simm.s32 @!p2 $0x0  }
0x16: {  	s3 =	sld [smem:$0x3FDB];
	s0 =	simm.s32 @p2 $0x1  }
0x17: {  	s4 =	simm.s32 $0x1BF5;
	[smem:$0x3FAB] =	sst s0  }
0x18: {  	s0 =	sld [smem:$0x3F8E];
	_ =	swait.ge [sflag:s4], $0x0  }
0x19: {  	s7 =	sld [smem:$0x3F8F]  }
0x1a: {  	s8 =	sadd.s32 $0xFFFFE003, lr  }
0x1b: {  	s9 =	sadd.s32 $0xFFFFFEF7, lr;
	s5 =	simm.s32 $0xFFFFFFFF;
	p2 =	slt.u32 s8, $0xFFFFF086  }
0x1c: {  	p1 =	slt.u32 s9, $0xF7A;
	s5 =	simm.s32 @!p2 $0x0  }
0x1d: {  	s5 =	simm.s32 @p1 $0x1;
	p0 =	seq.s32 s7, s2  }
0x1e: {  	s7 =	smul.u32 @!p0 $0xF7A, s2;
	p2 =	seq.s32 @!p0 s5, $0x0  }
0x1f: {  	s9 =	smul.u32 $0xF7A, s1;
	s8 =	simm.s32 @!p0 $0x1BF5;
	p2 =	por !p2, p0  }
0x20: {  	[sflag:s8] =	ssyncset.s32 @!p0 $0xFFFFF086;
	s6 =	sadd.s32 @!p0 s3, s7;
	s7 =	simm.s32 @!p0 $0x108  }
0x21: {  	s3 =	sadd.s32 s3, s9;
	s6 =	sadd.s32 @!p0 $0x88, s6;
	s7 =	simm.s32 @p2 $0x1082  }
0x22: {  	[simem:s7], [sflag:s8] =	dma.local @!p0 [hbm:s6], $0xF7A  }
0x23: {  	s9 =	sor.u32 $0xD0000000, s2;
	s6 =	simm.s32 $0x108;
	_ =	swait.ge @!p0 [sflag:s8], $0x0  }
0x24: {  	s3 =	sadd.s32 $0x88, s3;
	s6 =	simm.s32 @!p1 $0x1082;
	[sflag:s4] =	ssyncset.s32 $0xFFFFF086  }
0x25: {  	[simem:s6], [sflag:s4] =	dma.local [hbm:s3], $0xF7A  }
0x26: {  	[smem:$0x3F8F] =	sst s1;
	(tag) =	ssettag s2;
	_ =	strace s9  }
0x27: {  	s1 =	sld [smem:$0x3F9F]  }
0x28: {  	s2 =	sld [smem:$0x3FA0]  }
0x29: {  	s4 =	sld [smem:$0x3FA2]  }
0x2a: {  	p0 =	seq.s32 s5, $0x0;
	s5 =	sld [smem:$0x3FA3]  }
0x2b: {  	s6 =	sld [smem:$0x3FA4]  }
0x2c: {  	s7 =	sld [smem:$0x3FA5]  }
0x2d: {  	s3 =	simm.s32 $0x108;
	s8 =	sld [smem:$0x3FA6]  }
0x2e: {  	s3 =	simm.s32 @!p0 $0x1082;
	s9 =	sld [smem:$0x3FA7]  }
0x2f: {  	lr =	sadd.s32 s0, s3;
	s0 =	sld [smem:$0x3F9E]  }
0x30: {  	s3 =	sld [smem:$0x3FA1]  }
0x31: {  	[smem:$0x3FAA] =	sst s10  }
0x32: {  	s10 =	sld [smem:$0x3FA8];
	_ =	sdelay $0x3  }
0x33: {  	p0 =	seq.s32 s10, $0x1;
	s10 =	sld [smem:$0x3FAA];
	_ =	sdelay $0x3  }
0x34: {  	[smem:$0x3FAA] =	sst s10  }
0x35: {  	s10 =	sld [smem:$0x3FA9];
	_ =	sdelay $0x3  }
0x36: {  	p1 =	seq.s32 s10, $0x1;
	s10 =	sld [smem:$0x3FAA];
	_ =	sdelay $0x3  }
0x37: {  	[smem:$0x3FAA] =	sst s10  }
0x38: {  	s10 =	sld [smem:$0x3FAB]  }
0x39: {  	_ = 	snop;
	(pc) =	sbr.ind lr, $3  }
0x3a: {  	_ = 	snop  }
0x3b: {  	_ = 	snop  }
0x3c: {  	p2 =	seq.s32 s10, $0x1;
	s10 =	sld [smem:$0x3FAA]  }
0x3d: {  	_ =	shalt  }
0x3e: {  	_ =	shalt  }
0x3f: {  	_ =	shalt  }
0x40: {  	_ =	shalt  }
0x41: {  	_ =	shalt  }
0x42: {  	_ =	shalt  }
0x43: {  	_ =	shalt  }
0x44: {  	_ =	shalt  }
0x45: {  	_ =	shalt  }
0x46: {  	_ =	shalt  }
0x47: {  	_ =	shalt  }
0x48: {  	_ =	shalt  }
0x49: {  	_ =	shalt  }
0x4a: {  	_ =	shalt  }
0x4b: {  	_ =	shalt  }
0x4c: {  	_ =	shalt  }
0x4d: {  	_ =	shalt  }
0x4e: {  	_ =	shalt  }
0x4f: {  	_ =	shalt  }
0x50: {  	_ =	shalt  }
0x51: {  	_ =	shalt  }
0x52: {  	_ =	shalt  }
0x53: {  	_ =	shalt  }
0x54: {  	_ =	shalt  }
0x55: {  	_ =	shalt  }
0x56: {  	_ =	shalt  }
0x57: {  	_ =	shalt  }
0x58: {  	_ =	shalt  }
0x59: {  	_ =	shalt  }
0x5a: {  	_ =	shalt  }
0x5b: {  	_ =	shalt  }
0x5c: {  	_ =	shalt  }
0x5d: {  	_ =	shalt  }
0x5e: {  	_ =	shalt  }
0x5f: {  	_ =	shalt  }
0x60: {  	_ =	shalt  }
0x61: {  	_ =	shalt  }
0x62: {  	_ =	shalt  }
0x63: {  	_ =	shalt  }
0x64: {  	_ =	shalt  }
0x65: {  	_ =	shalt  }
0x66: {  	_ =	shalt  }
0x67: {  	_ =	shalt  }
0x68: {  	_ =	shalt  }
0x69: {  	_ =	shalt  }
0x6a: {  	_ =	shalt  }
0x6b: {  	_ =	shalt  }
0x6c: {  	_ =	shalt  }
0x6d: {  	_ =	shalt  }
0x6e: {  	_ =	shalt  }
0x6f: {  	_ =	shalt  }
0x70: {  	_ =	shalt  }
0x71: {  	_ =	shalt  }
0x72: {  	_ =	shalt  }
0x73: {  	_ =	shalt  }
0x74: {  	_ =	shalt  }
0x75: {  	_ =	shalt  }
0x76: {  	_ =	shalt  }
0x77: {  	_ =	shalt  }
0x78: {  	_ =	shalt  }
0x79: {  	_ =	shalt  }
0x7a: {  	_ =	shalt  }
0x7b: {  	_ =	shalt  }
0x7c: {  	_ =	shalt  }
0x7d: {  	_ =	shalt  }
0x7e: {  	_ =	shalt  }
0x7f: {  	_ =	shalt  }
0x80: {  	_ =	shalt  }
0x81: {  	_ =	shalt  }
0x82: {  	_ =	shalt  }
0x83: {  	_ =	shalt  }
0x84: {  	_ =	shalt  }
0x85: {  	_ =	shalt  }
0x86: {  	_ =	shalt  }
0x87: {  	_ =	shalt  }
.Lfunc_end0:
.L_simem_size_0:
called_computation_lowered:
.L_overlay_start_0:
0x88: {  	s2 =	sld [smem:$0x3FD9]  }
0x89: {  	s3 =	sld [smem:$0x3FFE];
	_ =	sdelay $0x1  }
0x8a: {  	s1 =	srdreg.scid  }
0x8b: {  	s0 =	sand.u32 $0x1, s1  }
0x8c: {  	s16 =	sshll.u32 s0, $0xA;
	s2 =	sadd.s32 s3, s2  }
0x8d: {  	s2 =	sadd.s32 s2, s16  }
0x8e: {  	[smem:$0x3FB6] =	sst s2  }
0x8f: {  	_ = 	snop  }
0x90: {  	(tm) =	ssettm $0x1  }
0x91: {  	s17 =	sld [smem:$0x3FFB];
	_ =	sdelay $0x3  }
0x92: {  	_ =	strace s17  }
0x93: {  	s2 =	sld [smem:$0x3FFC];
	_ =	sdelay $0x3  }
0x94: {  	_ =	strace s2  }
0x95: {  	s2 =	sld [smem:$0x3FFD];
	_ =	sdelay $0x3  }
0x96: {  	_ =	strace s2  }
0x97: {  	_ =	strace $0x8FFFFFFF  }
0x98: {  	s18 =	sld [smem:$0x3FDB];
	_ =	sdelay $0x1  }
0x99: {  	s19 =	simm.s32 $_scs_section_size  }
0x9a: {  	s4 =	simm.s32 $_size__tile_overlayer_lowered;
	s5 =	simm.s32 $_tile_overlayer_lowered  }
0x9b: {  	s22 =	simm.s32 $0x1BFF;
	s21 =	sshll.u32 s5, $0x1;
	s2 =	sadd.s32 s19, s18  }
0x9c: {  	s6 =	simm.s32 $0x0;
	s20 =	sshll.u32 s4, $0x1;
	s4 =	sadd.s32 s21, s2  }
0x9d: {  	[timem:s6], [sflag:s22] =	dma.local [hbm:s4], s20  }
0x9e: {  	_ =	swait.ge [sflag:s22], s20  }
0x9f: {  	s3 =	ssub.s32 $0x0, s20;
	[sflag:s22] =	ssyncset.done $0x0  }
0xa0: {  	[sflag:s22] =	ssyncadd.s32 s3;
	_ =	sdelay $0x1  }
0xa1: {  	s23 =	simm.s32 $0x1B8B  }
0xa2: {  	_ =	swait.ge [sflag:s23], $0x1  }
0xa3: {  	[sflag:s23] =	ssyncset.done $0x0  }
0xa4: {  	s25 =	simm.s32 $0x1B8E;
	s24 =	sld [smem:$0x3FFE];
	[sflag:s23] =	ssyncadd.s32 $0xFFFFFFFF  }
0xa5: {  	s26 =	simm.s32 $execute0_lowered;
	[smem:$0x3FD2] =	sst s25  }
0xa6: {  	s4 =	sshll.u32 s26, $0x1;
	_ =	strace $0x80000046;
	[dreg:$0x1] =	wrdreg $0xFFFFFFFF  }
0xa7: {  	s28 =	simm.s32 $_size_execute0_lowered;
	s2 =	sadd.s32 s2, s4;
	[dreg:$0x0] =	wrdreg $0x0  }
0xa8: {  	s4 =	sshll.u32 s28, $0x1;
	[dreg:$0x2] =	wrdreg s2  }
0xa9: {  	[dreg:$0x3] =	wrdreg s4  }
0xaa: {  	[dreg:$0x4] =	wrdreg $0xC0  }
0xab: {  	_ =	task [dreg:s6], $0x5FFFF  }
0xac: {  	[dreg:$0x1] =	wrdreg $0xFFFFFFFF  }
0xad: {  	[dreg:$0x0] =	wrdreg $0x60  }
0xae: {  	[dreg:$0x2] =	wrdreg s24  }
0xaf: {  	[dreg:$0x3] =	wrdreg $0x0  }
0xb0: {  	[dreg:$0x4] =	wrdreg $0x9  }
0xb1: {  	_ =	task.clear_ibuf [dreg:s6], $0x5FFFF;
	_ =	strace $0x90000046  }
0xb2: {  	s29 =	simm.s32 $0x9;
	_ =	strace $0x80000048  }
0xb3: {  	_ =	swait.ge [sflag:s29], $0x1  }
0xb4: {  	[sflag:s29] =	ssyncadd.s32 $0xFFFFFFFF  }
0xb5: {  	_ =	strace $0x90000048  }
0xb6: {  	_ =	sfence  }
0xb7: {  	s30 =	sld [smem:$0x0];
	_ =	sdelay $0x2  }
0xb8: {  	s31 =	sshll.u32 s1, $0xD;
	s1 =	sshrl.u32 s1, $0x2  }
0xb9: {  	s3 =	sand.u32 $0x4000, s31;
	s1 =	sadd.s32 s1, s30  }
0xba: {  	s0 =	sor.u32 s3, s0;
	s1 =	sshll.u32 s1, $0x11  }
0xbb: {  	s0 =	sor.u32 s1, s0  }
0xbc: {  	s0 =	sadd.s32 $0x8F2B, s0  }
0xbd: {  	[sflag:s0] =	ssyncadd.remote.s32 $0x1  }
0xbe: {  	_ =	sfence.sel $0xFFFF  }
0xbf: {  	[dreg:$0x0] =	wrdreg $0xFFFFFFFF;
	(pc) =	sbr.abs _section_cstart, $3  }
0xc0: {  	[dreg:$0x1] =	wrdreg $0xFFFFFFFF  }
0xc1: {  	_ =	task.clear_ibuf [dreg:s6], $0x2FFFF;
	_ =	strace $0x9FFFFFFF  }
0xc2: {  	(tm) =	ssettm $0x7FFFFFFF  }
0xc3: {  	_ =	shalt  }
tec
execute0_lowered:
.L_overlay_start_1:
0x0: {  	(tag) =	ssettag $0x1  }
0x1: {  	s4 =	rddreg [dreg:$0x0]  }
0x2: {  	s0 =	srdreg.scid;
	s2 =	rddreg [dreg:$0x1]  }
0x3: {  	s1 =	rddreg [dreg:$0x2];
	s3 =	simm.s32 $0x0;
	s10 =	simm.s32 $0x580  }
0x4: {  	s11 =	simm.s32 $0x80;
	s12 =	simm.s32 $0x500;
	s13 =	simm.s32 $0x600  }
0x5: {  	s14 =	simm.s32 $0x680;
	s15 =	simm.s32 $0x700;
	s5 =	sand.u32 $0x1, s0  }
0x6: {  	s16 =	simm.s32 $0x780;
	s0 =	stileid.u32;
	s6 =	smul.u32 $0xA000, s5  }
0x7: {  	s17 =	simm.s32 $0x800;
	s18 =	simm.s32 $0x880;
	s7 =	smul.u32 $0x280, s0  }
0x8: {  	s19 =	simm.s32 $0x900;
	s20 =	simm.s32 $0x1;
	s8 =	smul.u32 $0x2800, s5  }
0x9: {  	s21 =	simm.s32 $0x0;
	[smem:$0x7FF] =	sst s3;
	s9 =	smul.u32 $0xA00, s0  }
0xa: {  	_ =	strace $0x80000047;
	s5 =	ssub.s32 $0x2, s5;
	s8 =	sadd.s32 s7, s8  }
0xb: {  	s31 =	sshrl.u32 s5, $0x1;
	s6 =	sadd.s32 s9, s6;
	s8 =	sshrl.u32 s8, $0x3  }
0xc: {  	s9 =	ssub.s32 s5, s31;
	s6 =	sadd.s32 s6, s4;
	s8 =	sadd.s32 s8, s4  }
0xd: {  	s4 =	sadd.s32 s7, s2;
	s5 =	sadd.s32 $0x2C00, s6;
	s7 =	smax.u32 s9, $0x1  }
0xe: {  	v0 =	vimm.f32 $0.0e+00;
	v1 =	vimm.f32 $1.000000000e+00;
	s9 =	simm.s32 $0x2;
	s6 =	sadd.s32 $0x16C00, s8;
	s8 =	simm.s32 $0x280  }
.LBB2_1:
0xf: {  	s22 =	simm.s32 $0x10;
	[tilespmem:s8+$0x0] =	vst v0;
	s24 =	sand.u32 $0x70, s3;
	s23 =	simm.s32 $0x280  }
.LBB2_2:
0x10: {  	p0 =	sne.s32 s22, $0x270  }
0x11: {  	[tilespmem:s24+$0x500] =	vst v1;
	s23 =	sadd.s32 $0x10, s23;
	s24 =	smov.u32 s22;
	s22 =	sadd.s32 $0x10, s22  }
.Ltmp0:
0x12: {  	(pc) =	sbr.rel @p0 .LBB2_2-.Ltmp0, $2  }
0x13: {  	_ =	sdelay $0x2  }
0x14: {  	s24 =	sand.u32 $0x70, s24;
	[tilespmem:s23+$0x0] =	vst v0  }
0x15: {  	[tilespmem:s24+$0x500] =	vst v1  }
0x16: {  	[spmem:s4] =	stream.linear.scatter [tilespmem:s8], [sflag:$0x2], $0x280, $0x38;
	[tilespmem:$0x5580] =	vst v63  }
0x17: {  	_ =	swait.ge [sflag:s9], $0x280  }
0x18: {  	[sflag:s9] =	ssyncset.done $0x0  }
0x19: {  	s22 =	simm.s32 $0x0;
	[sflag:s9] =	ssyncadd.s32 $0xFFFFFD80  }
0x1a: {  	[tilespmem:s10], [sflag:$0x2] =	stream.linear.gather [hbm4b:s5+s22], $0x5000, $0x38;
	[tilespmem:$0x5580] =	vst v63  }
0x1b: {  	_ =	swait.ge [sflag:s9], $0x5000  }
0x1c: {  	[sflag:s9] =	ssyncset.done $0x0  }
0x1d: {  	[sflag:s9] =	ssyncadd.s32 $0xFFFFB000  }
0x1e: {  	[bflag:$0x0] =	sbarrier.arrive $0xFFFF  }
0x1f: {  	[spmem:s2] =	stream.indirect.scatter.add.f32 [tilespmem:s12], [sflag:$0x1], $0x1, s10, s11, $0xb8;
	[tilespmem:$0x5580] =	vst v63  }
0x20: {  	_ = 	snop  }
0x21: {  	[spmem:s2] =	stream.indirect.scatter.add.f32 [tilespmem:s12], [sflag:$0x1], $0x1, s13, s11, $0xb8;
	[tilespmem:$0x5580] =	vst v63  }
0x22: {  	_ = 	snop  }
0x23: {  	[spmem:s2] =	stream.indirect.scatter.add.f32 [tilespmem:s12], [sflag:$0x1], $0x1, s14, s11, $0xb8;
	[tilespmem:$0x5580] =	vst v63  }
0x24: {  	_ = 	snop  }
0x25: {  	[spmem:s2] =	stream.indirect.scatter.add.f32 [tilespmem:s12], [sflag:$0x1], $0x1, s15, s11, $0xb8;
	[tilespmem:$0x5580] =	vst v63  }
0x26: {  	_ = 	snop  }
0x27: {  	[spmem:s2] =	stream.indirect.scatter.add.f32 [tilespmem:s12], [sflag:$0x1], $0x1, s16, s11, $0xb8;
	[tilespmem:$0x5580] =	vst v63  }
0x28: {  	_ = 	snop  }
0x29: {  	[spmem:s2] =	stream.indirect.scatter.add.f32 [tilespmem:s12], [sflag:$0x1], $0x1, s17, s11, $0xb8;
	[tilespmem:$0x5580] =	vst v63  }
0x2a: {  	_ = 	snop  }
0x2b: {  	[spmem:s2] =	stream.indirect.scatter.add.f32 [tilespmem:s12], [sflag:$0x1], $0x1, s18, s11, $0xb8;
	[tilespmem:$0x5580] =	vst v63  }
0x2c: {  	_ = 	snop  }
0x2d: {  	[spmem:s2] =	stream.indirect.scatter.add.f32 [tilespmem:s12], [sflag:$0x1], $0x1, s19, s11, $0xb8;
	[tilespmem:$0x5580] =	vst v63  }
0x2e: {  	s23 =	simm.s32 $0x980  }
0x2f: {  	[spmem:s2] =	stream.indirect.scatter.add.f32 [tilespmem:s12], [sflag:$0x1], $0x1, s23, s11, $0xb8;
	[tilespmem:$0x5580] =	vst v63  }
0x30: {  	s24 =	simm.s32 $0xA00  }
0x31: {  	[spmem:s2] =	stream.indirect.scatter.add.f32 [tilespmem:s12], [sflag:$0x1], $0x1, s24, s11, $0xb8;
	[tilespmem:$0x5580] =	vst v63  }
0x32: {  	s25 =	simm.s32 $0xA80  }
0x33: {  	[spmem:s2] =	stream.indirect.scatter.add.f32 [tilespmem:s12], [sflag:$0x1], $0x1, s25, s11, $0xb8;
	[tilespmem:$0x5580] =	vst v63  }
0x34: {  	s26 =	simm.s32 $0xB00  }
0x35: {  	[spmem:s2] =	stream.indirect.scatter.add.f32 [tilespmem:s12], [sflag:$0x1], $0x1, s26, s11, $0xb8;
	[tilespmem:$0x5580] =	vst v63  }
0x36: {  	s28 =	simm.s32 $0xB80  }
0x37: {  	[spmem:s2] =	stream.indirect.scatter.add.f32 [tilespmem:s12], [sflag:$0x1], $0x1, s28, s11, $0xb8;
	[tilespmem:$0x5580] =	vst v63  }
0x38: {  	s29 =	simm.s32 $0xC00  }
0x39: {  	[spmem:s2] =	stream.indirect.scatter.add.f32 [tilespmem:s12], [sflag:$0x1], $0x1, s29, s11, $0xb8;
	[tilespmem:$0x5580] =	vst v63  }
0x3a: {  	s30 =	simm.s32 $0xC80  }
0x3b: {  	[spmem:s2] =	stream.indirect.scatter.add.f32 [tilespmem:s12], [sflag:$0x1], $0x1, s30, s11, $0xb8;
	[tilespmem:$0x5580] =	vst v63  }
0x3c: {  	s31 =	simm.s32 $0xD00  }
0x3d: {  	[spmem:s2] =	stream.indirect.scatter.add.f32 [tilespmem:s12], [sflag:$0x1], $0x1, s31, s11, $0xb8;
	[tilespmem:$0x5580] =	vst v63  }
0x3e: {  	_ =	swait.ge [sflag:s20], $0x80  }
0x3f: {  	[sflag:s20] =	ssyncset.done $0x0  }
0x40: {  	[sflag:s20] =	ssyncadd.s32 $0xFFFFFF80  }
0x41: {  	_ =	swait.ge [sflag:s20], $0x80  }
0x42: {  	[sflag:s20] =	ssyncset.done $0x0  }
0x43: {  	[sflag:s20] =	ssyncadd.s32 $0xFFFFFF80  }
0x44: {  	_ =	swait.ge [sflag:s20], $0x80  }
0x45: {  	[sflag:s20] =	ssyncset.done $0x0  }
0x46: {  	[sflag:s20] =	ssyncadd.s32 $0xFFFFFF80  }
0x47: {  	_ =	swait.ge [sflag:s20], $0x80  }
0x48: {  	[sflag:s20] =	ssyncset.done $0x0  }
0x49: {  	[sflag:s20] =	ssyncadd.s32 $0xFFFFFF80  }
0x4a: {  	_ =	swait.ge [sflag:s20], $0x80  }
0x4b: {  	[sflag:s20] =	ssyncset.done $0x0  }
0x4c: {  	[sflag:s20] =	ssyncadd.s32 $0xFFFFFF80  }
0x4d: {  	_ =	swait.ge [sflag:s20], $0x80  }
0x4e: {  	[sflag:s20] =	ssyncset.done $0x0  }
0x4f: {  	[sflag:s20] =	ssyncadd.s32 $0xFFFFFF80  }
0x50: {  	_ =	swait.ge [sflag:s20], $0x80  }
0x51: {  	[sflag:s20] =	ssyncset.done $0x0  }
0x52: {  	[sflag:s20] =	ssyncadd.s32 $0xFFFFFF80  }
0x53: {  	_ =	swait.ge [sflag:s20], $0x80  }
0x54: {  	s24 =	simm.s32 $0x400;
	s25 =	simm.s32 $0x2000;
	[sflag:s20] =	ssyncset.done $0x0  }
.LBB2_4:
0x55: {  	s26 =	sadd.s32 $0x980, s24  }
0x56: {  	[sflag:s20] =	ssyncadd.s32 $0xFFFFFF80;
	s23 =	smov.u32 s25;
	s22 =	sadd.s32 $0x1000, s25  }
0x57: {  	[spmem:s2] =	stream.indirect.scatter.add.f32 [tilespmem:s12], [sflag:$0x1], $0x1, s26, s11, $0xb8;
	[tilespmem:$0x5580] =	vst v63  }
0x58: {  	p0 =	sne.s32 s25, $0x12000;
	s25 =	sadd.s32 $0xA00, s24  }
0x59: {  	[spmem:s2] =	stream.indirect.scatter.add.f32 [tilespmem:s12], [sflag:$0x1], $0x1, s25, s11, $0xb8;
	[tilespmem:$0x5580] =	vst v63  }
0x5a: {  	s25 =	sadd.s32 $0xA80, s24  }
0x5b: {  	[spmem:s2] =	stream.indirect.scatter.add.f32 [tilespmem:s12], [sflag:$0x1], $0x1, s25, s11, $0xb8;
	[tilespmem:$0x5580] =	vst v63  }
0x5c: {  	s25 =	sadd.s32 $0xB00, s24  }
0x5d: {  	[spmem:s2] =	stream.indirect.scatter.add.f32 [tilespmem:s12], [sflag:$0x1], $0x1, s25, s11, $0xb8;
	[tilespmem:$0x5580] =	vst v63  }
0x5e: {  	s25 =	sadd.s32 $0xB80, s24  }
0x5f: {  	[spmem:s2] =	stream.indirect.scatter.add.f32 [tilespmem:s12], [sflag:$0x1], $0x1, s25, s11, $0xb8;
	[tilespmem:$0x5580] =	vst v63  }
0x60: {  	s25 =	sadd.s32 $0xC00, s24  }
0x61: {  	[spmem:s2] =	stream.indirect.scatter.add.f32 [tilespmem:s12], [sflag:$0x1], $0x1, s25, s11, $0xb8;
	[tilespmem:$0x5580] =	vst v63  }
0x62: {  	s25 =	sadd.s32 $0xC80, s24  }
0x63: {  	[spmem:s2] =	stream.indirect.scatter.add.f32 [tilespmem:s12], [sflag:$0x1], $0x1, s25, s11, $0xb8;
	[tilespmem:$0x5580] =	vst v63  }
0x64: {  	s24 =	sadd.s32 $0xD00, s24  }
0x65: {  	[spmem:s2] =	stream.indirect.scatter.add.f32 [tilespmem:s12], [sflag:$0x1], $0x1, s24, s11, $0xb8;
	[tilespmem:$0x5580] =	vst v63  }
0x66: {  	_ =	swait.ge [sflag:s20], $0x80  }
0x67: {  	[sflag:s20] =	ssyncset.done $0x0  }
0x68: {  	[sflag:s20] =	ssyncadd.s32 $0xFFFFFF80  }
0x69: {  	_ =	swait.ge [sflag:s20], $0x80  }
0x6a: {  	[sflag:s20] =	ssyncset.done $0x0  }
0x6b: {  	[sflag:s20] =	ssyncadd.s32 $0xFFFFFF80  }
0x6c: {  	_ =	swait.ge [sflag:s20], $0x80  }
0x6d: {  	[sflag:s20] =	ssyncset.done $0x0  }
0x6e: {  	[sflag:s20] =	ssyncadd.s32 $0xFFFFFF80  }
0x6f: {  	_ =	swait.ge [sflag:s20], $0x80  }
0x70: {  	[sflag:s20] =	ssyncset.done $0x0  }
0x71: {  	[sflag:s20] =	ssyncadd.s32 $0xFFFFFF80  }
0x72: {  	_ =	swait.ge [sflag:s20], $0x80  }
0x73: {  	[sflag:s20] =	ssyncset.done $0x0  }
0x74: {  	[sflag:s20] =	ssyncadd.s32 $0xFFFFFF80  }
0x75: {  	_ =	swait.ge [sflag:s20], $0x80  }
0x76: {  	[sflag:s20] =	ssyncset.done $0x0  }
0x77: {  	[sflag:s20] =	ssyncadd.s32 $0xFFFFFF80  }
.Ltmp1:
0x78: {  	_ =	swait.ge [sflag:s20], $0x80;
	(pc) =	sbr.rel @p0 .LBB2_4-.Ltmp1, $4  }
0x79: {  	[sflag:s20] =	ssyncset.done $0x0  }
0x7a: {  	[sflag:s20] =	ssyncadd.s32 $0xFFFFFF80  }
0x7b: {  	_ =	swait.ge [sflag:s20], $0x80  }
0x7c: {  	s25 =	smov.u32 s22;
	s24 =	sshra.s32 s23, $0x2;
	[sflag:s20] =	ssyncset.done $0x0  }
0x7d: {  	s22 =	sadd.s32 $0x980, s24;
	[sflag:s20] =	ssyncadd.s32 $0xFFFFFF80  }
0x7e: {  	[spmem:s2] =	stream.indirect.scatter.add.f32 [tilespmem:s12], [sflag:$0x1], $0x1, s22, s11, $0xb8;
	[tilespmem:$0x5580] =	vst v63  }
0x7f: {  	s31 =	sadd.s32 $0xA00, s24  }
0x80: {  	[spmem:s2] =	stream.indirect.scatter.add.f32 [tilespmem:s12], [sflag:$0x1], $0x1, s31, s11, $0xb8;
	[tilespmem:$0x5580] =	vst v63  }
0x81: {  	s23 =	sadd.s32 $0xA80, s24  }
0x82: {  	[spmem:s2] =	stream.indirect.scatter.add.f32 [tilespmem:s12], [sflag:$0x1], $0x1, s23, s11, $0xb8;
	[tilespmem:$0x5580] =	vst v63  }
0x83: {  	s25 =	sadd.s32 $0xB00, s24  }
0x84: {  	[spmem:s2] =	stream.indirect.scatter.add.f32 [tilespmem:s12], [sflag:$0x1], $0x1, s25, s11, $0xb8;
	[tilespmem:$0x5580] =	vst v63  }
0x85: {  	s26 =	sadd.s32 $0xB80, s24  }
0x86: {  	[spmem:s2] =	stream.indirect.scatter.add.f32 [tilespmem:s12], [sflag:$0x1], $0x1, s26, s11, $0xb8;
	[tilespmem:$0x5580] =	vst v63  }
0x87: {  	s28 =	sadd.s32 $0xC00, s24  }
0x88: {  	[spmem:s2] =	stream.indirect.scatter.add.f32 [tilespmem:s12], [sflag:$0x1], $0x1, s28, s11, $0xb8;
	[tilespmem:$0x5580] =	vst v63  }
0x89: {  	s29 =	sadd.s32 $0xC80, s24  }
0x8a: {  	[spmem:s2] =	stream.indirect.scatter.add.f32 [tilespmem:s12], [sflag:$0x1], $0x1, s29, s11, $0xb8;
	[tilespmem:$0x5580] =	vst v63  }
0x8b: {  	s30 =	sadd.s32 $0xD00, s24  }
0x8c: {  	[spmem:s2] =	stream.indirect.scatter.add.f32 [tilespmem:s12], [sflag:$0x1], $0x1, s30, s11, $0xb8;
	[tilespmem:$0x5580] =	vst v63  }
0x8d: {  	_ =	swait.ge [sflag:s20], $0x80  }
0x8e: {  	[sflag:s20] =	ssyncset.done $0x0  }
0x8f: {  	[sflag:s20] =	ssyncadd.s32 $0xFFFFFF80  }
0x90: {  	_ =	swait.ge [sflag:s20], $0x80  }
0x91: {  	[sflag:s20] =	ssyncset.done $0x0  }
0x92: {  	[sflag:s20] =	ssyncadd.s32 $0xFFFFFF80  }
0x93: {  	_ =	swait.ge [sflag:s20], $0x80  }
0x94: {  	[sflag:s20] =	ssyncset.done $0x0  }
0x95: {  	[sflag:s20] =	ssyncadd.s32 $0xFFFFFF80  }
0x96: {  	_ =	swait.ge [sflag:s20], $0x80  }
0x97: {  	[sflag:s20] =	ssyncset.done $0x0  }
0x98: {  	[sflag:s20] =	ssyncadd.s32 $0xFFFFFF80  }
0x99: {  	_ =	swait.ge [sflag:s20], $0x80  }
0x9a: {  	[sflag:s20] =	ssyncset.done $0x0  }
0x9b: {  	[sflag:s20] =	ssyncadd.s32 $0xFFFFFF80  }
0x9c: {  	_ =	swait.ge [sflag:s20], $0x80  }
0x9d: {  	[sflag:s20] =	ssyncset.done $0x0  }
0x9e: {  	[sflag:s20] =	ssyncadd.s32 $0xFFFFFF80  }
0x9f: {  	_ =	swait.ge [sflag:s20], $0x80  }
0xa0: {  	[sflag:s20] =	ssyncset.done $0x0  }
0xa1: {  	[sflag:s20] =	ssyncadd.s32 $0xFFFFFF80  }
0xa2: {  	_ =	swait.ge [sflag:s20], $0x80  }
0xa3: {  	[sflag:s20] =	ssyncset.done $0x0  }
0xa4: {  	[sflag:s20] =	ssyncadd.s32 $0xFFFFFF80  }
0xa5: {  	_ =	swait.ge [sflag:s20], $0x80  }
0xa6: {  	[sflag:s20] =	ssyncset.done $0x0  }
0xa7: {  	[sflag:s20] =	ssyncadd.s32 $0xFFFFFF80  }
0xa8: {  	_ =	swait.ge [sflag:s20], $0x80  }
0xa9: {  	[sflag:s20] =	ssyncset.done $0x0  }
0xaa: {  	[sflag:s20] =	ssyncadd.s32 $0xFFFFFF80  }
0xab: {  	_ =	swait.ge [sflag:s20], $0x80  }
0xac: {  	[sflag:s20] =	ssyncset.done $0x0  }
0xad: {  	[sflag:s20] =	ssyncadd.s32 $0xFFFFFF80  }
0xae: {  	_ =	swait.ge [sflag:s20], $0x80  }
0xaf: {  	[sflag:s20] =	ssyncset.done $0x0  }
0xb0: {  	[sflag:s20] =	ssyncadd.s32 $0xFFFFFF80  }
0xb1: {  	_ =	swait.ge [sflag:s20], $0x80  }
0xb2: {  	[sflag:s20] =	ssyncset.done $0x0  }
0xb3: {  	[sflag:s20] =	ssyncadd.s32 $0xFFFFFF80  }
0xb4: {  	_ =	swait.ge [sflag:s20], $0x80  }
0xb5: {  	[sflag:s20] =	ssyncset.done $0x0  }
0xb6: {  	[sflag:s20] =	ssyncadd.s32 $0xFFFFFF80  }
0xb7: {  	_ =	swait.ge [sflag:s20], $0x80  }
0xb8: {  	[sflag:s20] =	ssyncset.done $0x0  }
0xb9: {  	[sflag:s20] =	ssyncadd.s32 $0xFFFFFF80  }
0xba: {  	_ =	swait.ge [sflag:s20], $0x80  }
0xbb: {  	s21 =	sadd.s32 $0x1, s21;
	s31 =	sshll.u32 s0, $0x6;
	[sflag:s20] =	ssyncset.done $0x0  }
0xbc: {  	p0 =	sne.s32 s21, s7;
	s22 =	sor.u32 $0x1C02, s31;
	[sflag:s20] =	ssyncadd.s32 $0xFFFFFF80  }
.Ltmp2:
0xbd: {  	s23 =	sshrl.u32 s4, $0x3;
	[bflag:$0x0] =	sbarrier.arrive $0xFFFF;
	(pc) =	sbr.rel @p0 .LBB2_1-.Ltmp2, $4  }
0xbe: {  	[hbm:s6], [sflag:s22] =	dma.local [spmem:s23], $0x50  }
0xbf: {  	_ =	swait.ge [sflag:s9], $0x50  }
0xc0: {  	[sflag:s9] =	ssyncset.done $0x0  }
0xc1: {  	[sflag:s9] =	ssyncadd.s32 $0xFFFFFFB0  }
0xc2: {  	_ =	sfence.sel $0x180000  }
0xc3: {  	[bflag:$0x0] =	sbarrier.arrive $0xFFFF  }
0xc4: {  	p0 =	sne.s32 s0, $0x0;
	_ =	strace $0x90000047  }
0xc5: {  	s0 =	sadd.s32 @!p0 $0x100000, s1;
	[bflag:$0x2] =	sbarrier.arrive $0xFFFF  }
0xc6: {  	[sflag:s0] =	ssyncadd.tile.s32 @!p0 $0x1;
	_ =	shalt  }
.Lfunc_end2:
_tile_overlayer_lowered:
.L_overlay_start_2:
0xc7: {  	(tag) =	ssettag $0x2  }
0xc8: {  	s0 =	rddreg [dreg:$0x0];
	s2 =	stileid.u32  }
0xc9: {  	s1 =	rddreg [dreg:$0x1];
	p0 =	sne.s32 s2, $0x0  }
0xca: {  	s3 =	rddreg [dreg:$0x2];
	[bflag:$0x3] =	sbarrier.arrive $0xFFFF;
	s2 =	simm.s32 @!p0 $0x1C02  }
0xcb: {  	[timem:s3], [sflag:s2] =	dma.local @!p0 [hbm:s0], s1  }
0xcc: {  	s0 =	simm.s32 @!p0 $0x2  }
0xcd: {  	_ =	swait.ge @!p0 [sflag:s0], s1  }
0xce: {  	s1 =	ssub.s32 @!p0 $0x0, s1;
	[sflag:s0] =	ssyncset.done @!p0 $0x0  }
0xcf: {  	[sflag:s0] =	ssyncadd.s32 @!p0 s1  }
0xd0: {  	[bflag:$0x3] =	sbarrier.arrive $0xFFFF  }
0xd1: {  	_ =	shalt  }

</sc_bundles>
